<compile_context>
chip_gen: v7x
topology: tpu7x:2x2x1
jax: 0.10.2.dev20260603
libtpu: 0.0.44.dev20260713+nightly
codegen_flags: <defaults>
</compile_context>

<pallas_src>
import jax
import jax.numpy as jnp
from jax import lax
from jax.experimental import pallas as pl
from jax.experimental.pallas import tpu as pltpu
from jax.experimental.pallas import tpu_sc as plsc

B = 16384
F_CAT = 26
F_NUM = 13
V = 100000
D = 16
H = 32

_NC = 2
_NS = 16
_NW = _NC * _NS
_NR = F_CAT * D
_RPW = _NR // _NW
_HALF = B // 2


def _gather_body(tab_hbm, idx_hbm, out_hbm, row_v, idx_v, out_v):
    wid = lax.axis_index("s") * _NC + lax.axis_index("c")
    for j in range(_RPW):
        r = wid * _RPW + j
        f = r // D
        if j == 0:
            pltpu.sync_copy(idx_hbm.at[f], idx_v)
        else:
            @pl.when(r % D == 0)
            def _load_idx(f=f):
                pltpu.sync_copy(idx_hbm.at[f], idx_v)
        pltpu.sync_copy(tab_hbm.at[r], row_v)
        for h in range(2):
            @plsc.parallel_loop(0, _HALF // 16, unroll=8)
            def _gather_iter(k, h=h):
                base = h * _HALF + k * 16
                vals = plsc.load_gather(row_v, [idx_v[pl.ds(base, 16)]])
                out_v[pl.ds(k * 16, 16)] = vals
            pltpu.sync_copy(out_v, out_hbm.at[r, pl.ds(h * _HALF, _HALF)])


def _sc_gather(tab_rows, idx_cols):
    mesh = plsc.VectorSubcoreMesh(
        core_axis_name="c", subcore_axis_name="s",
        num_cores=_NC, num_subcores=_NS,
    )
    fn = pl.kernel(
        _gather_body,
        out_type=jax.ShapeDtypeStruct((_NR, B), jnp.float32),
        mesh=mesh,
        scratch_types=[
            pltpu.VMEM((V,), jnp.float32),
            pltpu.VMEM((B,), jnp.int32),
            pltpu.VMEM((_HALF,), jnp.float32),
        ],
        compiler_params=pltpu.CompilerParams(
            use_tc_tiling_on_sc=True, needs_layout_passes=False,
        ),
    )
    return fn(tab_rows, idx_cols)


def _mlp_body(embT, numT, meanc, stdc, w1eT, w1nT, b1c, w2T, b2c, outT):
    nn = (numT[...] - meanc[...]) / stdc[...]
    x = jnp.dot(w1eT[...], embT[...], preferred_element_type=jnp.float32)
    x = x + jnp.dot(w1nT[...], nn, preferred_element_type=jnp.float32)
    x = jnp.maximum(x + b1c[...], 0.0)
    outT[...] = jnp.dot(w2T[...], x, preferred_element_type=jnp.float32) + b2c[...]


def _mlp(embT, numeric, norm_mean, norm_std, W1, b1, W2, b2):
    BT = 2048
    E = F_CAT * D
    outT = pl.pallas_call(
        _mlp_body,
        grid=(B // BT,),
        in_specs=[
            pl.BlockSpec((E, BT), lambda i: (0, i)),
            pl.BlockSpec((F_NUM, BT), lambda i: (0, i)),
            pl.BlockSpec((F_NUM, 1), lambda i: (0, 0)),
            pl.BlockSpec((F_NUM, 1), lambda i: (0, 0)),
            pl.BlockSpec((H, E), lambda i: (0, 0)),
            pl.BlockSpec((H, F_NUM), lambda i: (0, 0)),
            pl.BlockSpec((H, 1), lambda i: (0, 0)),
            pl.BlockSpec((1, H), lambda i: (0, 0)),
            pl.BlockSpec((1, 1), lambda i: (0, 0)),
        ],
        out_specs=pl.BlockSpec((1, BT), lambda i: (0, i)),
        out_shape=jax.ShapeDtypeStruct((1, B), jnp.float32),
    )(
        embT, jnp.transpose(numeric),
        norm_mean.reshape(F_NUM, 1), norm_std.reshape(F_NUM, 1),
        jnp.transpose(W1[:E]), jnp.transpose(W1[E:]),
        b1.reshape(H, 1), jnp.transpose(W2), b2.reshape(1, 1),
    )
    return outT.reshape(B, 1)


def kernel(cat_indices, numeric, tables, norm_mean, norm_std, W1, b1, W2, b2):
    tab_rows = jnp.transpose(tables, (0, 2, 1)).reshape(_NR, V)
    idx_cols = jnp.transpose(cat_indices).astype(jnp.int32)
    embT = _sc_gather(tab_rows, idx_cols)
    return _mlp(embT, numeric, norm_mean, norm_std, W1, b1, W2, b2)

# --- scband reference (transcript-rebuilt; emitter-appended) ---
"""Pipeline reference for scband-tfcat-embs-model-463856468692 (READ-ONLY COPY).

The authoritative reference and input builder live on the scoring server;
editing this copy changes nothing except your own understanding.
"""

import jax, jax.numpy as jnp
import numpy as np

B = 16384
F_CAT = 26
F_NUM = 13
V = 100000
D = 16
H = 32


def setup_inputs(seed: int = 0) -> dict:
    key = jax.random.key(seed)
    ks = jax.random.split(key, 9)
    cat_indices = jax.random.randint(ks[0], (B, F_CAT), 0, V)
    numeric = jax.random.normal(ks[1], (B, F_NUM), dtype=jnp.float32)
    # one embedding table per categorical column, stacked: [F_CAT, V, D]
    tables = jax.random.normal(ks[2], (F_CAT, V, D), dtype=jnp.float32) * 0.05
    # per-column normalization stats (TFNormalizationLayer adapted on train_ds)
    norm_mean = jax.random.normal(ks[3], (F_NUM,), dtype=jnp.float32) * 0.1
    norm_std = jax.random.uniform(ks[4], (F_NUM,), dtype=jnp.float32, minval=0.5, maxval=2.0)
    # dense1: (F_CAT*D + F_NUM) -> H with relu; dense2: H -> 1
    in_dim = F_CAT * D + F_NUM
    W1 = jax.random.normal(ks[5], (in_dim, H), dtype=jnp.float32) * (1.0 / np.sqrt(in_dim))
    b1 = jnp.zeros((H,), dtype=jnp.float32)
    W2 = jax.random.normal(ks[6], (H, 1), dtype=jnp.float32) * (1.0 / np.sqrt(H))
    b2 = jnp.zeros((1,), dtype=jnp.float32)
    return {
        "cat_indices": cat_indices,
        "numeric": numeric,
        "tables": tables,
        "norm_mean": norm_mean,
        "norm_std": norm_std,
        "W1": W1,
        "b1": b1,
        "W2": W2,
        "b2": b2,
    }


def reference(cat_indices, numeric, tables, norm_mean, norm_std, W1, b1, W2, b2):
    # encode_features: per-column embedding lookup (gather), then concat
    # emb: [B, F_CAT, D] -- one gather per categorical column, vmapped over columns
    emb = jax.vmap(lambda t, idx: jnp.take(t, idx, axis=0), in_axes=(0, 1), out_axes=1)(tables, cat_indices)
    emb_flat = emb.reshape(emb.shape[0], F_CAT * D)
    # numerical columns: Keras Normalization = (x - mean) / std
    num_norm = (numeric - norm_mean[None, :]) / norm_std[None, :]
    all_features = jnp.concatenate([emb_flat, num_norm], axis=1)
    # dense1 + relu
    x = jax.nn.relu(all_features @ W1 + b1)
    # dropout is identity at inference
    # dense2
    output = x @ W2 + b2
    return output

if __name__ == "__main__":
    import jax
    _d = setup_inputs()
    print(jax.jit(kernel)(*tuple(_d.values())))

</pallas_src>

<mosaic_0001>
#map = affine_map<(d0, d1) -> (0, 0)>
module attributes {stable_mosaic.version = 14 : i64} {
  func.func @_gather_body(%arg0: i32, %arg1: i32, %arg2: memref<416x100000xf32, #tpu.memory_space<hbm>>, %arg3: memref<26x16384xi32, #tpu.memory_space<hbm>>, %arg4: memref<416x16384xf32, #tpu.memory_space<hbm>>, %arg5: memref<100000xf32, #tpu.memory_space<vmem>>, %arg6: memref<16384xi32, #tpu.memory_space<vmem>>, %arg7: memref<8192xf32, #tpu.memory_space<vmem>>) attributes {dimension_semantics = [#tpu.dimension_semantics<core_parallel>, #tpu.dimension_semantics<subcore_parallel>], iteration_bounds = array<i64: 2, 16>, scalar_prefetch = 0 : i64, scratch_operands = 3 : i64, tpu.core_type = #tpu.core_type<sc_vector_subcore>, window_params = [{transform_indices = #map}, {transform_indices = #map}, {transform_indices = #map}]} {
    %mul3A = arith.constant 2 : i32
    %mul3A_0 = arith.muli %arg1, %mul3A : i32
    %add3A = arith.addi %mul3A_0, %arg0 : i32
    %mul3A_1 = arith.constant 13 : i32
    %mul3A_2 = arith.muli %add3A, %mul3A_1 : i32
    %add3A_3 = arith.constant 0 : i32
    %add3A_4 = arith.addi %mul3A_2, %add3A_3 : i32
    %jit3A = arith.constant 16 : i32
    %div3A = arith.divsi %add3A_4, %jit3A : i32
    %sign3A = arith.constant 0 : i32
    %sign3A_5 = arith.cmpi sgt, %add3A_4, %sign3A : i32
    %sign3A_6 = arith.extui %sign3A_5 : i1 to i32
    %sign3A_7 = arith.constant 0 : i32
    %sign3A_8 = arith.cmpi slt, %add3A_4, %sign3A_7 : i32
    %sign3A_9 = arith.extui %sign3A_8 : i1 to i32
    %sign3A_10 = arith.subi %sign3A_6, %sign3A_9 : i32
    %sign3A_11 = arith.constant 0 : i32
    %sign3A_12 = arith.cmpi sgt, %jit3A, %sign3A_11 : i32
    %sign3A_13 = arith.extui %sign3A_12 : i1 to i32
    %sign3A_14 = arith.constant 0 : i32
    %sign3A_15 = arith.cmpi slt, %jit3A, %sign3A_14 : i32
    %sign3A_16 = arith.extui %sign3A_15 : i1 to i32
    %sign3A_17 = arith.subi %sign3A_13, %sign3A_16 : i32
    %ne3A = arith.cmpi ne, %sign3A_10, %sign3A_17 : i32
    %rem3A = arith.remsi %add3A_4, %jit3A : i32
    %ne3A_18 = arith.constant 0 : i32
    %ne3A_19 = arith.cmpi ne, %rem3A, %ne3A_18 : i32
    %and3A = arith.andi %ne3A, %ne3A_19 : i1
    %sub3A = arith.constant 1 : i32
    %sub3A_20 = arith.subi %div3A, %sub3A : i32
    %select_n3A = arith.select %and3A, %sub3A_20, %div3A : i32
    "tpu.region"() ({
      %run_scoped3A = tpu.sem_alloc : memref<!tpu.dma_semaphore, #tpu.memory_space<semaphore_mem>>
      %dma_start3A = arith.constant 0 : i32
      %dma_start3A_682 = tpu.memref_slice %arg3[%select_n3A, %dma_start3A] : memref<26x16384xi32, #tpu.memory_space<hbm>> -> memref<1x16384xi32, #tpu.memory_space<hbm>>
      %dma_start3A_683 = tpu.memref_squeeze %dma_start3A_682 : memref<1x16384xi32, #tpu.memory_space<hbm>> -> memref<16384xi32, #tpu.memory_space<hbm>>
      %dma_start3A_684 = arith.constant 0 : i32
      %dma_start3A_685 = tpu.memref_slice %arg3[%select_n3A, %dma_start3A_684] : memref<26x16384xi32, #tpu.memory_space<hbm>> -> memref<1x16384xi32, #tpu.memory_space<hbm>>
      %dma_start3A_686 = tpu.memref_squeeze %dma_start3A_685 : memref<1x16384xi32, #tpu.memory_space<hbm>> -> memref<16384xi32, #tpu.memory_space<hbm>>
      tpu.enqueue_dma source(%dma_start3A_686 : memref<16384xi32, #tpu.memory_space<hbm>>) target(%arg6 : memref<16384xi32, #tpu.memory_space<vmem>>) target_semaphore(%run_scoped3A : memref<!tpu.dma_semaphore, #tpu.memory_space<semaphore_mem>>)
      %dma_wait3A = arith.constant 0 : i32
      %dma_wait3A_687 = tpu.memref_slice %arg3[%select_n3A, %dma_wait3A] : memref<26x16384xi32, #tpu.memory_space<hbm>> -> memref<1x16384xi32, #tpu.memory_space<hbm>>
      %dma_wait3A_688 = tpu.memref_squeeze %dma_wait3A_687 : memref<1x16384xi32, #tpu.memory_space<hbm>> -> memref<16384xi32, #tpu.memory_space<hbm>>
      %dma_wait3A_689 = arith.constant 0 : i32
      %dma_wait3A_690 = tpu.memref_slice %arg3[%select_n3A, %dma_wait3A_689] : memref<26x16384xi32, #tpu.memory_space<hbm>> -> memref<1x16384xi32, #tpu.memory_space<hbm>>
      %dma_wait3A_691 = tpu.memref_squeeze %dma_wait3A_690 : memref<1x16384xi32, #tpu.memory_space<hbm>> -> memref<16384xi32, #tpu.memory_space<hbm>>
      tpu.wait_dma2 semaphore(%run_scoped3A : memref<!tpu.dma_semaphore, #tpu.memory_space<semaphore_mem>>) src(%dma_wait3A_691 : memref<16384xi32, #tpu.memory_space<hbm>>) dst(%arg6 : memref<16384xi32, #tpu.memory_space<vmem>>)
      tpu.yield
    }) : () -> ()
    "tpu.region"() ({
      %run_scoped3A = tpu.sem_alloc : memref<!tpu.dma_semaphore, #tpu.memory_space<semaphore_mem>>
      %dma_start3A = arith.constant 0 : i32
      %dma_start3A_682 = tpu.memref_slice %arg2[%add3A_4, %dma_start3A] : memref<416x100000xf32, #tpu.memory_space<hbm>> -> memref<1x100000xf32, #tpu.memory_space<hbm>>
      %dma_start3A_683 = tpu.memref_squeeze %dma_start3A_682 : memref<1x100000xf32, #tpu.memory_space<hbm>> -> memref<100000xf32, #tpu.memory_space<hbm>>
      %dma_start3A_684 = arith.constant 0 : i32
      %dma_start3A_685 = tpu.memref_slice %arg2[%add3A_4, %dma_start3A_684] : memref<416x100000xf32, #tpu.memory_space<hbm>> -> memref<1x100000xf32, #tpu.memory_space<hbm>>
      %dma_start3A_686 = tpu.memref_squeeze %dma_start3A_685 : memref<1x100000xf32, #tpu.memory_space<hbm>> -> memref<100000xf32, #tpu.memory_space<hbm>>
      tpu.enqueue_dma source(%dma_start3A_686 : memref<100000xf32, #tpu.memory_space<hbm>>) target(%arg5 : memref<100000xf32, #tpu.memory_space<vmem>>) target_semaphore(%run_scoped3A : memref<!tpu.dma_semaphore, #tpu.memory_space<semaphore_mem>>)
      %dma_wait3A = arith.constant 0 : i32
      %dma_wait3A_687 = tpu.memref_slice %arg2[%add3A_4, %dma_wait3A] : memref<416x100000xf32, #tpu.memory_space<hbm>> -> memref<1x100000xf32, #tpu.memory_space<hbm>>
      %dma_wait3A_688 = tpu.memref_squeeze %dma_wait3A_687 : memref<1x100000xf32, #tpu.memory_space<hbm>> -> memref<100000xf32, #tpu.memory_space<hbm>>
      %dma_wait3A_689 = arith.constant 0 : i32
      %dma_wait3A_690 = tpu.memref_slice %arg2[%add3A_4, %dma_wait3A_689] : memref<416x100000xf32, #tpu.memory_space<hbm>> -> memref<1x100000xf32, #tpu.memory_space<hbm>>
      %dma_wait3A_691 = tpu.memref_squeeze %dma_wait3A_690 : memref<1x100000xf32, #tpu.memory_space<hbm>> -> memref<100000xf32, #tpu.memory_space<hbm>>
      tpu.wait_dma2 semaphore(%run_scoped3A : memref<!tpu.dma_semaphore, #tpu.memory_space<semaphore_mem>>) src(%dma_wait3A_691 : memref<100000xf32, #tpu.memory_space<hbm>>) dst(%arg5 : memref<100000xf32, #tpu.memory_space<vmem>>)
      tpu.yield
    }) : () -> ()
    %parallel_loop3A = arith.constant 0 : i32
    %parallel_loop3A_21 = arith.constant 512 : i32
    %parallel_loop3A_22 = arith.constant 1 : i32
    scf.for %parallel_loop3A_682 = %parallel_loop3A to %parallel_loop3A_21 step %parallel_loop3A_22  : i32 {
      %parallel_loop3A_683 = arith.constant 16 : i32
      %parallel_loop3A_684 = arith.muli %parallel_loop3A_682, %parallel_loop3A_683 : i32
      %parallel_loop3A_685 = arith.constant 0 : i32
      %parallel_loop3A_686 = arith.addi %parallel_loop3A_685, %parallel_loop3A_684 : i32
      %parallel_loop3A_687 = arith.index_cast %parallel_loop3A_686 : i32 to index
      %parallel_loop3A_688 = tpu.vector_load %arg6[%parallel_loop3A_687] {strides = array<i32>} : memref<16384xi32, #tpu.memory_space<vmem>>, vector<16xi32>,
      %parallel_loop3A_689 = tpu.vector_load_idx %arg5[%parallel_loop3A_688] : memref<100000xf32, #tpu.memory_space<vmem>>[vector<16xi32>], vector<16xf32>,
      %parallel_loop3A_690 = arith.constant 16 : i32
      %parallel_loop3A_691 = arith.muli %parallel_loop3A_682, %parallel_loop3A_690 : i32
      %parallel_loop3A_692 = arith.index_cast %parallel_loop3A_691 : i32 to index
      %parallel_loop3A_693 = tpu.vector_load %arg7[%parallel_loop3A_692] {strides = array<i32>} : memref<8192xf32, #tpu.memory_space<vmem>>, vector<16xf32>,
      tpu.vector_store %arg7[%parallel_loop3A_692], %parallel_loop3A_689 {strides = array<i32>} : memref<8192xf32, #tpu.memory_space<vmem>>, vector<16xf32>,
    } {sc.loop_unroll_factor = 8 : i64, sc.parallel_access}
    "tpu.region"() ({
      %run_scoped3A = tpu.sem_alloc : memref<!tpu.dma_semaphore, #tpu.memory_space<semaphore_mem>>
      %dma_start3A = arith.constant 0 : i32
      %dma_start3A_682 = tpu.memref_slice %arg4[%add3A_4, %dma_start3A] : memref<416x16384xf32, #tpu.memory_space<hbm>> -> memref<1x8192xf32, #tpu.memory_space<hbm>>
      %dma_start3A_683 = tpu.memref_squeeze %dma_start3A_682 : memref<1x8192xf32, #tpu.memory_space<hbm>> -> memref<8192xf32, #tpu.memory_space<hbm>>
      %dma_start3A_684 = arith.constant 0 : i32
      %dma_start3A_685 = tpu.memref_slice %arg4[%add3A_4, %dma_start3A_684] : memref<416x16384xf32, #tpu.memory_space<hbm>> -> memref<1x8192xf32, #tpu.memory_space<hbm>>
      %dma_start3A_686 = tpu.memref_squeeze %dma_start3A_685 : memref<1x8192xf32, #tpu.memory_space<hbm>> -> memref<8192xf32, #tpu.memory_space<hbm>>
      tpu.enqueue_dma source(%arg7 : memref<8192xf32, #tpu.memory_space<vmem>>) target(%dma_start3A_686 : memref<8192xf32, #tpu.memory_space<hbm>>) target_semaphore(%run_scoped3A : memref<!tpu.dma_semaphore, #tpu.memory_space<semaphore_mem>>)
      %dma_wait3A = arith.constant 0 : i32
      %dma_wait3A_687 = tpu.memref_slice %arg4[%add3A_4, %dma_wait3A] : memref<416x16384xf32, #tpu.memory_space<hbm>> -> memref<1x8192xf32, #tpu.memory_space<hbm>>
      %dma_wait3A_688 = tpu.memref_squeeze %dma_wait3A_687 : memref<1x8192xf32, #tpu.memory_space<hbm>> -> memref<8192xf32, #tpu.memory_space<hbm>>
      %dma_wait3A_689 = arith.constant 0 : i32
      %dma_wait3A_690 = tpu.memref_slice %arg4[%add3A_4, %dma_wait3A_689] : memref<416x16384xf32, #tpu.memory_space<hbm>> -> memref<1x8192xf32, #tpu.memory_space<hbm>>
      %dma_wait3A_691 = tpu.memref_squeeze %dma_wait3A_690 : memref<1x8192xf32, #tpu.memory_space<hbm>> -> memref<8192xf32, #tpu.memory_space<hbm>>
      tpu.wait_dma2 semaphore(%run_scoped3A : memref<!tpu.dma_semaphore, #tpu.memory_space<semaphore_mem>>) src(%arg7 : memref<8192xf32, #tpu.memory_space<vmem>>) dst(%dma_wait3A_691 : memref<8192xf32, #tpu.memory_space<hbm>>)
      tpu.yield
    }) : () -> ()
    %parallel_loop3A_23 = arith.constant 0 : i32
    %parallel_loop3A_24 = arith.constant 512 : i32
    %parallel_loop3A_25 = arith.constant 1 : i32
    scf.for %parallel_loop3A_682 = %parallel_loop3A_23 to %parallel_loop3A_24 step %parallel_loop3A_25  : i32 {
      %parallel_loop3A_683 = arith.constant 16 : i32
      %parallel_loop3A_684 = arith.muli %parallel_loop3A_682, %parallel_loop3A_683 : i32
      %parallel_loop3A_685 = arith.constant 8192 : i32
      %parallel_loop3A_686 = arith.addi %parallel_loop3A_685, %parallel_loop3A_684 : i32
      %parallel_loop3A_687 = arith.index_cast %parallel_loop3A_686 : i32 to index
      %parallel_loop3A_688 = tpu.vector_load %arg6[%parallel_loop3A_687] {strides = array<i32>} : memref<16384xi32, #tpu.memory_space<vmem>>, vector<16xi32>,
      %parallel_loop3A_689 = tpu.vector_load_idx %arg5[%parallel_loop3A_688] : memref<100000xf32, #tpu.memory_space<vmem>>[vector<16xi32>], vector<16xf32>,
      %parallel_loop3A_690 = arith.constant 16 : i32
      %parallel_loop3A_691 = arith.muli %parallel_loop3A_682, %parallel_loop3A_690 : i32
      %parallel_loop3A_692 = arith.index_cast %parallel_loop3A_691 : i32 to index
      %parallel_loop3A_693 = tpu.vector_load %arg7[%parallel_loop3A_692] {strides = array<i32>} : memref<8192xf32, #tpu.memory_space<vmem>>, vector<16xf32>,
      tpu.vector_store %arg7[%parallel_loop3A_692], %parallel_loop3A_689 {strides = array<i32>} : memref<8192xf32, #tpu.memory_space<vmem>>, vector<16xf32>,
    } {sc.loop_unroll_factor = 8 : i64, sc.parallel_access}
    "tpu.region"() ({
      %run_scoped3A = tpu.sem_alloc : memref<!tpu.dma_semaphore, #tpu.memory_space<semaphore_mem>>
      %dma_start3A = arith.constant 8192 : i32
      %dma_start3A_682 = tpu.memref_slice %arg4[%add3A_4, %dma_start3A] : memref<416x16384xf32, #tpu.memory_space<hbm>> -> memref<1x8192xf32, #tpu.memory_space<hbm>>
      %dma_start3A_683 = tpu.memref_squeeze %dma_start3A_682 : memref<1x8192xf32, #tpu.memory_space<hbm>> -> memref<8192xf32, #tpu.memory_space<hbm>>
      %dma_start3A_684 = arith.constant 8192 : i32
      %dma_start3A_685 = tpu.memref_slice %arg4[%add3A_4, %dma_start3A_684] : memref<416x16384xf32, #tpu.memory_space<hbm>> -> memref<1x8192xf32, #tpu.memory_space<hbm>>
      %dma_start3A_686 = tpu.memref_squeeze %dma_start3A_685 : memref<1x8192xf32, #tpu.memory_space<hbm>> -> memref<8192xf32, #tpu.memory_space<hbm>>
      tpu.enqueue_dma source(%arg7 : memref<8192xf32, #tpu.memory_space<vmem>>) target(%dma_start3A_686 : memref<8192xf32, #tpu.memory_space<hbm>>) target_semaphore(%run_scoped3A : memref<!tpu.dma_semaphore, #tpu.memory_space<semaphore_mem>>)
      %dma_wait3A = arith.constant 8192 : i32
      %dma_wait3A_687 = tpu.memref_slice %arg4[%add3A_4, %dma_wait3A] : memref<416x16384xf32, #tpu.memory_space<hbm>> -> memref<1x8192xf32, #tpu.memory_space<hbm>>
      %dma_wait3A_688 = tpu.memref_squeeze %dma_wait3A_687 : memref<1x8192xf32, #tpu.memory_space<hbm>> -> memref<8192xf32, #tpu.memory_space<hbm>>
      %dma_wait3A_689 = arith.constant 8192 : i32
      %dma_wait3A_690 = tpu.memref_slice %arg4[%add3A_4, %dma_wait3A_689] : memref<416x16384xf32, #tpu.memory_space<hbm>> -> memref<1x8192xf32, #tpu.memory_space<hbm>>
      %dma_wait3A_691 = tpu.memref_squeeze %dma_wait3A_690 : memref<1x8192xf32, #tpu.memory_space<hbm>> -> memref<8192xf32, #tpu.memory_space<hbm>>
      tpu.wait_dma2 semaphore(%run_scoped3A : memref<!tpu.dma_semaphore, #tpu.memory_space<semaphore_mem>>) src(%arg7 : memref<8192xf32, #tpu.memory_space<vmem>>) dst(%dma_wait3A_691 : memref<8192xf32, #tpu.memory_space<hbm>>)
      tpu.yield
    }) : () -> ()
    %mul3A_26 = arith.constant 13 : i32
    %mul3A_27 = arith.muli %add3A, %mul3A_26 : i32
    %add3A_28 = arith.constant 1 : i32
    %add3A_29 = arith.addi %mul3A_27, %add3A_28 : i32
    %jit3A_30 = arith.constant 16 : i32
    %div3A_31 = arith.divsi %add3A_29, %jit3A_30 : i32
    %sign3A_32 = arith.constant 0 : i32
    %sign3A_33 = arith.cmpi sgt, %add3A_29, %sign3A_32 : i32
    %sign3A_34 = arith.extui %sign3A_33 : i1 to i32
    %sign3A_35 = arith.constant 0 : i32
    %sign3A_36 = arith.cmpi slt, %add3A_29, %sign3A_35 : i32
    %sign3A_37 = arith.extui %sign3A_36 : i1 to i32
    %sign3A_38 = arith.subi %sign3A_34, %sign3A_37 : i32
    %sign3A_39 = arith.constant 0 : i32
    %sign3A_40 = arith.cmpi sgt, %jit3A_30, %sign3A_39 : i32
    %sign3A_41 = arith.extui %sign3A_40 : i1 to i32
    %sign3A_42 = arith.constant 0 : i32
    %sign3A_43 = arith.cmpi slt, %jit3A_30, %sign3A_42 : i32
    %sign3A_44 = arith.extui %sign3A_43 : i1 to i32
    %sign3A_45 = arith.subi %sign3A_41, %sign3A_44 : i32
    %ne3A_46 = arith.cmpi ne, %sign3A_38, %sign3A_45 : i32
    %rem3A_47 = arith.remsi %add3A_29, %jit3A_30 : i32
    %ne3A_48 = arith.constant 0 : i32
    %ne3A_49 = arith.cmpi ne, %rem3A_47, %ne3A_48 : i32
    %and3A_50 = arith.andi %ne3A_46, %ne3A_49 : i1
    %sub3A_51 = arith.constant 1 : i32
    %sub3A_52 = arith.subi %div3A_31, %sub3A_51 : i32
    %select_n3A_53 = arith.select %and3A_50, %sub3A_52, %div3A_31 : i32
    %jit3A_54 = arith.constant 16 : i32
    %eq3A = arith.constant 0 : i32
    %eq3A_55 = arith.cmpi eq, %jit3A_54, %eq3A : i32
    %jit3A_56 = arith.constant 1 : i32
    %select_n3A_57 = arith.select %eq3A_55, %jit3A_56, %jit3A_54 : i32
    %rem3A_58 = arith.remsi %add3A_29, %select_n3A_57 : i32
    %ne3A_59 = arith.constant 0 : i32
    %ne3A_60 = arith.cmpi ne, %rem3A_58, %ne3A_59 : i32
    %lt3A = arith.constant 0 : i32
    %lt3A_61 = arith.cmpi slt, %rem3A_58, %lt3A : i32
    %lt3A_62 = arith.constant 0 : i32
    %lt3A_63 = arith.cmpi slt, %select_n3A_57, %lt3A_62 : i32
    %ne3A_64 = arith.xori %lt3A_61, %lt3A_63 : i1
    %and3A_65 = arith.andi %ne3A_64, %ne3A_60 : i1
    %add3A_66 = arith.addi %rem3A_58, %select_n3A_57 : i32
    %select_n3A_67 = arith.select %and3A_65, %add3A_66, %rem3A_58 : i32
    %eq3A_68 = arith.constant 0 : i32
    %eq3A_69 = arith.cmpi eq, %select_n3A_67, %eq3A_68 : i32
    %convert_element_type3A = arith.extui %eq3A_69 : i1 to i32
    %cond3A = arith.constant 0 : i32
    %cond3A_70 = arith.cmpi ne, %convert_element_type3A, %cond3A : i32
    scf.if %cond3A_70 {
      "tpu.region"() ({
        %run_scoped3A = tpu.sem_alloc : memref<!tpu.dma_semaphore, #tpu.memory_space<semaphore_mem>>
        %dma_start3A = arith.constant 0 : i32
        %dma_start3A_682 = tpu.memref_slice %arg3[%select_n3A_53, %dma_start3A] : memref<26x16384xi32, #tpu.memory_space<hbm>> -> memref<1x16384xi32, #tpu.memory_space<hbm>>
        %dma_start3A_683 = tpu.memref_squeeze %dma_start3A_682 : memref<1x16384xi32, #tpu.memory_space<hbm>> -> memref<16384xi32, #tpu.memory_space<hbm>>
        %dma_start3A_684 = arith.constant 0 : i32
        %dma_start3A_685 = tpu.memref_slice %arg3[%select_n3A_53, %dma_start3A_684] : memref<26x16384xi32, #tpu.memory_space<hbm>> -> memref<1x16384xi32, #tpu.memory_space<hbm>>
        %dma_start3A_686 = tpu.memref_squeeze %dma_start3A_685 : memref<1x16384xi32, #tpu.memory_space<hbm>> -> memref<16384xi32, #tpu.memory_space<hbm>>
        tpu.enqueue_dma source(%dma_start3A_686 : memref<16384xi32, #tpu.memory_space<hbm>>) target(%arg6 : memref<16384xi32, #tpu.memory_space<vmem>>) target_semaphore(%run_scoped3A : memref<!tpu.dma_semaphore, #tpu.memory_space<semaphore_mem>>)
        %dma_wait3A = arith.constant 0 : i32
        %dma_wait3A_687 = tpu.memref_slice %arg3[%select_n3A_53, %dma_wait3A] : memref<26x16384xi32, #tpu.memory_space<hbm>> -> memref<1x16384xi32, #tpu.memory_space<hbm>>
        %dma_wait3A_688 = tpu.memref_squeeze %dma_wait3A_687 : memref<1x16384xi32, #tpu.memory_space<hbm>> -> memref<16384xi32, #tpu.memory_space<hbm>>
        %dma_wait3A_689 = arith.constant 0 : i32
        %dma_wait3A_690 = tpu.memref_slice %arg3[%select_n3A_53, %dma_wait3A_689] : memref<26x16384xi32, #tpu.memory_space<hbm>> -> memref<1x16384xi32, #tpu.memory_space<hbm>>
        %dma_wait3A_691 = tpu.memref_squeeze %dma_wait3A_690 : memref<1x16384xi32, #tpu.memory_space<hbm>> -> memref<16384xi32, #tpu.memory_space<hbm>>
        tpu.wait_dma2 semaphore(%run_scoped3A : memref<!tpu.dma_semaphore, #tpu.memory_space<semaphore_mem>>) src(%dma_wait3A_691 : memref<16384xi32, #tpu.memory_space<hbm>>) dst(%arg6 : memref<16384xi32, #tpu.memory_space<vmem>>)
        tpu.yield
      }) : () -> ()
    } else {
    }
    "tpu.region"() ({
      %run_scoped3A = tpu.sem_alloc : memref<!tpu.dma_semaphore, #tpu.memory_space<semaphore_mem>>
      %dma_start3A = arith.constant 0 : i32
      %dma_start3A_682 = tpu.memref_slice %arg2[%add3A_29, %dma_start3A] : memref<416x100000xf32, #tpu.memory_space<hbm>> -> memref<1x100000xf32, #tpu.memory_space<hbm>>
      %dma_start3A_683 = tpu.memref_squeeze %dma_start3A_682 : memref<1x100000xf32, #tpu.memory_space<hbm>> -> memref<100000xf32, #tpu.memory_space<hbm>>
      %dma_start3A_684 = arith.constant 0 : i32
      %dma_start3A_685 = tpu.memref_slice %arg2[%add3A_29, %dma_start3A_684] : memref<416x100000xf32, #tpu.memory_space<hbm>> -> memref<1x100000xf32, #tpu.memory_space<hbm>>
      %dma_start3A_686 = tpu.memref_squeeze %dma_start3A_685 : memref<1x100000xf32, #tpu.memory_space<hbm>> -> memref<100000xf32, #tpu.memory_space<hbm>>
      tpu.enqueue_dma source(%dma_start3A_686 : memref<100000xf32, #tpu.memory_space<hbm>>) target(%arg5 : memref<100000xf32, #tpu.memory_space<vmem>>) target_semaphore(%run_scoped3A : memref<!tpu.dma_semaphore, #tpu.memory_space<semaphore_mem>>)
      %dma_wait3A = arith.constant 0 : i32
      %dma_wait3A_687 = tpu.memref_slice %arg2[%add3A_29, %dma_wait3A] : memref<416x100000xf32, #tpu.memory_space<hbm>> -> memref<1x100000xf32, #tpu.memory_space<hbm>>
      %dma_wait3A_688 = tpu.memref_squeeze %dma_wait3A_687 : memref<1x100000xf32, #tpu.memory_space<hbm>> -> memref<100000xf32, #tpu.memory_space<hbm>>
      %dma_wait3A_689 = arith.constant 0 : i32
      %dma_wait3A_690 = tpu.memref_slice %arg2[%add3A_29, %dma_wait3A_689] : memref<416x100000xf32, #tpu.memory_space<hbm>> -> memref<1x100000xf32, #tpu.memory_space<hbm>>
      %dma_wait3A_691 = tpu.memref_squeeze %dma_wait3A_690 : memref<1x100000xf32, #tpu.memory_space<hbm>> -> memref<100000xf32, #tpu.memory_space<hbm>>
      tpu.wait_dma2 semaphore(%run_scoped3A : memref<!tpu.dma_semaphore, #tpu.memory_space<semaphore_mem>>) src(%dma_wait3A_691 : memref<100000xf32, #tpu.memory_space<hbm>>) dst(%arg5 : memref<100000xf32, #tpu.memory_space<vmem>>)
      tpu.yield
    }) : () -> ()
    %parallel_loop3A_71 = arith.constant 0 : i32
    %parallel_loop3A_72 = arith.constant 512 : i32
    %parallel_loop3A_73 = arith.constant 1 : i32
    scf.for %parallel_loop3A_682 = %parallel_loop3A_71 to %parallel_loop3A_72 step %parallel_loop3A_73  : i32 {
      %parallel_loop3A_683 = arith.constant 16 : i32
      %parallel_loop3A_684 = arith.muli %parallel_loop3A_682, %parallel_loop3A_683 : i32
      %parallel_loop3A_685 = arith.constant 0 : i32
      %parallel_loop3A_686 = arith.addi %parallel_loop3A_685, %parallel_loop3A_684 : i32
      %parallel_loop3A_687 = arith.index_cast %parallel_loop3A_686 : i32 to index
      %parallel_loop3A_688 = tpu.vector_load %arg6[%parallel_loop3A_687] {strides = array<i32>} : memref<16384xi32, #tpu.memory_space<vmem>>, vector<16xi32>,
      %parallel_loop3A_689 = tpu.vector_load_idx %arg5[%parallel_loop3A_688] : memref<100000xf32, #tpu.memory_space<vmem>>[vector<16xi32>], vector<16xf32>,
      %parallel_loop3A_690 = arith.constant 16 : i32
      %parallel_loop3A_691 = arith.muli %parallel_loop3A_682, %parallel_loop3A_690 : i32
      %parallel_loop3A_692 = arith.index_cast %parallel_loop3A_691 : i32 to index
      %parallel_loop3A_693 = tpu.vector_load %arg7[%parallel_loop3A_692] {strides = array<i32>} : memref<8192xf32, #tpu.memory_space<vmem>>, vector<16xf32>,
      tpu.vector_store %arg7[%parallel_loop3A_692], %parallel_loop3A_689 {strides = array<i32>} : memref<8192xf32, #tpu.memory_space<vmem>>, vector<16xf32>,
    } {sc.loop_unroll_factor = 8 : i64, sc.parallel_access}
    "tpu.region"() ({
      %run_scoped3A = tpu.sem_alloc : memref<!tpu.dma_semaphore, #tpu.memory_space<semaphore_mem>>
      %dma_start3A = arith.constant 0 : i32
      %dma_start3A_682 = tpu.memref_slice %arg4[%add3A_29, %dma_start3A] : memref<416x16384xf32, #tpu.memory_space<hbm>> -> memref<1x8192xf32, #tpu.memory_space<hbm>>
      %dma_start3A_683 = tpu.memref_squeeze %dma_start3A_682 : memref<1x8192xf32, #tpu.memory_space<hbm>> -> memref<8192xf32, #tpu.memory_space<hbm>>
      %dma_start3A_684 = arith.constant 0 : i32
      %dma_start3A_685 = tpu.memref_slice %arg4[%add3A_29, %dma_start3A_684] : memref<416x16384xf32, #tpu.memory_space<hbm>> -> memref<1x8192xf32, #tpu.memory_space<hbm>>
      %dma_start3A_686 = tpu.memref_squeeze %dma_start3A_685 : memref<1x8192xf32, #tpu.memory_space<hbm>> -> memref<8192xf32, #tpu.memory_space<hbm>>
      tpu.enqueue_dma source(%arg7 : memref<8192xf32, #tpu.memory_space<vmem>>) target(%dma_start3A_686 : memref<8192xf32, #tpu.memory_space<hbm>>) target_semaphore(%run_scoped3A : memref<!tpu.dma_semaphore, #tpu.memory_space<semaphore_mem>>)
      %dma_wait3A = arith.constant 0 : i32
      %dma_wait3A_687 = tpu.memref_slice %arg4[%add3A_29, %dma_wait3A] : memref<416x16384xf32, #tpu.memory_space<hbm>> -> memref<1x8192xf32, #tpu.memory_space<hbm>>
      %dma_wait3A_688 = tpu.memref_squeeze %dma_wait3A_687 : memref<1x8192xf32, #tpu.memory_space<hbm>> -> memref<8192xf32, #tpu.memory_space<hbm>>
      %dma_wait3A_689 = arith.constant 0 : i32
      %dma_wait3A_690 = tpu.memref_slice %arg4[%add3A_29, %dma_wait3A_689] : memref<416x16384xf32, #tpu.memory_space<hbm>> -> memref<1x8192xf32, #tpu.memory_space<hbm>>
      %dma_wait3A_691 = tpu.memref_squeeze %dma_wait3A_690 : memref<1x8192xf32, #tpu.memory_space<hbm>> -> memref<8192xf32, #tpu.memory_space<hbm>>
      tpu.wait_dma2 semaphore(%run_scoped3A : memref<!tpu.dma_semaphore, #tpu.memory_space<semaphore_mem>>) src(%arg7 : memref<8192xf32, #tpu.memory_space<vmem>>) dst(%dma_wait3A_691 : memref<8192xf32, #tpu.memory_space<hbm>>)
      tpu.yield
    }) : () -> ()
    %parallel_loop3A_74 = arith.constant 0 : i32
    %parallel_loop3A_75 = arith.constant 512 : i32
    %parallel_loop3A_76 = arith.constant 1 : i32
    scf.for %parallel_loop3A_682 = %parallel_loop3A_74 to %parallel_loop3A_75 step %parallel_loop3A_76  : i32 {
      %parallel_loop3A_683 = arith.constant 16 : i32
      %parallel_loop3A_684 = arith.muli %parallel_loop3A_682, %parallel_loop3A_683 : i32
      %parallel_loop3A_685 = arith.constant 8192 : i32
      %parallel_loop3A_686 = arith.addi %parallel_loop3A_685, %parallel_loop3A_684 : i32
      %parallel_loop3A_687 = arith.index_cast %parallel_loop3A_686 : i32 to index
      %parallel_loop3A_688 = tpu.vector_load %arg6[%parallel_loop3A_687] {strides = array<i32>} : memref<16384xi32, #tpu.memory_space<vmem>>, vector<16xi32>,
      %parallel_loop3A_689 = tpu.vector_load_idx %arg5[%parallel_loop3A_688] : memref<100000xf32, #tpu.memory_space<vmem>>[vector<16xi32>], vector<16xf32>,
      %parallel_loop3A_690 = arith.constant 16 : i32
      %parallel_loop3A_691 = arith.muli %parallel_loop3A_682, %parallel_loop3A_690 : i32
      %parallel_loop3A_692 = arith.index_cast %parallel_loop3A_691 : i32 to index
      %parallel_loop3A_693 = tpu.vector_load %arg7[%parallel_loop3A_692] {strides = array<i32>} : memref<8192xf32, #tpu.memory_space<vmem>>, vector<16xf32>,
      tpu.vector_store %arg7[%parallel_loop3A_692], %parallel_loop3A_689 {strides = array<i32>} : memref<8192xf32, #tpu.memory_space<vmem>>, vector<16xf32>,
    } {sc.loop_unroll_factor = 8 : i64, sc.parallel_access}
    "tpu.region"() ({
      %run_scoped3A = tpu.sem_alloc : memref<!tpu.dma_semaphore, #tpu.memory_space<semaphore_mem>>
      %dma_start3A = arith.constant 8192 : i32
      %dma_start3A_682 = tpu.memref_slice %arg4[%add3A_29, %dma_start3A] : memref<416x16384xf32, #tpu.memory_space<hbm>> -> memref<1x8192xf32, #tpu.memory_space<hbm>>
      %dma_start3A_683 = tpu.memref_squeeze %dma_start3A_682 : memref<1x8192xf32, #tpu.memory_space<hbm>> -> memref<8192xf32, #tpu.memory_space<hbm>>
      %dma_start3A_684 = arith.constant 8192 : i32
      %dma_start3A_685 = tpu.memref_slice %arg4[%add3A_29, %dma_start3A_684] : memref<416x16384xf32, #tpu.memory_space<hbm>> -> memref<1x8192xf32, #tpu.memory_space<hbm>>
      %dma_start3A_686 = tpu.memref_squeeze %dma_start3A_685 : memref<1x8192xf32, #tpu.memory_space<hbm>> -> memref<8192xf32, #tpu.memory_space<hbm>>
      tpu.enqueue_dma source(%arg7 : memref<8192xf32, #tpu.memory_space<vmem>>) target(%dma_start3A_686 : memref<8192xf32, #tpu.memory_space<hbm>>) target_semaphore(%run_scoped3A : memref<!tpu.dma_semaphore, #tpu.memory_space<semaphore_mem>>)
      %dma_wait3A = arith.constant 8192 : i32
      %dma_wait3A_687 = tpu.memref_slice %arg4[%add3A_29, %dma_wait3A] : memref<416x16384xf32, #tpu.memory_space<hbm>> -> memref<1x8192xf32, #tpu.memory_space<hbm>>
      %dma_wait3A_688 = tpu.memref_squeeze %dma_wait3A_687 : memref<1x8192xf32, #tpu.memory_space<hbm>> -> memref<8192xf32, #tpu.memory_space<hbm>>
      %dma_wait3A_689 = arith.constant 8192 : i32
      %dma_wait3A_690 = tpu.memref_slice %arg4[%add3A_29, %dma_wait3A_689] : memref<416x16384xf32, #tpu.memory_space<hbm>> -> memref<1x8192xf32, #tpu.memory_space<hbm>>
      %dma_wait3A_691 = tpu.memref_squeeze %dma_wait3A_690 : memref<1x8192xf32, #tpu.memory_space<hbm>> -> memref<8192xf32, #tpu.memory_space<hbm>>
      tpu.wait_dma2 semaphore(%run_scoped3A : memref<!tpu.dma_semaphore, #tpu.memory_space<semaphore_mem>>) src(%arg7 : memref<8192xf32, #tpu.memory_space<vmem>>) dst(%dma_wait3A_691 : memref<8192xf32, #tpu.memory_space<hbm>>)
      tpu.yield
    }) : () -> ()
    %mul3A_77 = arith.constant 13 : i32
    %mul3A_78 = arith.muli %add3A, %mul3A_77 : i32
    %add3A_79 = arith.constant 2 : i32
    %add3A_80 = arith.addi %mul3A_78, %add3A_79 : i32
    %jit3A_81 = arith.constant 16 : i32
    %div3A_82 = arith.divsi %add3A_80, %jit3A_81 : i32
    %sign3A_83 = arith.constant 0 : i32
    %sign3A_84 = arith.cmpi sgt, %add3A_80, %sign3A_83 : i32
    %sign3A_85 = arith.extui %sign3A_84 : i1 to i32
    %sign3A_86 = arith.constant 0 : i32
    %sign3A_87 = arith.cmpi slt, %add3A_80, %sign3A_86 : i32
    %sign3A_88 = arith.extui %sign3A_87 : i1 to i32
    %sign3A_89 = arith.subi %sign3A_85, %sign3A_88 : i32
    %sign3A_90 = arith.constant 0 : i32
    %sign3A_91 = arith.cmpi sgt, %jit3A_81, %sign3A_90 : i32
    %sign3A_92 = arith.extui %sign3A_91 : i1 to i32
    %sign3A_93 = arith.constant 0 : i32
    %sign3A_94 = arith.cmpi slt, %jit3A_81, %sign3A_93 : i32
    %sign3A_95 = arith.extui %sign3A_94 : i1 to i32
    %sign3A_96 = arith.subi %sign3A_92, %sign3A_95 : i32
    %ne3A_97 = arith.cmpi ne, %sign3A_89, %sign3A_96 : i32
    %rem3A_98 = arith.remsi %add3A_80, %jit3A_81 : i32
    %ne3A_99 = arith.constant 0 : i32
    %ne3A_100 = arith.cmpi ne, %rem3A_98, %ne3A_99 : i32
    %and3A_101 = arith.andi %ne3A_97, %ne3A_100 : i1
    %sub3A_102 = arith.constant 1 : i32
    %sub3A_103 = arith.subi %div3A_82, %sub3A_102 : i32
    %select_n3A_104 = arith.select %and3A_101, %sub3A_103, %div3A_82 : i32
    %jit3A_105 = arith.constant 16 : i32
    %eq3A_106 = arith.constant 0 : i32
    %eq3A_107 = arith.cmpi eq, %jit3A_105, %eq3A_106 : i32
    %jit3A_108 = arith.constant 1 : i32
    %select_n3A_109 = arith.select %eq3A_107, %jit3A_108, %jit3A_105 : i32
    %rem3A_110 = arith.remsi %add3A_80, %select_n3A_109 : i32
    %ne3A_111 = arith.constant 0 : i32
    %ne3A_112 = arith.cmpi ne, %rem3A_110, %ne3A_111 : i32
    %lt3A_113 = arith.constant 0 : i32
    %lt3A_114 = arith.cmpi slt, %rem3A_110, %lt3A_113 : i32
    %lt3A_115 = arith.constant 0 : i32
    %lt3A_116 = arith.cmpi slt, %select_n3A_109, %lt3A_115 : i32
    %ne3A_117 = arith.xori %lt3A_114, %lt3A_116 : i1
    %and3A_118 = arith.andi %ne3A_117, %ne3A_112 : i1
    %add3A_119 = arith.addi %rem3A_110, %select_n3A_109 : i32
    %select_n3A_120 = arith.select %and3A_118, %add3A_119, %rem3A_110 : i32
    %eq3A_121 = arith.constant 0 : i32
    %eq3A_122 = arith.cmpi eq, %select_n3A_120, %eq3A_121 : i32
    %convert_element_type3A_123 = arith.extui %eq3A_122 : i1 to i32
    %cond3A_124 = arith.constant 0 : i32
    %cond3A_125 = arith.cmpi ne, %convert_element_type3A_123, %cond3A_124 : i32
    scf.if %cond3A_125 {
      "tpu.region"() ({
        %run_scoped3A = tpu.sem_alloc : memref<!tpu.dma_semaphore, #tpu.memory_space<semaphore_mem>>
        %dma_start3A = arith.constant 0 : i32
        %dma_start3A_682 = tpu.memref_slice %arg3[%select_n3A_104, %dma_start3A] : memref<26x16384xi32, #tpu.memory_space<hbm>> -> memref<1x16384xi32, #tpu.memory_space<hbm>>
        %dma_start3A_683 = tpu.memref_squeeze %dma_start3A_682 : memref<1x16384xi32, #tpu.memory_space<hbm>> -> memref<16384xi32, #tpu.memory_space<hbm>>
        %dma_start3A_684 = arith.constant 0 : i32
        %dma_start3A_685 = tpu.memref_slice %arg3[%select_n3A_104, %dma_start3A_684] : memref<26x16384xi32, #tpu.memory_space<hbm>> -> memref<1x16384xi32, #tpu.memory_space<hbm>>
        %dma_start3A_686 = tpu.memref_squeeze %dma_start3A_685 : memref<1x16384xi32, #tpu.memory_space<hbm>> -> memref<16384xi32, #tpu.memory_space<hbm>>
        tpu.enqueue_dma source(%dma_start3A_686 : memref<16384xi32, #tpu.memory_space<hbm>>) target(%arg6 : memref<16384xi32, #tpu.memory_space<vmem>>) target_semaphore(%run_scoped3A : memref<!tpu.dma_semaphore, #tpu.memory_space<semaphore_mem>>)
        %dma_wait3A = arith.constant 0 : i32
        %dma_wait3A_687 = tpu.memref_slice %arg3[%select_n3A_104, %dma_wait3A] : memref<26x16384xi32, #tpu.memory_space<hbm>> -> memref<1x16384xi32, #tpu.memory_space<hbm>>
        %dma_wait3A_688 = tpu.memref_squeeze %dma_wait3A_687 : memref<1x16384xi32, #tpu.memory_space<hbm>> -> memref<16384xi32, #tpu.memory_space<hbm>>
        %dma_wait3A_689 = arith.constant 0 : i32
        %dma_wait3A_690 = tpu.memref_slice %arg3[%select_n3A_104, %dma_wait3A_689] : memref<26x16384xi32, #tpu.memory_space<hbm>> -> memref<1x16384xi32, #tpu.memory_space<hbm>>
        %dma_wait3A_691 = tpu.memref_squeeze %dma_wait3A_690 : memref<1x16384xi32, #tpu.memory_space<hbm>> -> memref<16384xi32, #tpu.memory_space<hbm>>
        tpu.wait_dma2 semaphore(%run_scoped3A : memref<!tpu.dma_semaphore, #tpu.memory_space<semaphore_mem>>) src(%dma_wait3A_691 : memref<16384xi32, #tpu.memory_space<hbm>>) dst(%arg6 : memref<16384xi32, #tpu.memory_space<vmem>>)
        tpu.yield
      }) : () -> ()
    } else {
    }
    "tpu.region"() ({
      %run_scoped3A = tpu.sem_alloc : memref<!tpu.dma_semaphore, #tpu.memory_space<semaphore_mem>>
      %dma_start3A = arith.constant 0 : i32
      %dma_start3A_682 = tpu.memref_slice %arg2[%add3A_80, %dma_start3A] : memref<416x100000xf32, #tpu.memory_space<hbm>> -> memref<1x100000xf32, #tpu.memory_space<hbm>>
      %dma_start3A_683 = tpu.memref_squeeze %dma_start3A_682 : memref<1x100000xf32, #tpu.memory_space<hbm>> -> memref<100000xf32, #tpu.memory_space<hbm>>
      %dma_start3A_684 = arith.constant 0 : i32
      %dma_start3A_685 = tpu.memref_slice %arg2[%add3A_80, %dma_start3A_684] : memref<416x100000xf32, #tpu.memory_space<hbm>> -> memref<1x100000xf32, #tpu.memory_space<hbm>>
      %dma_start3A_686 = tpu.memref_squeeze %dma_start3A_685 : memref<1x100000xf32, #tpu.memory_space<hbm>> -> memref<100000xf32, #tpu.memory_space<hbm>>
      tpu.enqueue_dma source(%dma_start3A_686 : memref<100000xf32, #tpu.memory_space<hbm>>) target(%arg5 : memref<100000xf32, #tpu.memory_space<vmem>>) target_semaphore(%run_scoped3A : memref<!tpu.dma_semaphore, #tpu.memory_space<semaphore_mem>>)
      %dma_wait3A = arith.constant 0 : i32
      %dma_wait3A_687 = tpu.memref_slice %arg2[%add3A_80, %dma_wait3A] : memref<416x100000xf32, #tpu.memory_space<hbm>> -> memref<1x100000xf32, #tpu.memory_space<hbm>>
      %dma_wait3A_688 = tpu.memref_squeeze %dma_wait3A_687 : memref<1x100000xf32, #tpu.memory_space<hbm>> -> memref<100000xf32, #tpu.memory_space<hbm>>
      %dma_wait3A_689 = arith.constant 0 : i32
      %dma_wait3A_690 = tpu.memref_slice %arg2[%add3A_80, %dma_wait3A_689] : memref<416x100000xf32, #tpu.memory_space<hbm>> -> memref<1x100000xf32, #tpu.memory_space<hbm>>
      %dma_wait3A_691 = tpu.memref_squeeze %dma_wait3A_690 : memref<1x100000xf32, #tpu.memory_space<hbm>> -> memref<100000xf32, #tpu.memory_space<hbm>>
      tpu.wait_dma2 semaphore(%run_scoped3A : memref<!tpu.dma_semaphore, #tpu.memory_space<semaphore_mem>>) src(%dma_wait3A_691 : memref<100000xf32, #tpu.memory_space<hbm>>) dst(%arg5 : memref<100000xf32, #tpu.memory_space<vmem>>)
      tpu.yield
    }) : () -> ()
    %parallel_loop3A_126 = arith.constant 0 : i32
    %parallel_loop3A_127 = arith.constant 512 : i32
    %parallel_loop3A_128 = arith.constant 1 : i32
    scf.for %parallel_loop3A_682 = %parallel_loop3A_126 to %parallel_loop3A_127 step %parallel_loop3A_128  : i32 {
      %parallel_loop3A_683 = arith.constant 16 : i32
      %parallel_loop3A_684 = arith.muli %parallel_loop3A_682, %parallel_loop3A_683 : i32
      %parallel_loop3A_685 = arith.constant 0 : i32
      %parallel_loop3A_686 = arith.addi %parallel_loop3A_685, %parallel_loop3A_684 : i32
      %parallel_loop3A_687 = arith.index_cast %parallel_loop3A_686 : i32 to index
      %parallel_loop3A_688 = tpu.vector_load %arg6[%parallel_loop3A_687] {strides = array<i32>} : memref<16384xi32, #tpu.memory_space<vmem>>, vector<16xi32>,
      %parallel_loop3A_689 = tpu.vector_load_idx %arg5[%parallel_loop3A_688] : memref<100000xf32, #tpu.memory_space<vmem>>[vector<16xi32>], vector<16xf32>,
      %parallel_loop3A_690 = arith.constant 16 : i32
      %parallel_loop3A_691 = arith.muli %parallel_loop3A_682, %parallel_loop3A_690 : i32
      %parallel_loop3A_692 = arith.index_cast %parallel_loop3A_691 : i32 to index
      %parallel_loop3A_693 = tpu.vector_load %arg7[%parallel_loop3A_692] {strides = array<i32>} : memref<8192xf32, #tpu.memory_space<vmem>>, vector<16xf32>,
      tpu.vector_store %arg7[%parallel_loop3A_692], %parallel_loop3A_689 {strides = array<i32>} : memref<8192xf32, #tpu.memory_space<vmem>>, vector<16xf32>,
    } {sc.loop_unroll_factor = 8 : i64, sc.parallel_access}
    "tpu.region"() ({
      %run_scoped3A = tpu.sem_alloc : memref<!tpu.dma_semaphore, #tpu.memory_space<semaphore_mem>>
      %dma_start3A = arith.constant 0 : i32
      %dma_start3A_682 = tpu.memref_slice %arg4[%add3A_80, %dma_start3A] : memref<416x16384xf32, #tpu.memory_space<hbm>> -> memref<1x8192xf32, #tpu.memory_space<hbm>>
      %dma_start3A_683 = tpu.memref_squeeze %dma_start3A_682 : memref<1x8192xf32, #tpu.memory_space<hbm>> -> memref<8192xf32, #tpu.memory_space<hbm>>
      %dma_start3A_684 = arith.constant 0 : i32
      %dma_start3A_685 = tpu.memref_slice %arg4[%add3A_80, %dma_start3A_684] : memref<416x16384xf32, #tpu.memory_space<hbm>> -> memref<1x8192xf32, #tpu.memory_space<hbm>>
      %dma_start3A_686 = tpu.memref_squeeze %dma_start3A_685 : memref<1x8192xf32, #tpu.memory_space<hbm>> -> memref<8192xf32, #tpu.memory_space<hbm>>
      tpu.enqueue_dma source(%arg7 : memref<8192xf32, #tpu.memory_space<vmem>>) target(%dma_start3A_686 : memref<8192xf32, #tpu.memory_space<hbm>>) target_semaphore(%run_scoped3A : memref<!tpu.dma_semaphore, #tpu.memory_space<semaphore_mem>>)
      %dma_wait3A = arith.constant 0 : i32
      %dma_wait3A_687 = tpu.memref_slice %arg4[%add3A_80, %dma_wait3A] : memref<416x16384xf32, #tpu.memory_space<hbm>> -> memref<1x8192xf32, #tpu.memory_space<hbm>>
      %dma_wait3A_688 = tpu.memref_squeeze %dma_wait3A_687 : memref<1x8192xf32, #tpu.memory_space<hbm>> -> memref<8192xf32, #tpu.memory_space<hbm>>
      %dma_wait3A_689 = arith.constant 0 : i32
      %dma_wait3A_690 = tpu.memref_slice %arg4[%add3A_80, %dma_wait3A_689] : memref<416x16384xf32, #tpu.memory_space<hbm>> -> memref<1x8192xf32, #tpu.memory_space<hbm>>
      %dma_wait3A_691 = tpu.memref_squeeze %dma_wait3A_690 : memref<1x8192xf32, #tpu.memory_space<hbm>> -> memref<8192xf32, #tpu.memory_space<hbm>>
      tpu.wait_dma2 semaphore(%run_scoped3A : memref<!tpu.dma_semaphore, #tpu.memory_space<semaphore_mem>>) src(%arg7 : memref<8192xf32, #tpu.memory_space<vmem>>) dst(%dma_wait3A_691 : memref<8192xf32, #tpu.memory_space<hbm>>)
      tpu.yield
    }) : () -> ()
    %parallel_loop3A_129 = arith.constant 0 : i32
    %parallel_loop3A_130 = arith.constant 512 : i32
    %parallel_loop3A_131 = arith.constant 1 : i32
    scf.for %parallel_loop3A_682 = %parallel_loop3A_129 to %parallel_loop3A_130 step %parallel_loop3A_131  : i32 {
      %parallel_loop3A_683 = arith.constant 16 : i32
      %parallel_loop3A_684 = arith.muli %parallel_loop3A_682, %parallel_loop3A_683 : i32
      %parallel_loop3A_685 = arith.constant 8192 : i32
      %parallel_loop3A_686 = arith.addi %parallel_loop3A_685, %parallel_loop3A_684 : i32
      %parallel_loop3A_687 = arith.index_cast %parallel_loop3A_686 : i32 to index
      %parallel_loop3A_688 = tpu.vector_load %arg6[%parallel_loop3A_687] {strides = array<i32>} : memref<16384xi32, #tpu.memory_space<vmem>>, vector<16xi32>,
      %parallel_loop3A_689 = tpu.vector_load_idx %arg5[%parallel_loop3A_688] : memref<100000xf32, #tpu.memory_space<vmem>>[vector<16xi32>], vector<16xf32>,
      %parallel_loop3A_690 = arith.constant 16 : i32
      %parallel_loop3A_691 = arith.muli %parallel_loop3A_682, %parallel_loop3A_690 : i32
      %parallel_loop3A_692 = arith.index_cast %parallel_loop3A_691 : i32 to index
      %parallel_loop3A_693 = tpu.vector_load %arg7[%parallel_loop3A_692] {strides = array<i32>} : memref<8192xf32, #tpu.memory_space<vmem>>, vector<16xf32>,
      tpu.vector_store %arg7[%parallel_loop3A_692], %parallel_loop3A_689 {strides = array<i32>} : memref<8192xf32, #tpu.memory_space<vmem>>, vector<16xf32>,
    } {sc.loop_unroll_factor = 8 : i64, sc.parallel_access}
    "tpu.region"() ({
      %run_scoped3A = tpu.sem_alloc : memref<!tpu.dma_semaphore, #tpu.memory_space<semaphore_mem>>
      %dma_start3A = arith.constant 8192 : i32
      %dma_start3A_682 = tpu.memref_slice %arg4[%add3A_80, %dma_start3A] : memref<416x16384xf32, #tpu.memory_space<hbm>> -> memref<1x8192xf32, #tpu.memory_space<hbm>>
      %dma_start3A_683 = tpu.memref_squeeze %dma_start3A_682 : memref<1x8192xf32, #tpu.memory_space<hbm>> -> memref<8192xf32, #tpu.memory_space<hbm>>
      %dma_start3A_684 = arith.constant 8192 : i32
      %dma_start3A_685 = tpu.memref_slice %arg4[%add3A_80, %dma_start3A_684] : memref<416x16384xf32, #tpu.memory_space<hbm>> -> memref<1x8192xf32, #tpu.memory_space<hbm>>
      %dma_start3A_686 = tpu.memref_squeeze %dma_start3A_685 : memref<1x8192xf32, #tpu.memory_space<hbm>> -> memref<8192xf32, #tpu.memory_space<hbm>>
      tpu.enqueue_dma source(%arg7 : memref<8192xf32, #tpu.memory_space<vmem>>) target(%dma_start3A_686 : memref<8192xf32, #tpu.memory_space<hbm>>) target_semaphore(%run_scoped3A : memref<!tpu.dma_semaphore, #tpu.memory_space<semaphore_mem>>)
      %dma_wait3A = arith.constant 8192 : i32
      %dma_wait3A_687 = tpu.memref_slice %arg4[%add3A_80, %dma_wait3A] : memref<416x16384xf32, #tpu.memory_space<hbm>> -> memref<1x8192xf32, #tpu.memory_space<hbm>>
      %dma_wait3A_688 = tpu.memref_squeeze %dma_wait3A_687 : memref<1x8192xf32, #tpu.memory_space<hbm>> -> memref<8192xf32, #tpu.memory_space<hbm>>
      %dma_wait3A_689 = arith.constant 8192 : i32
      %dma_wait3A_690 = tpu.memref_slice %arg4[%add3A_80, %dma_wait3A_689] : memref<416x16384xf32, #tpu.memory_space<hbm>> -> memref<1x8192xf32, #tpu.memory_space<hbm>>
      %dma_wait3A_691 = tpu.memref_squeeze %dma_wait3A_690 : memref<1x8192xf32, #tpu.memory_space<hbm>> -> memref<8192xf32, #tpu.memory_space<hbm>>
      tpu.wait_dma2 semaphore(%run_scoped3A : memref<!tpu.dma_semaphore, #tpu.memory_space<semaphore_mem>>) src(%arg7 : memref<8192xf32, #tpu.memory_space<vmem>>) dst(%dma_wait3A_691 : memref<8192xf32, #tpu.memory_space<hbm>>)
      tpu.yield
    }) : () -> ()
    %mul3A_132 = arith.constant 13 : i32
    %mul3A_133 = arith.muli %add3A, %mul3A_132 : i32
    %add3A_134 = arith.constant 3 : i32
    %add3A_135 = arith.addi %mul3A_133, %add3A_134 : i32
    %jit3A_136 = arith.constant 16 : i32
    %div3A_137 = arith.divsi %add3A_135, %jit3A_136 : i32
    %sign3A_138 = arith.constant 0 : i32
    %sign3A_139 = arith.cmpi sgt, %add3A_135, %sign3A_138 : i32
    %sign3A_140 = arith.extui %sign3A_139 : i1 to i32
    %sign3A_141 = arith.constant 0 : i32
    %sign3A_142 = arith.cmpi slt, %add3A_135, %sign3A_141 : i32
    %sign3A_143 = arith.extui %sign3A_142 : i1 to i32
    %sign3A_144 = arith.subi %sign3A_140, %sign3A_143 : i32
    %sign3A_145 = arith.constant 0 : i32
    %sign3A_146 = arith.cmpi sgt, %jit3A_136, %sign3A_145 : i32
    %sign3A_147 = arith.extui %sign3A_146 : i1 to i32
    %sign3A_148 = arith.constant 0 : i32
    %sign3A_149 = arith.cmpi slt, %jit3A_136, %sign3A_148 : i32
    %sign3A_150 = arith.extui %sign3A_149 : i1 to i32
    %sign3A_151 = arith.subi %sign3A_147, %sign3A_150 : i32
    %ne3A_152 = arith.cmpi ne, %sign3A_144, %sign3A_151 : i32
    %rem3A_153 = arith.remsi %add3A_135, %jit3A_136 : i32
    %ne3A_154 = arith.constant 0 : i32
    %ne3A_155 = arith.cmpi ne, %rem3A_153, %ne3A_154 : i32
    %and3A_156 = arith.andi %ne3A_152, %ne3A_155 : i1
    %sub3A_157 = arith.constant 1 : i32
    %sub3A_158 = arith.subi %div3A_137, %sub3A_157 : i32
    %select_n3A_159 = arith.select %and3A_156, %sub3A_158, %div3A_137 : i32
    %jit3A_160 = arith.constant 16 : i32
    %eq3A_161 = arith.constant 0 : i32
    %eq3A_162 = arith.cmpi eq, %jit3A_160, %eq3A_161 : i32
    %jit3A_163 = arith.constant 1 : i32
    %select_n3A_164 = arith.select %eq3A_162, %jit3A_163, %jit3A_160 : i32
    %rem3A_165 = arith.remsi %add3A_135, %select_n3A_164 : i32
    %ne3A_166 = arith.constant 0 : i32
    %ne3A_167 = arith.cmpi ne, %rem3A_165, %ne3A_166 : i32
    %lt3A_168 = arith.constant 0 : i32
    %lt3A_169 = arith.cmpi slt, %rem3A_165, %lt3A_168 : i32
    %lt3A_170 = arith.constant 0 : i32
    %lt3A_171 = arith.cmpi slt, %select_n3A_164, %lt3A_170 : i32
    %ne3A_172 = arith.xori %lt3A_169, %lt3A_171 : i1
    %and3A_173 = arith.andi %ne3A_172, %ne3A_167 : i1
    %add3A_174 = arith.addi %rem3A_165, %select_n3A_164 : i32
    %select_n3A_175 = arith.select %and3A_173, %add3A_174, %rem3A_165 : i32
    %eq3A_176 = arith.constant 0 : i32
    %eq3A_177 = arith.cmpi eq, %select_n3A_175, %eq3A_176 : i32
    %convert_element_type3A_178 = arith.extui %eq3A_177 : i1 to i32
    %cond3A_179 = arith.constant 0 : i32
    %cond3A_180 = arith.cmpi ne, %convert_element_type3A_178, %cond3A_179 : i32
    scf.if %cond3A_180 {
      "tpu.region"() ({
        %run_scoped3A = tpu.sem_alloc : memref<!tpu.dma_semaphore, #tpu.memory_space<semaphore_mem>>
        %dma_start3A = arith.constant 0 : i32
        %dma_start3A_682 = tpu.memref_slice %arg3[%select_n3A_159, %dma_start3A] : memref<26x16384xi32, #tpu.memory_space<hbm>> -> memref<1x16384xi32, #tpu.memory_space<hbm>>
        %dma_start3A_683 = tpu.memref_squeeze %dma_start3A_682 : memref<1x16384xi32, #tpu.memory_space<hbm>> -> memref<16384xi32, #tpu.memory_space<hbm>>
        %dma_start3A_684 = arith.constant 0 : i32
        %dma_start3A_685 = tpu.memref_slice %arg3[%select_n3A_159, %dma_start3A_684] : memref<26x16384xi32, #tpu.memory_space<hbm>> -> memref<1x16384xi32, #tpu.memory_space<hbm>>
        %dma_start3A_686 = tpu.memref_squeeze %dma_start3A_685 : memref<1x16384xi32, #tpu.memory_space<hbm>> -> memref<16384xi32, #tpu.memory_space<hbm>>
        tpu.enqueue_dma source(%dma_start3A_686 : memref<16384xi32, #tpu.memory_space<hbm>>) target(%arg6 : memref<16384xi32, #tpu.memory_space<vmem>>) target_semaphore(%run_scoped3A : memref<!tpu.dma_semaphore, #tpu.memory_space<semaphore_mem>>)
        %dma_wait3A = arith.constant 0 : i32
        %dma_wait3A_687 = tpu.memref_slice %arg3[%select_n3A_159, %dma_wait3A] : memref<26x16384xi32, #tpu.memory_space<hbm>> -> memref<1x16384xi32, #tpu.memory_space<hbm>>
        %dma_wait3A_688 = tpu.memref_squeeze %dma_wait3A_687 : memref<1x16384xi32, #tpu.memory_space<hbm>> -> memref<16384xi32, #tpu.memory_space<hbm>>
        %dma_wait3A_689 = arith.constant 0 : i32
        %dma_wait3A_690 = tpu.memref_slice %arg3[%select_n3A_159, %dma_wait3A_689] : memref<26x16384xi32, #tpu.memory_space<hbm>> -> memref<1x16384xi32, #tpu.memory_space<hbm>>
        %dma_wait3A_691 = tpu.memref_squeeze %dma_wait3A_690 : memref<1x16384xi32, #tpu.memory_space<hbm>> -> memref<16384xi32, #tpu.memory_space<hbm>>
        tpu.wait_dma2 semaphore(%run_scoped3A : memref<!tpu.dma_semaphore, #tpu.memory_space<semaphore_mem>>) src(%dma_wait3A_691 : memref<16384xi32, #tpu.memory_space<hbm>>) dst(%arg6 : memref<16384xi32, #tpu.memory_space<vmem>>)
        tpu.yield
      }) : () -> ()
    } else {
    }
    "tpu.region"() ({
      %run_scoped3A = tpu.sem_alloc : memref<!tpu.dma_semaphore, #tpu.memory_space<semaphore_mem>>
      %dma_start3A = arith.constant 0 : i32
      %dma_start3A_682 = tpu.memref_slice %arg2[%add3A_135, %dma_start3A] : memref<416x100000xf32, #tpu.memory_space<hbm>> -> memref<1x100000xf32, #tpu.memory_space<hbm>>
      %dma_start3A_683 = tpu.memref_squeeze %dma_start3A_682 : memref<1x100000xf32, #tpu.memory_space<hbm>> -> memref<100000xf32, #tpu.memory_space<hbm>>
      %dma_start3A_684 = arith.constant 0 : i32
      %dma_start3A_685 = tpu.memref_slice %arg2[%add3A_135, %dma_start3A_684] : memref<416x100000xf32, #tpu.memory_space<hbm>> -> memref<1x100000xf32, #tpu.memory_space<hbm>>
      %dma_start3A_686 = tpu.memref_squeeze %dma_start3A_685 : memref<1x100000xf32, #tpu.memory_space<hbm>> -> memref<100000xf32, #tpu.memory_space<hbm>>
      tpu.enqueue_dma source(%dma_start3A_686 : memref<100000xf32, #tpu.memory_space<hbm>>) target(%arg5 : memref<100000xf32, #tpu.memory_space<vmem>>) target_semaphore(%run_scoped3A : memref<!tpu.dma_semaphore, #tpu.memory_space<semaphore_mem>>)
      %dma_wait3A = arith.constant 0 : i32
      %dma_wait3A_687 = tpu.memref_slice %arg2[%add3A_135, %dma_wait3A] : memref<416x100000xf32, #tpu.memory_space<hbm>> -> memref<1x100000xf32, #tpu.memory_space<hbm>>
      %dma_wait3A_688 = tpu.memref_squeeze %dma_wait3A_687 : memref<1x100000xf32, #tpu.memory_space<hbm>> -> memref<100000xf32, #tpu.memory_space<hbm>>
      %dma_wait3A_689 = arith.constant 0 : i32
      %dma_wait3A_690 = tpu.memref_slice %arg2[%add3A_135, %dma_wait3A_689] : memref<416x100000xf32, #tpu.memory_space<hbm>> -> memref<1x100000xf32, #tpu.memory_space<hbm>>
      %dma_wait3A_691 = tpu.memref_squeeze %dma_wait3A_690 : memref<1x100000xf32, #tpu.memory_space<hbm>> -> memref<100000xf32, #tpu.memory_space<hbm>>
      tpu.wait_dma2 semaphore(%run_scoped3A : memref<!tpu.dma_semaphore, #tpu.memory_space<semaphore_mem>>) src(%dma_wait3A_691 : memref<100000xf32, #tpu.memory_space<hbm>>) dst(%arg5 : memref<100000xf32, #tpu.memory_space<vmem>>)
      tpu.yield
    }) : () -> ()
    %parallel_loop3A_181 = arith.constant 0 : i32
    %parallel_loop3A_182 = arith.constant 512 : i32
    %parallel_loop3A_183 = arith.constant 1 : i32
    scf.for %parallel_loop3A_682 = %parallel_loop3A_181 to %parallel_loop3A_182 step %parallel_loop3A_183  : i32 {
      %parallel_loop3A_683 = arith.constant 16 : i32
      %parallel_loop3A_684 = arith.muli %parallel_loop3A_682, %parallel_loop3A_683 : i32
      %parallel_loop3A_685 = arith.constant 0 : i32
      %parallel_loop3A_686 = arith.addi %parallel_loop3A_685, %parallel_loop3A_684 : i32
      %parallel_loop3A_687 = arith.index_cast %parallel_loop3A_686 : i32 to index
      %parallel_loop3A_688 = tpu.vector_load %arg6[%parallel_loop3A_687] {strides = array<i32>} : memref<16384xi32, #tpu.memory_space<vmem>>, vector<16xi32>,
      %parallel_loop3A_689 = tpu.vector_load_idx %arg5[%parallel_loop3A_688] : memref<100000xf32, #tpu.memory_space<vmem>>[vector<16xi32>], vector<16xf32>,
      %parallel_loop3A_690 = arith.constant 16 : i32
      %parallel_loop3A_691 = arith.muli %parallel_loop3A_682, %parallel_loop3A_690 : i32
      %parallel_loop3A_692 = arith.index_cast %parallel_loop3A_691 : i32 to index
      %parallel_loop3A_693 = tpu.vector_load %arg7[%parallel_loop3A_692] {strides = array<i32>} : memref<8192xf32, #tpu.memory_space<vmem>>, vector<16xf32>,
      tpu.vector_store %arg7[%parallel_loop3A_692], %parallel_loop3A_689 {strides = array<i32>} : memref<8192xf32, #tpu.memory_space<vmem>>, vector<16xf32>,
    } {sc.loop_unroll_factor = 8 : i64, sc.parallel_access}
    "tpu.region"() ({
      %run_scoped3A = tpu.sem_alloc : memref<!tpu.dma_semaphore, #tpu.memory_space<semaphore_mem>>
      %dma_start3A = arith.constant 0 : i32
      %dma_start3A_682 = tpu.memref_slice %arg4[%add3A_135, %dma_start3A] : memref<416x16384xf32, #tpu.memory_space<hbm>> -> memref<1x8192xf32, #tpu.memory_space<hbm>>
      %dma_start3A_683 = tpu.memref_squeeze %dma_start3A_682 : memref<1x8192xf32, #tpu.memory_space<hbm>> -> memref<8192xf32, #tpu.memory_space<hbm>>
      %dma_start3A_684 = arith.constant 0 : i32
      %dma_start3A_685 = tpu.memref_slice %arg4[%add3A_135, %dma_start3A_684] : memref<416x16384xf32, #tpu.memory_space<hbm>> -> memref<1x8192xf32, #tpu.memory_space<hbm>>
      %dma_start3A_686 = tpu.memref_squeeze %dma_start3A_685 : memref<1x8192xf32, #tpu.memory_space<hbm>> -> memref<8192xf32, #tpu.memory_space<hbm>>
      tpu.enqueue_dma source(%arg7 : memref<8192xf32, #tpu.memory_space<vmem>>) target(%dma_start3A_686 : memref<8192xf32, #tpu.memory_space<hbm>>) target_semaphore(%run_scoped3A : memref<!tpu.dma_semaphore, #tpu.memory_space<semaphore_mem>>)
      %dma_wait3A = arith.constant 0 : i32
      %dma_wait3A_687 = tpu.memref_slice %arg4[%add3A_135, %dma_wait3A] : memref<416x16384xf32, #tpu.memory_space<hbm>> -> memref<1x8192xf32, #tpu.memory_space<hbm>>
      %dma_wait3A_688 = tpu.memref_squeeze %dma_wait3A_687 : memref<1x8192xf32, #tpu.memory_space<hbm>> -> memref<8192xf32, #tpu.memory_space<hbm>>
      %dma_wait3A_689 = arith.constant 0 : i32
      %dma_wait3A_690 = tpu.memref_slice %arg4[%add3A_135, %dma_wait3A_689] : memref<416x16384xf32, #tpu.memory_space<hbm>> -> memref<1x8192xf32, #tpu.memory_space<hbm>>
      %dma_wait3A_691 = tpu.memref_squeeze %dma_wait3A_690 : memref<1x8192xf32, #tpu.memory_space<hbm>> -> memref<8192xf32, #tpu.memory_space<hbm>>
      tpu.wait_dma2 semaphore(%run_scoped3A : memref<!tpu.dma_semaphore, #tpu.memory_space<semaphore_mem>>) src(%arg7 : memref<8192xf32, #tpu.memory_space<vmem>>) dst(%dma_wait3A_691 : memref<8192xf32, #tpu.memory_space<hbm>>)
      tpu.yield
    }) : () -> ()
    %parallel_loop3A_184 = arith.constant 0 : i32
    %parallel_loop3A_185 = arith.constant 512 : i32
    %parallel_loop3A_186 = arith.constant 1 : i32
    scf.for %parallel_loop3A_682 = %parallel_loop3A_184 to %parallel_loop3A_185 step %parallel_loop3A_186  : i32 {
      %parallel_loop3A_683 = arith.constant 16 : i32
      %parallel_loop3A_684 = arith.muli %parallel_loop3A_682, %parallel_loop3A_683 : i32
      %parallel_loop3A_685 = arith.constant 8192 : i32
      %parallel_loop3A_686 = arith.addi %parallel_loop3A_685, %parallel_loop3A_684 : i32
      %parallel_loop3A_687 = arith.index_cast %parallel_loop3A_686 : i32 to index
      %parallel_loop3A_688 = tpu.vector_load %arg6[%parallel_loop3A_687] {strides = array<i32>} : memref<16384xi32, #tpu.memory_space<vmem>>, vector<16xi32>,
      %parallel_loop3A_689 = tpu.vector_load_idx %arg5[%parallel_loop3A_688] : memref<100000xf32, #tpu.memory_space<vmem>>[vector<16xi32>], vector<16xf32>,
      %parallel_loop3A_690 = arith.constant 16 : i32
      %parallel_loop3A_691 = arith.muli %parallel_loop3A_682, %parallel_loop3A_690 : i32
      %parallel_loop3A_692 = arith.index_cast %parallel_loop3A_691 : i32 to index
      %parallel_loop3A_693 = tpu.vector_load %arg7[%parallel_loop3A_692] {strides = array<i32>} : memref<8192xf32, #tpu.memory_space<vmem>>, vector<16xf32>,
      tpu.vector_store %arg7[%parallel_loop3A_692], %parallel_loop3A_689 {strides = array<i32>} : memref<8192xf32, #tpu.memory_space<vmem>>, vector<16xf32>,
    } {sc.loop_unroll_factor = 8 : i64, sc.parallel_access}
    "tpu.region"() ({
      %run_scoped3A = tpu.sem_alloc : memref<!tpu.dma_semaphore, #tpu.memory_space<semaphore_mem>>
      %dma_start3A = arith.constant 8192 : i32
      %dma_start3A_682 = tpu.memref_slice %arg4[%add3A_135, %dma_start3A] : memref<416x16384xf32, #tpu.memory_space<hbm>> -> memref<1x8192xf32, #tpu.memory_space<hbm>>
      %dma_start3A_683 = tpu.memref_squeeze %dma_start3A_682 : memref<1x8192xf32, #tpu.memory_space<hbm>> -> memref<8192xf32, #tpu.memory_space<hbm>>
      %dma_start3A_684 = arith.constant 8192 : i32
      %dma_start3A_685 = tpu.memref_slice %arg4[%add3A_135, %dma_start3A_684] : memref<416x16384xf32, #tpu.memory_space<hbm>> -> memref<1x8192xf32, #tpu.memory_space<hbm>>
      %dma_start3A_686 = tpu.memref_squeeze %dma_start3A_685 : memref<1x8192xf32, #tpu.memory_space<hbm>> -> memref<8192xf32, #tpu.memory_space<hbm>>
      tpu.enqueue_dma source(%arg7 : memref<8192xf32, #tpu.memory_space<vmem>>) target(%dma_start3A_686 : memref<8192xf32, #tpu.memory_space<hbm>>) target_semaphore(%run_scoped3A : memref<!tpu.dma_semaphore, #tpu.memory_space<semaphore_mem>>)
      %dma_wait3A = arith.constant 8192 : i32
      %dma_wait3A_687 = tpu.memref_slice %arg4[%add3A_135, %dma_wait3A] : memref<416x16384xf32, #tpu.memory_space<hbm>> -> memref<1x8192xf32, #tpu.memory_space<hbm>>
      %dma_wait3A_688 = tpu.memref_squeeze %dma_wait3A_687 : memref<1x8192xf32, #tpu.memory_space<hbm>> -> memref<8192xf32, #tpu.memory_space<hbm>>
      %dma_wait3A_689 = arith.constant 8192 : i32
      %dma_wait3A_690 = tpu.memref_slice %arg4[%add3A_135, %dma_wait3A_689] : memref<416x16384xf32, #tpu.memory_space<hbm>> -> memref<1x8192xf32, #tpu.memory_space<hbm>>
      %dma_wait3A_691 = tpu.memref_squeeze %dma_wait3A_690 : memref<1x8192xf32, #tpu.memory_space<hbm>> -> memref<8192xf32, #tpu.memory_space<hbm>>
      tpu.wait_dma2 semaphore(%run_scoped3A : memref<!tpu.dma_semaphore, #tpu.memory_space<semaphore_mem>>) src(%arg7 : memref<8192xf32, #tpu.memory_space<vmem>>) dst(%dma_wait3A_691 : memref<8192xf32, #tpu.memory_space<hbm>>)
      tpu.yield
    }) : () -> ()
    %mul3A_187 = arith.constant 13 : i32
    %mul3A_188 = arith.muli %add3A, %mul3A_187 : i32
    %add3A_189 = arith.constant 4 : i32
    %add3A_190 = arith.addi %mul3A_188, %add3A_189 : i32
    %jit3A_191 = arith.constant 16 : i32
    %div3A_192 = arith.divsi %add3A_190, %jit3A_191 : i32
    %sign3A_193 = arith.constant 0 : i32
    %sign3A_194 = arith.cmpi sgt, %add3A_190, %sign3A_193 : i32
    %sign3A_195 = arith.extui %sign3A_194 : i1 to i32
    %sign3A_196 = arith.constant 0 : i32
    %sign3A_197 = arith.cmpi slt, %add3A_190, %sign3A_196 : i32
    %sign3A_198 = arith.extui %sign3A_197 : i1 to i32
    %sign3A_199 = arith.subi %sign3A_195, %sign3A_198 : i32
    %sign3A_200 = arith.constant 0 : i32
    %sign3A_201 = arith.cmpi sgt, %jit3A_191, %sign3A_200 : i32
    %sign3A_202 = arith.extui %sign3A_201 : i1 to i32
    %sign3A_203 = arith.constant 0 : i32
    %sign3A_204 = arith.cmpi slt, %jit3A_191, %sign3A_203 : i32
    %sign3A_205 = arith.extui %sign3A_204 : i1 to i32
    %sign3A_206 = arith.subi %sign3A_202, %sign3A_205 : i32
    %ne3A_207 = arith.cmpi ne, %sign3A_199, %sign3A_206 : i32
    %rem3A_208 = arith.remsi %add3A_190, %jit3A_191 : i32
    %ne3A_209 = arith.constant 0 : i32
    %ne3A_210 = arith.cmpi ne, %rem3A_208, %ne3A_209 : i32
    %and3A_211 = arith.andi %ne3A_207, %ne3A_210 : i1
    %sub3A_212 = arith.constant 1 : i32
    %sub3A_213 = arith.subi %div3A_192, %sub3A_212 : i32
    %select_n3A_214 = arith.select %and3A_211, %sub3A_213, %div3A_192 : i32
    %jit3A_215 = arith.constant 16 : i32
    %eq3A_216 = arith.constant 0 : i32
    %eq3A_217 = arith.cmpi eq, %jit3A_215, %eq3A_216 : i32
    %jit3A_218 = arith.constant 1 : i32
    %select_n3A_219 = arith.select %eq3A_217, %jit3A_218, %jit3A_215 : i32
    %rem3A_220 = arith.remsi %add3A_190, %select_n3A_219 : i32
    %ne3A_221 = arith.constant 0 : i32
    %ne3A_222 = arith.cmpi ne, %rem3A_220, %ne3A_221 : i32
    %lt3A_223 = arith.constant 0 : i32
    %lt3A_224 = arith.cmpi slt, %rem3A_220, %lt3A_223 : i32
    %lt3A_225 = arith.constant 0 : i32
    %lt3A_226 = arith.cmpi slt, %select_n3A_219, %lt3A_225 : i32
    %ne3A_227 = arith.xori %lt3A_224, %lt3A_226 : i1
    %and3A_228 = arith.andi %ne3A_227, %ne3A_222 : i1
    %add3A_229 = arith.addi %rem3A_220, %select_n3A_219 : i32
    %select_n3A_230 = arith.select %and3A_228, %add3A_229, %rem3A_220 : i32
    %eq3A_231 = arith.constant 0 : i32
    %eq3A_232 = arith.cmpi eq, %select_n3A_230, %eq3A_231 : i32
    %convert_element_type3A_233 = arith.extui %eq3A_232 : i1 to i32
    %cond3A_234 = arith.constant 0 : i32
    %cond3A_235 = arith.cmpi ne, %convert_element_type3A_233, %cond3A_234 : i32
    scf.if %cond3A_235 {
      "tpu.region"() ({
        %run_scoped3A = tpu.sem_alloc : memref<!tpu.dma_semaphore, #tpu.memory_space<semaphore_mem>>
        %dma_start3A = arith.constant 0 : i32
        %dma_start3A_682 = tpu.memref_slice %arg3[%select_n3A_214, %dma_start3A] : memref<26x16384xi32, #tpu.memory_space<hbm>> -> memref<1x16384xi32, #tpu.memory_space<hbm>>
        %dma_start3A_683 = tpu.memref_squeeze %dma_start3A_682 : memref<1x16384xi32, #tpu.memory_space<hbm>> -> memref<16384xi32, #tpu.memory_space<hbm>>
        %dma_start3A_684 = arith.constant 0 : i32
        %dma_start3A_685 = tpu.memref_slice %arg3[%select_n3A_214, %dma_start3A_684] : memref<26x16384xi32, #tpu.memory_space<hbm>> -> memref<1x16384xi32, #tpu.memory_space<hbm>>
        %dma_start3A_686 = tpu.memref_squeeze %dma_start3A_685 : memref<1x16384xi32, #tpu.memory_space<hbm>> -> memref<16384xi32, #tpu.memory_space<hbm>>
        tpu.enqueue_dma source(%dma_start3A_686 : memref<16384xi32, #tpu.memory_space<hbm>>) target(%arg6 : memref<16384xi32, #tpu.memory_space<vmem>>) target_semaphore(%run_scoped3A : memref<!tpu.dma_semaphore, #tpu.memory_space<semaphore_mem>>)
        %dma_wait3A = arith.constant 0 : i32
        %dma_wait3A_687 = tpu.memref_slice %arg3[%select_n3A_214, %dma_wait3A] : memref<26x16384xi32, #tpu.memory_space<hbm>> -> memref<1x16384xi32, #tpu.memory_space<hbm>>
        %dma_wait3A_688 = tpu.memref_squeeze %dma_wait3A_687 : memref<1x16384xi32, #tpu.memory_space<hbm>> -> memref<16384xi32, #tpu.memory_space<hbm>>
        %dma_wait3A_689 = arith.constant 0 : i32
        %dma_wait3A_690 = tpu.memref_slice %arg3[%select_n3A_214, %dma_wait3A_689] : memref<26x16384xi32, #tpu.memory_space<hbm>> -> memref<1x16384xi32, #tpu.memory_space<hbm>>
        %dma_wait3A_691 = tpu.memref_squeeze %dma_wait3A_690 : memref<1x16384xi32, #tpu.memory_space<hbm>> -> memref<16384xi32, #tpu.memory_space<hbm>>
        tpu.wait_dma2 semaphore(%run_scoped3A : memref<!tpu.dma_semaphore, #tpu.memory_space<semaphore_mem>>) src(%dma_wait3A_691 : memref<16384xi32, #tpu.memory_space<hbm>>) dst(%arg6 : memref<16384xi32, #tpu.memory_space<vmem>>)
        tpu.yield
      }) : () -> ()
    } else {
    }
    "tpu.region"() ({
      %run_scoped3A = tpu.sem_alloc : memref<!tpu.dma_semaphore, #tpu.memory_space<semaphore_mem>>
      %dma_start3A = arith.constant 0 : i32
      %dma_start3A_682 = tpu.memref_slice %arg2[%add3A_190, %dma_start3A] : memref<416x100000xf32, #tpu.memory_space<hbm>> -> memref<1x100000xf32, #tpu.memory_space<hbm>>
      %dma_start3A_683 = tpu.memref_squeeze %dma_start3A_682 : memref<1x100000xf32, #tpu.memory_space<hbm>> -> memref<100000xf32, #tpu.memory_space<hbm>>
      %dma_start3A_684 = arith.constant 0 : i32
      %dma_start3A_685 = tpu.memref_slice %arg2[%add3A_190, %dma_start3A_684] : memref<416x100000xf32, #tpu.memory_space<hbm>> -> memref<1x100000xf32, #tpu.memory_space<hbm>>
      %dma_start3A_686 = tpu.memref_squeeze %dma_start3A_685 : memref<1x100000xf32, #tpu.memory_space<hbm>> -> memref<100000xf32, #tpu.memory_space<hbm>>
      tpu.enqueue_dma source(%dma_start3A_686 : memref<100000xf32, #tpu.memory_space<hbm>>) target(%arg5 : memref<100000xf32, #tpu.memory_space<vmem>>) target_semaphore(%run_scoped3A : memref<!tpu.dma_semaphore, #tpu.memory_space<semaphore_mem>>)
      %dma_wait3A = arith.constant 0 : i32
      %dma_wait3A_687 = tpu.memref_slice %arg2[%add3A_190, %dma_wait3A] : memref<416x100000xf32, #tpu.memory_space<hbm>> -> memref<1x100000xf32, #tpu.memory_space<hbm>>
      %dma_wait3A_688 = tpu.memref_squeeze %dma_wait3A_687 : memref<1x100000xf32, #tpu.memory_space<hbm>> -> memref<100000xf32, #tpu.memory_space<hbm>>
      %dma_wait3A_689 = arith.constant 0 : i32
      %dma_wait3A_690 = tpu.memref_slice %arg2[%add3A_190, %dma_wait3A_689] : memref<416x100000xf32, #tpu.memory_space<hbm>> -> memref<1x100000xf32, #tpu.memory_space<hbm>>
      %dma_wait3A_691 = tpu.memref_squeeze %dma_wait3A_690 : memref<1x100000xf32, #tpu.memory_space<hbm>> -> memref<100000xf32, #tpu.memory_space<hbm>>
      tpu.wait_dma2 semaphore(%run_scoped3A : memref<!tpu.dma_semaphore, #tpu.memory_space<semaphore_mem>>) src(%dma_wait3A_691 : memref<100000xf32, #tpu.memory_space<hbm>>) dst(%arg5 : memref<100000xf32, #tpu.memory_space<vmem>>)
      tpu.yield
    }) : () -> ()
    %parallel_loop3A_236 = arith.constant 0 : i32
    %parallel_loop3A_237 = arith.constant 512 : i32
    %parallel_loop3A_238 = arith.constant 1 : i32
    scf.for %parallel_loop3A_682 = %parallel_loop3A_236 to %parallel_loop3A_237 step %parallel_loop3A_238  : i32 {
      %parallel_loop3A_683 = arith.constant 16 : i32
      %parallel_loop3A_684 = arith.muli %parallel_loop3A_682, %parallel_loop3A_683 : i32
      %parallel_loop3A_685 = arith.constant 0 : i32
      %parallel_loop3A_686 = arith.addi %parallel_loop3A_685, %parallel_loop3A_684 : i32
      %parallel_loop3A_687 = arith.index_cast %parallel_loop3A_686 : i32 to index
      %parallel_loop3A_688 = tpu.vector_load %arg6[%parallel_loop3A_687] {strides = array<i32>} : memref<16384xi32, #tpu.memory_space<vmem>>, vector<16xi32>,
      %parallel_loop3A_689 = tpu.vector_load_idx %arg5[%parallel_loop3A_688] : memref<100000xf32, #tpu.memory_space<vmem>>[vector<16xi32>], vector<16xf32>,
      %parallel_loop3A_690 = arith.constant 16 : i32
      %parallel_loop3A_691 = arith.muli %parallel_loop3A_682, %parallel_loop3A_690 : i32
      %parallel_loop3A_692 = arith.index_cast %parallel_loop3A_691 : i32 to index
      %parallel_loop3A_693 = tpu.vector_load %arg7[%parallel_loop3A_692] {strides = array<i32>} : memref<8192xf32, #tpu.memory_space<vmem>>, vector<16xf32>,
      tpu.vector_store %arg7[%parallel_loop3A_692], %parallel_loop3A_689 {strides = array<i32>} : memref<8192xf32, #tpu.memory_space<vmem>>, vector<16xf32>,
    } {sc.loop_unroll_factor = 8 : i64, sc.parallel_access}
    "tpu.region"() ({
      %run_scoped3A = tpu.sem_alloc : memref<!tpu.dma_semaphore, #tpu.memory_space<semaphore_mem>>
      %dma_start3A = arith.constant 0 : i32
      %dma_start3A_682 = tpu.memref_slice %arg4[%add3A_190, %dma_start3A] : memref<416x16384xf32, #tpu.memory_space<hbm>> -> memref<1x8192xf32, #tpu.memory_space<hbm>>
      %dma_start3A_683 = tpu.memref_squeeze %dma_start3A_682 : memref<1x8192xf32, #tpu.memory_space<hbm>> -> memref<8192xf32, #tpu.memory_space<hbm>>
      %dma_start3A_684 = arith.constant 0 : i32
      %dma_start3A_685 = tpu.memref_slice %arg4[%add3A_190, %dma_start3A_684] : memref<416x16384xf32, #tpu.memory_space<hbm>> -> memref<1x8192xf32, #tpu.memory_space<hbm>>
      %dma_start3A_686 = tpu.memref_squeeze %dma_start3A_685 : memref<1x8192xf32, #tpu.memory_space<hbm>> -> memref<8192xf32, #tpu.memory_space<hbm>>
      tpu.enqueue_dma source(%arg7 : memref<8192xf32, #tpu.memory_space<vmem>>) target(%dma_start3A_686 : memref<8192xf32, #tpu.memory_space<hbm>>) target_semaphore(%run_scoped3A : memref<!tpu.dma_semaphore, #tpu.memory_space<semaphore_mem>>)
      %dma_wait3A = arith.constant 0 : i32
      %dma_wait3A_687 = tpu.memref_slice %arg4[%add3A_190, %dma_wait3A] : memref<416x16384xf32, #tpu.memory_space<hbm>> -> memref<1x8192xf32, #tpu.memory_space<hbm>>
      %dma_wait3A_688 = tpu.memref_squeeze %dma_wait3A_687 : memref<1x8192xf32, #tpu.memory_space<hbm>> -> memref<8192xf32, #tpu.memory_space<hbm>>
      %dma_wait3A_689 = arith.constant 0 : i32
      %dma_wait3A_690 = tpu.memref_slice %arg4[%add3A_190, %dma_wait3A_689] : memref<416x16384xf32, #tpu.memory_space<hbm>> -> memref<1x8192xf32, #tpu.memory_space<hbm>>
      %dma_wait3A_691 = tpu.memref_squeeze %dma_wait3A_690 : memref<1x8192xf32, #tpu.memory_space<hbm>> -> memref<8192xf32, #tpu.memory_space<hbm>>
      tpu.wait_dma2 semaphore(%run_scoped3A : memref<!tpu.dma_semaphore, #tpu.memory_space<semaphore_mem>>) src(%arg7 : memref<8192xf32, #tpu.memory_space<vmem>>) dst(%dma_wait3A_691 : memref<8192xf32, #tpu.memory_space<hbm>>)
      tpu.yield
    }) : () -> ()
    %parallel_loop3A_239 = arith.constant 0 : i32
    %parallel_loop3A_240 = arith.constant 512 : i32
    %parallel_loop3A_241 = arith.constant 1 : i32
    scf.for %parallel_loop3A_682 = %parallel_loop3A_239 to %parallel_loop3A_240 step %parallel_loop3A_241  : i32 {
      %parallel_loop3A_683 = arith.constant 16 : i32
      %parallel_loop3A_684 = arith.muli %parallel_loop3A_682, %parallel_loop3A_683 : i32
      %parallel_loop3A_685 = arith.constant 8192 : i32
      %parallel_loop3A_686 = arith.addi %parallel_loop3A_685, %parallel_loop3A_684 : i32
      %parallel_loop3A_687 = arith.index_cast %parallel_loop3A_686 : i32 to index
      %parallel_loop3A_688 = tpu.vector_load %arg6[%parallel_loop3A_687] {strides = array<i32>} : memref<16384xi32, #tpu.memory_space<vmem>>, vector<16xi32>,
      %parallel_loop3A_689 = tpu.vector_load_idx %arg5[%parallel_loop3A_688] : memref<100000xf32, #tpu.memory_space<vmem>>[vector<16xi32>], vector<16xf32>,
      %parallel_loop3A_690 = arith.constant 16 : i32
      %parallel_loop3A_691 = arith.muli %parallel_loop3A_682, %parallel_loop3A_690 : i32
      %parallel_loop3A_692 = arith.index_cast %parallel_loop3A_691 : i32 to index
      %parallel_loop3A_693 = tpu.vector_load %arg7[%parallel_loop3A_692] {strides = array<i32>} : memref<8192xf32, #tpu.memory_space<vmem>>, vector<16xf32>,
      tpu.vector_store %arg7[%parallel_loop3A_692], %parallel_loop3A_689 {strides = array<i32>} : memref<8192xf32, #tpu.memory_space<vmem>>, vector<16xf32>,
    } {sc.loop_unroll_factor = 8 : i64, sc.parallel_access}
    "tpu.region"() ({
      %run_scoped3A = tpu.sem_alloc : memref<!tpu.dma_semaphore, #tpu.memory_space<semaphore_mem>>
      %dma_start3A = arith.constant 8192 : i32
      %dma_start3A_682 = tpu.memref_slice %arg4[%add3A_190, %dma_start3A] : memref<416x16384xf32, #tpu.memory_space<hbm>> -> memref<1x8192xf32, #tpu.memory_space<hbm>>
      %dma_start3A_683 = tpu.memref_squeeze %dma_start3A_682 : memref<1x8192xf32, #tpu.memory_space<hbm>> -> memref<8192xf32, #tpu.memory_space<hbm>>
      %dma_start3A_684 = arith.constant 8192 : i32
      %dma_start3A_685 = tpu.memref_slice %arg4[%add3A_190, %dma_start3A_684] : memref<416x16384xf32, #tpu.memory_space<hbm>> -> memref<1x8192xf32, #tpu.memory_space<hbm>>
      %dma_start3A_686 = tpu.memref_squeeze %dma_start3A_685 : memref<1x8192xf32, #tpu.memory_space<hbm>> -> memref<8192xf32, #tpu.memory_space<hbm>>
      tpu.enqueue_dma source(%arg7 : memref<8192xf32, #tpu.memory_space<vmem>>) target(%dma_start3A_686 : memref<8192xf32, #tpu.memory_space<hbm>>) target_semaphore(%run_scoped3A : memref<!tpu.dma_semaphore, #tpu.memory_space<semaphore_mem>>)
      %dma_wait3A = arith.constant 8192 : i32
      %dma_wait3A_687 = tpu.memref_slice %arg4[%add3A_190, %dma_wait3A] : memref<416x16384xf32, #tpu.memory_space<hbm>> -> memref<1x8192xf32, #tpu.memory_space<hbm>>
      %dma_wait3A_688 = tpu.memref_squeeze %dma_wait3A_687 : memref<1x8192xf32, #tpu.memory_space<hbm>> -> memref<8192xf32, #tpu.memory_space<hbm>>
      %dma_wait3A_689 = arith.constant 8192 : i32
      %dma_wait3A_690 = tpu.memref_slice %arg4[%add3A_190, %dma_wait3A_689] : memref<416x16384xf32, #tpu.memory_space<hbm>> -> memref<1x8192xf32, #tpu.memory_space<hbm>>
      %dma_wait3A_691 = tpu.memref_squeeze %dma_wait3A_690 : memref<1x8192xf32, #tpu.memory_space<hbm>> -> memref<8192xf32, #tpu.memory_space<hbm>>
      tpu.wait_dma2 semaphore(%run_scoped3A : memref<!tpu.dma_semaphore, #tpu.memory_space<semaphore_mem>>) src(%arg7 : memref<8192xf32, #tpu.memory_space<vmem>>) dst(%dma_wait3A_691 : memref<8192xf32, #tpu.memory_space<hbm>>)
      tpu.yield
    }) : () -> ()
    %mul3A_242 = arith.constant 13 : i32
    %mul3A_243 = arith.muli %add3A, %mul3A_242 : i32
    %add3A_244 = arith.constant 5 : i32
    %add3A_245 = arith.addi %mul3A_243, %add3A_244 : i32
    %jit3A_246 = arith.constant 16 : i32
    %div3A_247 = arith.divsi %add3A_245, %jit3A_246 : i32
    %sign3A_248 = arith.constant 0 : i32
    %sign3A_249 = arith.cmpi sgt, %add3A_245, %sign3A_248 : i32
    %sign3A_250 = arith.extui %sign3A_249 : i1 to i32
    %sign3A_251 = arith.constant 0 : i32
    %sign3A_252 = arith.cmpi slt, %add3A_245, %sign3A_251 : i32
    %sign3A_253 = arith.extui %sign3A_252 : i1 to i32
    %sign3A_254 = arith.subi %sign3A_250, %sign3A_253 : i32
    %sign3A_255 = arith.constant 0 : i32
    %sign3A_256 = arith.cmpi sgt, %jit3A_246, %sign3A_255 : i32
    %sign3A_257 = arith.extui %sign3A_256 : i1 to i32
    %sign3A_258 = arith.constant 0 : i32
    %sign3A_259 = arith.cmpi slt, %jit3A_246, %sign3A_258 : i32
    %sign3A_260 = arith.extui %sign3A_259 : i1 to i32
    %sign3A_261 = arith.subi %sign3A_257, %sign3A_260 : i32
    %ne3A_262 = arith.cmpi ne, %sign3A_254, %sign3A_261 : i32
    %rem3A_263 = arith.remsi %add3A_245, %jit3A_246 : i32
    %ne3A_264 = arith.constant 0 : i32
    %ne3A_265 = arith.cmpi ne, %rem3A_263, %ne3A_264 : i32
    %and3A_266 = arith.andi %ne3A_262, %ne3A_265 : i1
    %sub3A_267 = arith.constant 1 : i32
    %sub3A_268 = arith.subi %div3A_247, %sub3A_267 : i32
    %select_n3A_269 = arith.select %and3A_266, %sub3A_268, %div3A_247 : i32
    %jit3A_270 = arith.constant 16 : i32
    %eq3A_271 = arith.constant 0 : i32
    %eq3A_272 = arith.cmpi eq, %jit3A_270, %eq3A_271 : i32
    %jit3A_273 = arith.constant 1 : i32
    %select_n3A_274 = arith.select %eq3A_272, %jit3A_273, %jit3A_270 : i32
    %rem3A_275 = arith.remsi %add3A_245, %select_n3A_274 : i32
    %ne3A_276 = arith.constant 0 : i32
    %ne3A_277 = arith.cmpi ne, %rem3A_275, %ne3A_276 : i32
    %lt3A_278 = arith.constant 0 : i32
    %lt3A_279 = arith.cmpi slt, %rem3A_275, %lt3A_278 : i32
    %lt3A_280 = arith.constant 0 : i32
    %lt3A_281 = arith.cmpi slt, %select_n3A_274, %lt3A_280 : i32
    %ne3A_282 = arith.xori %lt3A_279, %lt3A_281 : i1
    %and3A_283 = arith.andi %ne3A_282, %ne3A_277 : i1
    %add3A_284 = arith.addi %rem3A_275, %select_n3A_274 : i32
    %select_n3A_285 = arith.select %and3A_283, %add3A_284, %rem3A_275 : i32
    %eq3A_286 = arith.constant 0 : i32
    %eq3A_287 = arith.cmpi eq, %select_n3A_285, %eq3A_286 : i32
    %convert_element_type3A_288 = arith.extui %eq3A_287 : i1 to i32
    %cond3A_289 = arith.constant 0 : i32
    %cond3A_290 = arith.cmpi ne, %convert_element_type3A_288, %cond3A_289 : i32
    scf.if %cond3A_290 {
      "tpu.region"() ({
        %run_scoped3A = tpu.sem_alloc : memref<!tpu.dma_semaphore, #tpu.memory_space<semaphore_mem>>
        %dma_start3A = arith.constant 0 : i32
        %dma_start3A_682 = tpu.memref_slice %arg3[%select_n3A_269, %dma_start3A] : memref<26x16384xi32, #tpu.memory_space<hbm>> -> memref<1x16384xi32, #tpu.memory_space<hbm>>
        %dma_start3A_683 = tpu.memref_squeeze %dma_start3A_682 : memref<1x16384xi32, #tpu.memory_space<hbm>> -> memref<16384xi32, #tpu.memory_space<hbm>>
        %dma_start3A_684 = arith.constant 0 : i32
        %dma_start3A_685 = tpu.memref_slice %arg3[%select_n3A_269, %dma_start3A_684] : memref<26x16384xi32, #tpu.memory_space<hbm>> -> memref<1x16384xi32, #tpu.memory_space<hbm>>
        %dma_start3A_686 = tpu.memref_squeeze %dma_start3A_685 : memref<1x16384xi32, #tpu.memory_space<hbm>> -> memref<16384xi32, #tpu.memory_space<hbm>>
        tpu.enqueue_dma source(%dma_start3A_686 : memref<16384xi32, #tpu.memory_space<hbm>>) target(%arg6 : memref<16384xi32, #tpu.memory_space<vmem>>) target_semaphore(%run_scoped3A : memref<!tpu.dma_semaphore, #tpu.memory_space<semaphore_mem>>)
        %dma_wait3A = arith.constant 0 : i32
        %dma_wait3A_687 = tpu.memref_slice %arg3[%select_n3A_269, %dma_wait3A] : memref<26x16384xi32, #tpu.memory_space<hbm>> -> memref<1x16384xi32, #tpu.memory_space<hbm>>
        %dma_wait3A_688 = tpu.memref_squeeze %dma_wait3A_687 : memref<1x16384xi32, #tpu.memory_space<hbm>> -> memref<16384xi32, #tpu.memory_space<hbm>>
        %dma_wait3A_689 = arith.constant 0 : i32
        %dma_wait3A_690 = tpu.memref_slice %arg3[%select_n3A_269, %dma_wait3A_689] : memref<26x16384xi32, #tpu.memory_space<hbm>> -> memref<1x16384xi32, #tpu.memory_space<hbm>>
        %dma_wait3A_691 = tpu.memref_squeeze %dma_wait3A_690 : memref<1x16384xi32, #tpu.memory_space<hbm>> -> memref<16384xi32, #tpu.memory_space<hbm>>
        tpu.wait_dma2 semaphore(%run_scoped3A : memref<!tpu.dma_semaphore, #tpu.memory_space<semaphore_mem>>) src(%dma_wait3A_691 : memref<16384xi32, #tpu.memory_space<hbm>>) dst(%arg6 : memref<16384xi32, #tpu.memory_space<vmem>>)
        tpu.yield
      }) : () -> ()
    } else {
    }
    "tpu.region"() ({
      %run_scoped3A = tpu.sem_alloc : memref<!tpu.dma_semaphore, #tpu.memory_space<semaphore_mem>>
      %dma_start3A = arith.constant 0 : i32
      %dma_start3A_682 = tpu.memref_slice %arg2[%add3A_245, %dma_start3A] : memref<416x100000xf32, #tpu.memory_space<hbm>> -> memref<1x100000xf32, #tpu.memory_space<hbm>>
      %dma_start3A_683 = tpu.memref_squeeze %dma_start3A_682 : memref<1x100000xf32, #tpu.memory_space<hbm>> -> memref<100000xf32, #tpu.memory_space<hbm>>
      %dma_start3A_684 = arith.constant 0 : i32
      %dma_start3A_685 = tpu.memref_slice %arg2[%add3A_245, %dma_start3A_684] : memref<416x100000xf32, #tpu.memory_space<hbm>> -> memref<1x100000xf32, #tpu.memory_space<hbm>>
      %dma_start3A_686 = tpu.memref_squeeze %dma_start3A_685 : memref<1x100000xf32, #tpu.memory_space<hbm>> -> memref<100000xf32, #tpu.memory_space<hbm>>
      tpu.enqueue_dma source(%dma_start3A_686 : memref<100000xf32, #tpu.memory_space<hbm>>) target(%arg5 : memref<100000xf32, #tpu.memory_space<vmem>>) target_semaphore(%run_scoped3A : memref<!tpu.dma_semaphore, #tpu.memory_space<semaphore_mem>>)
      %dma_wait3A = arith.constant 0 : i32
      %dma_wait3A_687 = tpu.memref_slice %arg2[%add3A_245, %dma_wait3A] : memref<416x100000xf32, #tpu.memory_space<hbm>> -> memref<1x100000xf32, #tpu.memory_space<hbm>>
      %dma_wait3A_688 = tpu.memref_squeeze %dma_wait3A_687 : memref<1x100000xf32, #tpu.memory_space<hbm>> -> memref<100000xf32, #tpu.memory_space<hbm>>
      %dma_wait3A_689 = arith.constant 0 : i32
      %dma_wait3A_690 = tpu.memref_slice %arg2[%add3A_245, %dma_wait3A_689] : memref<416x100000xf32, #tpu.memory_space<hbm>> -> memref<1x100000xf32, #tpu.memory_space<hbm>>
      %dma_wait3A_691 = tpu.memref_squeeze %dma_wait3A_690 : memref<1x100000xf32, #tpu.memory_space<hbm>> -> memref<100000xf32, #tpu.memory_space<hbm>>
      tpu.wait_dma2 semaphore(%run_scoped3A : memref<!tpu.dma_semaphore, #tpu.memory_space<semaphore_mem>>) src(%dma_wait3A_691 : memref<100000xf32, #tpu.memory_space<hbm>>) dst(%arg5 : memref<100000xf32, #tpu.memory_space<vmem>>)
      tpu.yield
    }) : () -> ()
    %parallel_loop3A_291 = arith.constant 0 : i32
    %parallel_loop3A_292 = arith.constant 512 : i32
    %parallel_loop3A_293 = arith.constant 1 : i32
    scf.for %parallel_loop3A_682 = %parallel_loop3A_291 to %parallel_loop3A_292 step %parallel_loop3A_293  : i32 {
      %parallel_loop3A_683 = arith.constant 16 : i32
      %parallel_loop3A_684 = arith.muli %parallel_loop3A_682, %parallel_loop3A_683 : i32
      %parallel_loop3A_685 = arith.constant 0 : i32
      %parallel_loop3A_686 = arith.addi %parallel_loop3A_685, %parallel_loop3A_684 : i32
      %parallel_loop3A_687 = arith.index_cast %parallel_loop3A_686 : i32 to index
      %parallel_loop3A_688 = tpu.vector_load %arg6[%parallel_loop3A_687] {strides = array<i32>} : memref<16384xi32, #tpu.memory_space<vmem>>, vector<16xi32>,
      %parallel_loop3A_689 = tpu.vector_load_idx %arg5[%parallel_loop3A_688] : memref<100000xf32, #tpu.memory_space<vmem>>[vector<16xi32>], vector<16xf32>,
      %parallel_loop3A_690 = arith.constant 16 : i32
      %parallel_loop3A_691 = arith.muli %parallel_loop3A_682, %parallel_loop3A_690 : i32
      %parallel_loop3A_692 = arith.index_cast %parallel_loop3A_691 : i32 to index
      %parallel_loop3A_693 = tpu.vector_load %arg7[%parallel_loop3A_692] {strides = array<i32>} : memref<8192xf32, #tpu.memory_space<vmem>>, vector<16xf32>,
      tpu.vector_store %arg7[%parallel_loop3A_692], %parallel_loop3A_689 {strides = array<i32>} : memref<8192xf32, #tpu.memory_space<vmem>>, vector<16xf32>,
    } {sc.loop_unroll_factor = 8 : i64, sc.parallel_access}
    "tpu.region"() ({
      %run_scoped3A = tpu.sem_alloc : memref<!tpu.dma_semaphore, #tpu.memory_space<semaphore_mem>>
      %dma_start3A = arith.constant 0 : i32
      %dma_start3A_682 = tpu.memref_slice %arg4[%add3A_245, %dma_start3A] : memref<416x16384xf32, #tpu.memory_space<hbm>> -> memref<1x8192xf32, #tpu.memory_space<hbm>>
      %dma_start3A_683 = tpu.memref_squeeze %dma_start3A_682 : memref<1x8192xf32, #tpu.memory_space<hbm>> -> memref<8192xf32, #tpu.memory_space<hbm>>
      %dma_start3A_684 = arith.constant 0 : i32
      %dma_start3A_685 = tpu.memref_slice %arg4[%add3A_245, %dma_start3A_684] : memref<416x16384xf32, #tpu.memory_space<hbm>> -> memref<1x8192xf32, #tpu.memory_space<hbm>>
      %dma_start3A_686 = tpu.memref_squeeze %dma_start3A_685 : memref<1x8192xf32, #tpu.memory_space<hbm>> -> memref<8192xf32, #tpu.memory_space<hbm>>
      tpu.enqueue_dma source(%arg7 : memref<8192xf32, #tpu.memory_space<vmem>>) target(%dma_start3A_686 : memref<8192xf32, #tpu.memory_space<hbm>>) target_semaphore(%run_scoped3A : memref<!tpu.dma_semaphore, #tpu.memory_space<semaphore_mem>>)
      %dma_wait3A = arith.constant 0 : i32
      %dma_wait3A_687 = tpu.memref_slice %arg4[%add3A_245, %dma_wait3A] : memref<416x16384xf32, #tpu.memory_space<hbm>> -> memref<1x8192xf32, #tpu.memory_space<hbm>>
      %dma_wait3A_688 = tpu.memref_squeeze %dma_wait3A_687 : memref<1x8192xf32, #tpu.memory_space<hbm>> -> memref<8192xf32, #tpu.memory_space<hbm>>
      %dma_wait3A_689 = arith.constant 0 : i32
      %dma_wait3A_690 = tpu.memref_slice %arg4[%add3A_245, %dma_wait3A_689] : memref<416x16384xf32, #tpu.memory_space<hbm>> -> memref<1x8192xf32, #tpu.memory_space<hbm>>
      %dma_wait3A_691 = tpu.memref_squeeze %dma_wait3A_690 : memref<1x8192xf32, #tpu.memory_space<hbm>> -> memref<8192xf32, #tpu.memory_space<hbm>>
      tpu.wait_dma2 semaphore(%run_scoped3A : memref<!tpu.dma_semaphore, #tpu.memory_space<semaphore_mem>>) src(%arg7 : memref<8192xf32, #tpu.memory_space<vmem>>) dst(%dma_wait3A_691 : memref<8192xf32, #tpu.memory_space<hbm>>)
      tpu.yield
    }) : () -> ()
    %parallel_loop3A_294 = arith.constant 0 : i32
    %parallel_loop3A_295 = arith.constant 512 : i32
    %parallel_loop3A_296 = arith.constant 1 : i32
    scf.for %parallel_loop3A_682 = %parallel_loop3A_294 to %parallel_loop3A_295 step %parallel_loop3A_296  : i32 {
      %parallel_loop3A_683 = arith.constant 16 : i32
      %parallel_loop3A_684 = arith.muli %parallel_loop3A_682, %parallel_loop3A_683 : i32
      %parallel_loop3A_685 = arith.constant 8192 : i32
      %parallel_loop3A_686 = arith.addi %parallel_loop3A_685, %parallel_loop3A_684 : i32
      %parallel_loop3A_687 = arith.index_cast %parallel_loop3A_686 : i32 to index
      %parallel_loop3A_688 = tpu.vector_load %arg6[%parallel_loop3A_687] {strides = array<i32>} : memref<16384xi32, #tpu.memory_space<vmem>>, vector<16xi32>,
      %parallel_loop3A_689 = tpu.vector_load_idx %arg5[%parallel_loop3A_688] : memref<100000xf32, #tpu.memory_space<vmem>>[vector<16xi32>], vector<16xf32>,
      %parallel_loop3A_690 = arith.constant 16 : i32
      %parallel_loop3A_691 = arith.muli %parallel_loop3A_682, %parallel_loop3A_690 : i32
      %parallel_loop3A_692 = arith.index_cast %parallel_loop3A_691 : i32 to index
      %parallel_loop3A_693 = tpu.vector_load %arg7[%parallel_loop3A_692] {strides = array<i32>} : memref<8192xf32, #tpu.memory_space<vmem>>, vector<16xf32>,
      tpu.vector_store %arg7[%parallel_loop3A_692], %parallel_loop3A_689 {strides = array<i32>} : memref<8192xf32, #tpu.memory_space<vmem>>, vector<16xf32>,
    } {sc.loop_unroll_factor = 8 : i64, sc.parallel_access}
    "tpu.region"() ({
      %run_scoped3A = tpu.sem_alloc : memref<!tpu.dma_semaphore, #tpu.memory_space<semaphore_mem>>
      %dma_start3A = arith.constant 8192 : i32
      %dma_start3A_682 = tpu.memref_slice %arg4[%add3A_245, %dma_start3A] : memref<416x16384xf32, #tpu.memory_space<hbm>> -> memref<1x8192xf32, #tpu.memory_space<hbm>>
      %dma_start3A_683 = tpu.memref_squeeze %dma_start3A_682 : memref<1x8192xf32, #tpu.memory_space<hbm>> -> memref<8192xf32, #tpu.memory_space<hbm>>
      %dma_start3A_684 = arith.constant 8192 : i32
      %dma_start3A_685 = tpu.memref_slice %arg4[%add3A_245, %dma_start3A_684] : memref<416x16384xf32, #tpu.memory_space<hbm>> -> memref<1x8192xf32, #tpu.memory_space<hbm>>
      %dma_start3A_686 = tpu.memref_squeeze %dma_start3A_685 : memref<1x8192xf32, #tpu.memory_space<hbm>> -> memref<8192xf32, #tpu.memory_space<hbm>>
      tpu.enqueue_dma source(%arg7 : memref<8192xf32, #tpu.memory_space<vmem>>) target(%dma_start3A_686 : memref<8192xf32, #tpu.memory_space<hbm>>) target_semaphore(%run_scoped3A : memref<!tpu.dma_semaphore, #tpu.memory_space<semaphore_mem>>)
      %dma_wait3A = arith.constant 8192 : i32
      %dma_wait3A_687 = tpu.memref_slice %arg4[%add3A_245, %dma_wait3A] : memref<416x16384xf32, #tpu.memory_space<hbm>> -> memref<1x8192xf32, #tpu.memory_space<hbm>>
      %dma_wait3A_688 = tpu.memref_squeeze %dma_wait3A_687 : memref<1x8192xf32, #tpu.memory_space<hbm>> -> memref<8192xf32, #tpu.memory_space<hbm>>
      %dma_wait3A_689 = arith.constant 8192 : i32
      %dma_wait3A_690 = tpu.memref_slice %arg4[%add3A_245, %dma_wait3A_689] : memref<416x16384xf32, #tpu.memory_space<hbm>> -> memref<1x8192xf32, #tpu.memory_space<hbm>>
      %dma_wait3A_691 = tpu.memref_squeeze %dma_wait3A_690 : memref<1x8192xf32, #tpu.memory_space<hbm>> -> memref<8192xf32, #tpu.memory_space<hbm>>
      tpu.wait_dma2 semaphore(%run_scoped3A : memref<!tpu.dma_semaphore, #tpu.memory_space<semaphore_mem>>) src(%arg7 : memref<8192xf32, #tpu.memory_space<vmem>>) dst(%dma_wait3A_691 : memref<8192xf32, #tpu.memory_space<hbm>>)
      tpu.yield
    }) : () -> ()
    %mul3A_297 = arith.constant 13 : i32
    %mul3A_298 = arith.muli %add3A, %mul3A_297 : i32
    %add3A_299 = arith.constant 6 : i32
    %add3A_300 = arith.addi %mul3A_298, %add3A_299 : i32
    %jit3A_301 = arith.constant 16 : i32
    %div3A_302 = arith.divsi %add3A_300, %jit3A_301 : i32
    %sign3A_303 = arith.constant 0 : i32
    %sign3A_304 = arith.cmpi sgt, %add3A_300, %sign3A_303 : i32
    %sign3A_305 = arith.extui %sign3A_304 : i1 to i32
    %sign3A_306 = arith.constant 0 : i32
    %sign3A_307 = arith.cmpi slt, %add3A_300, %sign3A_306 : i32
    %sign3A_308 = arith.extui %sign3A_307 : i1 to i32
    %sign3A_309 = arith.subi %sign3A_305, %sign3A_308 : i32
    %sign3A_310 = arith.constant 0 : i32
    %sign3A_311 = arith.cmpi sgt, %jit3A_301, %sign3A_310 : i32
    %sign3A_312 = arith.extui %sign3A_311 : i1 to i32
    %sign3A_313 = arith.constant 0 : i32
    %sign3A_314 = arith.cmpi slt, %jit3A_301, %sign3A_313 : i32
    %sign3A_315 = arith.extui %sign3A_314 : i1 to i32
    %sign3A_316 = arith.subi %sign3A_312, %sign3A_315 : i32
    %ne3A_317 = arith.cmpi ne, %sign3A_309, %sign3A_316 : i32
    %rem3A_318 = arith.remsi %add3A_300, %jit3A_301 : i32
    %ne3A_319 = arith.constant 0 : i32
    %ne3A_320 = arith.cmpi ne, %rem3A_318, %ne3A_319 : i32
    %and3A_321 = arith.andi %ne3A_317, %ne3A_320 : i1
    %sub3A_322 = arith.constant 1 : i32
    %sub3A_323 = arith.subi %div3A_302, %sub3A_322 : i32
    %select_n3A_324 = arith.select %and3A_321, %sub3A_323, %div3A_302 : i32
    %jit3A_325 = arith.constant 16 : i32
    %eq3A_326 = arith.constant 0 : i32
    %eq3A_327 = arith.cmpi eq, %jit3A_325, %eq3A_326 : i32
    %jit3A_328 = arith.constant 1 : i32
    %select_n3A_329 = arith.select %eq3A_327, %jit3A_328, %jit3A_325 : i32
    %rem3A_330 = arith.remsi %add3A_300, %select_n3A_329 : i32
    %ne3A_331 = arith.constant 0 : i32
    %ne3A_332 = arith.cmpi ne, %rem3A_330, %ne3A_331 : i32
    %lt3A_333 = arith.constant 0 : i32
    %lt3A_334 = arith.cmpi slt, %rem3A_330, %lt3A_333 : i32
    %lt3A_335 = arith.constant 0 : i32
    %lt3A_336 = arith.cmpi slt, %select_n3A_329, %lt3A_335 : i32
    %ne3A_337 = arith.xori %lt3A_334, %lt3A_336 : i1
    %and3A_338 = arith.andi %ne3A_337, %ne3A_332 : i1
    %add3A_339 = arith.addi %rem3A_330, %select_n3A_329 : i32
    %select_n3A_340 = arith.select %and3A_338, %add3A_339, %rem3A_330 : i32
    %eq3A_341 = arith.constant 0 : i32
    %eq3A_342 = arith.cmpi eq, %select_n3A_340, %eq3A_341 : i32
    %convert_element_type3A_343 = arith.extui %eq3A_342 : i1 to i32
    %cond3A_344 = arith.constant 0 : i32
    %cond3A_345 = arith.cmpi ne, %convert_element_type3A_343, %cond3A_344 : i32
    scf.if %cond3A_345 {
      "tpu.region"() ({
        %run_scoped3A = tpu.sem_alloc : memref<!tpu.dma_semaphore, #tpu.memory_space<semaphore_mem>>
        %dma_start3A = arith.constant 0 : i32
        %dma_start3A_682 = tpu.memref_slice %arg3[%select_n3A_324, %dma_start3A] : memref<26x16384xi32, #tpu.memory_space<hbm>> -> memref<1x16384xi32, #tpu.memory_space<hbm>>
        %dma_start3A_683 = tpu.memref_squeeze %dma_start3A_682 : memref<1x16384xi32, #tpu.memory_space<hbm>> -> memref<16384xi32, #tpu.memory_space<hbm>>
        %dma_start3A_684 = arith.constant 0 : i32
        %dma_start3A_685 = tpu.memref_slice %arg3[%select_n3A_324, %dma_start3A_684] : memref<26x16384xi32, #tpu.memory_space<hbm>> -> memref<1x16384xi32, #tpu.memory_space<hbm>>
        %dma_start3A_686 = tpu.memref_squeeze %dma_start3A_685 : memref<1x16384xi32, #tpu.memory_space<hbm>> -> memref<16384xi32, #tpu.memory_space<hbm>>
        tpu.enqueue_dma source(%dma_start3A_686 : memref<16384xi32, #tpu.memory_space<hbm>>) target(%arg6 : memref<16384xi32, #tpu.memory_space<vmem>>) target_semaphore(%run_scoped3A : memref<!tpu.dma_semaphore, #tpu.memory_space<semaphore_mem>>)
        %dma_wait3A = arith.constant 0 : i32
        %dma_wait3A_687 = tpu.memref_slice %arg3[%select_n3A_324, %dma_wait3A] : memref<26x16384xi32, #tpu.memory_space<hbm>> -> memref<1x16384xi32, #tpu.memory_space<hbm>>
        %dma_wait3A_688 = tpu.memref_squeeze %dma_wait3A_687 : memref<1x16384xi32, #tpu.memory_space<hbm>> -> memref<16384xi32, #tpu.memory_space<hbm>>
        %dma_wait3A_689 = arith.constant 0 : i32
        %dma_wait3A_690 = tpu.memref_slice %arg3[%select_n3A_324, %dma_wait3A_689] : memref<26x16384xi32, #tpu.memory_space<hbm>> -> memref<1x16384xi32, #tpu.memory_space<hbm>>
        %dma_wait3A_691 = tpu.memref_squeeze %dma_wait3A_690 : memref<1x16384xi32, #tpu.memory_space<hbm>> -> memref<16384xi32, #tpu.memory_space<hbm>>
        tpu.wait_dma2 semaphore(%run_scoped3A : memref<!tpu.dma_semaphore, #tpu.memory_space<semaphore_mem>>) src(%dma_wait3A_691 : memref<16384xi32, #tpu.memory_space<hbm>>) dst(%arg6 : memref<16384xi32, #tpu.memory_space<vmem>>)
        tpu.yield
      }) : () -> ()
    } else {
    }
    "tpu.region"() ({
      %run_scoped3A = tpu.sem_alloc : memref<!tpu.dma_semaphore, #tpu.memory_space<semaphore_mem>>
      %dma_start3A = arith.constant 0 : i32
      %dma_start3A_682 = tpu.memref_slice %arg2[%add3A_300, %dma_start3A] : memref<416x100000xf32, #tpu.memory_space<hbm>> -> memref<1x100000xf32, #tpu.memory_space<hbm>>
      %dma_start3A_683 = tpu.memref_squeeze %dma_start3A_682 : memref<1x100000xf32, #tpu.memory_space<hbm>> -> memref<100000xf32, #tpu.memory_space<hbm>>
      %dma_start3A_684 = arith.constant 0 : i32
      %dma_start3A_685 = tpu.memref_slice %arg2[%add3A_300, %dma_start3A_684] : memref<416x100000xf32, #tpu.memory_space<hbm>> -> memref<1x100000xf32, #tpu.memory_space<hbm>>
      %dma_start3A_686 = tpu.memref_squeeze %dma_start3A_685 : memref<1x100000xf32, #tpu.memory_space<hbm>> -> memref<100000xf32, #tpu.memory_space<hbm>>
      tpu.enqueue_dma source(%dma_start3A_686 : memref<100000xf32, #tpu.memory_space<hbm>>) target(%arg5 : memref<100000xf32, #tpu.memory_space<vmem>>) target_semaphore(%run_scoped3A : memref<!tpu.dma_semaphore, #tpu.memory_space<semaphore_mem>>)
      %dma_wait3A = arith.constant 0 : i32
      %dma_wait3A_687 = tpu.memref_slice %arg2[%add3A_300, %dma_wait3A] : memref<416x100000xf32, #tpu.memory_space<hbm>> -> memref<1x100000xf32, #tpu.memory_space<hbm>>
      %dma_wait3A_688 = tpu.memref_squeeze %dma_wait3A_687 : memref<1x100000xf32, #tpu.memory_space<hbm>> -> memref<100000xf32, #tpu.memory_space<hbm>>
      %dma_wait3A_689 = arith.constant 0 : i32
      %dma_wait3A_690 = tpu.memref_slice %arg2[%add3A_300, %dma_wait3A_689] : memref<416x100000xf32, #tpu.memory_space<hbm>> -> memref<1x100000xf32, #tpu.memory_space<hbm>>
      %dma_wait3A_691 = tpu.memref_squeeze %dma_wait3A_690 : memref<1x100000xf32, #tpu.memory_space<hbm>> -> memref<100000xf32, #tpu.memory_space<hbm>>
      tpu.wait_dma2 semaphore(%run_scoped3A : memref<!tpu.dma_semaphore, #tpu.memory_space<semaphore_mem>>) src(%dma_wait3A_691 : memref<100000xf32, #tpu.memory_space<hbm>>) dst(%arg5 : memref<100000xf32, #tpu.memory_space<vmem>>)
      tpu.yield
    }) : () -> ()
    %parallel_loop3A_346 = arith.constant 0 : i32
    %parallel_loop3A_347 = arith.constant 512 : i32
    %parallel_loop3A_348 = arith.constant 1 : i32
    scf.for %parallel_loop3A_682 = %parallel_loop3A_346 to %parallel_loop3A_347 step %parallel_loop3A_348  : i32 {
      %parallel_loop3A_683 = arith.constant 16 : i32
      %parallel_loop3A_684 = arith.muli %parallel_loop3A_682, %parallel_loop3A_683 : i32
      %parallel_loop3A_685 = arith.constant 0 : i32
      %parallel_loop3A_686 = arith.addi %parallel_loop3A_685, %parallel_loop3A_684 : i32
      %parallel_loop3A_687 = arith.index_cast %parallel_loop3A_686 : i32 to index
      %parallel_loop3A_688 = tpu.vector_load %arg6[%parallel_loop3A_687] {strides = array<i32>} : memref<16384xi32, #tpu.memory_space<vmem>>, vector<16xi32>,
      %parallel_loop3A_689 = tpu.vector_load_idx %arg5[%parallel_loop3A_688] : memref<100000xf32, #tpu.memory_space<vmem>>[vector<16xi32>], vector<16xf32>,
      %parallel_loop3A_690 = arith.constant 16 : i32
      %parallel_loop3A_691 = arith.muli %parallel_loop3A_682, %parallel_loop3A_690 : i32
      %parallel_loop3A_692 = arith.index_cast %parallel_loop3A_691 : i32 to index
      %parallel_loop3A_693 = tpu.vector_load %arg7[%parallel_loop3A_692] {strides = array<i32>} : memref<8192xf32, #tpu.memory_space<vmem>>, vector<16xf32>,
      tpu.vector_store %arg7[%parallel_loop3A_692], %parallel_loop3A_689 {strides = array<i32>} : memref<8192xf32, #tpu.memory_space<vmem>>, vector<16xf32>,
    } {sc.loop_unroll_factor = 8 : i64, sc.parallel_access}
    "tpu.region"() ({
      %run_scoped3A = tpu.sem_alloc : memref<!tpu.dma_semaphore, #tpu.memory_space<semaphore_mem>>
      %dma_start3A = arith.constant 0 : i32
      %dma_start3A_682 = tpu.memref_slice %arg4[%add3A_300, %dma_start3A] : memref<416x16384xf32, #tpu.memory_space<hbm>> -> memref<1x8192xf32, #tpu.memory_space<hbm>>
      %dma_start3A_683 = tpu.memref_squeeze %dma_start3A_682 : memref<1x8192xf32, #tpu.memory_space<hbm>> -> memref<8192xf32, #tpu.memory_space<hbm>>
      %dma_start3A_684 = arith.constant 0 : i32
      %dma_start3A_685 = tpu.memref_slice %arg4[%add3A_300, %dma_start3A_684] : memref<416x16384xf32, #tpu.memory_space<hbm>> -> memref<1x8192xf32, #tpu.memory_space<hbm>>
      %dma_start3A_686 = tpu.memref_squeeze %dma_start3A_685 : memref<1x8192xf32, #tpu.memory_space<hbm>> -> memref<8192xf32, #tpu.memory_space<hbm>>
      tpu.enqueue_dma source(%arg7 : memref<8192xf32, #tpu.memory_space<vmem>>) target(%dma_start3A_686 : memref<8192xf32, #tpu.memory_space<hbm>>) target_semaphore(%run_scoped3A : memref<!tpu.dma_semaphore, #tpu.memory_space<semaphore_mem>>)
      %dma_wait3A = arith.constant 0 : i32
      %dma_wait3A_687 = tpu.memref_slice %arg4[%add3A_300, %dma_wait3A] : memref<416x16384xf32, #tpu.memory_space<hbm>> -> memref<1x8192xf32, #tpu.memory_space<hbm>>
      %dma_wait3A_688 = tpu.memref_squeeze %dma_wait3A_687 : memref<1x8192xf32, #tpu.memory_space<hbm>> -> memref<8192xf32, #tpu.memory_space<hbm>>
      %dma_wait3A_689 = arith.constant 0 : i32
      %dma_wait3A_690 = tpu.memref_slice %arg4[%add3A_300, %dma_wait3A_689] : memref<416x16384xf32, #tpu.memory_space<hbm>> -> memref<1x8192xf32, #tpu.memory_space<hbm>>
      %dma_wait3A_691 = tpu.memref_squeeze %dma_wait3A_690 : memref<1x8192xf32, #tpu.memory_space<hbm>> -> memref<8192xf32, #tpu.memory_space<hbm>>
      tpu.wait_dma2 semaphore(%run_scoped3A : memref<!tpu.dma_semaphore, #tpu.memory_space<semaphore_mem>>) src(%arg7 : memref<8192xf32, #tpu.memory_space<vmem>>) dst(%dma_wait3A_691 : memref<8192xf32, #tpu.memory_space<hbm>>)
      tpu.yield
    }) : () -> ()
    %parallel_loop3A_349 = arith.constant 0 : i32
    %parallel_loop3A_350 = arith.constant 512 : i32
    %parallel_loop3A_351 = arith.constant 1 : i32
    scf.for %parallel_loop3A_682 = %parallel_loop3A_349 to %parallel_loop3A_350 step %parallel_loop3A_351  : i32 {
      %parallel_loop3A_683 = arith.constant 16 : i32
      %parallel_loop3A_684 = arith.muli %parallel_loop3A_682, %parallel_loop3A_683 : i32
      %parallel_loop3A_685 = arith.constant 8192 : i32
      %parallel_loop3A_686 = arith.addi %parallel_loop3A_685, %parallel_loop3A_684 : i32
      %parallel_loop3A_687 = arith.index_cast %parallel_loop3A_686 : i32 to index
      %parallel_loop3A_688 = tpu.vector_load %arg6[%parallel_loop3A_687] {strides = array<i32>} : memref<16384xi32, #tpu.memory_space<vmem>>, vector<16xi32>,
      %parallel_loop3A_689 = tpu.vector_load_idx %arg5[%parallel_loop3A_688] : memref<100000xf32, #tpu.memory_space<vmem>>[vector<16xi32>], vector<16xf32>,
      %parallel_loop3A_690 = arith.constant 16 : i32
      %parallel_loop3A_691 = arith.muli %parallel_loop3A_682, %parallel_loop3A_690 : i32
      %parallel_loop3A_692 = arith.index_cast %parallel_loop3A_691 : i32 to index
      %parallel_loop3A_693 = tpu.vector_load %arg7[%parallel_loop3A_692] {strides = array<i32>} : memref<8192xf32, #tpu.memory_space<vmem>>, vector<16xf32>,
      tpu.vector_store %arg7[%parallel_loop3A_692], %parallel_loop3A_689 {strides = array<i32>} : memref<8192xf32, #tpu.memory_space<vmem>>, vector<16xf32>,
    } {sc.loop_unroll_factor = 8 : i64, sc.parallel_access}
    "tpu.region"() ({
      %run_scoped3A = tpu.sem_alloc : memref<!tpu.dma_semaphore, #tpu.memory_space<semaphore_mem>>
      %dma_start3A = arith.constant 8192 : i32
      %dma_start3A_682 = tpu.memref_slice %arg4[%add3A_300, %dma_start3A] : memref<416x16384xf32, #tpu.memory_space<hbm>> -> memref<1x8192xf32, #tpu.memory_space<hbm>>
      %dma_start3A_683 = tpu.memref_squeeze %dma_start3A_682 : memref<1x8192xf32, #tpu.memory_space<hbm>> -> memref<8192xf32, #tpu.memory_space<hbm>>
      %dma_start3A_684 = arith.constant 8192 : i32
      %dma_start3A_685 = tpu.memref_slice %arg4[%add3A_300, %dma_start3A_684] : memref<416x16384xf32, #tpu.memory_space<hbm>> -> memref<1x8192xf32, #tpu.memory_space<hbm>>
      %dma_start3A_686 = tpu.memref_squeeze %dma_start3A_685 : memref<1x8192xf32, #tpu.memory_space<hbm>> -> memref<8192xf32, #tpu.memory_space<hbm>>
      tpu.enqueue_dma source(%arg7 : memref<8192xf32, #tpu.memory_space<vmem>>) target(%dma_start3A_686 : memref<8192xf32, #tpu.memory_space<hbm>>) target_semaphore(%run_scoped3A : memref<!tpu.dma_semaphore, #tpu.memory_space<semaphore_mem>>)
      %dma_wait3A = arith.constant 8192 : i32
      %dma_wait3A_687 = tpu.memref_slice %arg4[%add3A_300, %dma_wait3A] : memref<416x16384xf32, #tpu.memory_space<hbm>> -> memref<1x8192xf32, #tpu.memory_space<hbm>>
      %dma_wait3A_688 = tpu.memref_squeeze %dma_wait3A_687 : memref<1x8192xf32, #tpu.memory_space<hbm>> -> memref<8192xf32, #tpu.memory_space<hbm>>
      %dma_wait3A_689 = arith.constant 8192 : i32
      %dma_wait3A_690 = tpu.memref_slice %arg4[%add3A_300, %dma_wait3A_689] : memref<416x16384xf32, #tpu.memory_space<hbm>> -> memref<1x8192xf32, #tpu.memory_space<hbm>>
      %dma_wait3A_691 = tpu.memref_squeeze %dma_wait3A_690 : memref<1x8192xf32, #tpu.memory_space<hbm>> -> memref<8192xf32, #tpu.memory_space<hbm>>
      tpu.wait_dma2 semaphore(%run_scoped3A : memref<!tpu.dma_semaphore, #tpu.memory_space<semaphore_mem>>) src(%arg7 : memref<8192xf32, #tpu.memory_space<vmem>>) dst(%dma_wait3A_691 : memref<8192xf32, #tpu.memory_space<hbm>>)
      tpu.yield
    }) : () -> ()
    %mul3A_352 = arith.constant 13 : i32
    %mul3A_353 = arith.muli %add3A, %mul3A_352 : i32
    %add3A_354 = arith.constant 7 : i32
    %add3A_355 = arith.addi %mul3A_353, %add3A_354 : i32
    %jit3A_356 = arith.constant 16 : i32
    %div3A_357 = arith.divsi %add3A_355, %jit3A_356 : i32
    %sign3A_358 = arith.constant 0 : i32
    %sign3A_359 = arith.cmpi sgt, %add3A_355, %sign3A_358 : i32
    %sign3A_360 = arith.extui %sign3A_359 : i1 to i32
    %sign3A_361 = arith.constant 0 : i32
    %sign3A_362 = arith.cmpi slt, %add3A_355, %sign3A_361 : i32
    %sign3A_363 = arith.extui %sign3A_362 : i1 to i32
    %sign3A_364 = arith.subi %sign3A_360, %sign3A_363 : i32
    %sign3A_365 = arith.constant 0 : i32
    %sign3A_366 = arith.cmpi sgt, %jit3A_356, %sign3A_365 : i32
    %sign3A_367 = arith.extui %sign3A_366 : i1 to i32
    %sign3A_368 = arith.constant 0 : i32
    %sign3A_369 = arith.cmpi slt, %jit3A_356, %sign3A_368 : i32
    %sign3A_370 = arith.extui %sign3A_369 : i1 to i32
    %sign3A_371 = arith.subi %sign3A_367, %sign3A_370 : i32
    %ne3A_372 = arith.cmpi ne, %sign3A_364, %sign3A_371 : i32
    %rem3A_373 = arith.remsi %add3A_355, %jit3A_356 : i32
    %ne3A_374 = arith.constant 0 : i32
    %ne3A_375 = arith.cmpi ne, %rem3A_373, %ne3A_374 : i32
    %and3A_376 = arith.andi %ne3A_372, %ne3A_375 : i1
    %sub3A_377 = arith.constant 1 : i32
    %sub3A_378 = arith.subi %div3A_357, %sub3A_377 : i32
    %select_n3A_379 = arith.select %and3A_376, %sub3A_378, %div3A_357 : i32
    %jit3A_380 = arith.constant 16 : i32
    %eq3A_381 = arith.constant 0 : i32
    %eq3A_382 = arith.cmpi eq, %jit3A_380, %eq3A_381 : i32
    %jit3A_383 = arith.constant 1 : i32
    %select_n3A_384 = arith.select %eq3A_382, %jit3A_383, %jit3A_380 : i32
    %rem3A_385 = arith.remsi %add3A_355, %select_n3A_384 : i32
    %ne3A_386 = arith.constant 0 : i32
    %ne3A_387 = arith.cmpi ne, %rem3A_385, %ne3A_386 : i32
    %lt3A_388 = arith.constant 0 : i32
    %lt3A_389 = arith.cmpi slt, %rem3A_385, %lt3A_388 : i32
    %lt3A_390 = arith.constant 0 : i32
    %lt3A_391 = arith.cmpi slt, %select_n3A_384, %lt3A_390 : i32
    %ne3A_392 = arith.xori %lt3A_389, %lt3A_391 : i1
    %and3A_393 = arith.andi %ne3A_392, %ne3A_387 : i1
    %add3A_394 = arith.addi %rem3A_385, %select_n3A_384 : i32
    %select_n3A_395 = arith.select %and3A_393, %add3A_394, %rem3A_385 : i32
    %eq3A_396 = arith.constant 0 : i32
    %eq3A_397 = arith.cmpi eq, %select_n3A_395, %eq3A_396 : i32
    %convert_element_type3A_398 = arith.extui %eq3A_397 : i1 to i32
    %cond3A_399 = arith.constant 0 : i32
    %cond3A_400 = arith.cmpi ne, %convert_element_type3A_398, %cond3A_399 : i32
    scf.if %cond3A_400 {
      "tpu.region"() ({
        %run_scoped3A = tpu.sem_alloc : memref<!tpu.dma_semaphore, #tpu.memory_space<semaphore_mem>>
        %dma_start3A = arith.constant 0 : i32
        %dma_start3A_682 = tpu.memref_slice %arg3[%select_n3A_379, %dma_start3A] : memref<26x16384xi32, #tpu.memory_space<hbm>> -> memref<1x16384xi32, #tpu.memory_space<hbm>>
        %dma_start3A_683 = tpu.memref_squeeze %dma_start3A_682 : memref<1x16384xi32, #tpu.memory_space<hbm>> -> memref<16384xi32, #tpu.memory_space<hbm>>
        %dma_start3A_684 = arith.constant 0 : i32
        %dma_start3A_685 = tpu.memref_slice %arg3[%select_n3A_379, %dma_start3A_684] : memref<26x16384xi32, #tpu.memory_space<hbm>> -> memref<1x16384xi32, #tpu.memory_space<hbm>>
        %dma_start3A_686 = tpu.memref_squeeze %dma_start3A_685 : memref<1x16384xi32, #tpu.memory_space<hbm>> -> memref<16384xi32, #tpu.memory_space<hbm>>
        tpu.enqueue_dma source(%dma_start3A_686 : memref<16384xi32, #tpu.memory_space<hbm>>) target(%arg6 : memref<16384xi32, #tpu.memory_space<vmem>>) target_semaphore(%run_scoped3A : memref<!tpu.dma_semaphore, #tpu.memory_space<semaphore_mem>>)
        %dma_wait3A = arith.constant 0 : i32
        %dma_wait3A_687 = tpu.memref_slice %arg3[%select_n3A_379, %dma_wait3A] : memref<26x16384xi32, #tpu.memory_space<hbm>> -> memref<1x16384xi32, #tpu.memory_space<hbm>>
        %dma_wait3A_688 = tpu.memref_squeeze %dma_wait3A_687 : memref<1x16384xi32, #tpu.memory_space<hbm>> -> memref<16384xi32, #tpu.memory_space<hbm>>
        %dma_wait3A_689 = arith.constant 0 : i32
        %dma_wait3A_690 = tpu.memref_slice %arg3[%select_n3A_379, %dma_wait3A_689] : memref<26x16384xi32, #tpu.memory_space<hbm>> -> memref<1x16384xi32, #tpu.memory_space<hbm>>
        %dma_wait3A_691 = tpu.memref_squeeze %dma_wait3A_690 : memref<1x16384xi32, #tpu.memory_space<hbm>> -> memref<16384xi32, #tpu.memory_space<hbm>>
        tpu.wait_dma2 semaphore(%run_scoped3A : memref<!tpu.dma_semaphore, #tpu.memory_space<semaphore_mem>>) src(%dma_wait3A_691 : memref<16384xi32, #tpu.memory_space<hbm>>) dst(%arg6 : memref<16384xi32, #tpu.memory_space<vmem>>)
        tpu.yield
      }) : () -> ()
    } else {
    }
    "tpu.region"() ({
      %run_scoped3A = tpu.sem_alloc : memref<!tpu.dma_semaphore, #tpu.memory_space<semaphore_mem>>
      %dma_start3A = arith.constant 0 : i32
      %dma_start3A_682 = tpu.memref_slice %arg2[%add3A_355, %dma_start3A] : memref<416x100000xf32, #tpu.memory_space<hbm>> -> memref<1x100000xf32, #tpu.memory_space<hbm>>
      %dma_start3A_683 = tpu.memref_squeeze %dma_start3A_682 : memref<1x100000xf32, #tpu.memory_space<hbm>> -> memref<100000xf32, #tpu.memory_space<hbm>>
      %dma_start3A_684 = arith.constant 0 : i32
      %dma_start3A_685 = tpu.memref_slice %arg2[%add3A_355, %dma_start3A_684] : memref<416x100000xf32, #tpu.memory_space<hbm>> -> memref<1x100000xf32, #tpu.memory_space<hbm>>
      %dma_start3A_686 = tpu.memref_squeeze %dma_start3A_685 : memref<1x100000xf32, #tpu.memory_space<hbm>> -> memref<100000xf32, #tpu.memory_space<hbm>>
      tpu.enqueue_dma source(%dma_start3A_686 : memref<100000xf32, #tpu.memory_space<hbm>>) target(%arg5 : memref<100000xf32, #tpu.memory_space<vmem>>) target_semaphore(%run_scoped3A : memref<!tpu.dma_semaphore, #tpu.memory_space<semaphore_mem>>)
      %dma_wait3A = arith.constant 0 : i32
      %dma_wait3A_687 = tpu.memref_slice %arg2[%add3A_355, %dma_wait3A] : memref<416x100000xf32, #tpu.memory_space<hbm>> -> memref<1x100000xf32, #tpu.memory_space<hbm>>
      %dma_wait3A_688 = tpu.memref_squeeze %dma_wait3A_687 : memref<1x100000xf32, #tpu.memory_space<hbm>> -> memref<100000xf32, #tpu.memory_space<hbm>>
      %dma_wait3A_689 = arith.constant 0 : i32
      %dma_wait3A_690 = tpu.memref_slice %arg2[%add3A_355, %dma_wait3A_689] : memref<416x100000xf32, #tpu.memory_space<hbm>> -> memref<1x100000xf32, #tpu.memory_space<hbm>>
      %dma_wait3A_691 = tpu.memref_squeeze %dma_wait3A_690 : memref<1x100000xf32, #tpu.memory_space<hbm>> -> memref<100000xf32, #tpu.memory_space<hbm>>
      tpu.wait_dma2 semaphore(%run_scoped3A : memref<!tpu.dma_semaphore, #tpu.memory_space<semaphore_mem>>) src(%dma_wait3A_691 : memref<100000xf32, #tpu.memory_space<hbm>>) dst(%arg5 : memref<100000xf32, #tpu.memory_space<vmem>>)
      tpu.yield
    }) : () -> ()
    %parallel_loop3A_401 = arith.constant 0 : i32
    %parallel_loop3A_402 = arith.constant 512 : i32
    %parallel_loop3A_403 = arith.constant 1 : i32
    scf.for %parallel_loop3A_682 = %parallel_loop3A_401 to %parallel_loop3A_402 step %parallel_loop3A_403  : i32 {
      %parallel_loop3A_683 = arith.constant 16 : i32
      %parallel_loop3A_684 = arith.muli %parallel_loop3A_682, %parallel_loop3A_683 : i32
      %parallel_loop3A_685 = arith.constant 0 : i32
      %parallel_loop3A_686 = arith.addi %parallel_loop3A_685, %parallel_loop3A_684 : i32
      %parallel_loop3A_687 = arith.index_cast %parallel_loop3A_686 : i32 to index
      %parallel_loop3A_688 = tpu.vector_load %arg6[%parallel_loop3A_687] {strides = array<i32>} : memref<16384xi32, #tpu.memory_space<vmem>>, vector<16xi32>,
      %parallel_loop3A_689 = tpu.vector_load_idx %arg5[%parallel_loop3A_688] : memref<100000xf32, #tpu.memory_space<vmem>>[vector<16xi32>], vector<16xf32>,
      %parallel_loop3A_690 = arith.constant 16 : i32
      %parallel_loop3A_691 = arith.muli %parallel_loop3A_682, %parallel_loop3A_690 : i32
      %parallel_loop3A_692 = arith.index_cast %parallel_loop3A_691 : i32 to index
      %parallel_loop3A_693 = tpu.vector_load %arg7[%parallel_loop3A_692] {strides = array<i32>} : memref<8192xf32, #tpu.memory_space<vmem>>, vector<16xf32>,
      tpu.vector_store %arg7[%parallel_loop3A_692], %parallel_loop3A_689 {strides = array<i32>} : memref<8192xf32, #tpu.memory_space<vmem>>, vector<16xf32>,
    } {sc.loop_unroll_factor = 8 : i64, sc.parallel_access}
    "tpu.region"() ({
      %run_scoped3A = tpu.sem_alloc : memref<!tpu.dma_semaphore, #tpu.memory_space<semaphore_mem>>
      %dma_start3A = arith.constant 0 : i32
      %dma_start3A_682 = tpu.memref_slice %arg4[%add3A_355, %dma_start3A] : memref<416x16384xf32, #tpu.memory_space<hbm>> -> memref<1x8192xf32, #tpu.memory_space<hbm>>
      %dma_start3A_683 = tpu.memref_squeeze %dma_start3A_682 : memref<1x8192xf32, #tpu.memory_space<hbm>> -> memref<8192xf32, #tpu.memory_space<hbm>>
      %dma_start3A_684 = arith.constant 0 : i32
      %dma_start3A_685 = tpu.memref_slice %arg4[%add3A_355, %dma_start3A_684] : memref<416x16384xf32, #tpu.memory_space<hbm>> -> memref<1x8192xf32, #tpu.memory_space<hbm>>
      %dma_start3A_686 = tpu.memref_squeeze %dma_start3A_685 : memref<1x8192xf32, #tpu.memory_space<hbm>> -> memref<8192xf32, #tpu.memory_space<hbm>>
      tpu.enqueue_dma source(%arg7 : memref<8192xf32, #tpu.memory_space<vmem>>) target(%dma_start3A_686 : memref<8192xf32, #tpu.memory_space<hbm>>) target_semaphore(%run_scoped3A : memref<!tpu.dma_semaphore, #tpu.memory_space<semaphore_mem>>)
      %dma_wait3A = arith.constant 0 : i32
      %dma_wait3A_687 = tpu.memref_slice %arg4[%add3A_355, %dma_wait3A] : memref<416x16384xf32, #tpu.memory_space<hbm>> -> memref<1x8192xf32, #tpu.memory_space<hbm>>
      %dma_wait3A_688 = tpu.memref_squeeze %dma_wait3A_687 : memref<1x8192xf32, #tpu.memory_space<hbm>> -> memref<8192xf32, #tpu.memory_space<hbm>>
      %dma_wait3A_689 = arith.constant 0 : i32
      %dma_wait3A_690 = tpu.memref_slice %arg4[%add3A_355, %dma_wait3A_689] : memref<416x16384xf32, #tpu.memory_space<hbm>> -> memref<1x8192xf32, #tpu.memory_space<hbm>>
      %dma_wait3A_691 = tpu.memref_squeeze %dma_wait3A_690 : memref<1x8192xf32, #tpu.memory_space<hbm>> -> memref<8192xf32, #tpu.memory_space<hbm>>
      tpu.wait_dma2 semaphore(%run_scoped3A : memref<!tpu.dma_semaphore, #tpu.memory_space<semaphore_mem>>) src(%arg7 : memref<8192xf32, #tpu.memory_space<vmem>>) dst(%dma_wait3A_691 : memref<8192xf32, #tpu.memory_space<hbm>>)
      tpu.yield
    }) : () -> ()
    %parallel_loop3A_404 = arith.constant 0 : i32
    %parallel_loop3A_405 = arith.constant 512 : i32
    %parallel_loop3A_406 = arith.constant 1 : i32
    scf.for %parallel_loop3A_682 = %parallel_loop3A_404 to %parallel_loop3A_405 step %parallel_loop3A_406  : i32 {
      %parallel_loop3A_683 = arith.constant 16 : i32
      %parallel_loop3A_684 = arith.muli %parallel_loop3A_682, %parallel_loop3A_683 : i32
      %parallel_loop3A_685 = arith.constant 8192 : i32
      %parallel_loop3A_686 = arith.addi %parallel_loop3A_685, %parallel_loop3A_684 : i32
      %parallel_loop3A_687 = arith.index_cast %parallel_loop3A_686 : i32 to index
      %parallel_loop3A_688 = tpu.vector_load %arg6[%parallel_loop3A_687] {strides = array<i32>} : memref<16384xi32, #tpu.memory_space<vmem>>, vector<16xi32>,
      %parallel_loop3A_689 = tpu.vector_load_idx %arg5[%parallel_loop3A_688] : memref<100000xf32, #tpu.memory_space<vmem>>[vector<16xi32>], vector<16xf32>,
      %parallel_loop3A_690 = arith.constant 16 : i32
      %parallel_loop3A_691 = arith.muli %parallel_loop3A_682, %parallel_loop3A_690 : i32
      %parallel_loop3A_692 = arith.index_cast %parallel_loop3A_691 : i32 to index
      %parallel_loop3A_693 = tpu.vector_load %arg7[%parallel_loop3A_692] {strides = array<i32>} : memref<8192xf32, #tpu.memory_space<vmem>>, vector<16xf32>,
      tpu.vector_store %arg7[%parallel_loop3A_692], %parallel_loop3A_689 {strides = array<i32>} : memref<8192xf32, #tpu.memory_space<vmem>>, vector<16xf32>,
    } {sc.loop_unroll_factor = 8 : i64, sc.parallel_access}
    "tpu.region"() ({
      %run_scoped3A = tpu.sem_alloc : memref<!tpu.dma_semaphore, #tpu.memory_space<semaphore_mem>>
      %dma_start3A = arith.constant 8192 : i32
      %dma_start3A_682 = tpu.memref_slice %arg4[%add3A_355, %dma_start3A] : memref<416x16384xf32, #tpu.memory_space<hbm>> -> memref<1x8192xf32, #tpu.memory_space<hbm>>
      %dma_start3A_683 = tpu.memref_squeeze %dma_start3A_682 : memref<1x8192xf32, #tpu.memory_space<hbm>> -> memref<8192xf32, #tpu.memory_space<hbm>>
      %dma_start3A_684 = arith.constant 8192 : i32
      %dma_start3A_685 = tpu.memref_slice %arg4[%add3A_355, %dma_start3A_684] : memref<416x16384xf32, #tpu.memory_space<hbm>> -> memref<1x8192xf32, #tpu.memory_space<hbm>>
      %dma_start3A_686 = tpu.memref_squeeze %dma_start3A_685 : memref<1x8192xf32, #tpu.memory_space<hbm>> -> memref<8192xf32, #tpu.memory_space<hbm>>
      tpu.enqueue_dma source(%arg7 : memref<8192xf32, #tpu.memory_space<vmem>>) target(%dma_start3A_686 : memref<8192xf32, #tpu.memory_space<hbm>>) target_semaphore(%run_scoped3A : memref<!tpu.dma_semaphore, #tpu.memory_space<semaphore_mem>>)
      %dma_wait3A = arith.constant 8192 : i32
      %dma_wait3A_687 = tpu.memref_slice %arg4[%add3A_355, %dma_wait3A] : memref<416x16384xf32, #tpu.memory_space<hbm>> -> memref<1x8192xf32, #tpu.memory_space<hbm>>
      %dma_wait3A_688 = tpu.memref_squeeze %dma_wait3A_687 : memref<1x8192xf32, #tpu.memory_space<hbm>> -> memref<8192xf32, #tpu.memory_space<hbm>>
      %dma_wait3A_689 = arith.constant 8192 : i32
      %dma_wait3A_690 = tpu.memref_slice %arg4[%add3A_355, %dma_wait3A_689] : memref<416x16384xf32, #tpu.memory_space<hbm>> -> memref<1x8192xf32, #tpu.memory_space<hbm>>
      %dma_wait3A_691 = tpu.memref_squeeze %dma_wait3A_690 : memref<1x8192xf32, #tpu.memory_space<hbm>> -> memref<8192xf32, #tpu.memory_space<hbm>>
      tpu.wait_dma2 semaphore(%run_scoped3A : memref<!tpu.dma_semaphore, #tpu.memory_space<semaphore_mem>>) src(%arg7 : memref<8192xf32, #tpu.memory_space<vmem>>) dst(%dma_wait3A_691 : memref<8192xf32, #tpu.memory_space<hbm>>)
      tpu.yield
    }) : () -> ()
    %mul3A_407 = arith.constant 13 : i32
    %mul3A_408 = arith.muli %add3A, %mul3A_407 : i32
    %add3A_409 = arith.constant 8 : i32
    %add3A_410 = arith.addi %mul3A_408, %add3A_409 : i32
    %jit3A_411 = arith.constant 16 : i32
    %div3A_412 = arith.divsi %add3A_410, %jit3A_411 : i32
    %sign3A_413 = arith.constant 0 : i32
    %sign3A_414 = arith.cmpi sgt, %add3A_410, %sign3A_413 : i32
    %sign3A_415 = arith.extui %sign3A_414 : i1 to i32
    %sign3A_416 = arith.constant 0 : i32
    %sign3A_417 = arith.cmpi slt, %add3A_410, %sign3A_416 : i32
    %sign3A_418 = arith.extui %sign3A_417 : i1 to i32
    %sign3A_419 = arith.subi %sign3A_415, %sign3A_418 : i32
    %sign3A_420 = arith.constant 0 : i32
    %sign3A_421 = arith.cmpi sgt, %jit3A_411, %sign3A_420 : i32
    %sign3A_422 = arith.extui %sign3A_421 : i1 to i32
    %sign3A_423 = arith.constant 0 : i32
    %sign3A_424 = arith.cmpi slt, %jit3A_411, %sign3A_423 : i32
    %sign3A_425 = arith.extui %sign3A_424 : i1 to i32
    %sign3A_426 = arith.subi %sign3A_422, %sign3A_425 : i32
    %ne3A_427 = arith.cmpi ne, %sign3A_419, %sign3A_426 : i32
    %rem3A_428 = arith.remsi %add3A_410, %jit3A_411 : i32
    %ne3A_429 = arith.constant 0 : i32
    %ne3A_430 = arith.cmpi ne, %rem3A_428, %ne3A_429 : i32
    %and3A_431 = arith.andi %ne3A_427, %ne3A_430 : i1
    %sub3A_432 = arith.constant 1 : i32
    %sub3A_433 = arith.subi %div3A_412, %sub3A_432 : i32
    %select_n3A_434 = arith.select %and3A_431, %sub3A_433, %div3A_412 : i32
    %jit3A_435 = arith.constant 16 : i32
    %eq3A_436 = arith.constant 0 : i32
    %eq3A_437 = arith.cmpi eq, %jit3A_435, %eq3A_436 : i32
    %jit3A_438 = arith.constant 1 : i32
    %select_n3A_439 = arith.select %eq3A_437, %jit3A_438, %jit3A_435 : i32
    %rem3A_440 = arith.remsi %add3A_410, %select_n3A_439 : i32
    %ne3A_441 = arith.constant 0 : i32
    %ne3A_442 = arith.cmpi ne, %rem3A_440, %ne3A_441 : i32
    %lt3A_443 = arith.constant 0 : i32
    %lt3A_444 = arith.cmpi slt, %rem3A_440, %lt3A_443 : i32
    %lt3A_445 = arith.constant 0 : i32
    %lt3A_446 = arith.cmpi slt, %select_n3A_439, %lt3A_445 : i32
    %ne3A_447 = arith.xori %lt3A_444, %lt3A_446 : i1
    %and3A_448 = arith.andi %ne3A_447, %ne3A_442 : i1
    %add3A_449 = arith.addi %rem3A_440, %select_n3A_439 : i32
    %select_n3A_450 = arith.select %and3A_448, %add3A_449, %rem3A_440 : i32
    %eq3A_451 = arith.constant 0 : i32
    %eq3A_452 = arith.cmpi eq, %select_n3A_450, %eq3A_451 : i32
    %convert_element_type3A_453 = arith.extui %eq3A_452 : i1 to i32
    %cond3A_454 = arith.constant 0 : i32
    %cond3A_455 = arith.cmpi ne, %convert_element_type3A_453, %cond3A_454 : i32
    scf.if %cond3A_455 {
      "tpu.region"() ({
        %run_scoped3A = tpu.sem_alloc : memref<!tpu.dma_semaphore, #tpu.memory_space<semaphore_mem>>
        %dma_start3A = arith.constant 0 : i32
        %dma_start3A_682 = tpu.memref_slice %arg3[%select_n3A_434, %dma_start3A] : memref<26x16384xi32, #tpu.memory_space<hbm>> -> memref<1x16384xi32, #tpu.memory_space<hbm>>
        %dma_start3A_683 = tpu.memref_squeeze %dma_start3A_682 : memref<1x16384xi32, #tpu.memory_space<hbm>> -> memref<16384xi32, #tpu.memory_space<hbm>>
        %dma_start3A_684 = arith.constant 0 : i32
        %dma_start3A_685 = tpu.memref_slice %arg3[%select_n3A_434, %dma_start3A_684] : memref<26x16384xi32, #tpu.memory_space<hbm>> -> memref<1x16384xi32, #tpu.memory_space<hbm>>
        %dma_start3A_686 = tpu.memref_squeeze %dma_start3A_685 : memref<1x16384xi32, #tpu.memory_space<hbm>> -> memref<16384xi32, #tpu.memory_space<hbm>>
        tpu.enqueue_dma source(%dma_start3A_686 : memref<16384xi32, #tpu.memory_space<hbm>>) target(%arg6 : memref<16384xi32, #tpu.memory_space<vmem>>) target_semaphore(%run_scoped3A : memref<!tpu.dma_semaphore, #tpu.memory_space<semaphore_mem>>)
        %dma_wait3A = arith.constant 0 : i32
        %dma_wait3A_687 = tpu.memref_slice %arg3[%select_n3A_434, %dma_wait3A] : memref<26x16384xi32, #tpu.memory_space<hbm>> -> memref<1x16384xi32, #tpu.memory_space<hbm>>
        %dma_wait3A_688 = tpu.memref_squeeze %dma_wait3A_687 : memref<1x16384xi32, #tpu.memory_space<hbm>> -> memref<16384xi32, #tpu.memory_space<hbm>>
        %dma_wait3A_689 = arith.constant 0 : i32
        %dma_wait3A_690 = tpu.memref_slice %arg3[%select_n3A_434, %dma_wait3A_689] : memref<26x16384xi32, #tpu.memory_space<hbm>> -> memref<1x16384xi32, #tpu.memory_space<hbm>>
        %dma_wait3A_691 = tpu.memref_squeeze %dma_wait3A_690 : memref<1x16384xi32, #tpu.memory_space<hbm>> -> memref<16384xi32, #tpu.memory_space<hbm>>
        tpu.wait_dma2 semaphore(%run_scoped3A : memref<!tpu.dma_semaphore, #tpu.memory_space<semaphore_mem>>) src(%dma_wait3A_691 : memref<16384xi32, #tpu.memory_space<hbm>>) dst(%arg6 : memref<16384xi32, #tpu.memory_space<vmem>>)
        tpu.yield
      }) : () -> ()
    } else {
    }
    "tpu.region"() ({
      %run_scoped3A = tpu.sem_alloc : memref<!tpu.dma_semaphore, #tpu.memory_space<semaphore_mem>>
      %dma_start3A = arith.constant 0 : i32
      %dma_start3A_682 = tpu.memref_slice %arg2[%add3A_410, %dma_start3A] : memref<416x100000xf32, #tpu.memory_space<hbm>> -> memref<1x100000xf32, #tpu.memory_space<hbm>>
      %dma_start3A_683 = tpu.memref_squeeze %dma_start3A_682 : memref<1x100000xf32, #tpu.memory_space<hbm>> -> memref<100000xf32, #tpu.memory_space<hbm>>
      %dma_start3A_684 = arith.constant 0 : i32
      %dma_start3A_685 = tpu.memref_slice %arg2[%add3A_410, %dma_start3A_684] : memref<416x100000xf32, #tpu.memory_space<hbm>> -> memref<1x100000xf32, #tpu.memory_space<hbm>>
      %dma_start3A_686 = tpu.memref_squeeze %dma_start3A_685 : memref<1x100000xf32, #tpu.memory_space<hbm>> -> memref<100000xf32, #tpu.memory_space<hbm>>
      tpu.enqueue_dma source(%dma_start3A_686 : memref<100000xf32, #tpu.memory_space<hbm>>) target(%arg5 : memref<100000xf32, #tpu.memory_space<vmem>>) target_semaphore(%run_scoped3A : memref<!tpu.dma_semaphore, #tpu.memory_space<semaphore_mem>>)
      %dma_wait3A = arith.constant 0 : i32
      %dma_wait3A_687 = tpu.memref_slice %arg2[%add3A_410, %dma_wait3A] : memref<416x100000xf32, #tpu.memory_space<hbm>> -> memref<1x100000xf32, #tpu.memory_space<hbm>>
      %dma_wait3A_688 = tpu.memref_squeeze %dma_wait3A_687 : memref<1x100000xf32, #tpu.memory_space<hbm>> -> memref<100000xf32, #tpu.memory_space<hbm>>
      %dma_wait3A_689 = arith.constant 0 : i32
      %dma_wait3A_690 = tpu.memref_slice %arg2[%add3A_410, %dma_wait3A_689] : memref<416x100000xf32, #tpu.memory_space<hbm>> -> memref<1x100000xf32, #tpu.memory_space<hbm>>
      %dma_wait3A_691 = tpu.memref_squeeze %dma_wait3A_690 : memref<1x100000xf32, #tpu.memory_space<hbm>> -> memref<100000xf32, #tpu.memory_space<hbm>>
      tpu.wait_dma2 semaphore(%run_scoped3A : memref<!tpu.dma_semaphore, #tpu.memory_space<semaphore_mem>>) src(%dma_wait3A_691 : memref<100000xf32, #tpu.memory_space<hbm>>) dst(%arg5 : memref<100000xf32, #tpu.memory_space<vmem>>)
      tpu.yield
    }) : () -> ()
    %parallel_loop3A_456 = arith.constant 0 : i32
    %parallel_loop3A_457 = arith.constant 512 : i32
    %parallel_loop3A_458 = arith.constant 1 : i32
    scf.for %parallel_loop3A_682 = %parallel_loop3A_456 to %parallel_loop3A_457 step %parallel_loop3A_458  : i32 {
      %parallel_loop3A_683 = arith.constant 16 : i32
      %parallel_loop3A_684 = arith.muli %parallel_loop3A_682, %parallel_loop3A_683 : i32
      %parallel_loop3A_685 = arith.constant 0 : i32
      %parallel_loop3A_686 = arith.addi %parallel_loop3A_685, %parallel_loop3A_684 : i32
      %parallel_loop3A_687 = arith.index_cast %parallel_loop3A_686 : i32 to index
      %parallel_loop3A_688 = tpu.vector_load %arg6[%parallel_loop3A_687] {strides = array<i32>} : memref<16384xi32, #tpu.memory_space<vmem>>, vector<16xi32>,
      %parallel_loop3A_689 = tpu.vector_load_idx %arg5[%parallel_loop3A_688] : memref<100000xf32, #tpu.memory_space<vmem>>[vector<16xi32>], vector<16xf32>,
      %parallel_loop3A_690 = arith.constant 16 : i32
      %parallel_loop3A_691 = arith.muli %parallel_loop3A_682, %parallel_loop3A_690 : i32
      %parallel_loop3A_692 = arith.index_cast %parallel_loop3A_691 : i32 to index
      %parallel_loop3A_693 = tpu.vector_load %arg7[%parallel_loop3A_692] {strides = array<i32>} : memref<8192xf32, #tpu.memory_space<vmem>>, vector<16xf32>,
      tpu.vector_store %arg7[%parallel_loop3A_692], %parallel_loop3A_689 {strides = array<i32>} : memref<8192xf32, #tpu.memory_space<vmem>>, vector<16xf32>,
    } {sc.loop_unroll_factor = 8 : i64, sc.parallel_access}
    "tpu.region"() ({
      %run_scoped3A = tpu.sem_alloc : memref<!tpu.dma_semaphore, #tpu.memory_space<semaphore_mem>>
      %dma_start3A = arith.constant 0 : i32
      %dma_start3A_682 = tpu.memref_slice %arg4[%add3A_410, %dma_start3A] : memref<416x16384xf32, #tpu.memory_space<hbm>> -> memref<1x8192xf32, #tpu.memory_space<hbm>>
      %dma_start3A_683 = tpu.memref_squeeze %dma_start3A_682 : memref<1x8192xf32, #tpu.memory_space<hbm>> -> memref<8192xf32, #tpu.memory_space<hbm>>
      %dma_start3A_684 = arith.constant 0 : i32
      %dma_start3A_685 = tpu.memref_slice %arg4[%add3A_410, %dma_start3A_684] : memref<416x16384xf32, #tpu.memory_space<hbm>> -> memref<1x8192xf32, #tpu.memory_space<hbm>>
      %dma_start3A_686 = tpu.memref_squeeze %dma_start3A_685 : memref<1x8192xf32, #tpu.memory_space<hbm>> -> memref<8192xf32, #tpu.memory_space<hbm>>
      tpu.enqueue_dma source(%arg7 : memref<8192xf32, #tpu.memory_space<vmem>>) target(%dma_start3A_686 : memref<8192xf32, #tpu.memory_space<hbm>>) target_semaphore(%run_scoped3A : memref<!tpu.dma_semaphore, #tpu.memory_space<semaphore_mem>>)
      %dma_wait3A = arith.constant 0 : i32
      %dma_wait3A_687 = tpu.memref_slice %arg4[%add3A_410, %dma_wait3A] : memref<416x16384xf32, #tpu.memory_space<hbm>> -> memref<1x8192xf32, #tpu.memory_space<hbm>>
      %dma_wait3A_688 = tpu.memref_squeeze %dma_wait3A_687 : memref<1x8192xf32, #tpu.memory_space<hbm>> -> memref<8192xf32, #tpu.memory_space<hbm>>
      %dma_wait3A_689 = arith.constant 0 : i32
      %dma_wait3A_690 = tpu.memref_slice %arg4[%add3A_410, %dma_wait3A_689] : memref<416x16384xf32, #tpu.memory_space<hbm>> -> memref<1x8192xf32, #tpu.memory_space<hbm>>
      %dma_wait3A_691 = tpu.memref_squeeze %dma_wait3A_690 : memref<1x8192xf32, #tpu.memory_space<hbm>> -> memref<8192xf32, #tpu.memory_space<hbm>>
      tpu.wait_dma2 semaphore(%run_scoped3A : memref<!tpu.dma_semaphore, #tpu.memory_space<semaphore_mem>>) src(%arg7 : memref<8192xf32, #tpu.memory_space<vmem>>) dst(%dma_wait3A_691 : memref<8192xf32, #tpu.memory_space<hbm>>)
      tpu.yield
    }) : () -> ()
    %parallel_loop3A_459 = arith.constant 0 : i32
    %parallel_loop3A_460 = arith.constant 512 : i32
    %parallel_loop3A_461 = arith.constant 1 : i32
    scf.for %parallel_loop3A_682 = %parallel_loop3A_459 to %parallel_loop3A_460 step %parallel_loop3A_461  : i32 {
      %parallel_loop3A_683 = arith.constant 16 : i32
      %parallel_loop3A_684 = arith.muli %parallel_loop3A_682, %parallel_loop3A_683 : i32
      %parallel_loop3A_685 = arith.constant 8192 : i32
      %parallel_loop3A_686 = arith.addi %parallel_loop3A_685, %parallel_loop3A_684 : i32
      %parallel_loop3A_687 = arith.index_cast %parallel_loop3A_686 : i32 to index
      %parallel_loop3A_688 = tpu.vector_load %arg6[%parallel_loop3A_687] {strides = array<i32>} : memref<16384xi32, #tpu.memory_space<vmem>>, vector<16xi32>,
      %parallel_loop3A_689 = tpu.vector_load_idx %arg5[%parallel_loop3A_688] : memref<100000xf32, #tpu.memory_space<vmem>>[vector<16xi32>], vector<16xf32>,
      %parallel_loop3A_690 = arith.constant 16 : i32
      %parallel_loop3A_691 = arith.muli %parallel_loop3A_682, %parallel_loop3A_690 : i32
      %parallel_loop3A_692 = arith.index_cast %parallel_loop3A_691 : i32 to index
      %parallel_loop3A_693 = tpu.vector_load %arg7[%parallel_loop3A_692] {strides = array<i32>} : memref<8192xf32, #tpu.memory_space<vmem>>, vector<16xf32>,
      tpu.vector_store %arg7[%parallel_loop3A_692], %parallel_loop3A_689 {strides = array<i32>} : memref<8192xf32, #tpu.memory_space<vmem>>, vector<16xf32>,
    } {sc.loop_unroll_factor = 8 : i64, sc.parallel_access}
    "tpu.region"() ({
      %run_scoped3A = tpu.sem_alloc : memref<!tpu.dma_semaphore, #tpu.memory_space<semaphore_mem>>
      %dma_start3A = arith.constant 8192 : i32
      %dma_start3A_682 = tpu.memref_slice %arg4[%add3A_410, %dma_start3A] : memref<416x16384xf32, #tpu.memory_space<hbm>> -> memref<1x8192xf32, #tpu.memory_space<hbm>>
      %dma_start3A_683 = tpu.memref_squeeze %dma_start3A_682 : memref<1x8192xf32, #tpu.memory_space<hbm>> -> memref<8192xf32, #tpu.memory_space<hbm>>
      %dma_start3A_684 = arith.constant 8192 : i32
      %dma_start3A_685 = tpu.memref_slice %arg4[%add3A_410, %dma_start3A_684] : memref<416x16384xf32, #tpu.memory_space<hbm>> -> memref<1x8192xf32, #tpu.memory_space<hbm>>
      %dma_start3A_686 = tpu.memref_squeeze %dma_start3A_685 : memref<1x8192xf32, #tpu.memory_space<hbm>> -> memref<8192xf32, #tpu.memory_space<hbm>>
      tpu.enqueue_dma source(%arg7 : memref<8192xf32, #tpu.memory_space<vmem>>) target(%dma_start3A_686 : memref<8192xf32, #tpu.memory_space<hbm>>) target_semaphore(%run_scoped3A : memref<!tpu.dma_semaphore, #tpu.memory_space<semaphore_mem>>)
      %dma_wait3A = arith.constant 8192 : i32
      %dma_wait3A_687 = tpu.memref_slice %arg4[%add3A_410, %dma_wait3A] : memref<416x16384xf32, #tpu.memory_space<hbm>> -> memref<1x8192xf32, #tpu.memory_space<hbm>>
      %dma_wait3A_688 = tpu.memref_squeeze %dma_wait3A_687 : memref<1x8192xf32, #tpu.memory_space<hbm>> -> memref<8192xf32, #tpu.memory_space<hbm>>
      %dma_wait3A_689 = arith.constant 8192 : i32
      %dma_wait3A_690 = tpu.memref_slice %arg4[%add3A_410, %dma_wait3A_689] : memref<416x16384xf32, #tpu.memory_space<hbm>> -> memref<1x8192xf32, #tpu.memory_space<hbm>>
      %dma_wait3A_691 = tpu.memref_squeeze %dma_wait3A_690 : memref<1x8192xf32, #tpu.memory_space<hbm>> -> memref<8192xf32, #tpu.memory_space<hbm>>
      tpu.wait_dma2 semaphore(%run_scoped3A : memref<!tpu.dma_semaphore, #tpu.memory_space<semaphore_mem>>) src(%arg7 : memref<8192xf32, #tpu.memory_space<vmem>>) dst(%dma_wait3A_691 : memref<8192xf32, #tpu.memory_space<hbm>>)
      tpu.yield
    }) : () -> ()
    %mul3A_462 = arith.constant 13 : i32
    %mul3A_463 = arith.muli %add3A, %mul3A_462 : i32
    %add3A_464 = arith.constant 9 : i32
    %add3A_465 = arith.addi %mul3A_463, %add3A_464 : i32
    %jit3A_466 = arith.constant 16 : i32
    %div3A_467 = arith.divsi %add3A_465, %jit3A_466 : i32
    %sign3A_468 = arith.constant 0 : i32
    %sign3A_469 = arith.cmpi sgt, %add3A_465, %sign3A_468 : i32
    %sign3A_470 = arith.extui %sign3A_469 : i1 to i32
    %sign3A_471 = arith.constant 0 : i32
    %sign3A_472 = arith.cmpi slt, %add3A_465, %sign3A_471 : i32
    %sign3A_473 = arith.extui %sign3A_472 : i1 to i32
    %sign3A_474 = arith.subi %sign3A_470, %sign3A_473 : i32
    %sign3A_475 = arith.constant 0 : i32
    %sign3A_476 = arith.cmpi sgt, %jit3A_466, %sign3A_475 : i32
    %sign3A_477 = arith.extui %sign3A_476 : i1 to i32
    %sign3A_478 = arith.constant 0 : i32
    %sign3A_479 = arith.cmpi slt, %jit3A_466, %sign3A_478 : i32
    %sign3A_480 = arith.extui %sign3A_479 : i1 to i32
    %sign3A_481 = arith.subi %sign3A_477, %sign3A_480 : i32
    %ne3A_482 = arith.cmpi ne, %sign3A_474, %sign3A_481 : i32
    %rem3A_483 = arith.remsi %add3A_465, %jit3A_466 : i32
    %ne3A_484 = arith.constant 0 : i32
    %ne3A_485 = arith.cmpi ne, %rem3A_483, %ne3A_484 : i32
    %and3A_486 = arith.andi %ne3A_482, %ne3A_485 : i1
    %sub3A_487 = arith.constant 1 : i32
    %sub3A_488 = arith.subi %div3A_467, %sub3A_487 : i32
    %select_n3A_489 = arith.select %and3A_486, %sub3A_488, %div3A_467 : i32
    %jit3A_490 = arith.constant 16 : i32
    %eq3A_491 = arith.constant 0 : i32
    %eq3A_492 = arith.cmpi eq, %jit3A_490, %eq3A_491 : i32
    %jit3A_493 = arith.constant 1 : i32
    %select_n3A_494 = arith.select %eq3A_492, %jit3A_493, %jit3A_490 : i32
    %rem3A_495 = arith.remsi %add3A_465, %select_n3A_494 : i32
    %ne3A_496 = arith.constant 0 : i32
    %ne3A_497 = arith.cmpi ne, %rem3A_495, %ne3A_496 : i32
    %lt3A_498 = arith.constant 0 : i32
    %lt3A_499 = arith.cmpi slt, %rem3A_495, %lt3A_498 : i32
    %lt3A_500 = arith.constant 0 : i32
    %lt3A_501 = arith.cmpi slt, %select_n3A_494, %lt3A_500 : i32
    %ne3A_502 = arith.xori %lt3A_499, %lt3A_501 : i1
    %and3A_503 = arith.andi %ne3A_502, %ne3A_497 : i1
    %add3A_504 = arith.addi %rem3A_495, %select_n3A_494 : i32
    %select_n3A_505 = arith.select %and3A_503, %add3A_504, %rem3A_495 : i32
    %eq3A_506 = arith.constant 0 : i32
    %eq3A_507 = arith.cmpi eq, %select_n3A_505, %eq3A_506 : i32
    %convert_element_type3A_508 = arith.extui %eq3A_507 : i1 to i32
    %cond3A_509 = arith.constant 0 : i32
    %cond3A_510 = arith.cmpi ne, %convert_element_type3A_508, %cond3A_509 : i32
    scf.if %cond3A_510 {
      "tpu.region"() ({
        %run_scoped3A = tpu.sem_alloc : memref<!tpu.dma_semaphore, #tpu.memory_space<semaphore_mem>>
        %dma_start3A = arith.constant 0 : i32
        %dma_start3A_682 = tpu.memref_slice %arg3[%select_n3A_489, %dma_start3A] : memref<26x16384xi32, #tpu.memory_space<hbm>> -> memref<1x16384xi32, #tpu.memory_space<hbm>>
        %dma_start3A_683 = tpu.memref_squeeze %dma_start3A_682 : memref<1x16384xi32, #tpu.memory_space<hbm>> -> memref<16384xi32, #tpu.memory_space<hbm>>
        %dma_start3A_684 = arith.constant 0 : i32
        %dma_start3A_685 = tpu.memref_slice %arg3[%select_n3A_489, %dma_start3A_684] : memref<26x16384xi32, #tpu.memory_space<hbm>> -> memref<1x16384xi32, #tpu.memory_space<hbm>>
        %dma_start3A_686 = tpu.memref_squeeze %dma_start3A_685 : memref<1x16384xi32, #tpu.memory_space<hbm>> -> memref<16384xi32, #tpu.memory_space<hbm>>
        tpu.enqueue_dma source(%dma_start3A_686 : memref<16384xi32, #tpu.memory_space<hbm>>) target(%arg6 : memref<16384xi32, #tpu.memory_space<vmem>>) target_semaphore(%run_scoped3A : memref<!tpu.dma_semaphore, #tpu.memory_space<semaphore_mem>>)
        %dma_wait3A = arith.constant 0 : i32
        %dma_wait3A_687 = tpu.memref_slice %arg3[%select_n3A_489, %dma_wait3A] : memref<26x16384xi32, #tpu.memory_space<hbm>> -> memref<1x16384xi32, #tpu.memory_space<hbm>>
        %dma_wait3A_688 = tpu.memref_squeeze %dma_wait3A_687 : memref<1x16384xi32, #tpu.memory_space<hbm>> -> memref<16384xi32, #tpu.memory_space<hbm>>
        %dma_wait3A_689 = arith.constant 0 : i32
        %dma_wait3A_690 = tpu.memref_slice %arg3[%select_n3A_489, %dma_wait3A_689] : memref<26x16384xi32, #tpu.memory_space<hbm>> -> memref<1x16384xi32, #tpu.memory_space<hbm>>
        %dma_wait3A_691 = tpu.memref_squeeze %dma_wait3A_690 : memref<1x16384xi32, #tpu.memory_space<hbm>> -> memref<16384xi32, #tpu.memory_space<hbm>>
        tpu.wait_dma2 semaphore(%run_scoped3A : memref<!tpu.dma_semaphore, #tpu.memory_space<semaphore_mem>>) src(%dma_wait3A_691 : memref<16384xi32, #tpu.memory_space<hbm>>) dst(%arg6 : memref<16384xi32, #tpu.memory_space<vmem>>)
        tpu.yield
      }) : () -> ()
    } else {
    }
    "tpu.region"() ({
      %run_scoped3A = tpu.sem_alloc : memref<!tpu.dma_semaphore, #tpu.memory_space<semaphore_mem>>
      %dma_start3A = arith.constant 0 : i32
      %dma_start3A_682 = tpu.memref_slice %arg2[%add3A_465, %dma_start3A] : memref<416x100000xf32, #tpu.memory_space<hbm>> -> memref<1x100000xf32, #tpu.memory_space<hbm>>
      %dma_start3A_683 = tpu.memref_squeeze %dma_start3A_682 : memref<1x100000xf32, #tpu.memory_space<hbm>> -> memref<100000xf32, #tpu.memory_space<hbm>>
      %dma_start3A_684 = arith.constant 0 : i32
      %dma_start3A_685 = tpu.memref_slice %arg2[%add3A_465, %dma_start3A_684] : memref<416x100000xf32, #tpu.memory_space<hbm>> -> memref<1x100000xf32, #tpu.memory_space<hbm>>
      %dma_start3A_686 = tpu.memref_squeeze %dma_start3A_685 : memref<1x100000xf32, #tpu.memory_space<hbm>> -> memref<100000xf32, #tpu.memory_space<hbm>>
      tpu.enqueue_dma source(%dma_start3A_686 : memref<100000xf32, #tpu.memory_space<hbm>>) target(%arg5 : memref<100000xf32, #tpu.memory_space<vmem>>) target_semaphore(%run_scoped3A : memref<!tpu.dma_semaphore, #tpu.memory_space<semaphore_mem>>)
      %dma_wait3A = arith.constant 0 : i32
      %dma_wait3A_687 = tpu.memref_slice %arg2[%add3A_465, %dma_wait3A] : memref<416x100000xf32, #tpu.memory_space<hbm>> -> memref<1x100000xf32, #tpu.memory_space<hbm>>
      %dma_wait3A_688 = tpu.memref_squeeze %dma_wait3A_687 : memref<1x100000xf32, #tpu.memory_space<hbm>> -> memref<100000xf32, #tpu.memory_space<hbm>>
      %dma_wait3A_689 = arith.constant 0 : i32
      %dma_wait3A_690 = tpu.memref_slice %arg2[%add3A_465, %dma_wait3A_689] : memref<416x100000xf32, #tpu.memory_space<hbm>> -> memref<1x100000xf32, #tpu.memory_space<hbm>>
      %dma_wait3A_691 = tpu.memref_squeeze %dma_wait3A_690 : memref<1x100000xf32, #tpu.memory_space<hbm>> -> memref<100000xf32, #tpu.memory_space<hbm>>
      tpu.wait_dma2 semaphore(%run_scoped3A : memref<!tpu.dma_semaphore, #tpu.memory_space<semaphore_mem>>) src(%dma_wait3A_691 : memref<100000xf32, #tpu.memory_space<hbm>>) dst(%arg5 : memref<100000xf32, #tpu.memory_space<vmem>>)
      tpu.yield
    }) : () -> ()
    %parallel_loop3A_511 = arith.constant 0 : i32
    %parallel_loop3A_512 = arith.constant 512 : i32
    %parallel_loop3A_513 = arith.constant 1 : i32
    scf.for %parallel_loop3A_682 = %parallel_loop3A_511 to %parallel_loop3A_512 step %parallel_loop3A_513  : i32 {
      %parallel_loop3A_683 = arith.constant 16 : i32
      %parallel_loop3A_684 = arith.muli %parallel_loop3A_682, %parallel_loop3A_683 : i32
      %parallel_loop3A_685 = arith.constant 0 : i32
      %parallel_loop3A_686 = arith.addi %parallel_loop3A_685, %parallel_loop3A_684 : i32
      %parallel_loop3A_687 = arith.index_cast %parallel_loop3A_686 : i32 to index
      %parallel_loop3A_688 = tpu.vector_load %arg6[%parallel_loop3A_687] {strides = array<i32>} : memref<16384xi32, #tpu.memory_space<vmem>>, vector<16xi32>,
      %parallel_loop3A_689 = tpu.vector_load_idx %arg5[%parallel_loop3A_688] : memref<100000xf32, #tpu.memory_space<vmem>>[vector<16xi32>], vector<16xf32>,
      %parallel_loop3A_690 = arith.constant 16 : i32
      %parallel_loop3A_691 = arith.muli %parallel_loop3A_682, %parallel_loop3A_690 : i32
      %parallel_loop3A_692 = arith.index_cast %parallel_loop3A_691 : i32 to index
      %parallel_loop3A_693 = tpu.vector_load %arg7[%parallel_loop3A_692] {strides = array<i32>} : memref<8192xf32, #tpu.memory_space<vmem>>, vector<16xf32>,
      tpu.vector_store %arg7[%parallel_loop3A_692], %parallel_loop3A_689 {strides = array<i32>} : memref<8192xf32, #tpu.memory_space<vmem>>, vector<16xf32>,
    } {sc.loop_unroll_factor = 8 : i64, sc.parallel_access}
    "tpu.region"() ({
      %run_scoped3A = tpu.sem_alloc : memref<!tpu.dma_semaphore, #tpu.memory_space<semaphore_mem>>
      %dma_start3A = arith.constant 0 : i32
      %dma_start3A_682 = tpu.memref_slice %arg4[%add3A_465, %dma_start3A] : memref<416x16384xf32, #tpu.memory_space<hbm>> -> memref<1x8192xf32, #tpu.memory_space<hbm>>
      %dma_start3A_683 = tpu.memref_squeeze %dma_start3A_682 : memref<1x8192xf32, #tpu.memory_space<hbm>> -> memref<8192xf32, #tpu.memory_space<hbm>>
      %dma_start3A_684 = arith.constant 0 : i32
      %dma_start3A_685 = tpu.memref_slice %arg4[%add3A_465, %dma_start3A_684] : memref<416x16384xf32, #tpu.memory_space<hbm>> -> memref<1x8192xf32, #tpu.memory_space<hbm>>
      %dma_start3A_686 = tpu.memref_squeeze %dma_start3A_685 : memref<1x8192xf32, #tpu.memory_space<hbm>> -> memref<8192xf32, #tpu.memory_space<hbm>>
      tpu.enqueue_dma source(%arg7 : memref<8192xf32, #tpu.memory_space<vmem>>) target(%dma_start3A_686 : memref<8192xf32, #tpu.memory_space<hbm>>) target_semaphore(%run_scoped3A : memref<!tpu.dma_semaphore, #tpu.memory_space<semaphore_mem>>)
      %dma_wait3A = arith.constant 0 : i32
      %dma_wait3A_687 = tpu.memref_slice %arg4[%add3A_465, %dma_wait3A] : memref<416x16384xf32, #tpu.memory_space<hbm>> -> memref<1x8192xf32, #tpu.memory_space<hbm>>
      %dma_wait3A_688 = tpu.memref_squeeze %dma_wait3A_687 : memref<1x8192xf32, #tpu.memory_space<hbm>> -> memref<8192xf32, #tpu.memory_space<hbm>>
      %dma_wait3A_689 = arith.constant 0 : i32
      %dma_wait3A_690 = tpu.memref_slice %arg4[%add3A_465, %dma_wait3A_689] : memref<416x16384xf32, #tpu.memory_space<hbm>> -> memref<1x8192xf32, #tpu.memory_space<hbm>>
      %dma_wait3A_691 = tpu.memref_squeeze %dma_wait3A_690 : memref<1x8192xf32, #tpu.memory_space<hbm>> -> memref<8192xf32, #tpu.memory_space<hbm>>
      tpu.wait_dma2 semaphore(%run_scoped3A : memref<!tpu.dma_semaphore, #tpu.memory_space<semaphore_mem>>) src(%arg7 : memref<8192xf32, #tpu.memory_space<vmem>>) dst(%dma_wait3A_691 : memref<8192xf32, #tpu.memory_space<hbm>>)
      tpu.yield
    }) : () -> ()
    %parallel_loop3A_514 = arith.constant 0 : i32
    %parallel_loop3A_515 = arith.constant 512 : i32
    %parallel_loop3A_516 = arith.constant 1 : i32
    scf.for %parallel_loop3A_682 = %parallel_loop3A_514 to %parallel_loop3A_515 step %parallel_loop3A_516  : i32 {
      %parallel_loop3A_683 = arith.constant 16 : i32
      %parallel_loop3A_684 = arith.muli %parallel_loop3A_682, %parallel_loop3A_683 : i32
      %parallel_loop3A_685 = arith.constant 8192 : i32
      %parallel_loop3A_686 = arith.addi %parallel_loop3A_685, %parallel_loop3A_684 : i32
      %parallel_loop3A_687 = arith.index_cast %parallel_loop3A_686 : i32 to index
      %parallel_loop3A_688 = tpu.vector_load %arg6[%parallel_loop3A_687] {strides = array<i32>} : memref<16384xi32, #tpu.memory_space<vmem>>, vector<16xi32>,
      %parallel_loop3A_689 = tpu.vector_load_idx %arg5[%parallel_loop3A_688] : memref<100000xf32, #tpu.memory_space<vmem>>[vector<16xi32>], vector<16xf32>,
      %parallel_loop3A_690 = arith.constant 16 : i32
      %parallel_loop3A_691 = arith.muli %parallel_loop3A_682, %parallel_loop3A_690 : i32
      %parallel_loop3A_692 = arith.index_cast %parallel_loop3A_691 : i32 to index
      %parallel_loop3A_693 = tpu.vector_load %arg7[%parallel_loop3A_692] {strides = array<i32>} : memref<8192xf32, #tpu.memory_space<vmem>>, vector<16xf32>,
      tpu.vector_store %arg7[%parallel_loop3A_692], %parallel_loop3A_689 {strides = array<i32>} : memref<8192xf32, #tpu.memory_space<vmem>>, vector<16xf32>,
    } {sc.loop_unroll_factor = 8 : i64, sc.parallel_access}
    "tpu.region"() ({
      %run_scoped3A = tpu.sem_alloc : memref<!tpu.dma_semaphore, #tpu.memory_space<semaphore_mem>>
      %dma_start3A = arith.constant 8192 : i32
      %dma_start3A_682 = tpu.memref_slice %arg4[%add3A_465, %dma_start3A] : memref<416x16384xf32, #tpu.memory_space<hbm>> -> memref<1x8192xf32, #tpu.memory_space<hbm>>
      %dma_start3A_683 = tpu.memref_squeeze %dma_start3A_682 : memref<1x8192xf32, #tpu.memory_space<hbm>> -> memref<8192xf32, #tpu.memory_space<hbm>>
      %dma_start3A_684 = arith.constant 8192 : i32
      %dma_start3A_685 = tpu.memref_slice %arg4[%add3A_465, %dma_start3A_684] : memref<416x16384xf32, #tpu.memory_space<hbm>> -> memref<1x8192xf32, #tpu.memory_space<hbm>>
      %dma_start3A_686 = tpu.memref_squeeze %dma_start3A_685 : memref<1x8192xf32, #tpu.memory_space<hbm>> -> memref<8192xf32, #tpu.memory_space<hbm>>
      tpu.enqueue_dma source(%arg7 : memref<8192xf32, #tpu.memory_space<vmem>>) target(%dma_start3A_686 : memref<8192xf32, #tpu.memory_space<hbm>>) target_semaphore(%run_scoped3A : memref<!tpu.dma_semaphore, #tpu.memory_space<semaphore_mem>>)
      %dma_wait3A = arith.constant 8192 : i32
      %dma_wait3A_687 = tpu.memref_slice %arg4[%add3A_465, %dma_wait3A] : memref<416x16384xf32, #tpu.memory_space<hbm>> -> memref<1x8192xf32, #tpu.memory_space<hbm>>
      %dma_wait3A_688 = tpu.memref_squeeze %dma_wait3A_687 : memref<1x8192xf32, #tpu.memory_space<hbm>> -> memref<8192xf32, #tpu.memory_space<hbm>>
      %dma_wait3A_689 = arith.constant 8192 : i32
      %dma_wait3A_690 = tpu.memref_slice %arg4[%add3A_465, %dma_wait3A_689] : memref<416x16384xf32, #tpu.memory_space<hbm>> -> memref<1x8192xf32, #tpu.memory_space<hbm>>
      %dma_wait3A_691 = tpu.memref_squeeze %dma_wait3A_690 : memref<1x8192xf32, #tpu.memory_space<hbm>> -> memref<8192xf32, #tpu.memory_space<hbm>>
      tpu.wait_dma2 semaphore(%run_scoped3A : memref<!tpu.dma_semaphore, #tpu.memory_space<semaphore_mem>>) src(%arg7 : memref<8192xf32, #tpu.memory_space<vmem>>) dst(%dma_wait3A_691 : memref<8192xf32, #tpu.memory_space<hbm>>)
      tpu.yield
    }) : () -> ()
    %mul3A_517 = arith.constant 13 : i32
    %mul3A_518 = arith.muli %add3A, %mul3A_517 : i32
    %add3A_519 = arith.constant 10 : i32
    %add3A_520 = arith.addi %mul3A_518, %add3A_519 : i32
    %jit3A_521 = arith.constant 16 : i32
    %div3A_522 = arith.divsi %add3A_520, %jit3A_521 : i32
    %sign3A_523 = arith.constant 0 : i32
    %sign3A_524 = arith.cmpi sgt, %add3A_520, %sign3A_523 : i32
    %sign3A_525 = arith.extui %sign3A_524 : i1 to i32
    %sign3A_526 = arith.constant 0 : i32
    %sign3A_527 = arith.cmpi slt, %add3A_520, %sign3A_526 : i32
    %sign3A_528 = arith.extui %sign3A_527 : i1 to i32
    %sign3A_529 = arith.subi %sign3A_525, %sign3A_528 : i32
    %sign3A_530 = arith.constant 0 : i32
    %sign3A_531 = arith.cmpi sgt, %jit3A_521, %sign3A_530 : i32
    %sign3A_532 = arith.extui %sign3A_531 : i1 to i32
    %sign3A_533 = arith.constant 0 : i32
    %sign3A_534 = arith.cmpi slt, %jit3A_521, %sign3A_533 : i32
    %sign3A_535 = arith.extui %sign3A_534 : i1 to i32
    %sign3A_536 = arith.subi %sign3A_532, %sign3A_535 : i32
    %ne3A_537 = arith.cmpi ne, %sign3A_529, %sign3A_536 : i32
    %rem3A_538 = arith.remsi %add3A_520, %jit3A_521 : i32
    %ne3A_539 = arith.constant 0 : i32
    %ne3A_540 = arith.cmpi ne, %rem3A_538, %ne3A_539 : i32
    %and3A_541 = arith.andi %ne3A_537, %ne3A_540 : i1
    %sub3A_542 = arith.constant 1 : i32
    %sub3A_543 = arith.subi %div3A_522, %sub3A_542 : i32
    %select_n3A_544 = arith.select %and3A_541, %sub3A_543, %div3A_522 : i32
    %jit3A_545 = arith.constant 16 : i32
    %eq3A_546 = arith.constant 0 : i32
    %eq3A_547 = arith.cmpi eq, %jit3A_545, %eq3A_546 : i32
    %jit3A_548 = arith.constant 1 : i32
    %select_n3A_549 = arith.select %eq3A_547, %jit3A_548, %jit3A_545 : i32
    %rem3A_550 = arith.remsi %add3A_520, %select_n3A_549 : i32
    %ne3A_551 = arith.constant 0 : i32
    %ne3A_552 = arith.cmpi ne, %rem3A_550, %ne3A_551 : i32
    %lt3A_553 = arith.constant 0 : i32
    %lt3A_554 = arith.cmpi slt, %rem3A_550, %lt3A_553 : i32
    %lt3A_555 = arith.constant 0 : i32
    %lt3A_556 = arith.cmpi slt, %select_n3A_549, %lt3A_555 : i32
    %ne3A_557 = arith.xori %lt3A_554, %lt3A_556 : i1
    %and3A_558 = arith.andi %ne3A_557, %ne3A_552 : i1
    %add3A_559 = arith.addi %rem3A_550, %select_n3A_549 : i32
    %select_n3A_560 = arith.select %and3A_558, %add3A_559, %rem3A_550 : i32
    %eq3A_561 = arith.constant 0 : i32
    %eq3A_562 = arith.cmpi eq, %select_n3A_560, %eq3A_561 : i32
    %convert_element_type3A_563 = arith.extui %eq3A_562 : i1 to i32
    %cond3A_564 = arith.constant 0 : i32
    %cond3A_565 = arith.cmpi ne, %convert_element_type3A_563, %cond3A_564 : i32
    scf.if %cond3A_565 {
      "tpu.region"() ({
        %run_scoped3A = tpu.sem_alloc : memref<!tpu.dma_semaphore, #tpu.memory_space<semaphore_mem>>
        %dma_start3A = arith.constant 0 : i32
        %dma_start3A_682 = tpu.memref_slice %arg3[%select_n3A_544, %dma_start3A] : memref<26x16384xi32, #tpu.memory_space<hbm>> -> memref<1x16384xi32, #tpu.memory_space<hbm>>
        %dma_start3A_683 = tpu.memref_squeeze %dma_start3A_682 : memref<1x16384xi32, #tpu.memory_space<hbm>> -> memref<16384xi32, #tpu.memory_space<hbm>>
        %dma_start3A_684 = arith.constant 0 : i32
        %dma_start3A_685 = tpu.memref_slice %arg3[%select_n3A_544, %dma_start3A_684] : memref<26x16384xi32, #tpu.memory_space<hbm>> -> memref<1x16384xi32, #tpu.memory_space<hbm>>
        %dma_start3A_686 = tpu.memref_squeeze %dma_start3A_685 : memref<1x16384xi32, #tpu.memory_space<hbm>> -> memref<16384xi32, #tpu.memory_space<hbm>>
        tpu.enqueue_dma source(%dma_start3A_686 : memref<16384xi32, #tpu.memory_space<hbm>>) target(%arg6 : memref<16384xi32, #tpu.memory_space<vmem>>) target_semaphore(%run_scoped3A : memref<!tpu.dma_semaphore, #tpu.memory_space<semaphore_mem>>)
        %dma_wait3A = arith.constant 0 : i32
        %dma_wait3A_687 = tpu.memref_slice %arg3[%select_n3A_544, %dma_wait3A] : memref<26x16384xi32, #tpu.memory_space<hbm>> -> memref<1x16384xi32, #tpu.memory_space<hbm>>
        %dma_wait3A_688 = tpu.memref_squeeze %dma_wait3A_687 : memref<1x16384xi32, #tpu.memory_space<hbm>> -> memref<16384xi32, #tpu.memory_space<hbm>>
        %dma_wait3A_689 = arith.constant 0 : i32
        %dma_wait3A_690 = tpu.memref_slice %arg3[%select_n3A_544, %dma_wait3A_689] : memref<26x16384xi32, #tpu.memory_space<hbm>> -> memref<1x16384xi32, #tpu.memory_space<hbm>>
        %dma_wait3A_691 = tpu.memref_squeeze %dma_wait3A_690 : memref<1x16384xi32, #tpu.memory_space<hbm>> -> memref<16384xi32, #tpu.memory_space<hbm>>
        tpu.wait_dma2 semaphore(%run_scoped3A : memref<!tpu.dma_semaphore, #tpu.memory_space<semaphore_mem>>) src(%dma_wait3A_691 : memref<16384xi32, #tpu.memory_space<hbm>>) dst(%arg6 : memref<16384xi32, #tpu.memory_space<vmem>>)
        tpu.yield
      }) : () -> ()
    } else {
    }
    "tpu.region"() ({
      %run_scoped3A = tpu.sem_alloc : memref<!tpu.dma_semaphore, #tpu.memory_space<semaphore_mem>>
      %dma_start3A = arith.constant 0 : i32
      %dma_start3A_682 = tpu.memref_slice %arg2[%add3A_520, %dma_start3A] : memref<416x100000xf32, #tpu.memory_space<hbm>> -> memref<1x100000xf32, #tpu.memory_space<hbm>>
      %dma_start3A_683 = tpu.memref_squeeze %dma_start3A_682 : memref<1x100000xf32, #tpu.memory_space<hbm>> -> memref<100000xf32, #tpu.memory_space<hbm>>
      %dma_start3A_684 = arith.constant 0 : i32
      %dma_start3A_685 = tpu.memref_slice %arg2[%add3A_520, %dma_start3A_684] : memref<416x100000xf32, #tpu.memory_space<hbm>> -> memref<1x100000xf32, #tpu.memory_space<hbm>>
      %dma_start3A_686 = tpu.memref_squeeze %dma_start3A_685 : memref<1x100000xf32, #tpu.memory_space<hbm>> -> memref<100000xf32, #tpu.memory_space<hbm>>
      tpu.enqueue_dma source(%dma_start3A_686 : memref<100000xf32, #tpu.memory_space<hbm>>) target(%arg5 : memref<100000xf32, #tpu.memory_space<vmem>>) target_semaphore(%run_scoped3A : memref<!tpu.dma_semaphore, #tpu.memory_space<semaphore_mem>>)
      %dma_wait3A = arith.constant 0 : i32
      %dma_wait3A_687 = tpu.memref_slice %arg2[%add3A_520, %dma_wait3A] : memref<416x100000xf32, #tpu.memory_space<hbm>> -> memref<1x100000xf32, #tpu.memory_space<hbm>>
      %dma_wait3A_688 = tpu.memref_squeeze %dma_wait3A_687 : memref<1x100000xf32, #tpu.memory_space<hbm>> -> memref<100000xf32, #tpu.memory_space<hbm>>
      %dma_wait3A_689 = arith.constant 0 : i32
      %dma_wait3A_690 = tpu.memref_slice %arg2[%add3A_520, %dma_wait3A_689] : memref<416x100000xf32, #tpu.memory_space<hbm>> -> memref<1x100000xf32, #tpu.memory_space<hbm>>
      %dma_wait3A_691 = tpu.memref_squeeze %dma_wait3A_690 : memref<1x100000xf32, #tpu.memory_space<hbm>> -> memref<100000xf32, #tpu.memory_space<hbm>>
      tpu.wait_dma2 semaphore(%run_scoped3A : memref<!tpu.dma_semaphore, #tpu.memory_space<semaphore_mem>>) src(%dma_wait3A_691 : memref<100000xf32, #tpu.memory_space<hbm>>) dst(%arg5 : memref<100000xf32, #tpu.memory_space<vmem>>)
      tpu.yield
    }) : () -> ()
    %parallel_loop3A_566 = arith.constant 0 : i32
    %parallel_loop3A_567 = arith.constant 512 : i32
    %parallel_loop3A_568 = arith.constant 1 : i32
    scf.for %parallel_loop3A_682 = %parallel_loop3A_566 to %parallel_loop3A_567 step %parallel_loop3A_568  : i32 {
      %parallel_loop3A_683 = arith.constant 16 : i32
      %parallel_loop3A_684 = arith.muli %parallel_loop3A_682, %parallel_loop3A_683 : i32
      %parallel_loop3A_685 = arith.constant 0 : i32
      %parallel_loop3A_686 = arith.addi %parallel_loop3A_685, %parallel_loop3A_684 : i32
      %parallel_loop3A_687 = arith.index_cast %parallel_loop3A_686 : i32 to index
      %parallel_loop3A_688 = tpu.vector_load %arg6[%parallel_loop3A_687] {strides = array<i32>} : memref<16384xi32, #tpu.memory_space<vmem>>, vector<16xi32>,
      %parallel_loop3A_689 = tpu.vector_load_idx %arg5[%parallel_loop3A_688] : memref<100000xf32, #tpu.memory_space<vmem>>[vector<16xi32>], vector<16xf32>,
      %parallel_loop3A_690 = arith.constant 16 : i32
      %parallel_loop3A_691 = arith.muli %parallel_loop3A_682, %parallel_loop3A_690 : i32
      %parallel_loop3A_692 = arith.index_cast %parallel_loop3A_691 : i32 to index
      %parallel_loop3A_693 = tpu.vector_load %arg7[%parallel_loop3A_692] {strides = array<i32>} : memref<8192xf32, #tpu.memory_space<vmem>>, vector<16xf32>,
      tpu.vector_store %arg7[%parallel_loop3A_692], %parallel_loop3A_689 {strides = array<i32>} : memref<8192xf32, #tpu.memory_space<vmem>>, vector<16xf32>,
    } {sc.loop_unroll_factor = 8 : i64, sc.parallel_access}
    "tpu.region"() ({
      %run_scoped3A = tpu.sem_alloc : memref<!tpu.dma_semaphore, #tpu.memory_space<semaphore_mem>>
      %dma_start3A = arith.constant 0 : i32
      %dma_start3A_682 = tpu.memref_slice %arg4[%add3A_520, %dma_start3A] : memref<416x16384xf32, #tpu.memory_space<hbm>> -> memref<1x8192xf32, #tpu.memory_space<hbm>>
      %dma_start3A_683 = tpu.memref_squeeze %dma_start3A_682 : memref<1x8192xf32, #tpu.memory_space<hbm>> -> memref<8192xf32, #tpu.memory_space<hbm>>
      %dma_start3A_684 = arith.constant 0 : i32
      %dma_start3A_685 = tpu.memref_slice %arg4[%add3A_520, %dma_start3A_684] : memref<416x16384xf32, #tpu.memory_space<hbm>> -> memref<1x8192xf32, #tpu.memory_space<hbm>>
      %dma_start3A_686 = tpu.memref_squeeze %dma_start3A_685 : memref<1x8192xf32, #tpu.memory_space<hbm>> -> memref<8192xf32, #tpu.memory_space<hbm>>
      tpu.enqueue_dma source(%arg7 : memref<8192xf32, #tpu.memory_space<vmem>>) target(%dma_start3A_686 : memref<8192xf32, #tpu.memory_space<hbm>>) target_semaphore(%run_scoped3A : memref<!tpu.dma_semaphore, #tpu.memory_space<semaphore_mem>>)
      %dma_wait3A = arith.constant 0 : i32
      %dma_wait3A_687 = tpu.memref_slice %arg4[%add3A_520, %dma_wait3A] : memref<416x16384xf32, #tpu.memory_space<hbm>> -> memref<1x8192xf32, #tpu.memory_space<hbm>>
      %dma_wait3A_688 = tpu.memref_squeeze %dma_wait3A_687 : memref<1x8192xf32, #tpu.memory_space<hbm>> -> memref<8192xf32, #tpu.memory_space<hbm>>
      %dma_wait3A_689 = arith.constant 0 : i32
      %dma_wait3A_690 = tpu.memref_slice %arg4[%add3A_520, %dma_wait3A_689] : memref<416x16384xf32, #tpu.memory_space<hbm>> -> memref<1x8192xf32, #tpu.memory_space<hbm>>
      %dma_wait3A_691 = tpu.memref_squeeze %dma_wait3A_690 : memref<1x8192xf32, #tpu.memory_space<hbm>> -> memref<8192xf32, #tpu.memory_space<hbm>>
      tpu.wait_dma2 semaphore(%run_scoped3A : memref<!tpu.dma_semaphore, #tpu.memory_space<semaphore_mem>>) src(%arg7 : memref<8192xf32, #tpu.memory_space<vmem>>) dst(%dma_wait3A_691 : memref<8192xf32, #tpu.memory_space<hbm>>)
      tpu.yield
    }) : () -> ()
    %parallel_loop3A_569 = arith.constant 0 : i32
    %parallel_loop3A_570 = arith.constant 512 : i32
    %parallel_loop3A_571 = arith.constant 1 : i32
    scf.for %parallel_loop3A_682 = %parallel_loop3A_569 to %parallel_loop3A_570 step %parallel_loop3A_571  : i32 {
      %parallel_loop3A_683 = arith.constant 16 : i32
      %parallel_loop3A_684 = arith.muli %parallel_loop3A_682, %parallel_loop3A_683 : i32
      %parallel_loop3A_685 = arith.constant 8192 : i32
      %parallel_loop3A_686 = arith.addi %parallel_loop3A_685, %parallel_loop3A_684 : i32
      %parallel_loop3A_687 = arith.index_cast %parallel_loop3A_686 : i32 to index
      %parallel_loop3A_688 = tpu.vector_load %arg6[%parallel_loop3A_687] {strides = array<i32>} : memref<16384xi32, #tpu.memory_space<vmem>>, vector<16xi32>,
      %parallel_loop3A_689 = tpu.vector_load_idx %arg5[%parallel_loop3A_688] : memref<100000xf32, #tpu.memory_space<vmem>>[vector<16xi32>], vector<16xf32>,
      %parallel_loop3A_690 = arith.constant 16 : i32
      %parallel_loop3A_691 = arith.muli %parallel_loop3A_682, %parallel_loop3A_690 : i32
      %parallel_loop3A_692 = arith.index_cast %parallel_loop3A_691 : i32 to index
      %parallel_loop3A_693 = tpu.vector_load %arg7[%parallel_loop3A_692] {strides = array<i32>} : memref<8192xf32, #tpu.memory_space<vmem>>, vector<16xf32>,
      tpu.vector_store %arg7[%parallel_loop3A_692], %parallel_loop3A_689 {strides = array<i32>} : memref<8192xf32, #tpu.memory_space<vmem>>, vector<16xf32>,
    } {sc.loop_unroll_factor = 8 : i64, sc.parallel_access}
    "tpu.region"() ({
      %run_scoped3A = tpu.sem_alloc : memref<!tpu.dma_semaphore, #tpu.memory_space<semaphore_mem>>
      %dma_start3A = arith.constant 8192 : i32
      %dma_start3A_682 = tpu.memref_slice %arg4[%add3A_520, %dma_start3A] : memref<416x16384xf32, #tpu.memory_space<hbm>> -> memref<1x8192xf32, #tpu.memory_space<hbm>>
      %dma_start3A_683 = tpu.memref_squeeze %dma_start3A_682 : memref<1x8192xf32, #tpu.memory_space<hbm>> -> memref<8192xf32, #tpu.memory_space<hbm>>
      %dma_start3A_684 = arith.constant 8192 : i32
      %dma_start3A_685 = tpu.memref_slice %arg4[%add3A_520, %dma_start3A_684] : memref<416x16384xf32, #tpu.memory_space<hbm>> -> memref<1x8192xf32, #tpu.memory_space<hbm>>
      %dma_start3A_686 = tpu.memref_squeeze %dma_start3A_685 : memref<1x8192xf32, #tpu.memory_space<hbm>> -> memref<8192xf32, #tpu.memory_space<hbm>>
      tpu.enqueue_dma source(%arg7 : memref<8192xf32, #tpu.memory_space<vmem>>) target(%dma_start3A_686 : memref<8192xf32, #tpu.memory_space<hbm>>) target_semaphore(%run_scoped3A : memref<!tpu.dma_semaphore, #tpu.memory_space<semaphore_mem>>)
      %dma_wait3A = arith.constant 8192 : i32
      %dma_wait3A_687 = tpu.memref_slice %arg4[%add3A_520, %dma_wait3A] : memref<416x16384xf32, #tpu.memory_space<hbm>> -> memref<1x8192xf32, #tpu.memory_space<hbm>>
      %dma_wait3A_688 = tpu.memref_squeeze %dma_wait3A_687 : memref<1x8192xf32, #tpu.memory_space<hbm>> -> memref<8192xf32, #tpu.memory_space<hbm>>
      %dma_wait3A_689 = arith.constant 8192 : i32
      %dma_wait3A_690 = tpu.memref_slice %arg4[%add3A_520, %dma_wait3A_689] : memref<416x16384xf32, #tpu.memory_space<hbm>> -> memref<1x8192xf32, #tpu.memory_space<hbm>>
      %dma_wait3A_691 = tpu.memref_squeeze %dma_wait3A_690 : memref<1x8192xf32, #tpu.memory_space<hbm>> -> memref<8192xf32, #tpu.memory_space<hbm>>
      tpu.wait_dma2 semaphore(%run_scoped3A : memref<!tpu.dma_semaphore, #tpu.memory_space<semaphore_mem>>) src(%arg7 : memref<8192xf32, #tpu.memory_space<vmem>>) dst(%dma_wait3A_691 : memref<8192xf32, #tpu.memory_space<hbm>>)
      tpu.yield
    }) : () -> ()
    %mul3A_572 = arith.constant 13 : i32
    %mul3A_573 = arith.muli %add3A, %mul3A_572 : i32
    %add3A_574 = arith.constant 11 : i32
    %add3A_575 = arith.addi %mul3A_573, %add3A_574 : i32
    %jit3A_576 = arith.constant 16 : i32
    %div3A_577 = arith.divsi %add3A_575, %jit3A_576 : i32
    %sign3A_578 = arith.constant 0 : i32
    %sign3A_579 = arith.cmpi sgt, %add3A_575, %sign3A_578 : i32
    %sign3A_580 = arith.extui %sign3A_579 : i1 to i32
    %sign3A_581 = arith.constant 0 : i32
    %sign3A_582 = arith.cmpi slt, %add3A_575, %sign3A_581 : i32
    %sign3A_583 = arith.extui %sign3A_582 : i1 to i32
    %sign3A_584 = arith.subi %sign3A_580, %sign3A_583 : i32
    %sign3A_585 = arith.constant 0 : i32
    %sign3A_586 = arith.cmpi sgt, %jit3A_576, %sign3A_585 : i32
    %sign3A_587 = arith.extui %sign3A_586 : i1 to i32
    %sign3A_588 = arith.constant 0 : i32
    %sign3A_589 = arith.cmpi slt, %jit3A_576, %sign3A_588 : i32
    %sign3A_590 = arith.extui %sign3A_589 : i1 to i32
    %sign3A_591 = arith.subi %sign3A_587, %sign3A_590 : i32
    %ne3A_592 = arith.cmpi ne, %sign3A_584, %sign3A_591 : i32
    %rem3A_593 = arith.remsi %add3A_575, %jit3A_576 : i32
    %ne3A_594 = arith.constant 0 : i32
    %ne3A_595 = arith.cmpi ne, %rem3A_593, %ne3A_594 : i32
    %and3A_596 = arith.andi %ne3A_592, %ne3A_595 : i1
    %sub3A_597 = arith.constant 1 : i32
    %sub3A_598 = arith.subi %div3A_577, %sub3A_597 : i32
    %select_n3A_599 = arith.select %and3A_596, %sub3A_598, %div3A_577 : i32
    %jit3A_600 = arith.constant 16 : i32
    %eq3A_601 = arith.constant 0 : i32
    %eq3A_602 = arith.cmpi eq, %jit3A_600, %eq3A_601 : i32
    %jit3A_603 = arith.constant 1 : i32
    %select_n3A_604 = arith.select %eq3A_602, %jit3A_603, %jit3A_600 : i32
    %rem3A_605 = arith.remsi %add3A_575, %select_n3A_604 : i32
    %ne3A_606 = arith.constant 0 : i32
    %ne3A_607 = arith.cmpi ne, %rem3A_605, %ne3A_606 : i32
    %lt3A_608 = arith.constant 0 : i32
    %lt3A_609 = arith.cmpi slt, %rem3A_605, %lt3A_608 : i32
    %lt3A_610 = arith.constant 0 : i32
    %lt3A_611 = arith.cmpi slt, %select_n3A_604, %lt3A_610 : i32
    %ne3A_612 = arith.xori %lt3A_609, %lt3A_611 : i1
    %and3A_613 = arith.andi %ne3A_612, %ne3A_607 : i1
    %add3A_614 = arith.addi %rem3A_605, %select_n3A_604 : i32
    %select_n3A_615 = arith.select %and3A_613, %add3A_614, %rem3A_605 : i32
    %eq3A_616 = arith.constant 0 : i32
    %eq3A_617 = arith.cmpi eq, %select_n3A_615, %eq3A_616 : i32
    %convert_element_type3A_618 = arith.extui %eq3A_617 : i1 to i32
    %cond3A_619 = arith.constant 0 : i32
    %cond3A_620 = arith.cmpi ne, %convert_element_type3A_618, %cond3A_619 : i32
    scf.if %cond3A_620 {
      "tpu.region"() ({
        %run_scoped3A = tpu.sem_alloc : memref<!tpu.dma_semaphore, #tpu.memory_space<semaphore_mem>>
        %dma_start3A = arith.constant 0 : i32
        %dma_start3A_682 = tpu.memref_slice %arg3[%select_n3A_599, %dma_start3A] : memref<26x16384xi32, #tpu.memory_space<hbm>> -> memref<1x16384xi32, #tpu.memory_space<hbm>>
        %dma_start3A_683 = tpu.memref_squeeze %dma_start3A_682 : memref<1x16384xi32, #tpu.memory_space<hbm>> -> memref<16384xi32, #tpu.memory_space<hbm>>
        %dma_start3A_684 = arith.constant 0 : i32
        %dma_start3A_685 = tpu.memref_slice %arg3[%select_n3A_599, %dma_start3A_684] : memref<26x16384xi32, #tpu.memory_space<hbm>> -> memref<1x16384xi32, #tpu.memory_space<hbm>>
        %dma_start3A_686 = tpu.memref_squeeze %dma_start3A_685 : memref<1x16384xi32, #tpu.memory_space<hbm>> -> memref<16384xi32, #tpu.memory_space<hbm>>
        tpu.enqueue_dma source(%dma_start3A_686 : memref<16384xi32, #tpu.memory_space<hbm>>) target(%arg6 : memref<16384xi32, #tpu.memory_space<vmem>>) target_semaphore(%run_scoped3A : memref<!tpu.dma_semaphore, #tpu.memory_space<semaphore_mem>>)
        %dma_wait3A = arith.constant 0 : i32
        %dma_wait3A_687 = tpu.memref_slice %arg3[%select_n3A_599, %dma_wait3A] : memref<26x16384xi32, #tpu.memory_space<hbm>> -> memref<1x16384xi32, #tpu.memory_space<hbm>>
        %dma_wait3A_688 = tpu.memref_squeeze %dma_wait3A_687 : memref<1x16384xi32, #tpu.memory_space<hbm>> -> memref<16384xi32, #tpu.memory_space<hbm>>
        %dma_wait3A_689 = arith.constant 0 : i32
        %dma_wait3A_690 = tpu.memref_slice %arg3[%select_n3A_599, %dma_wait3A_689] : memref<26x16384xi32, #tpu.memory_space<hbm>> -> memref<1x16384xi32, #tpu.memory_space<hbm>>
        %dma_wait3A_691 = tpu.memref_squeeze %dma_wait3A_690 : memref<1x16384xi32, #tpu.memory_space<hbm>> -> memref<16384xi32, #tpu.memory_space<hbm>>
        tpu.wait_dma2 semaphore(%run_scoped3A : memref<!tpu.dma_semaphore, #tpu.memory_space<semaphore_mem>>) src(%dma_wait3A_691 : memref<16384xi32, #tpu.memory_space<hbm>>) dst(%arg6 : memref<16384xi32, #tpu.memory_space<vmem>>)
        tpu.yield
      }) : () -> ()
    } else {
    }
    "tpu.region"() ({
      %run_scoped3A = tpu.sem_alloc : memref<!tpu.dma_semaphore, #tpu.memory_space<semaphore_mem>>
      %dma_start3A = arith.constant 0 : i32
      %dma_start3A_682 = tpu.memref_slice %arg2[%add3A_575, %dma_start3A] : memref<416x100000xf32, #tpu.memory_space<hbm>> -> memref<1x100000xf32, #tpu.memory_space<hbm>>
      %dma_start3A_683 = tpu.memref_squeeze %dma_start3A_682 : memref<1x100000xf32, #tpu.memory_space<hbm>> -> memref<100000xf32, #tpu.memory_space<hbm>>
      %dma_start3A_684 = arith.constant 0 : i32
      %dma_start3A_685 = tpu.memref_slice %arg2[%add3A_575, %dma_start3A_684] : memref<416x100000xf32, #tpu.memory_space<hbm>> -> memref<1x100000xf32, #tpu.memory_space<hbm>>
      %dma_start3A_686 = tpu.memref_squeeze %dma_start3A_685 : memref<1x100000xf32, #tpu.memory_space<hbm>> -> memref<100000xf32, #tpu.memory_space<hbm>>
      tpu.enqueue_dma source(%dma_start3A_686 : memref<100000xf32, #tpu.memory_space<hbm>>) target(%arg5 : memref<100000xf32, #tpu.memory_space<vmem>>) target_semaphore(%run_scoped3A : memref<!tpu.dma_semaphore, #tpu.memory_space<semaphore_mem>>)
      %dma_wait3A = arith.constant 0 : i32
      %dma_wait3A_687 = tpu.memref_slice %arg2[%add3A_575, %dma_wait3A] : memref<416x100000xf32, #tpu.memory_space<hbm>> -> memref<1x100000xf32, #tpu.memory_space<hbm>>
      %dma_wait3A_688 = tpu.memref_squeeze %dma_wait3A_687 : memref<1x100000xf32, #tpu.memory_space<hbm>> -> memref<100000xf32, #tpu.memory_space<hbm>>
      %dma_wait3A_689 = arith.constant 0 : i32
      %dma_wait3A_690 = tpu.memref_slice %arg2[%add3A_575, %dma_wait3A_689] : memref<416x100000xf32, #tpu.memory_space<hbm>> -> memref<1x100000xf32, #tpu.memory_space<hbm>>
      %dma_wait3A_691 = tpu.memref_squeeze %dma_wait3A_690 : memref<1x100000xf32, #tpu.memory_space<hbm>> -> memref<100000xf32, #tpu.memory_space<hbm>>
      tpu.wait_dma2 semaphore(%run_scoped3A : memref<!tpu.dma_semaphore, #tpu.memory_space<semaphore_mem>>) src(%dma_wait3A_691 : memref<100000xf32, #tpu.memory_space<hbm>>) dst(%arg5 : memref<100000xf32, #tpu.memory_space<vmem>>)
      tpu.yield
    }) : () -> ()
    %parallel_loop3A_621 = arith.constant 0 : i32
    %parallel_loop3A_622 = arith.constant 512 : i32
    %parallel_loop3A_623 = arith.constant 1 : i32
    scf.for %parallel_loop3A_682 = %parallel_loop3A_621 to %parallel_loop3A_622 step %parallel_loop3A_623  : i32 {
      %parallel_loop3A_683 = arith.constant 16 : i32
      %parallel_loop3A_684 = arith.muli %parallel_loop3A_682, %parallel_loop3A_683 : i32
      %parallel_loop3A_685 = arith.constant 0 : i32
      %parallel_loop3A_686 = arith.addi %parallel_loop3A_685, %parallel_loop3A_684 : i32
      %parallel_loop3A_687 = arith.index_cast %parallel_loop3A_686 : i32 to index
      %parallel_loop3A_688 = tpu.vector_load %arg6[%parallel_loop3A_687] {strides = array<i32>} : memref<16384xi32, #tpu.memory_space<vmem>>, vector<16xi32>,
      %parallel_loop3A_689 = tpu.vector_load_idx %arg5[%parallel_loop3A_688] : memref<100000xf32, #tpu.memory_space<vmem>>[vector<16xi32>], vector<16xf32>,
      %parallel_loop3A_690 = arith.constant 16 : i32
      %parallel_loop3A_691 = arith.muli %parallel_loop3A_682, %parallel_loop3A_690 : i32
      %parallel_loop3A_692 = arith.index_cast %parallel_loop3A_691 : i32 to index
      %parallel_loop3A_693 = tpu.vector_load %arg7[%parallel_loop3A_692] {strides = array<i32>} : memref<8192xf32, #tpu.memory_space<vmem>>, vector<16xf32>,
      tpu.vector_store %arg7[%parallel_loop3A_692], %parallel_loop3A_689 {strides = array<i32>} : memref<8192xf32, #tpu.memory_space<vmem>>, vector<16xf32>,
    } {sc.loop_unroll_factor = 8 : i64, sc.parallel_access}
    "tpu.region"() ({
      %run_scoped3A = tpu.sem_alloc : memref<!tpu.dma_semaphore, #tpu.memory_space<semaphore_mem>>
      %dma_start3A = arith.constant 0 : i32
      %dma_start3A_682 = tpu.memref_slice %arg4[%add3A_575, %dma_start3A] : memref<416x16384xf32, #tpu.memory_space<hbm>> -> memref<1x8192xf32, #tpu.memory_space<hbm>>
      %dma_start3A_683 = tpu.memref_squeeze %dma_start3A_682 : memref<1x8192xf32, #tpu.memory_space<hbm>> -> memref<8192xf32, #tpu.memory_space<hbm>>
      %dma_start3A_684 = arith.constant 0 : i32
      %dma_start3A_685 = tpu.memref_slice %arg4[%add3A_575, %dma_start3A_684] : memref<416x16384xf32, #tpu.memory_space<hbm>> -> memref<1x8192xf32, #tpu.memory_space<hbm>>
      %dma_start3A_686 = tpu.memref_squeeze %dma_start3A_685 : memref<1x8192xf32, #tpu.memory_space<hbm>> -> memref<8192xf32, #tpu.memory_space<hbm>>
      tpu.enqueue_dma source(%arg7 : memref<8192xf32, #tpu.memory_space<vmem>>) target(%dma_start3A_686 : memref<8192xf32, #tpu.memory_space<hbm>>) target_semaphore(%run_scoped3A : memref<!tpu.dma_semaphore, #tpu.memory_space<semaphore_mem>>)
      %dma_wait3A = arith.constant 0 : i32
      %dma_wait3A_687 = tpu.memref_slice %arg4[%add3A_575, %dma_wait3A] : memref<416x16384xf32, #tpu.memory_space<hbm>> -> memref<1x8192xf32, #tpu.memory_space<hbm>>
      %dma_wait3A_688 = tpu.memref_squeeze %dma_wait3A_687 : memref<1x8192xf32, #tpu.memory_space<hbm>> -> memref<8192xf32, #tpu.memory_space<hbm>>
      %dma_wait3A_689 = arith.constant 0 : i32
      %dma_wait3A_690 = tpu.memref_slice %arg4[%add3A_575, %dma_wait3A_689] : memref<416x16384xf32, #tpu.memory_space<hbm>> -> memref<1x8192xf32, #tpu.memory_space<hbm>>
      %dma_wait3A_691 = tpu.memref_squeeze %dma_wait3A_690 : memref<1x8192xf32, #tpu.memory_space<hbm>> -> memref<8192xf32, #tpu.memory_space<hbm>>
      tpu.wait_dma2 semaphore(%run_scoped3A : memref<!tpu.dma_semaphore, #tpu.memory_space<semaphore_mem>>) src(%arg7 : memref<8192xf32, #tpu.memory_space<vmem>>) dst(%dma_wait3A_691 : memref<8192xf32, #tpu.memory_space<hbm>>)
      tpu.yield
    }) : () -> ()
    %parallel_loop3A_624 = arith.constant 0 : i32
    %parallel_loop3A_625 = arith.constant 512 : i32
    %parallel_loop3A_626 = arith.constant 1 : i32
    scf.for %parallel_loop3A_682 = %parallel_loop3A_624 to %parallel_loop3A_625 step %parallel_loop3A_626  : i32 {
      %parallel_loop3A_683 = arith.constant 16 : i32
      %parallel_loop3A_684 = arith.muli %parallel_loop3A_682, %parallel_loop3A_683 : i32
      %parallel_loop3A_685 = arith.constant 8192 : i32
      %parallel_loop3A_686 = arith.addi %parallel_loop3A_685, %parallel_loop3A_684 : i32
      %parallel_loop3A_687 = arith.index_cast %parallel_loop3A_686 : i32 to index
      %parallel_loop3A_688 = tpu.vector_load %arg6[%parallel_loop3A_687] {strides = array<i32>} : memref<16384xi32, #tpu.memory_space<vmem>>, vector<16xi32>,
      %parallel_loop3A_689 = tpu.vector_load_idx %arg5[%parallel_loop3A_688] : memref<100000xf32, #tpu.memory_space<vmem>>[vector<16xi32>], vector<16xf32>,
      %parallel_loop3A_690 = arith.constant 16 : i32
      %parallel_loop3A_691 = arith.muli %parallel_loop3A_682, %parallel_loop3A_690 : i32
      %parallel_loop3A_692 = arith.index_cast %parallel_loop3A_691 : i32 to index
      %parallel_loop3A_693 = tpu.vector_load %arg7[%parallel_loop3A_692] {strides = array<i32>} : memref<8192xf32, #tpu.memory_space<vmem>>, vector<16xf32>,
      tpu.vector_store %arg7[%parallel_loop3A_692], %parallel_loop3A_689 {strides = array<i32>} : memref<8192xf32, #tpu.memory_space<vmem>>, vector<16xf32>,
    } {sc.loop_unroll_factor = 8 : i64, sc.parallel_access}
    "tpu.region"() ({
      %run_scoped3A = tpu.sem_alloc : memref<!tpu.dma_semaphore, #tpu.memory_space<semaphore_mem>>
      %dma_start3A = arith.constant 8192 : i32
      %dma_start3A_682 = tpu.memref_slice %arg4[%add3A_575, %dma_start3A] : memref<416x16384xf32, #tpu.memory_space<hbm>> -> memref<1x8192xf32, #tpu.memory_space<hbm>>
      %dma_start3A_683 = tpu.memref_squeeze %dma_start3A_682 : memref<1x8192xf32, #tpu.memory_space<hbm>> -> memref<8192xf32, #tpu.memory_space<hbm>>
      %dma_start3A_684 = arith.constant 8192 : i32
      %dma_start3A_685 = tpu.memref_slice %arg4[%add3A_575, %dma_start3A_684] : memref<416x16384xf32, #tpu.memory_space<hbm>> -> memref<1x8192xf32, #tpu.memory_space<hbm>>
      %dma_start3A_686 = tpu.memref_squeeze %dma_start3A_685 : memref<1x8192xf32, #tpu.memory_space<hbm>> -> memref<8192xf32, #tpu.memory_space<hbm>>
      tpu.enqueue_dma source(%arg7 : memref<8192xf32, #tpu.memory_space<vmem>>) target(%dma_start3A_686 : memref<8192xf32, #tpu.memory_space<hbm>>) target_semaphore(%run_scoped3A : memref<!tpu.dma_semaphore, #tpu.memory_space<semaphore_mem>>)
      %dma_wait3A = arith.constant 8192 : i32
      %dma_wait3A_687 = tpu.memref_slice %arg4[%add3A_575, %dma_wait3A] : memref<416x16384xf32, #tpu.memory_space<hbm>> -> memref<1x8192xf32, #tpu.memory_space<hbm>>
      %dma_wait3A_688 = tpu.memref_squeeze %dma_wait3A_687 : memref<1x8192xf32, #tpu.memory_space<hbm>> -> memref<8192xf32, #tpu.memory_space<hbm>>
      %dma_wait3A_689 = arith.constant 8192 : i32
      %dma_wait3A_690 = tpu.memref_slice %arg4[%add3A_575, %dma_wait3A_689] : memref<416x16384xf32, #tpu.memory_space<hbm>> -> memref<1x8192xf32, #tpu.memory_space<hbm>>
      %dma_wait3A_691 = tpu.memref_squeeze %dma_wait3A_690 : memref<1x8192xf32, #tpu.memory_space<hbm>> -> memref<8192xf32, #tpu.memory_space<hbm>>
      tpu.wait_dma2 semaphore(%run_scoped3A : memref<!tpu.dma_semaphore, #tpu.memory_space<semaphore_mem>>) src(%arg7 : memref<8192xf32, #tpu.memory_space<vmem>>) dst(%dma_wait3A_691 : memref<8192xf32, #tpu.memory_space<hbm>>)
      tpu.yield
    }) : () -> ()
    %mul3A_627 = arith.constant 13 : i32
    %mul3A_628 = arith.muli %add3A, %mul3A_627 : i32
    %add3A_629 = arith.constant 12 : i32
    %add3A_630 = arith.addi %mul3A_628, %add3A_629 : i32
    %jit3A_631 = arith.constant 16 : i32
    %div3A_632 = arith.divsi %add3A_630, %jit3A_631 : i32
    %sign3A_633 = arith.constant 0 : i32
    %sign3A_634 = arith.cmpi sgt, %add3A_630, %sign3A_633 : i32
    %sign3A_635 = arith.extui %sign3A_634 : i1 to i32
    %sign3A_636 = arith.constant 0 : i32
    %sign3A_637 = arith.cmpi slt, %add3A_630, %sign3A_636 : i32
    %sign3A_638 = arith.extui %sign3A_637 : i1 to i32
    %sign3A_639 = arith.subi %sign3A_635, %sign3A_638 : i32
    %sign3A_640 = arith.constant 0 : i32
    %sign3A_641 = arith.cmpi sgt, %jit3A_631, %sign3A_640 : i32
    %sign3A_642 = arith.extui %sign3A_641 : i1 to i32
    %sign3A_643 = arith.constant 0 : i32
    %sign3A_644 = arith.cmpi slt, %jit3A_631, %sign3A_643 : i32
    %sign3A_645 = arith.extui %sign3A_644 : i1 to i32
    %sign3A_646 = arith.subi %sign3A_642, %sign3A_645 : i32
    %ne3A_647 = arith.cmpi ne, %sign3A_639, %sign3A_646 : i32
    %rem3A_648 = arith.remsi %add3A_630, %jit3A_631 : i32
    %ne3A_649 = arith.constant 0 : i32
    %ne3A_650 = arith.cmpi ne, %rem3A_648, %ne3A_649 : i32
    %and3A_651 = arith.andi %ne3A_647, %ne3A_650 : i1
    %sub3A_652 = arith.constant 1 : i32
    %sub3A_653 = arith.subi %div3A_632, %sub3A_652 : i32
    %select_n3A_654 = arith.select %and3A_651, %sub3A_653, %div3A_632 : i32
    %jit3A_655 = arith.constant 16 : i32
    %eq3A_656 = arith.constant 0 : i32
    %eq3A_657 = arith.cmpi eq, %jit3A_655, %eq3A_656 : i32
    %jit3A_658 = arith.constant 1 : i32
    %select_n3A_659 = arith.select %eq3A_657, %jit3A_658, %jit3A_655 : i32
    %rem3A_660 = arith.remsi %add3A_630, %select_n3A_659 : i32
    %ne3A_661 = arith.constant 0 : i32
    %ne3A_662 = arith.cmpi ne, %rem3A_660, %ne3A_661 : i32
    %lt3A_663 = arith.constant 0 : i32
    %lt3A_664 = arith.cmpi slt, %rem3A_660, %lt3A_663 : i32
    %lt3A_665 = arith.constant 0 : i32
    %lt3A_666 = arith.cmpi slt, %select_n3A_659, %lt3A_665 : i32
    %ne3A_667 = arith.xori %lt3A_664, %lt3A_666 : i1
    %and3A_668 = arith.andi %ne3A_667, %ne3A_662 : i1
    %add3A_669 = arith.addi %rem3A_660, %select_n3A_659 : i32
    %select_n3A_670 = arith.select %and3A_668, %add3A_669, %rem3A_660 : i32
    %eq3A_671 = arith.constant 0 : i32
    %eq3A_672 = arith.cmpi eq, %select_n3A_670, %eq3A_671 : i32
    %convert_element_type3A_673 = arith.extui %eq3A_672 : i1 to i32
    %cond3A_674 = arith.constant 0 : i32
    %cond3A_675 = arith.cmpi ne, %convert_element_type3A_673, %cond3A_674 : i32
    scf.if %cond3A_675 {
      "tpu.region"() ({
        %run_scoped3A = tpu.sem_alloc : memref<!tpu.dma_semaphore, #tpu.memory_space<semaphore_mem>>
        %dma_start3A = arith.constant 0 : i32
        %dma_start3A_682 = tpu.memref_slice %arg3[%select_n3A_654, %dma_start3A] : memref<26x16384xi32, #tpu.memory_space<hbm>> -> memref<1x16384xi32, #tpu.memory_space<hbm>>
        %dma_start3A_683 = tpu.memref_squeeze %dma_start3A_682 : memref<1x16384xi32, #tpu.memory_space<hbm>> -> memref<16384xi32, #tpu.memory_space<hbm>>
        %dma_start3A_684 = arith.constant 0 : i32
        %dma_start3A_685 = tpu.memref_slice %arg3[%select_n3A_654, %dma_start3A_684] : memref<26x16384xi32, #tpu.memory_space<hbm>> -> memref<1x16384xi32, #tpu.memory_space<hbm>>
        %dma_start3A_686 = tpu.memref_squeeze %dma_start3A_685 : memref<1x16384xi32, #tpu.memory_space<hbm>> -> memref<16384xi32, #tpu.memory_space<hbm>>
        tpu.enqueue_dma source(%dma_start3A_686 : memref<16384xi32, #tpu.memory_space<hbm>>) target(%arg6 : memref<16384xi32, #tpu.memory_space<vmem>>) target_semaphore(%run_scoped3A : memref<!tpu.dma_semaphore, #tpu.memory_space<semaphore_mem>>)
        %dma_wait3A = arith.constant 0 : i32
        %dma_wait3A_687 = tpu.memref_slice %arg3[%select_n3A_654, %dma_wait3A] : memref<26x16384xi32, #tpu.memory_space<hbm>> -> memref<1x16384xi32, #tpu.memory_space<hbm>>
        %dma_wait3A_688 = tpu.memref_squeeze %dma_wait3A_687 : memref<1x16384xi32, #tpu.memory_space<hbm>> -> memref<16384xi32, #tpu.memory_space<hbm>>
        %dma_wait3A_689 = arith.constant 0 : i32
        %dma_wait3A_690 = tpu.memref_slice %arg3[%select_n3A_654, %dma_wait3A_689] : memref<26x16384xi32, #tpu.memory_space<hbm>> -> memref<1x16384xi32, #tpu.memory_space<hbm>>
        %dma_wait3A_691 = tpu.memref_squeeze %dma_wait3A_690 : memref<1x16384xi32, #tpu.memory_space<hbm>> -> memref<16384xi32, #tpu.memory_space<hbm>>
        tpu.wait_dma2 semaphore(%run_scoped3A : memref<!tpu.dma_semaphore, #tpu.memory_space<semaphore_mem>>) src(%dma_wait3A_691 : memref<16384xi32, #tpu.memory_space<hbm>>) dst(%arg6 : memref<16384xi32, #tpu.memory_space<vmem>>)
        tpu.yield
      }) : () -> ()
    } else {
    }
    "tpu.region"() ({
      %run_scoped3A = tpu.sem_alloc : memref<!tpu.dma_semaphore, #tpu.memory_space<semaphore_mem>>
      %dma_start3A = arith.constant 0 : i32
      %dma_start3A_682 = tpu.memref_slice %arg2[%add3A_630, %dma_start3A] : memref<416x100000xf32, #tpu.memory_space<hbm>> -> memref<1x100000xf32, #tpu.memory_space<hbm>>
      %dma_start3A_683 = tpu.memref_squeeze %dma_start3A_682 : memref<1x100000xf32, #tpu.memory_space<hbm>> -> memref<100000xf32, #tpu.memory_space<hbm>>
      %dma_start3A_684 = arith.constant 0 : i32
      %dma_start3A_685 = tpu.memref_slice %arg2[%add3A_630, %dma_start3A_684] : memref<416x100000xf32, #tpu.memory_space<hbm>> -> memref<1x100000xf32, #tpu.memory_space<hbm>>
      %dma_start3A_686 = tpu.memref_squeeze %dma_start3A_685 : memref<1x100000xf32, #tpu.memory_space<hbm>> -> memref<100000xf32, #tpu.memory_space<hbm>>
      tpu.enqueue_dma source(%dma_start3A_686 : memref<100000xf32, #tpu.memory_space<hbm>>) target(%arg5 : memref<100000xf32, #tpu.memory_space<vmem>>) target_semaphore(%run_scoped3A : memref<!tpu.dma_semaphore, #tpu.memory_space<semaphore_mem>>)
      %dma_wait3A = arith.constant 0 : i32
      %dma_wait3A_687 = tpu.memref_slice %arg2[%add3A_630, %dma_wait3A] : memref<416x100000xf32, #tpu.memory_space<hbm>> -> memref<1x100000xf32, #tpu.memory_space<hbm>>
      %dma_wait3A_688 = tpu.memref_squeeze %dma_wait3A_687 : memref<1x100000xf32, #tpu.memory_space<hbm>> -> memref<100000xf32, #tpu.memory_space<hbm>>
      %dma_wait3A_689 = arith.constant 0 : i32
      %dma_wait3A_690 = tpu.memref_slice %arg2[%add3A_630, %dma_wait3A_689] : memref<416x100000xf32, #tpu.memory_space<hbm>> -> memref<1x100000xf32, #tpu.memory_space<hbm>>
      %dma_wait3A_691 = tpu.memref_squeeze %dma_wait3A_690 : memref<1x100000xf32, #tpu.memory_space<hbm>> -> memref<100000xf32, #tpu.memory_space<hbm>>
      tpu.wait_dma2 semaphore(%run_scoped3A : memref<!tpu.dma_semaphore, #tpu.memory_space<semaphore_mem>>) src(%dma_wait3A_691 : memref<100000xf32, #tpu.memory_space<hbm>>) dst(%arg5 : memref<100000xf32, #tpu.memory_space<vmem>>)
      tpu.yield
    }) : () -> ()
    %parallel_loop3A_676 = arith.constant 0 : i32
    %parallel_loop3A_677 = arith.constant 512 : i32
    %parallel_loop3A_678 = arith.constant 1 : i32
    scf.for %parallel_loop3A_682 = %parallel_loop3A_676 to %parallel_loop3A_677 step %parallel_loop3A_678  : i32 {
      %parallel_loop3A_683 = arith.constant 16 : i32
      %parallel_loop3A_684 = arith.muli %parallel_loop3A_682, %parallel_loop3A_683 : i32
      %parallel_loop3A_685 = arith.constant 0 : i32
      %parallel_loop3A_686 = arith.addi %parallel_loop3A_685, %parallel_loop3A_684 : i32
      %parallel_loop3A_687 = arith.index_cast %parallel_loop3A_686 : i32 to index
      %parallel_loop3A_688 = tpu.vector_load %arg6[%parallel_loop3A_687] {strides = array<i32>} : memref<16384xi32, #tpu.memory_space<vmem>>, vector<16xi32>,
      %parallel_loop3A_689 = tpu.vector_load_idx %arg5[%parallel_loop3A_688] : memref<100000xf32, #tpu.memory_space<vmem>>[vector<16xi32>], vector<16xf32>,
      %parallel_loop3A_690 = arith.constant 16 : i32
      %parallel_loop3A_691 = arith.muli %parallel_loop3A_682, %parallel_loop3A_690 : i32
      %parallel_loop3A_692 = arith.index_cast %parallel_loop3A_691 : i32 to index
      %parallel_loop3A_693 = tpu.vector_load %arg7[%parallel_loop3A_692] {strides = array<i32>} : memref<8192xf32, #tpu.memory_space<vmem>>, vector<16xf32>,
      tpu.vector_store %arg7[%parallel_loop3A_692], %parallel_loop3A_689 {strides = array<i32>} : memref<8192xf32, #tpu.memory_space<vmem>>, vector<16xf32>,
    } {sc.loop_unroll_factor = 8 : i64, sc.parallel_access}
    "tpu.region"() ({
      %run_scoped3A = tpu.sem_alloc : memref<!tpu.dma_semaphore, #tpu.memory_space<semaphore_mem>>
      %dma_start3A = arith.constant 0 : i32
      %dma_start3A_682 = tpu.memref_slice %arg4[%add3A_630, %dma_start3A] : memref<416x16384xf32, #tpu.memory_space<hbm>> -> memref<1x8192xf32, #tpu.memory_space<hbm>>
      %dma_start3A_683 = tpu.memref_squeeze %dma_start3A_682 : memref<1x8192xf32, #tpu.memory_space<hbm>> -> memref<8192xf32, #tpu.memory_space<hbm>>
      %dma_start3A_684 = arith.constant 0 : i32
      %dma_start3A_685 = tpu.memref_slice %arg4[%add3A_630, %dma_start3A_684] : memref<416x16384xf32, #tpu.memory_space<hbm>> -> memref<1x8192xf32, #tpu.memory_space<hbm>>
      %dma_start3A_686 = tpu.memref_squeeze %dma_start3A_685 : memref<1x8192xf32, #tpu.memory_space<hbm>> -> memref<8192xf32, #tpu.memory_space<hbm>>
      tpu.enqueue_dma source(%arg7 : memref<8192xf32, #tpu.memory_space<vmem>>) target(%dma_start3A_686 : memref<8192xf32, #tpu.memory_space<hbm>>) target_semaphore(%run_scoped3A : memref<!tpu.dma_semaphore, #tpu.memory_space<semaphore_mem>>)
      %dma_wait3A = arith.constant 0 : i32
      %dma_wait3A_687 = tpu.memref_slice %arg4[%add3A_630, %dma_wait3A] : memref<416x16384xf32, #tpu.memory_space<hbm>> -> memref<1x8192xf32, #tpu.memory_space<hbm>>
      %dma_wait3A_688 = tpu.memref_squeeze %dma_wait3A_687 : memref<1x8192xf32, #tpu.memory_space<hbm>> -> memref<8192xf32, #tpu.memory_space<hbm>>
      %dma_wait3A_689 = arith.constant 0 : i32
      %dma_wait3A_690 = tpu.memref_slice %arg4[%add3A_630, %dma_wait3A_689] : memref<416x16384xf32, #tpu.memory_space<hbm>> -> memref<1x8192xf32, #tpu.memory_space<hbm>>
      %dma_wait3A_691 = tpu.memref_squeeze %dma_wait3A_690 : memref<1x8192xf32, #tpu.memory_space<hbm>> -> memref<8192xf32, #tpu.memory_space<hbm>>
      tpu.wait_dma2 semaphore(%run_scoped3A : memref<!tpu.dma_semaphore, #tpu.memory_space<semaphore_mem>>) src(%arg7 : memref<8192xf32, #tpu.memory_space<vmem>>) dst(%dma_wait3A_691 : memref<8192xf32, #tpu.memory_space<hbm>>)
      tpu.yield
    }) : () -> ()
    %parallel_loop3A_679 = arith.constant 0 : i32
    %parallel_loop3A_680 = arith.constant 512 : i32
    %parallel_loop3A_681 = arith.constant 1 : i32
    scf.for %parallel_loop3A_682 = %parallel_loop3A_679 to %parallel_loop3A_680 step %parallel_loop3A_681  : i32 {
      %parallel_loop3A_683 = arith.constant 16 : i32
      %parallel_loop3A_684 = arith.muli %parallel_loop3A_682, %parallel_loop3A_683 : i32
      %parallel_loop3A_685 = arith.constant 8192 : i32
      %parallel_loop3A_686 = arith.addi %parallel_loop3A_685, %parallel_loop3A_684 : i32
      %parallel_loop3A_687 = arith.index_cast %parallel_loop3A_686 : i32 to index
      %parallel_loop3A_688 = tpu.vector_load %arg6[%parallel_loop3A_687] {strides = array<i32>} : memref<16384xi32, #tpu.memory_space<vmem>>, vector<16xi32>,
      %parallel_loop3A_689 = tpu.vector_load_idx %arg5[%parallel_loop3A_688] : memref<100000xf32, #tpu.memory_space<vmem>>[vector<16xi32>], vector<16xf32>,
      %parallel_loop3A_690 = arith.constant 16 : i32
      %parallel_loop3A_691 = arith.muli %parallel_loop3A_682, %parallel_loop3A_690 : i32
      %parallel_loop3A_692 = arith.index_cast %parallel_loop3A_691 : i32 to index
      %parallel_loop3A_693 = tpu.vector_load %arg7[%parallel_loop3A_692] {strides = array<i32>} : memref<8192xf32, #tpu.memory_space<vmem>>, vector<16xf32>,
      tpu.vector_store %arg7[%parallel_loop3A_692], %parallel_loop3A_689 {strides = array<i32>} : memref<8192xf32, #tpu.memory_space<vmem>>, vector<16xf32>,
    } {sc.loop_unroll_factor = 8 : i64, sc.parallel_access}
    "tpu.region"() ({
      %run_scoped3A = tpu.sem_alloc : memref<!tpu.dma_semaphore, #tpu.memory_space<semaphore_mem>>
      %dma_start3A = arith.constant 8192 : i32
      %dma_start3A_682 = tpu.memref_slice %arg4[%add3A_630, %dma_start3A] : memref<416x16384xf32, #tpu.memory_space<hbm>> -> memref<1x8192xf32, #tpu.memory_space<hbm>>
      %dma_start3A_683 = tpu.memref_squeeze %dma_start3A_682 : memref<1x8192xf32, #tpu.memory_space<hbm>> -> memref<8192xf32, #tpu.memory_space<hbm>>
      %dma_start3A_684 = arith.constant 8192 : i32
      %dma_start3A_685 = tpu.memref_slice %arg4[%add3A_630, %dma_start3A_684] : memref<416x16384xf32, #tpu.memory_space<hbm>> -> memref<1x8192xf32, #tpu.memory_space<hbm>>
      %dma_start3A_686 = tpu.memref_squeeze %dma_start3A_685 : memref<1x8192xf32, #tpu.memory_space<hbm>> -> memref<8192xf32, #tpu.memory_space<hbm>>
      tpu.enqueue_dma source(%arg7 : memref<8192xf32, #tpu.memory_space<vmem>>) target(%dma_start3A_686 : memref<8192xf32, #tpu.memory_space<hbm>>) target_semaphore(%run_scoped3A : memref<!tpu.dma_semaphore, #tpu.memory_space<semaphore_mem>>)
      %dma_wait3A = arith.constant 8192 : i32
      %dma_wait3A_687 = tpu.memref_slice %arg4[%add3A_630, %dma_wait3A] : memref<416x16384xf32, #tpu.memory_space<hbm>> -> memref<1x8192xf32, #tpu.memory_space<hbm>>
      %dma_wait3A_688 = tpu.memref_squeeze %dma_wait3A_687 : memref<1x8192xf32, #tpu.memory_space<hbm>> -> memref<8192xf32, #tpu.memory_space<hbm>>
      %dma_wait3A_689 = arith.constant 8192 : i32
      %dma_wait3A_690 = tpu.memref_slice %arg4[%add3A_630, %dma_wait3A_689] : memref<416x16384xf32, #tpu.memory_space<hbm>> -> memref<1x8192xf32, #tpu.memory_space<hbm>>
      %dma_wait3A_691 = tpu.memref_squeeze %dma_wait3A_690 : memref<1x8192xf32, #tpu.memory_space<hbm>> -> memref<8192xf32, #tpu.memory_space<hbm>>
      tpu.wait_dma2 semaphore(%run_scoped3A : memref<!tpu.dma_semaphore, #tpu.memory_space<semaphore_mem>>) src(%arg7 : memref<8192xf32, #tpu.memory_space<vmem>>) dst(%dma_wait3A_691 : memref<8192xf32, #tpu.memory_space<hbm>>)
      tpu.yield
    }) : () -> ()
    return
  }
}

module attributes {stable_mosaic.version = 14 : i64} {
  func.func @_mlp_body(%arg0: i32, %arg1: memref<416x2048xf32, #tpu.memory_space<vmem>>, %arg2: memref<13x2048xf32, #tpu.memory_space<vmem>>, %arg3: memref<13x1xf32, #tpu.memory_space<vmem>>, %arg4: memref<13x1xf32, #tpu.memory_space<vmem>>, %arg5: memref<32x416xf32, #tpu.memory_space<vmem>>, %arg6: memref<32x13xf32, #tpu.memory_space<vmem>>, %arg7: memref<32x1xf32, #tpu.memory_space<vmem>>, %arg8: memref<1x32xf32, #tpu.memory_space<vmem>>, %arg9: memref<1x1xf32, #tpu.memory_space<vmem>>, %arg10: memref<1x2048xf32, #tpu.memory_space<vmem>>) attributes {dimension_semantics = [#tpu.dimension_semantics<arbitrary>], iteration_bounds = array<i64: 8>, scalar_prefetch = 0 : i64, scratch_operands = 0 : i64, tpu.core_type = #tpu.core_type<tc>, window_params = [{transform_indices = @transform_0, window_bounds = array<i64: 416, 2048>}, {transform_indices = @transform_1, window_bounds = array<i64: 13, 2048>}, {pipeline_mode = #tpu.pipeline_mode<synchronous>, transform_indices = @transform_2, window_bounds = array<i64: 13, 1>}, {pipeline_mode = #tpu.pipeline_mode<synchronous>, transform_indices = @transform_3, window_bounds = array<i64: 13, 1>}, {pipeline_mode = #tpu.pipeline_mode<synchronous>, transform_indices = @transform_4, window_bounds = array<i64: 32, 416>}, {pipeline_mode = #tpu.pipeline_mode<synchronous>, transform_indices = @transform_5, window_bounds = array<i64: 32, 13>}, {pipeline_mode = #tpu.pipeline_mode<synchronous>, transform_indices = @transform_6, window_bounds = array<i64: 32, 1>}, {pipeline_mode = #tpu.pipeline_mode<synchronous>, transform_indices = @transform_7, window_bounds = array<i64: 1, 32>}, {pipeline_mode = #tpu.pipeline_mode<synchronous>, transform_indices = @transform_8, window_bounds = array<i64: 1, 1>}, {transform_indices = @transform_9, window_bounds = array<i64: 1, 2048>}]} {
    %get3A = arith.constant 0 : index
    %get3A_0 = arith.constant 0 : index
    %get3A_1 = vector.load %arg2[%get3A, %get3A_0] : memref<13x2048xf32, #tpu.memory_space<vmem>>, vector<13x2048xf32>
    %get3A_2 = arith.constant 0 : index
    %get3A_3 = arith.constant 0 : index
    %get3A_4 = vector.load %arg3[%get3A_2, %get3A_3] : memref<13x1xf32, #tpu.memory_space<vmem>>, vector<13x1xf32>
    %sub3A = vector.broadcast %get3A_4 : vector<13x1xf32> to vector<13x2048xf32>
    %sub3A_5 = arith.subf %get3A_1, %sub3A : vector<13x2048xf32>
    %get3A_6 = arith.constant 0 : index
    %get3A_7 = arith.constant 0 : index
    %get3A_8 = vector.load %arg4[%get3A_6, %get3A_7] : memref<13x1xf32, #tpu.memory_space<vmem>>, vector<13x1xf32>
    %div3A = vector.broadcast %get3A_8 : vector<13x1xf32> to vector<13x2048xf32>
    %div3A_9 = arith.divf %sub3A_5, %div3A : vector<13x2048xf32>
    %get3A_10 = arith.constant 0 : index
    %get3A_11 = arith.constant 0 : index
    %get3A_12 = vector.load %arg5[%get3A_10, %get3A_11] : memref<32x416xf32, #tpu.memory_space<vmem>>, vector<32x416xf32>
    %get3A_13 = arith.constant 0 : index
    %get3A_14 = arith.constant 0 : index
    %get3A_15 = vector.load %arg1[%get3A_13, %get3A_14] : memref<416x2048xf32, #tpu.memory_space<vmem>>, vector<416x2048xf32>
    %dot_general3A = arith.constant dense<0.000000e+00> : vector<32x2048xf32>
    %dot_general3A_16 = tpu.matmul %get3A_12, %get3A_15, %dot_general3A {dimension_numbers = #tpu.dot_dimension_numbers<[1], [0], [0], [1], [0, 0, 1, 1], [], []>, transpose_lhs_hint = false} : vector<32x416xf32>, vector<416x2048xf32>, vector<32x2048xf32> -> vector<32x2048xf32>
    %get3A_17 = arith.constant 0 : index
    %get3A_18 = arith.constant 0 : index
    %get3A_19 = vector.load %arg6[%get3A_17, %get3A_18] : memref<32x13xf32, #tpu.memory_space<vmem>>, vector<32x13xf32>
    %dot_general3A_20 = arith.constant dense<0.000000e+00> : vector<32x2048xf32>
    %dot_general3A_21 = tpu.matmul %get3A_19, %div3A_9, %dot_general3A_20 {dimension_numbers = #tpu.dot_dimension_numbers<[1], [0], [0], [1], [0, 0, 1, 1], [], []>, transpose_lhs_hint = false} : vector<32x13xf32>, vector<13x2048xf32>, vector<32x2048xf32> -> vector<32x2048xf32>
    %add3A = arith.addf %dot_general3A_16, %dot_general3A_21 : vector<32x2048xf32>
    %get3A_22 = arith.constant 0 : index
    %get3A_23 = arith.constant 0 : index
    %get3A_24 = vector.load %arg7[%get3A_22, %get3A_23] : memref<32x1xf32, #tpu.memory_space<vmem>>, vector<32x1xf32>
    %add3A_25 = vector.broadcast %get3A_24 : vector<32x1xf32> to vector<32x2048xf32>
    %add3A_26 = arith.addf %add3A, %add3A_25 : vector<32x2048xf32>
    %max3A = arith.constant 0.000000e+00 : f32
    %max3A_27 = vector.broadcast %max3A : f32 to vector<32x2048xf32>
    %max3A_28 = arith.maximumf %add3A_26, %max3A_27 : vector<32x2048xf32>
    %get3A_29 = arith.constant 0 : index
    %get3A_30 = arith.constant 0 : index
    %get3A_31 = vector.load %arg8[%get3A_29, %get3A_30] : memref<1x32xf32, #tpu.memory_space<vmem>>, vector<1x32xf32>
    %dot_general3A_32 = arith.constant dense<0.000000e+00> : vector<1x2048xf32>
    %dot_general3A_33 = tpu.matmul %get3A_31, %max3A_28, %dot_general3A_32 {dimension_numbers = #tpu.dot_dimension_numbers<[1], [0], [0], [1], [0, 0, 1, 1], [], []>, transpose_lhs_hint = false} : vector<1x32xf32>, vector<32x2048xf32>, vector<1x2048xf32> -> vector<1x2048xf32>
    %get3A_34 = arith.constant 0 : index
    %get3A_35 = arith.constant 0 : index
    %get3A_36 = vector.load %arg9[%get3A_34, %get3A_35] : memref<1x1xf32, #tpu.memory_space<vmem>>, vector<1x1xf32>
    %add3A_37 = vector.broadcast %get3A_36 : vector<1x1xf32> to vector<1x2048xf32>
    %add3A_38 = arith.addf %dot_general3A_33, %add3A_37 : vector<1x2048xf32>
    %swap3A = arith.constant 0 : index
    %swap3A_39 = arith.constant 0 : index
    %swap3A_40 = vector.load %arg10[%swap3A, %swap3A_39] : memref<1x2048xf32, #tpu.memory_space<vmem>>, vector<1x2048xf32>
    tpu.vector_store %arg10[%swap3A, %swap3A_39], %add3A_38 {strides = array<i32>} : memref<1x2048xf32, #tpu.memory_space<vmem>>, vector<1x2048xf32>,
    return
  }
  func.func @transform_0(%arg0: i32) -> (i32, i32) {
    %c0_i32 = arith.constant 0 : i32
    %c0_i32_0 = arith.constant 0 : i32
    return %c0_i32, %arg0 : i32, i32
  }
  func.func @transform_1(%arg0: i32) -> (i32, i32) {
    %c0_i32 = arith.constant 0 : i32
    %c0_i32_0 = arith.constant 0 : i32
    return %c0_i32, %arg0 : i32, i32
  }
  func.func @transform_2(%arg0: i32) -> (i32, i32) {
    %c0_i32 = arith.constant 0 : i32
    %c0_i32_0 = arith.constant 0 : i32
    %c0_i32_1 = arith.constant 0 : i32
    return %c0_i32, %c0_i32_0 : i32, i32
  }
  func.func @transform_3(%arg0: i32) -> (i32, i32) {
    %c0_i32 = arith.constant 0 : i32
    %c0_i32_0 = arith.constant 0 : i32
    %c0_i32_1 = arith.constant 0 : i32
    return %c0_i32, %c0_i32_0 : i32, i32
  }
  func.func @transform_4(%arg0: i32) -> (i32, i32) {
    %c0_i32 = arith.constant 0 : i32
    %c0_i32_0 = arith.constant 0 : i32
    %c0_i32_1 = arith.constant 0 : i32
    return %c0_i32, %c0_i32_0 : i32, i32
  }
  func.func @transform_5(%arg0: i32) -> (i32, i32) {
    %c0_i32 = arith.constant 0 : i32
    %c0_i32_0 = arith.constant 0 : i32
    %c0_i32_1 = arith.constant 0 : i32
    return %c0_i32, %c0_i32_0 : i32, i32
  }
  func.func @transform_6(%arg0: i32) -> (i32, i32) {
    %c0_i32 = arith.constant 0 : i32
    %c0_i32_0 = arith.constant 0 : i32
    %c0_i32_1 = arith.constant 0 : i32
    return %c0_i32, %c0_i32_0 : i32, i32
  }
  func.func @transform_7(%arg0: i32) -> (i32, i32) {
    %c0_i32 = arith.constant 0 : i32
    %c0_i32_0 = arith.constant 0 : i32
    %c0_i32_1 = arith.constant 0 : i32
    return %c0_i32, %c0_i32_0 : i32, i32
  }
  func.func @transform_8(%arg0: i32) -> (i32, i32) {
    %c0_i32 = arith.constant 0 : i32
    %c0_i32_0 = arith.constant 0 : i32
    %c0_i32_1 = arith.constant 0 : i32
    return %c0_i32, %c0_i32_0 : i32, i32
  }
  func.func @transform_9(%arg0: i32) -> (i32, i32) {
    %c0_i32 = arith.constant 0 : i32
    %c0_i32_0 = arith.constant 0 : i32
    return %c0_i32, %arg0 : i32, i32
  }
}

</mosaic_0001>

<sc_bundles>
// kernel: kernel.4.cloned.1.call-start
scs
__scs_entry_jumppad:
0x0: {  	(pc) =	sbr.rel $0x88, $3  }
0x1: {  	(tag) =	ssettag $0x0;
	lr =	simm.s32 $0x1  }
0x2: {  	[smem:$0x3F98] =	sst lr;
	_ =	strace $0xD0000000  }
0x3: {  	_ = 	snop  }
0x4: {  	_ = 	snop  }
0x5: {  	_ = 	snop  }
0x6: {  	_ = 	snop  }
0x7: {  	_ = 	snop  }
__scs_overlays_trampoline_lowered:
0x8: {  	[smem:$0x3FA7] =	sst s0  }
0x9: {  	[smem:$0x3FA8] =	sst s1  }
0xa: {  	[smem:$0x3FA9] =	sst s2  }
0xb: {  	[smem:$0x3FAA] =	sst s3  }
0xc: {  	[smem:$0x3FAB] =	sst s4  }
0xd: {  	[smem:$0x3FAC] =	sst s5  }
0xe: {  	[smem:$0x3FAD] =	sst s6  }
0xf: {  	[smem:$0x3FAE] =	sst s7  }
0x10: {  	[smem:$0x3FAF] =	sst s8  }
0x11: {  	[smem:$0x3FB0] =	sst s9;
	s0 =	simm.s32 @!p0 $0x0  }
0x12: {  	s1 =	sld [smem:$0x3F96];
	s0 =	simm.s32 @p0 $0x1  }
0x13: {  	[smem:$0x3FB1] =	sst s0;
	s0 =	simm.s32 @!p1 $0x0  }
0x14: {  	s2 =	sld [smem:$0x3F95];
	s0 =	simm.s32 @p1 $0x1  }
0x15: {  	[smem:$0x3FB2] =	sst s0;
	s0 =	simm.s32 @!p2 $0x0  }
0x16: {  	s3 =	sld [smem:$0x3FDB];
	s0 =	simm.s32 @p2 $0x1  }
0x17: {  	s4 =	simm.s32 $0x1BF5;
	[smem:$0x3FB4] =	sst s0  }
0x18: {  	s0 =	sld [smem:$0x3F97];
	_ =	swait.ge [sflag:s4], $0x0  }
0x19: {  	s7 =	sld [smem:$0x3F98]  }
0x1a: {  	s8 =	sadd.s32 $0xFFFFE003, lr  }
0x1b: {  	s9 =	sadd.s32 $0xFFFFFEF7, lr;
	s5 =	simm.s32 $0xFFFFFFFF;
	p2 =	slt.u32 s8, $0xFFFFF086  }
0x1c: {  	p1 =	slt.u32 s9, $0xF7A;
	s5 =	simm.s32 @!p2 $0x0  }
0x1d: {  	s5 =	simm.s32 @p1 $0x1;
	p0 =	seq.s32 s7, s2  }
0x1e: {  	s7 =	smul.u32 @!p0 $0xF7A, s2;
	p2 =	seq.s32 @!p0 s5, $0x0  }
0x1f: {  	s9 =	smul.u32 $0xF7A, s1;
	s8 =	simm.s32 @!p0 $0x1BF5;
	p2 =	por !p2, p0  }
0x20: {  	[sflag:s8] =	ssyncset.s32 @!p0 $0xFFFFF086;
	s6 =	sadd.s32 @!p0 s3, s7;
	s7 =	simm.s32 @!p0 $0x108  }
0x21: {  	s3 =	sadd.s32 s3, s9;
	s6 =	sadd.s32 @!p0 $0x88, s6;
	s7 =	simm.s32 @p2 $0x1082  }
0x22: {  	[simem:s7], [sflag:s8] =	dma.local @!p0 [hbm:s6], $0xF7A  }
0x23: {  	s9 =	sor.u32 $0xD0000000, s2;
	s6 =	simm.s32 $0x108;
	_ =	swait.ge @!p0 [sflag:s8], $0x0  }
0x24: {  	s3 =	sadd.s32 $0x88, s3;
	s6 =	simm.s32 @!p1 $0x1082;
	[sflag:s4] =	ssyncset.s32 $0xFFFFF086  }
0x25: {  	[simem:s6], [sflag:s4] =	dma.local [hbm:s3], $0xF7A  }
0x26: {  	[smem:$0x3F98] =	sst s1;
	(tag) =	ssettag s2;
	_ =	strace s9  }
0x27: {  	s1 =	sld [smem:$0x3FA8]  }
0x28: {  	s2 =	sld [smem:$0x3FA9]  }
0x29: {  	s4 =	sld [smem:$0x3FAB]  }
0x2a: {  	p0 =	seq.s32 s5, $0x0;
	s5 =	sld [smem:$0x3FAC]  }
0x2b: {  	s6 =	sld [smem:$0x3FAD]  }
0x2c: {  	s7 =	sld [smem:$0x3FAE]  }
0x2d: {  	s3 =	simm.s32 $0x108;
	s8 =	sld [smem:$0x3FAF]  }
0x2e: {  	s3 =	simm.s32 @!p0 $0x1082;
	s9 =	sld [smem:$0x3FB0]  }
0x2f: {  	lr =	sadd.s32 s0, s3;
	s0 =	sld [smem:$0x3FA7]  }
0x30: {  	s3 =	sld [smem:$0x3FAA]  }
0x31: {  	[smem:$0x3FB3] =	sst s10  }
0x32: {  	s10 =	sld [smem:$0x3FB1];
	_ =	sdelay $0x3  }
0x33: {  	p0 =	seq.s32 s10, $0x1;
	s10 =	sld [smem:$0x3FB3];
	_ =	sdelay $0x3  }
0x34: {  	[smem:$0x3FB3] =	sst s10  }
0x35: {  	s10 =	sld [smem:$0x3FB2];
	_ =	sdelay $0x3  }
0x36: {  	p1 =	seq.s32 s10, $0x1;
	s10 =	sld [smem:$0x3FB3];
	_ =	sdelay $0x3  }
0x37: {  	[smem:$0x3FB3] =	sst s10  }
0x38: {  	s10 =	sld [smem:$0x3FB4]  }
0x39: {  	_ = 	snop;
	(pc) =	sbr.ind lr, $3  }
0x3a: {  	_ = 	snop  }
0x3b: {  	_ = 	snop  }
0x3c: {  	p2 =	seq.s32 s10, $0x1;
	s10 =	sld [smem:$0x3FB3]  }
0x3d: {  	_ =	shalt  }
0x3e: {  	_ =	shalt  }
0x3f: {  	_ =	shalt  }
0x40: {  	_ =	shalt  }
0x41: {  	_ =	shalt  }
0x42: {  	_ =	shalt  }
0x43: {  	_ =	shalt  }
0x44: {  	_ =	shalt  }
0x45: {  	_ =	shalt  }
0x46: {  	_ =	shalt  }
0x47: {  	_ =	shalt  }
0x48: {  	_ =	shalt  }
0x49: {  	_ =	shalt  }
0x4a: {  	_ =	shalt  }
0x4b: {  	_ =	shalt  }
0x4c: {  	_ =	shalt  }
0x4d: {  	_ =	shalt  }
0x4e: {  	_ =	shalt  }
0x4f: {  	_ =	shalt  }
0x50: {  	_ =	shalt  }
0x51: {  	_ =	shalt  }
0x52: {  	_ =	shalt  }
0x53: {  	_ =	shalt  }
0x54: {  	_ =	shalt  }
0x55: {  	_ =	shalt  }
0x56: {  	_ =	shalt  }
0x57: {  	_ =	shalt  }
0x58: {  	_ =	shalt  }
0x59: {  	_ =	shalt  }
0x5a: {  	_ =	shalt  }
0x5b: {  	_ =	shalt  }
0x5c: {  	_ =	shalt  }
0x5d: {  	_ =	shalt  }
0x5e: {  	_ =	shalt  }
0x5f: {  	_ =	shalt  }
0x60: {  	_ =	shalt  }
0x61: {  	_ =	shalt  }
0x62: {  	_ =	shalt  }
0x63: {  	_ =	shalt  }
0x64: {  	_ =	shalt  }
0x65: {  	_ =	shalt  }
0x66: {  	_ =	shalt  }
0x67: {  	_ =	shalt  }
0x68: {  	_ =	shalt  }
0x69: {  	_ =	shalt  }
0x6a: {  	_ =	shalt  }
0x6b: {  	_ =	shalt  }
0x6c: {  	_ =	shalt  }
0x6d: {  	_ =	shalt  }
0x6e: {  	_ =	shalt  }
0x6f: {  	_ =	shalt  }
0x70: {  	_ =	shalt  }
0x71: {  	_ =	shalt  }
0x72: {  	_ =	shalt  }
0x73: {  	_ =	shalt  }
0x74: {  	_ =	shalt  }
0x75: {  	_ =	shalt  }
0x76: {  	_ =	shalt  }
0x77: {  	_ =	shalt  }
0x78: {  	_ =	shalt  }
0x79: {  	_ =	shalt  }
0x7a: {  	_ =	shalt  }
0x7b: {  	_ =	shalt  }
0x7c: {  	_ =	shalt  }
0x7d: {  	_ =	shalt  }
0x7e: {  	_ =	shalt  }
0x7f: {  	_ =	shalt  }
0x80: {  	_ =	shalt  }
0x81: {  	_ =	shalt  }
0x82: {  	_ =	shalt  }
0x83: {  	_ =	shalt  }
0x84: {  	_ =	shalt  }
0x85: {  	_ =	shalt  }
0x86: {  	_ =	shalt  }
0x87: {  	_ =	shalt  }
.Lfunc_end0:
.L_simem_size_0:
called_computation_lowered:
.L_overlay_start_0:
0x88: {  	s2 =	sld [smem:$0x3FD9]  }
0x89: {  	s3 =	sld [smem:$0x3FFE];
	_ =	sdelay $0x1  }
0x8a: {  	s1 =	srdreg.scid  }
0x8b: {  	s0 =	sand.u32 $0x1, s1  }
0x8c: {  	s17 =	sshll.u32 s0, $0xA;
	s2 =	sadd.s32 s3, s2  }
0x8d: {  	s2 =	sadd.s32 s2, s17  }
0x8e: {  	[smem:$0x3FBF] =	sst s2  }
0x8f: {  	_ = 	snop  }
0x90: {  	s2 =	sld [smem:$0x3FC9]  }
0x91: {  	s18 =	sld [smem:$0x3FC7];
	(tm) =	ssettm $0x1  }
0x92: {  	s4 =	sld [smem:$0x3FFB];
	_ =	sdelay $0x3  }
0x93: {  	_ =	strace s4  }
0x94: {  	s4 =	sld [smem:$0x3FFC];
	_ =	sdelay $0x3  }
0x95: {  	_ =	strace s4  }
0x96: {  	s4 =	sld [smem:$0x3FFD];
	_ =	sdelay $0x3  }
0x97: {  	_ =	strace s4  }
0x98: {  	_ =	strace $0x8FFFFFFF  }
0x99: {  	s19 =	sld [smem:$0x3FDB];
	_ =	sdelay $0x1  }
0x9a: {  	s5 =	simm.s32 $_scs_section_size  }
0x9b: {  	s6 =	simm.s32 $_size__tile_overlayer_lowered;
	s7 =	simm.s32 $_tile_overlayer_lowered  }
0x9c: {  	s22 =	simm.s32 $0x1BFF;
	s21 =	sshll.u32 s7, $0x1;
	s4 =	sadd.s32 s5, s19  }
0x9d: {  	s8 =	simm.s32 $0x0;
	s20 =	sshll.u32 s6, $0x1;
	s6 =	sadd.s32 s21, s4  }
0x9e: {  	[timem:s8], [sflag:s22] =	dma.local [hbm:s6], s20  }
0x9f: {  	_ =	swait.ge [sflag:s22], s20  }
0xa0: {  	s5 =	ssub.s32 $0x0, s20;
	[sflag:s22] =	ssyncset.done $0x0  }
0xa1: {  	[sflag:s22] =	ssyncadd.s32 s5;
	_ =	sdelay $0x1  }
0xa2: {  	s23 =	simm.s32 $0x1B8B  }
0xa3: {  	_ =	swait.ge [sflag:s23], $0x1  }
0xa4: {  	[sflag:s23] =	ssyncset.done $0x0  }
0xa5: {  	s25 =	simm.s32 $0x1B8E;
	s24 =	sld [smem:$0x3FFE];
	[sflag:s23] =	ssyncadd.s32 $0xFFFFFFFF  }
0xa6: {  	s26 =	simm.s32 $execute0_lowered;
	[smem:$0x3FD2] =	sst s25  }
0xa7: {  	s6 =	sshll.u32 s26, $0x1;
	_ =	strace $0x80000046;
	[dreg:$0x1] =	wrdreg $0xFFFFFFFF  }
0xa8: {  	s28 =	simm.s32 $_size_execute0_lowered;
	s4 =	sadd.s32 s4, s6;
	[dreg:$0x0] =	wrdreg $0x0  }
0xa9: {  	s6 =	sshll.u32 s28, $0x1;
	[dreg:$0x2] =	wrdreg s4  }
0xaa: {  	[dreg:$0x3] =	wrdreg s6  }
0xab: {  	[dreg:$0x4] =	wrdreg $0xC0  }
0xac: {  	_ =	task [dreg:s8], $0x5FFFF  }
0xad: {  	[dreg:$0x1] =	wrdreg $0xFFFFFFFF  }
0xae: {  	[dreg:$0x0] =	wrdreg $0x60  }
0xaf: {  	[dreg:$0x2] =	wrdreg s18  }
0xb0: {  	[dreg:$0x3] =	wrdreg s2  }
0xb1: {  	[dreg:$0x4] =	wrdreg s24  }
0xb2: {  	[dreg:$0x5] =	wrdreg $0x9  }
0xb3: {  	_ =	task.clear_ibuf [dreg:s8], $0x6FFFF;
	_ =	strace $0x90000046  }
0xb4: {  	s29 =	simm.s32 $0x9;
	_ =	strace $0x80000048  }
0xb5: {  	_ =	swait.ge [sflag:s29], $0x1  }
0xb6: {  	[sflag:s29] =	ssyncadd.s32 $0xFFFFFFFF  }
0xb7: {  	_ =	strace $0x90000048  }
0xb8: {  	_ =	sfence  }
0xb9: {  	s30 =	sld [smem:$0x0];
	_ =	sdelay $0x2  }
0xba: {  	s31 =	sshll.u32 s1, $0xD;
	s1 =	sshrl.u32 s1, $0x2  }
0xbb: {  	s3 =	sand.u32 $0x4000, s31;
	s1 =	sadd.s32 s1, s30  }
0xbc: {  	s0 =	sor.u32 s3, s0;
	s1 =	sshll.u32 s1, $0x11  }
0xbd: {  	s0 =	sor.u32 s1, s0  }
0xbe: {  	s0 =	sadd.s32 $0x8F2B, s0  }
0xbf: {  	[sflag:s0] =	ssyncadd.remote.s32 $0x1  }
0xc0: {  	_ =	sfence.sel $0xFFFF  }
0xc1: {  	[dreg:$0x0] =	wrdreg $0xFFFFFFFF;
	(pc) =	sbr.abs _section_cstart, $3  }
0xc2: {  	[dreg:$0x1] =	wrdreg $0xFFFFFFFF  }
0xc3: {  	_ =	task.clear_ibuf [dreg:s8], $0x2FFFF;
	_ =	strace $0x9FFFFFFF  }
0xc4: {  	(tm) =	ssettm $0x7FFFFFFF  }
0xc5: {  	_ =	shalt  }
tec
execute0_lowered:
.L_overlay_start_1:
0x0: {  	(tag) =	ssettag $0x1  }
0x1: {  	s0 =	srdreg.scid;
	s2 =	stileid.u32  }
0x2: {  	s1 =	sand.u32 $0x1, s0;
	s24 =	sshll.u32 s2, $0x1  }
0x3: {  	s0 =	sor.u32 s1, s24  }
0x4: {  	s4 =	smul.u32 $0xD, s0  }
0x5: {  	s1 =	ssub.s32 $0x2, s1;
	s3 =	smul.u32 $0x680, s0  }
0x6: {  	s12 =	rddreg [dreg:$0x1];
	s5 =	sshrl.u32 s1, $0x1;
	s0 =	smul.u32 $0x280, s0  }
0x7: {  	s1 =	ssub.s32 s1, s5;
	s6 =	sand.u32 $0x70, s4;
	s3 =	sand.u32 $0xC000, s3  }
0x8: {  	s22 =	sadd.s32 $0x1, s4;
	[smem:$0x7FD] =	sst s1;
	s24 =	sadd.s32 $0x2, s4  }
0x9: {  	s28 =	sadd.s32 $0x5, s4;
	s29 =	sadd.s32 $0x6, s4;
	s30 =	sadd.s32 $0x7, s4  }
0xa: {  	s31 =	sadd.s32 $0x8, s4;
	s6 =	sadd.s32 s12, s6;
	s26 =	sshrl.u32 s22, $0x3  }
0xb: {  	s8 =	sand.u32 $0x70, s22;
	s13 =	sshll.u32 s24, $0x7;
	s14 =	sand.u32 $0x70, s24  }
0xc: {  	s25 =	sadd.s32 s3, s6;
	s6 =	sshll.u32 s22, $0x7;
	s9 =	smul.u32 $0xC3800, s26  }
0xd: {  	s5 =	sadd.s32 s12, s8;
	s1 =	sshll.u32 s26, $0x11;
	s8 =	sand.u32 $0x1C000, s13  }
0xe: {  	s17 =	sand.u32 $0x380, s13;
	[smem:$0x7FC] =	sst s25;
	s7 =	sand.u32 $0x1C000, s6  }
0xf: {  	s3 =	sand.u32 $0x380, s6;
	s6 =	sadd.s32 s12, s14;
	s25 =	sadd.s32 $0x3, s4  }
0x10: {  	s10 =	sadd.s32 s7, s5;
	s11 =	sor.u32 s3, s9;
	s9 =	sshrl.u32 s24, $0x3  }
0x11: {  	s1 =	sor.u32 s3, s1;
	s15 =	sadd.s32 s8, s6;
	[smem:$0x7FB] =	sst s10  }
0x12: {  	s20 =	sshrl.u32 s25, $0x3;
	s21 =	sshll.u32 s25, $0x7;
	[smem:$0x7E2] =	sst s11  }
0x13: {  	s23 =	sand.u32 $0x70, s25;
	[smem:$0x7E5] =	sst s1;
	s16 =	smul.u32 $0xC3800, s9  }
0x14: {  	[smem:$0x7FA] =	sst s15;
	s18 =	sshll.u32 s9, $0x11;
	s26 =	smul.u32 $0xC3800, s20  }
0x15: {  	s2 =	sand.u32 $0x1C000, s21;
	s5 =	sadd.s32 s12, s23;
	s3 =	sand.u32 $0x380, s21  }
0x16: {  	s21 =	sand.u32 $0x70, s28;
	s19 =	sor.u32 s17, s18;
	s7 =	sadd.s32 s2, s5  }
0x17: {  	s5 =	sadd.s32 s12, s21;
	s2 =	sshrl.u32 s31, $0x3;
	[smem:$0x7E6] =	sst s19  }
0x18: {  	s1 =	sor.u32 s17, s16;
	[smem:$0x7F0] =	sst s7;
	s8 =	sor.u32 s3, s26  }
0x19: {  	s26 =	sadd.s32 $0x4, s4;
	s19 =	sshrl.u32 s28, $0x3;
	[smem:$0x7E3] =	sst s1  }
0x1a: {  	[smem:$0x7E4] =	sst s8;
	s1 =	sshll.u32 s20, $0x11;
	s9 =	sshll.u32 s26, $0x7  }
0x1b: {  	s11 =	sand.u32 $0x70, s26;
	s10 =	sshrl.u32 s26, $0x3;
	s20 =	sshll.u32 s28, $0x7  }
0x1c: {  	s23 =	smul.u32 $0xC3800, s19;
	s13 =	sand.u32 $0x1C000, s9;
	s6 =	sadd.s32 s12, s11  }
0x1d: {  	s1 =	sor.u32 s3, s1;
	s15 =	smul.u32 $0xC3800, s10;
	s16 =	sand.u32 $0x380, s9  }
0x1e: {  	s17 =	sshll.u32 s10, $0x11;
	s7 =	sand.u32 $0x1C000, s20;
	s3 =	sand.u32 $0x380, s20  }
0x1f: {  	s10 =	sshll.u32 s29, $0x7;
	[smem:$0x7E7] =	sst s1;
	s14 =	sadd.s32 s13, s6  }
0x20: {  	s18 =	sor.u32 s16, s17;
	s9 =	sadd.s32 s7, s5;
	s17 =	sor.u32 s3, s23  }
0x21: {  	s1 =	sshll.u32 s19, $0x11;
	s13 =	sand.u32 $0x70, s29;
	[smem:$0x7F9] =	sst s14  }
0x22: {  	s11 =	sand.u32 $0x1C000, s10;
	s23 =	sshrl.u32 s30, $0x3;
	[smem:$0x7E8] =	sst s18  }
0x23: {  	s7 =	sand.u32 $0x70, s30;
	s15 =	sor.u32 s16, s15;
	[smem:$0x7EF] =	sst s9  }
0x24: {  	s6 =	sadd.s32 s12, s13;
	s13 =	sshrl.u32 s29, $0x3;
	s1 =	sor.u32 s3, s1  }
0x25: {  	s18 =	sand.u32 $0x380, s10;
	s8 =	smul.u32 $0xC3800, s23;
	s5 =	sadd.s32 s12, s7  }
0x26: {  	s7 =	sshll.u32 s2, $0x11;
	[smem:$0x7E9] =	sst s1;
	s14 =	sadd.s32 s11, s6  }
0x27: {  	s16 =	smul.u32 $0xC3800, s13;
	s20 =	sshll.u32 s13, $0x11;
	s6 =	sshll.u32 s30, $0x7  }
0x28: {  	s1 =	sshll.u32 s23, $0x11;
	s11 =	sshrl.u32 s4, $0x3;
	s13 =	sshll.u32 s31, $0x7  }
0x29: {  	[smem:$0x7F7] =	sst s14;
	s21 =	sor.u32 s18, s20;
	s9 =	sand.u32 $0x1C000, s6  }
0x2a: {  	s3 =	sand.u32 $0x380, s6;
	s20 =	sand.u32 $0x380, s0;
	s6 =	sadd.s32 $0xA, s4  }
0x2b: {  	s19 =	sor.u32 s18, s16;
	[smem:$0x7EA] =	sst s21;
	s10 =	sadd.s32 s9, s5  }
0x2c: {  	s14 =	sor.u32 s3, s8;
	s23 =	sor.u32 s3, s1;
	s16 =	sand.u32 $0x70, s31  }
0x2d: {  	s3 =	sand.u32 $0x1C000, s13;
	s1 =	sshll.u32 s11, $0x11;
	s8 =	sadd.s32 $0x9, s4  }
0x2e: {  	[smem:$0x7F8] =	sst s10;
	s5 =	sadd.s32 s12, s16;
	s16 =	smul.u32 $0xC3800, s11  }
0x2f: {  	s21 =	sor.u32 s20, s1;
	s9 =	sshrl.u32 s8, $0x3;
	s11 =	sshll.u32 s8, $0x7  }
0x30: {  	s0 =	sand.u32 $0x70, s8;
	s18 =	sadd.s32 s3, s5;
	s5 =	smul.u32 $0xC3800, s2  }
0x31: {  	s1 =	sand.u32 $0x380, s11;
	s3 =	sshll.u32 s9, $0x11;
	s2 =	sand.u32 $0x70, s6  }
0x32: {  	[dreg:$0x4] =	wrdreg s18;
	s10 =	sor.u32 s20, s16;
	s16 =	sor.u32 s20, s7  }
0x33: {  	s18 =	smul.u32 $0xC3800, s9;
	s7 =	sadd.s32 s12, s0;
	s0 =	sshll.u32 s6, $0x7  }
0x34: {  	s9 =	sshrl.u32 s6, $0x3;
	s13 =	sor.u32 s20, s5;
	s20 =	sand.u32 $0x1C000, s11  }
0x35: {  	s5 =	sand.u32 $0x1C000, s0;
	s11 =	sor.u32 s1, s3;
	s20 =	sadd.s32 s20, s7  }
0x36: {  	s18 =	sor.u32 s1, s18;
	[dreg:$0x5] =	wrdreg s20;
	s20 =	sadd.s32 s12, s2  }
0x37: {  	s7 =	sand.u32 $0x380, s0;
	s1 =	sadd.s32 s5, s20;
	s20 =	smul.u32 $0xC3800, s9  }
0x38: {  	s0 =	sshll.u32 s9, $0x11;
	s5 =	sadd.s32 $0xB, s4;
	s4 =	sadd.s32 $0xC, s4  }
0x39: {  	[dreg:$0x6] =	wrdreg s1;
	s2 =	sand.u32 $0x70, s5;
	s9 =	sor.u32 s7, s20  }
0x3a: {  	s20 =	sor.u32 s7, s0;
	s0 =	sshrl.u32 s5, $0x3;
	s7 =	sshll.u32 s5, $0x7  }
0x3b: {  	s2 =	sadd.s32 s12, s2;
	s3 =	smul.u32 $0xC3800, s0;
	s1 =	sand.u32 $0x1C000, s7  }
0x3c: {  	s7 =	sand.u32 $0x380, s7;
	s1 =	sadd.s32 s1, s2;
	s2 =	sshll.u32 s4, $0x7  }
0x3d: {  	[dreg:$0x7] =	wrdreg s1;
	s1 =	sor.u32 s7, s3;
	s3 =	sand.u32 $0x70, s4  }
0x3e: {  	s0 =	sshll.u32 s0, $0x11;
	s3 =	sadd.s32 s12, s3;
	s12 =	sand.u32 $0x1C000, s2  }
0x3f: {  	s7 =	sor.u32 s7, s0;
	s0 =	sadd.s32 s12, s3;
	s3 =	rddreg [dreg:$0x0]  }
0x40: {  	s12 =	sshrl.u32 s10, $0x3;
	s10 =	sld [smem:$0x7E2]  }
0x41: {  	[dreg:$0x8] =	wrdreg s0  }
0x42: {  	s22 =	sand.u32 $0xF, s22;
	s0 =	sadd.s32 s3, s12;
	s12 =	sld [smem:$0x7E3]  }
0x43: {  	p0 =	sne.s32 s22, $0x0;
	s22 =	sand.u32 $0xF, s8  }
0x44: {  	s8 =	sld [smem:$0x7F9];
	p1 =	sne.s32 s22, $0x0  }
0x45: {  	[dreg:$0x9] =	wrdreg s0;
	s0 =	sshrl.u32 s10, $0x3;
	s10 =	sshrl.u32 s12, $0x3  }
0x46: {  	s22 =	simm.s32 $0x0;
	s12 =	sadd.s32 s3, s10;
	s10 =	sld [smem:$0x7E4]  }
0x47: {  	[smem:$0x7FF] =	sst s22;
	s0 =	sadd.s32 s3, s0  }
0x48: {  	[dreg:$0xb] =	wrdreg s12;
	s12 =	sshrl.u32 s15, $0x3;
	s15 =	sshrl.u32 s17, $0x3  }
0x49: {  	[dreg:$0xa] =	wrdreg s0;
	s17 =	sadd.s32 s3, s15;
	s0 =	sshrl.u32 s10, $0x3  }
0x4a: {  	[dreg:$0xe] =	wrdreg s17;
	s10 =	sshrl.u32 s19, $0x3;
	s17 =	sshrl.u32 s18, $0x3  }
0x4b: {  	s18 =	sshrl.u32 s9, $0x3;
	s9 =	sld [smem:$0x7E5];
	s0 =	sadd.s32 s3, s0  }
0x4c: {  	[dreg:$0xc] =	wrdreg s0;
	s0 =	sadd.s32 s3, s12;
	s12 =	sshrl.u32 s14, $0x3  }
0x4d: {  	s14 =	sshrl.u32 s13, $0x3;
	[dreg:$0xd] =	wrdreg s0;
	s0 =	sadd.s32 s3, s10  }
0x4e: {  	s10 =	sshrl.u32 s4, $0x3;
	[dreg:$0xf] =	wrdreg s0;
	s0 =	sadd.s32 s3, s12  }
0x4f: {  	s15 =	smul.u32 $0xC3800, s10;
	[dreg:$0x10] =	wrdreg s0;
	s0 =	sadd.s32 s3, s14  }
0x50: {  	s2 =	sand.u32 $0x380, s2;
	[dreg:$0x11] =	wrdreg s0  }
0x51: {  	s0 =	sadd.s32 s3, s17;
	s19 =	sor.u32 s2, s15;
	s15 =	rddreg [dreg:$0x2]  }
0x52: {  	s12 =	sshrl.u32 s1, $0x3;
	s17 =	sshrl.u32 s21, $0x3;
	[dreg:$0x12] =	wrdreg s0  }
0x53: {  	s0 =	sadd.s32 s3, s18;
	s18 =	sshll.u32 s10, $0x11;
	s10 =	sld [smem:$0x7E6]  }
0x54: {  	s13 =	sshrl.u32 s19, $0x3;
	[dreg:$0x13] =	wrdreg s0;
	s0 =	sadd.s32 s3, s12  }
0x55: {  	s21 =	sadd.s32 $0x1000, s15;
	s14 =	sadd.s32 s3, s13;
	[dreg:$0x14] =	wrdreg s0  }
0x56: {  	s19 =	sadd.s32 s21, s17;
	[dreg:$0x15] =	wrdreg s14  }
0x57: {  	[dreg:$0x16] =	wrdreg s19  }
0x58: {  	s0 =	sadd.s32 $0x3000, s15;
	s15 =	sld [smem:$0x7E7]  }
0x59: {  	s1 =	sadd.s32 s17, s0;
	s17 =	sld [smem:$0x7E8]  }
0x5a: {  	s3 =	sor.u32 s2, s18;
	s2 =	sshrl.u32 s10, $0x3;
	s10 =	sld [smem:$0x7EA]  }
0x5b: {  	[dreg:$0x17] =	wrdreg s1  }
0x5c: {  	s1 =	sshrl.u32 s9, $0x3;
	s13 =	sadd.s32 s21, s2;
	s9 =	sld [smem:$0x7E9]  }
0x5d: {  	s14 =	sadd.s32 s2, s0;
	[dreg:$0x1a] =	wrdreg s13  }
0x5e: {  	s12 =	sadd.s32 s21, s1;
	s1 =	sadd.s32 s1, s0;
	[dreg:$0x1b] =	wrdreg s14  }
0x5f: {  	s3 =	sshrl.u32 s3, $0x3;
	[dreg:$0x19] =	wrdreg s1;
	s1 =	sshrl.u32 s15, $0x3  }
0x60: {  	[dreg:$0x18] =	wrdreg s12;
	s2 =	sshrl.u32 s17, $0x3;
	s18 =	sadd.s32 s21, s1  }
0x61: {  	s15 =	sshrl.u32 s23, $0x3;
	s1 =	sadd.s32 s1, s0;
	[dreg:$0x1c] =	wrdreg s18  }
0x62: {  	s17 =	sshrl.u32 s16, $0x3;
	s19 =	sadd.s32 s21, s2;
	[dreg:$0x1d] =	wrdreg s1  }
0x63: {  	s23 =	sand.u32 $0xF, s24;
	s2 =	sadd.s32 s2, s0;
	[dreg:$0x1e] =	wrdreg s19  }
0x64: {  	s24 =	sand.u32 $0xF, s25;
	[dreg:$0x1f] =	wrdreg s2;
	s1 =	sshrl.u32 s9, $0x3  }
0x65: {  	s2 =	sshrl.u32 s10, $0x3;
	s10 =	sadd.s32 s21, s15;
	s18 =	sshrl.u32 s11, $0x3  }
0x66: {  	s19 =	sshrl.u32 s20, $0x3;
	s11 =	sld [smem:$0x7EF];
	s20 =	sshrl.u32 s7, $0x3  }
0x67: {  	s7 =	sld [smem:$0x7F0];
	s9 =	sand.u32 $0xF, s31;
	s12 =	sadd.s32 s21, s1  }
0x68: {  	s1 =	sadd.s32 s1, s0;
	s13 =	sadd.s32 s21, s2;
	[smem:$0x7EB] =	sst s12  }
0x69: {  	s14 =	sadd.s32 s2, s0;
	s2 =	sadd.s32 s15, s0;
	[smem:$0x7ED] =	sst s13  }
0x6a: {  	s15 =	sadd.s32 s18, s0;
	s16 =	sadd.s32 s21, s19;
	[smem:$0x7EE] =	sst s14  }
0x6b: {  	s12 =	sadd.s32 s21, s17;
	s13 =	sadd.s32 s17, s0;
	s14 =	sadd.s32 s21, s18  }
0x6c: {  	s17 =	sadd.s32 s19, s0;
	s18 =	sadd.s32 s21, s20;
	s19 =	sadd.s32 s20, s0  }
0x6d: {  	s20 =	sadd.s32 s21, s3;
	s21 =	sadd.s32 s3, s0;
	s0 =	simm.s32 @!p0 $0x0  }
0x6e: {  	s31 =	sld [smem:$0x7F8];
	s0 =	simm.s32 @p0 $0x1;
	p0 =	sne.s32 s23, $0x0  }
0x6f: {  	s25 =	sand.u32 $0xF, s26;
	[smem:$0x7F1] =	sst s0;
	s0 =	simm.s32 @!p0 $0x0  }
0x70: {  	[smem:$0x7EC] =	sst s1;
	s0 =	simm.s32 @p0 $0x1;
	p0 =	sne.s32 s24, $0x0  }
0x71: {  	s26 =	sand.u32 $0xF, s28;
	[smem:$0x7F2] =	sst s0;
	s0 =	simm.s32 @!p0 $0x0  }
0x72: {  	s1 =	sand.u32 $0xF, s29;
	s0 =	simm.s32 @p0 $0x1;
	p0 =	sne.s32 s25, $0x0  }
0x73: {  	s3 =	sand.u32 $0xF, s30;
	[smem:$0x7F3] =	sst s0;
	s0 =	simm.s32 @!p0 $0x0  }
0x74: {  	s30 =	sld [smem:$0x7F7];
	s0 =	simm.s32 @p0 $0x1;
	p0 =	sne.s32 s26, $0x0  }
0x75: {  	s23 =	sand.u32 $0xF, s6;
	[smem:$0x7F4] =	sst s0;
	s0 =	simm.s32 @!p0 $0x0  }
0x76: {  	s6 =	sld [smem:$0x7FA];
	s0 =	simm.s32 @p0 $0x1;
	p0 =	sne.s32 s1, $0x0  }
0x77: {  	[smem:$0x7F5] =	sst s0;
	s0 =	simm.s32 @!p0 $0x0  }
0x78: {  	s24 =	sand.u32 $0xF, s5;
	s5 =	sld [smem:$0x7FB];
	s0 =	simm.s32 @p0 $0x1  }
0x79: {  	[smem:$0x7F6] =	sst s0  }
0x7a: {  	s25 =	sand.u32 $0xF, s4;
	s4 =	sld [smem:$0x7FC];
	_ =	strace $0x80000047  }
0x7b: {  	s28 =	simm.s32 $0x1C700;
	s29 =	simm.s32 $0x0;
	s26 =	sld [smem:$0x7FD]  }
0x7c: {  	p6 =	sne.s32 s3, $0x0;
	p2 =	sne.s32 s23, $0x0;
	p3 =	sne.s32 s24, $0x0  }
0x7d: {  	s24 =	simm.s32 $0x80;
	p4 =	sne.s32 s25, $0x0;
	s25 =	simm.s32 $0x400  }
0x7e: {  	p0 =	sne.s32 s9, $0x0;
	s23 =	smax.u32 s26, $0x1;
	s26 =	simm.s32 $0x1  }
.LBB2_1:
0x7f: {  	s0 =	simm.s32 $0x18700  }
0x80: {  	[tilespmem:s0], [sflag:$0x1] =	stream.strided.gather [hbm4b:s4+s24], $0x4000, s25, s24, $0x38;
	[tilespmem:$0x1E700] =	vst v63  }
0x81: {  	_ =	swait.ge [sflag:s26], $0x4000  }
0x82: {  	[sflag:s26] =	ssyncset.done $0x0  }
0x83: {  	s3 =	rddreg [dreg:$0x9];
	[sflag:s26] =	ssyncadd.s32 $0xFFFFC000  }
0x84: {  	[tilespmem:s22], [sflag:$0x1] =	stream.strided.gather [hbm4b:s3+s24], $0x18700, s25, s24, $0x38;
	[tilespmem:$0x1E700] =	vst v63  }
0x85: {  	_ =	swait.ge [sflag:s26], $0x18700  }
0x86: {  	[sflag:s26] =	ssyncset.done $0x0  }
0x87: {  	s9 =	simm.s32 $0x18740;
	[sflag:s26] =	ssyncadd.s32 $0xFFFE7900  }
0x88: {  	v0 =	vld [tilespmem:s9+$0x30]  }
0x89: {  	v1 =	vld [tilespmem:s9+$0xFFFFFFD0]  }
0x8a: {  	v2 =	vld [tilespmem:s9+$0xFFFFFFE0]  }
0x8b: {  	v3 =	vld [tilespmem:s9+$0xFFFFFFF0]  }
0x8c: {  	v4 =	vld [tilespmem:s9+$0x0]  }
0x8d: {  	v6 =	vld [tilespmem:s9+$0x10]  }
0x8e: {  	v7 =	vld [tilespmem:s9+$0x20]  }
0x8f: {  	v8 =	vld [tilespmem:s9+$0xFFFFFFC0]  }
0x90: {  	v9 =	vld.idx.msk [tilespmem:v0+s22+$0x0], $0xffff  }
0x91: {  	v10 =	vld.idx.msk [tilespmem:v1+s22+$0x0], $0xffff  }
0x92: {  	v5 =	vld.idx.msk [tilespmem:v2+s22+$0x0], $0xffff  }
0x93: {  	v3 =	vld.idx.msk [tilespmem:v3+s22+$0x0], $0xffff  }
0x94: {  	v0 =	vld.idx.msk [tilespmem:v4+s22+$0x0], $0xffff  }
0x95: {  	s0 =	simm.s32 $0x1C740;
	v1 =	vld.idx.msk [tilespmem:v6+s22+$0x0], $0xffff  }
0x96: {  	v2 =	vld.idx.msk [tilespmem:v7+s22+$0x0], $0xffff;
	[tilespmem:s0+$0x30] =	vst v9  }
0x97: {  	s1 =	simm.s32 $0x0;
	s3 =	simm.s32 $0x187C0;
	v4 =	vld.idx.msk [tilespmem:v8+s22+$0x0], $0xffff;
	[tilespmem:s0+$0xFFFFFFD0] =	vst v10  }
.LBB2_2:
0x98: {  	v6 =	vld [tilespmem:s3+$0x30];
	s1 =	sadd.s32 $0x8, s1;
	[tilespmem:s0+$0xFFFFFFE0] =	vst v5  }
0x99: {  	v5 =	vld [tilespmem:s3+$0xFFFFFFD0];
	p5 =	slt.u32 s1, $0x1F8;
	[tilespmem:s0+$0xFFFFFFF0] =	vst v3  }
0x9a: {  	v3 =	vld [tilespmem:s3+$0xFFFFFFE0];
	[tilespmem:s0+$0x0] =	vst v0  }
0x9b: {  	v0 =	vld [tilespmem:s3+$0xFFFFFFF0];
	[tilespmem:s0+$0x10] =	vst v1  }
0x9c: {  	v1 =	vld [tilespmem:s3+$0x0];
	[tilespmem:s0+$0x20] =	vst v2  }
0x9d: {  	v2 =	vld [tilespmem:s3+$0x10];
	[tilespmem:s0+$0xFFFFFFC0] =	vst v4  }
0x9e: {  	v4 =	vld [tilespmem:s3+$0x20]  }
0x9f: {  	v7 =	vld [tilespmem:s3+$0xFFFFFFC0]  }
0xa0: {  	v6 =	vld.idx.msk [tilespmem:v6+s22+$0x0], $0xffff  }
0xa1: {  	v8 =	vld.idx.msk [tilespmem:v5+s22+$0x0], $0xffff  }
0xa2: {  	v5 =	vld.idx.msk [tilespmem:v3+s22+$0x0], $0xffff  }
.Ltmp0:
0xa3: {  	v3 =	vld.idx.msk [tilespmem:v0+s22+$0x0], $0xffff;
	(pc) =	sbr.rel @p5 .LBB2_2-.Ltmp0, $4  }
0xa4: {  	v0 =	vld.idx.msk [tilespmem:v1+s22+$0x0], $0xffff  }
0xa5: {  	s0 =	sadd.s32 $0x80, s0;
	v1 =	vld.idx.msk [tilespmem:v2+s22+$0x0], $0xffff  }
0xa6: {  	v2 =	vld.idx.msk [tilespmem:v4+s22+$0x0], $0xffff;
	[tilespmem:s0+$0x30] =	vst v6  }
0xa7: {  	s3 =	sadd.s32 $0x80, s3;
	v4 =	vld.idx.msk [tilespmem:v7+s22+$0x0], $0xffff;
	[tilespmem:s0+$0xFFFFFFD0] =	vst v8  }
0xa8: {  	[tilespmem:s0+$0xFFFFFFE0] =	vst v5  }
0xa9: {  	[tilespmem:s0+$0xFFFFFFF0] =	vst v3  }
0xaa: {  	[tilespmem:s0+$0x0] =	vst v0  }
0xab: {  	[tilespmem:s0+$0x10] =	vst v1  }
0xac: {  	[tilespmem:s0+$0x20] =	vst v2  }
0xad: {  	[tilespmem:s0+$0xFFFFFFC0] =	vst v4  }
0xae: {  	s0 =	rddreg [dreg:$0x16]  }
0xaf: {  	[hbm4b:s0+s24] =	stream.strided.scatter [tilespmem:s28], [sflag:$0x1], $0x2000, s25, s24, $0x38;
	[tilespmem:$0x1E700] =	vst v63  }
0xb0: {  	_ =	swait.ge [sflag:s26], $0x2000  }
0xb1: {  	[sflag:s26] =	ssyncset.done $0x0  }
0xb2: {  	s9 =	simm.s32 $0x1A770;
	[sflag:s26] =	ssyncadd.s32 $0xFFFFE000  }
0xb3: {  	v0 =	vld [tilespmem:s9+$0x0]  }
0xb4: {  	v1 =	vld [tilespmem:s9+$0xFFFFFFA0]  }
0xb5: {  	v2 =	vld [tilespmem:s9+$0xFFFFFFB0]  }
0xb6: {  	v3 =	vld [tilespmem:s9+$0xFFFFFFC0]  }
0xb7: {  	v4 =	vld [tilespmem:s9+$0xFFFFFFD0]  }
0xb8: {  	v6 =	vld [tilespmem:s9+$0xFFFFFFE0]  }
0xb9: {  	v7 =	vld [tilespmem:s9+$0xFFFFFFF0]  }
0xba: {  	v8 =	vld [tilespmem:s9+$0xFFFFFF90]  }
0xbb: {  	v9 =	vld.idx.msk [tilespmem:v0+s22+$0x0], $0xffff  }
0xbc: {  	v10 =	vld.idx.msk [tilespmem:v1+s22+$0x0], $0xffff  }
0xbd: {  	v5 =	vld.idx.msk [tilespmem:v2+s22+$0x0], $0xffff  }
0xbe: {  	v3 =	vld.idx.msk [tilespmem:v3+s22+$0x0], $0xffff  }
0xbf: {  	v0 =	vld.idx.msk [tilespmem:v4+s22+$0x0], $0xffff  }
0xc0: {  	s0 =	simm.s32 $0x1C740;
	v1 =	vld.idx.msk [tilespmem:v6+s22+$0x0], $0xffff  }
0xc1: {  	v2 =	vld.idx.msk [tilespmem:v7+s22+$0x0], $0xffff;
	[tilespmem:s0+$0x30] =	vst v9  }
0xc2: {  	s1 =	simm.s32 $0x0;
	s3 =	simm.s32 $0x1A7F0;
	v4 =	vld.idx.msk [tilespmem:v8+s22+$0x0], $0xffff;
	[tilespmem:s0+$0xFFFFFFD0] =	vst v10  }
.LBB2_4:
0xc3: {  	v6 =	vld [tilespmem:s3+$0x0];
	s1 =	sadd.s32 $0x8, s1;
	[tilespmem:s0+$0xFFFFFFE0] =	vst v5  }
0xc4: {  	v5 =	vld [tilespmem:s3+$0xFFFFFFA0];
	p5 =	slt.u32 s1, $0x1F8;
	[tilespmem:s0+$0xFFFFFFF0] =	vst v3  }
0xc5: {  	v3 =	vld [tilespmem:s3+$0xFFFFFFB0];
	[tilespmem:s0+$0x0] =	vst v0  }
0xc6: {  	v0 =	vld [tilespmem:s3+$0xFFFFFFC0];
	[tilespmem:s0+$0x10] =	vst v1  }
0xc7: {  	v1 =	vld [tilespmem:s3+$0xFFFFFFD0];
	[tilespmem:s0+$0x20] =	vst v2  }
0xc8: {  	v2 =	vld [tilespmem:s3+$0xFFFFFFE0];
	[tilespmem:s0+$0xFFFFFFC0] =	vst v4  }
0xc9: {  	v4 =	vld [tilespmem:s3+$0xFFFFFFF0]  }
0xca: {  	v7 =	vld [tilespmem:s3+$0xFFFFFF90]  }
0xcb: {  	v6 =	vld.idx.msk [tilespmem:v6+s22+$0x0], $0xffff  }
0xcc: {  	v8 =	vld.idx.msk [tilespmem:v5+s22+$0x0], $0xffff  }
0xcd: {  	v5 =	vld.idx.msk [tilespmem:v3+s22+$0x0], $0xffff  }
.Ltmp1:
0xce: {  	v3 =	vld.idx.msk [tilespmem:v0+s22+$0x0], $0xffff;
	(pc) =	sbr.rel @p5 .LBB2_4-.Ltmp1, $4  }
0xcf: {  	v0 =	vld.idx.msk [tilespmem:v1+s22+$0x0], $0xffff  }
0xd0: {  	s0 =	sadd.s32 $0x80, s0;
	v1 =	vld.idx.msk [tilespmem:v2+s22+$0x0], $0xffff  }
0xd1: {  	v2 =	vld.idx.msk [tilespmem:v4+s22+$0x0], $0xffff;
	[tilespmem:s0+$0x30] =	vst v6  }
0xd2: {  	s3 =	sadd.s32 $0x80, s3;
	v4 =	vld.idx.msk [tilespmem:v7+s22+$0x0], $0xffff;
	[tilespmem:s0+$0xFFFFFFD0] =	vst v8  }
0xd3: {  	[tilespmem:s0+$0xFFFFFFE0] =	vst v5  }
0xd4: {  	[tilespmem:s0+$0xFFFFFFF0] =	vst v3  }
0xd5: {  	[tilespmem:s0+$0x0] =	vst v0  }
0xd6: {  	[tilespmem:s0+$0x10] =	vst v1  }
0xd7: {  	[tilespmem:s0+$0x20] =	vst v2  }
0xd8: {  	[tilespmem:s0+$0xFFFFFFC0] =	vst v4  }
0xd9: {  	s0 =	rddreg [dreg:$0x17]  }
0xda: {  	[hbm4b:s0+s24] =	stream.strided.scatter [tilespmem:s28], [sflag:$0x1], $0x2000, s25, s24, $0x38;
	[tilespmem:$0x1E700] =	vst v63  }
0xdb: {  	_ =	swait.ge [sflag:s26], $0x2000  }
0xdc: {  	s1 =	sld [smem:$0x7F1];
	_ =	sdelay $0x1  }
0xdd: {  	[sflag:s26] =	ssyncset.done $0x0  }
0xde: {  	[sflag:s26] =	ssyncadd.s32 $0xFFFFE000;
	p5 =	seq.s32 s1, $0x1  }
0xdf: {  	s0 =	simm.s32 @!p5 $0x80;
	s1 =	simm.s32 @!p5 $0x400;
	s3 =	simm.s32 @!p5 $0x18700  }
0xe0: {  	[tilespmem:s3], [sflag:$0x1] =	stream.strided.gather @!p5 [hbm4b:s5+s0], $0x4000, s1, s0, $0x38;
	[tilespmem:$0x1E700] =	vst v63  }
0xe1: {  	s0 =	simm.s32 @!p5 $0x1  }
0xe2: {  	_ =	swait.ge @!p5 [sflag:s0], $0x4000  }
0xe3: {  	[sflag:s0] =	ssyncset.done @!p5 $0x0  }
0xe4: {  	s3 =	rddreg [dreg:$0xa];
	[sflag:s0] =	ssyncadd.s32 @!p5 $0xFFFFC000  }
0xe5: {  	[tilespmem:s22], [sflag:$0x1] =	stream.strided.gather [hbm4b:s3+s24], $0x18700, s25, s24, $0x38;
	[tilespmem:$0x1E700] =	vst v63  }
0xe6: {  	_ =	swait.ge [sflag:s26], $0x18700  }
0xe7: {  	[sflag:s26] =	ssyncset.done $0x0  }
0xe8: {  	s9 =	simm.s32 $0x18740;
	[sflag:s26] =	ssyncadd.s32 $0xFFFE7900  }
0xe9: {  	v0 =	vld [tilespmem:s9+$0x30]  }
0xea: {  	v1 =	vld [tilespmem:s9+$0xFFFFFFD0]  }
0xeb: {  	v2 =	vld [tilespmem:s9+$0xFFFFFFE0]  }
0xec: {  	v3 =	vld [tilespmem:s9+$0xFFFFFFF0]  }
0xed: {  	v4 =	vld [tilespmem:s9+$0x0]  }
0xee: {  	v6 =	vld [tilespmem:s9+$0x10]  }
0xef: {  	v7 =	vld [tilespmem:s9+$0x20]  }
0xf0: {  	v8 =	vld [tilespmem:s9+$0xFFFFFFC0]  }
0xf1: {  	v9 =	vld.idx.msk [tilespmem:v0+s22+$0x0], $0xffff  }
0xf2: {  	v10 =	vld.idx.msk [tilespmem:v1+s22+$0x0], $0xffff  }
0xf3: {  	v5 =	vld.idx.msk [tilespmem:v2+s22+$0x0], $0xffff  }
0xf4: {  	v3 =	vld.idx.msk [tilespmem:v3+s22+$0x0], $0xffff  }
0xf5: {  	v0 =	vld.idx.msk [tilespmem:v4+s22+$0x0], $0xffff  }
0xf6: {  	s0 =	simm.s32 $0x1C740;
	v1 =	vld.idx.msk [tilespmem:v6+s22+$0x0], $0xffff  }
0xf7: {  	v2 =	vld.idx.msk [tilespmem:v7+s22+$0x0], $0xffff;
	[tilespmem:s0+$0x30] =	vst v9  }
0xf8: {  	s1 =	simm.s32 $0x0;
	s3 =	simm.s32 $0x187C0;
	v4 =	vld.idx.msk [tilespmem:v8+s22+$0x0], $0xffff;
	[tilespmem:s0+$0xFFFFFFD0] =	vst v10  }
.LBB2_6:
0xf9: {  	v6 =	vld [tilespmem:s3+$0x30];
	s1 =	sadd.s32 $0x8, s1;
	[tilespmem:s0+$0xFFFFFFE0] =	vst v5  }
0xfa: {  	v5 =	vld [tilespmem:s3+$0xFFFFFFD0];
	p5 =	slt.u32 s1, $0x1F8;
	[tilespmem:s0+$0xFFFFFFF0] =	vst v3  }
0xfb: {  	v3 =	vld [tilespmem:s3+$0xFFFFFFE0];
	[tilespmem:s0+$0x0] =	vst v0  }
0xfc: {  	v0 =	vld [tilespmem:s3+$0xFFFFFFF0];
	[tilespmem:s0+$0x10] =	vst v1  }
0xfd: {  	v1 =	vld [tilespmem:s3+$0x0];
	[tilespmem:s0+$0x20] =	vst v2  }
0xfe: {  	v2 =	vld [tilespmem:s3+$0x10];
	[tilespmem:s0+$0xFFFFFFC0] =	vst v4  }
0xff: {  	v4 =	vld [tilespmem:s3+$0x20]  }
0x100: {  	v7 =	vld [tilespmem:s3+$0xFFFFFFC0]  }
0x101: {  	v6 =	vld.idx.msk [tilespmem:v6+s22+$0x0], $0xffff  }
0x102: {  	v8 =	vld.idx.msk [tilespmem:v5+s22+$0x0], $0xffff  }
0x103: {  	v5 =	vld.idx.msk [tilespmem:v3+s22+$0x0], $0xffff  }
.Ltmp2:
0x104: {  	v3 =	vld.idx.msk [tilespmem:v0+s22+$0x0], $0xffff;
	(pc) =	sbr.rel @p5 .LBB2_6-.Ltmp2, $4  }
0x105: {  	v0 =	vld.idx.msk [tilespmem:v1+s22+$0x0], $0xffff  }
0x106: {  	s0 =	sadd.s32 $0x80, s0;
	v1 =	vld.idx.msk [tilespmem:v2+s22+$0x0], $0xffff  }
0x107: {  	v2 =	vld.idx.msk [tilespmem:v4+s22+$0x0], $0xffff;
	[tilespmem:s0+$0x30] =	vst v6  }
0x108: {  	s3 =	sadd.s32 $0x80, s3;
	v4 =	vld.idx.msk [tilespmem:v7+s22+$0x0], $0xffff;
	[tilespmem:s0+$0xFFFFFFD0] =	vst v8  }
0x109: {  	[tilespmem:s0+$0xFFFFFFE0] =	vst v5  }
0x10a: {  	[tilespmem:s0+$0xFFFFFFF0] =	vst v3  }
0x10b: {  	[tilespmem:s0+$0x0] =	vst v0  }
0x10c: {  	[tilespmem:s0+$0x10] =	vst v1  }
0x10d: {  	[tilespmem:s0+$0x20] =	vst v2  }
0x10e: {  	[tilespmem:s0+$0xFFFFFFC0] =	vst v4  }
0x10f: {  	s0 =	rddreg [dreg:$0x18]  }
0x110: {  	[hbm4b:s0+s24] =	stream.strided.scatter [tilespmem:s28], [sflag:$0x1], $0x2000, s25, s24, $0x38;
	[tilespmem:$0x1E700] =	vst v63  }
0x111: {  	_ =	swait.ge [sflag:s26], $0x2000  }
0x112: {  	[sflag:s26] =	ssyncset.done $0x0  }
0x113: {  	s9 =	simm.s32 $0x1A770;
	[sflag:s26] =	ssyncadd.s32 $0xFFFFE000  }
0x114: {  	v0 =	vld [tilespmem:s9+$0x0]  }
0x115: {  	v1 =	vld [tilespmem:s9+$0xFFFFFFA0]  }
0x116: {  	v2 =	vld [tilespmem:s9+$0xFFFFFFB0]  }
0x117: {  	v3 =	vld [tilespmem:s9+$0xFFFFFFC0]  }
0x118: {  	v4 =	vld [tilespmem:s9+$0xFFFFFFD0]  }
0x119: {  	v6 =	vld [tilespmem:s9+$0xFFFFFFE0]  }
0x11a: {  	v7 =	vld [tilespmem:s9+$0xFFFFFFF0]  }
0x11b: {  	v8 =	vld [tilespmem:s9+$0xFFFFFF90]  }
0x11c: {  	v9 =	vld.idx.msk [tilespmem:v0+s22+$0x0], $0xffff  }
0x11d: {  	v10 =	vld.idx.msk [tilespmem:v1+s22+$0x0], $0xffff  }
0x11e: {  	v5 =	vld.idx.msk [tilespmem:v2+s22+$0x0], $0xffff  }
0x11f: {  	v3 =	vld.idx.msk [tilespmem:v3+s22+$0x0], $0xffff  }
0x120: {  	v0 =	vld.idx.msk [tilespmem:v4+s22+$0x0], $0xffff  }
0x121: {  	s0 =	simm.s32 $0x1C740;
	v1 =	vld.idx.msk [tilespmem:v6+s22+$0x0], $0xffff  }
0x122: {  	v2 =	vld.idx.msk [tilespmem:v7+s22+$0x0], $0xffff;
	[tilespmem:s0+$0x30] =	vst v9  }
0x123: {  	s1 =	simm.s32 $0x0;
	s3 =	simm.s32 $0x1A7F0;
	v4 =	vld.idx.msk [tilespmem:v8+s22+$0x0], $0xffff;
	[tilespmem:s0+$0xFFFFFFD0] =	vst v10  }
.LBB2_8:
0x124: {  	v6 =	vld [tilespmem:s3+$0x0];
	s1 =	sadd.s32 $0x8, s1;
	[tilespmem:s0+$0xFFFFFFE0] =	vst v5  }
0x125: {  	v5 =	vld [tilespmem:s3+$0xFFFFFFA0];
	p5 =	slt.u32 s1, $0x1F8;
	[tilespmem:s0+$0xFFFFFFF0] =	vst v3  }
0x126: {  	v3 =	vld [tilespmem:s3+$0xFFFFFFB0];
	[tilespmem:s0+$0x0] =	vst v0  }
0x127: {  	v0 =	vld [tilespmem:s3+$0xFFFFFFC0];
	[tilespmem:s0+$0x10] =	vst v1  }
0x128: {  	v1 =	vld [tilespmem:s3+$0xFFFFFFD0];
	[tilespmem:s0+$0x20] =	vst v2  }
0x129: {  	v2 =	vld [tilespmem:s3+$0xFFFFFFE0];
	[tilespmem:s0+$0xFFFFFFC0] =	vst v4  }
0x12a: {  	v4 =	vld [tilespmem:s3+$0xFFFFFFF0]  }
0x12b: {  	v7 =	vld [tilespmem:s3+$0xFFFFFF90]  }
0x12c: {  	v6 =	vld.idx.msk [tilespmem:v6+s22+$0x0], $0xffff  }
0x12d: {  	v8 =	vld.idx.msk [tilespmem:v5+s22+$0x0], $0xffff  }
0x12e: {  	v5 =	vld.idx.msk [tilespmem:v3+s22+$0x0], $0xffff  }
.Ltmp3:
0x12f: {  	v3 =	vld.idx.msk [tilespmem:v0+s22+$0x0], $0xffff;
	(pc) =	sbr.rel @p5 .LBB2_8-.Ltmp3, $4  }
0x130: {  	v0 =	vld.idx.msk [tilespmem:v1+s22+$0x0], $0xffff  }
0x131: {  	s0 =	sadd.s32 $0x80, s0;
	v1 =	vld.idx.msk [tilespmem:v2+s22+$0x0], $0xffff  }
0x132: {  	v2 =	vld.idx.msk [tilespmem:v4+s22+$0x0], $0xffff;
	[tilespmem:s0+$0x30] =	vst v6  }
0x133: {  	s3 =	sadd.s32 $0x80, s3;
	v4 =	vld.idx.msk [tilespmem:v7+s22+$0x0], $0xffff;
	[tilespmem:s0+$0xFFFFFFD0] =	vst v8  }
0x134: {  	[tilespmem:s0+$0xFFFFFFE0] =	vst v5  }
0x135: {  	[tilespmem:s0+$0xFFFFFFF0] =	vst v3  }
0x136: {  	[tilespmem:s0+$0x0] =	vst v0  }
0x137: {  	[tilespmem:s0+$0x10] =	vst v1  }
0x138: {  	[tilespmem:s0+$0x20] =	vst v2  }
0x139: {  	[tilespmem:s0+$0xFFFFFFC0] =	vst v4  }
0x13a: {  	s0 =	rddreg [dreg:$0x19]  }
0x13b: {  	[hbm4b:s0+s24] =	stream.strided.scatter [tilespmem:s28], [sflag:$0x1], $0x2000, s25, s24, $0x38;
	[tilespmem:$0x1E700] =	vst v63  }
0x13c: {  	_ =	swait.ge [sflag:s26], $0x2000  }
0x13d: {  	s1 =	sld [smem:$0x7F2];
	_ =	sdelay $0x1  }
0x13e: {  	[sflag:s26] =	ssyncset.done $0x0  }
0x13f: {  	[sflag:s26] =	ssyncadd.s32 $0xFFFFE000;
	p5 =	seq.s32 s1, $0x1  }
0x140: {  	s0 =	simm.s32 @!p5 $0x80;
	s1 =	simm.s32 @!p5 $0x400;
	s3 =	simm.s32 @!p5 $0x18700  }
0x141: {  	[tilespmem:s3], [sflag:$0x1] =	stream.strided.gather @!p5 [hbm4b:s6+s0], $0x4000, s1, s0, $0x38;
	[tilespmem:$0x1E700] =	vst v63  }
0x142: {  	s0 =	simm.s32 @!p5 $0x1  }
0x143: {  	_ =	swait.ge @!p5 [sflag:s0], $0x4000  }
0x144: {  	[sflag:s0] =	ssyncset.done @!p5 $0x0  }
0x145: {  	s3 =	rddreg [dreg:$0xb];
	[sflag:s0] =	ssyncadd.s32 @!p5 $0xFFFFC000  }
0x146: {  	[tilespmem:s22], [sflag:$0x1] =	stream.strided.gather [hbm4b:s3+s24], $0x18700, s25, s24, $0x38;
	[tilespmem:$0x1E700] =	vst v63  }
0x147: {  	_ =	swait.ge [sflag:s26], $0x18700  }
0x148: {  	[sflag:s26] =	ssyncset.done $0x0  }
0x149: {  	s9 =	simm.s32 $0x18740;
	[sflag:s26] =	ssyncadd.s32 $0xFFFE7900  }
0x14a: {  	v0 =	vld [tilespmem:s9+$0x30]  }
0x14b: {  	v1 =	vld [tilespmem:s9+$0xFFFFFFD0]  }
0x14c: {  	v2 =	vld [tilespmem:s9+$0xFFFFFFE0]  }
0x14d: {  	v3 =	vld [tilespmem:s9+$0xFFFFFFF0]  }
0x14e: {  	v4 =	vld [tilespmem:s9+$0x0]  }
0x14f: {  	v6 =	vld [tilespmem:s9+$0x10]  }
0x150: {  	v7 =	vld [tilespmem:s9+$0x20]  }
0x151: {  	v8 =	vld [tilespmem:s9+$0xFFFFFFC0]  }
0x152: {  	v9 =	vld.idx.msk [tilespmem:v0+s22+$0x0], $0xffff  }
0x153: {  	v10 =	vld.idx.msk [tilespmem:v1+s22+$0x0], $0xffff  }
0x154: {  	v5 =	vld.idx.msk [tilespmem:v2+s22+$0x0], $0xffff  }
0x155: {  	v3 =	vld.idx.msk [tilespmem:v3+s22+$0x0], $0xffff  }
0x156: {  	v0 =	vld.idx.msk [tilespmem:v4+s22+$0x0], $0xffff  }
0x157: {  	s0 =	simm.s32 $0x1C740;
	v1 =	vld.idx.msk [tilespmem:v6+s22+$0x0], $0xffff  }
0x158: {  	v2 =	vld.idx.msk [tilespmem:v7+s22+$0x0], $0xffff;
	[tilespmem:s0+$0x30] =	vst v9  }
0x159: {  	s1 =	simm.s32 $0x0;
	s3 =	simm.s32 $0x187C0;
	v4 =	vld.idx.msk [tilespmem:v8+s22+$0x0], $0xffff;
	[tilespmem:s0+$0xFFFFFFD0] =	vst v10  }
.LBB2_10:
0x15a: {  	v6 =	vld [tilespmem:s3+$0x30];
	s1 =	sadd.s32 $0x8, s1;
	[tilespmem:s0+$0xFFFFFFE0] =	vst v5  }
0x15b: {  	v5 =	vld [tilespmem:s3+$0xFFFFFFD0];
	p5 =	slt.u32 s1, $0x1F8;
	[tilespmem:s0+$0xFFFFFFF0] =	vst v3  }
0x15c: {  	v3 =	vld [tilespmem:s3+$0xFFFFFFE0];
	[tilespmem:s0+$0x0] =	vst v0  }
0x15d: {  	v0 =	vld [tilespmem:s3+$0xFFFFFFF0];
	[tilespmem:s0+$0x10] =	vst v1  }
0x15e: {  	v1 =	vld [tilespmem:s3+$0x0];
	[tilespmem:s0+$0x20] =	vst v2  }
0x15f: {  	v2 =	vld [tilespmem:s3+$0x10];
	[tilespmem:s0+$0xFFFFFFC0] =	vst v4  }
0x160: {  	v4 =	vld [tilespmem:s3+$0x20]  }
0x161: {  	v7 =	vld [tilespmem:s3+$0xFFFFFFC0]  }
0x162: {  	v6 =	vld.idx.msk [tilespmem:v6+s22+$0x0], $0xffff  }
0x163: {  	v8 =	vld.idx.msk [tilespmem:v5+s22+$0x0], $0xffff  }
0x164: {  	v5 =	vld.idx.msk [tilespmem:v3+s22+$0x0], $0xffff  }
.Ltmp4:
0x165: {  	v3 =	vld.idx.msk [tilespmem:v0+s22+$0x0], $0xffff;
	(pc) =	sbr.rel @p5 .LBB2_10-.Ltmp4, $4  }
0x166: {  	v0 =	vld.idx.msk [tilespmem:v1+s22+$0x0], $0xffff  }
0x167: {  	s0 =	sadd.s32 $0x80, s0;
	v1 =	vld.idx.msk [tilespmem:v2+s22+$0x0], $0xffff  }
0x168: {  	v2 =	vld.idx.msk [tilespmem:v4+s22+$0x0], $0xffff;
	[tilespmem:s0+$0x30] =	vst v6  }
0x169: {  	s3 =	sadd.s32 $0x80, s3;
	v4 =	vld.idx.msk [tilespmem:v7+s22+$0x0], $0xffff;
	[tilespmem:s0+$0xFFFFFFD0] =	vst v8  }
0x16a: {  	[tilespmem:s0+$0xFFFFFFE0] =	vst v5  }
0x16b: {  	[tilespmem:s0+$0xFFFFFFF0] =	vst v3  }
0x16c: {  	[tilespmem:s0+$0x0] =	vst v0  }
0x16d: {  	[tilespmem:s0+$0x10] =	vst v1  }
0x16e: {  	[tilespmem:s0+$0x20] =	vst v2  }
0x16f: {  	[tilespmem:s0+$0xFFFFFFC0] =	vst v4  }
0x170: {  	s0 =	rddreg [dreg:$0x1a]  }
0x171: {  	[hbm4b:s0+s24] =	stream.strided.scatter [tilespmem:s28], [sflag:$0x1], $0x2000, s25, s24, $0x38;
	[tilespmem:$0x1E700] =	vst v63  }
0x172: {  	_ =	swait.ge [sflag:s26], $0x2000  }
0x173: {  	[sflag:s26] =	ssyncset.done $0x0  }
0x174: {  	s9 =	simm.s32 $0x1A770;
	[sflag:s26] =	ssyncadd.s32 $0xFFFFE000  }
0x175: {  	v0 =	vld [tilespmem:s9+$0x0]  }
0x176: {  	v1 =	vld [tilespmem:s9+$0xFFFFFFA0]  }
0x177: {  	v2 =	vld [tilespmem:s9+$0xFFFFFFB0]  }
0x178: {  	v3 =	vld [tilespmem:s9+$0xFFFFFFC0]  }
0x179: {  	v4 =	vld [tilespmem:s9+$0xFFFFFFD0]  }
0x17a: {  	v6 =	vld [tilespmem:s9+$0xFFFFFFE0]  }
0x17b: {  	v7 =	vld [tilespmem:s9+$0xFFFFFFF0]  }
0x17c: {  	v8 =	vld [tilespmem:s9+$0xFFFFFF90]  }
0x17d: {  	v9 =	vld.idx.msk [tilespmem:v0+s22+$0x0], $0xffff  }
0x17e: {  	v10 =	vld.idx.msk [tilespmem:v1+s22+$0x0], $0xffff  }
0x17f: {  	v5 =	vld.idx.msk [tilespmem:v2+s22+$0x0], $0xffff  }
0x180: {  	v3 =	vld.idx.msk [tilespmem:v3+s22+$0x0], $0xffff  }
0x181: {  	v0 =	vld.idx.msk [tilespmem:v4+s22+$0x0], $0xffff  }
0x182: {  	s0 =	simm.s32 $0x1C740;
	v1 =	vld.idx.msk [tilespmem:v6+s22+$0x0], $0xffff  }
0x183: {  	v2 =	vld.idx.msk [tilespmem:v7+s22+$0x0], $0xffff;
	[tilespmem:s0+$0x30] =	vst v9  }
0x184: {  	s1 =	simm.s32 $0x0;
	s3 =	simm.s32 $0x1A7F0;
	v4 =	vld.idx.msk [tilespmem:v8+s22+$0x0], $0xffff;
	[tilespmem:s0+$0xFFFFFFD0] =	vst v10  }
.LBB2_12:
0x185: {  	v6 =	vld [tilespmem:s3+$0x0];
	s1 =	sadd.s32 $0x8, s1;
	[tilespmem:s0+$0xFFFFFFE0] =	vst v5  }
0x186: {  	v5 =	vld [tilespmem:s3+$0xFFFFFFA0];
	p5 =	slt.u32 s1, $0x1F8;
	[tilespmem:s0+$0xFFFFFFF0] =	vst v3  }
0x187: {  	v3 =	vld [tilespmem:s3+$0xFFFFFFB0];
	[tilespmem:s0+$0x0] =	vst v0  }
0x188: {  	v0 =	vld [tilespmem:s3+$0xFFFFFFC0];
	[tilespmem:s0+$0x10] =	vst v1  }
0x189: {  	v1 =	vld [tilespmem:s3+$0xFFFFFFD0];
	[tilespmem:s0+$0x20] =	vst v2  }
0x18a: {  	v2 =	vld [tilespmem:s3+$0xFFFFFFE0];
	[tilespmem:s0+$0xFFFFFFC0] =	vst v4  }
0x18b: {  	v4 =	vld [tilespmem:s3+$0xFFFFFFF0]  }
0x18c: {  	v7 =	vld [tilespmem:s3+$0xFFFFFF90]  }
0x18d: {  	v6 =	vld.idx.msk [tilespmem:v6+s22+$0x0], $0xffff  }
0x18e: {  	v8 =	vld.idx.msk [tilespmem:v5+s22+$0x0], $0xffff  }
0x18f: {  	v5 =	vld.idx.msk [tilespmem:v3+s22+$0x0], $0xffff  }
.Ltmp5:
0x190: {  	v3 =	vld.idx.msk [tilespmem:v0+s22+$0x0], $0xffff;
	(pc) =	sbr.rel @p5 .LBB2_12-.Ltmp5, $4  }
0x191: {  	v0 =	vld.idx.msk [tilespmem:v1+s22+$0x0], $0xffff  }
0x192: {  	s0 =	sadd.s32 $0x80, s0;
	v1 =	vld.idx.msk [tilespmem:v2+s22+$0x0], $0xffff  }
0x193: {  	v2 =	vld.idx.msk [tilespmem:v4+s22+$0x0], $0xffff;
	[tilespmem:s0+$0x30] =	vst v6  }
0x194: {  	s3 =	sadd.s32 $0x80, s3;
	v4 =	vld.idx.msk [tilespmem:v7+s22+$0x0], $0xffff;
	[tilespmem:s0+$0xFFFFFFD0] =	vst v8  }
0x195: {  	[tilespmem:s0+$0xFFFFFFE0] =	vst v5  }
0x196: {  	[tilespmem:s0+$0xFFFFFFF0] =	vst v3  }
0x197: {  	[tilespmem:s0+$0x0] =	vst v0  }
0x198: {  	[tilespmem:s0+$0x10] =	vst v1  }
0x199: {  	[tilespmem:s0+$0x20] =	vst v2  }
0x19a: {  	[tilespmem:s0+$0xFFFFFFC0] =	vst v4  }
0x19b: {  	s0 =	rddreg [dreg:$0x1b]  }
0x19c: {  	[hbm4b:s0+s24] =	stream.strided.scatter [tilespmem:s28], [sflag:$0x1], $0x2000, s25, s24, $0x38;
	[tilespmem:$0x1E700] =	vst v63  }
0x19d: {  	_ =	swait.ge [sflag:s26], $0x2000  }
0x19e: {  	s1 =	sld [smem:$0x7F3];
	_ =	sdelay $0x1  }
0x19f: {  	[sflag:s26] =	ssyncset.done $0x0  }
0x1a0: {  	[sflag:s26] =	ssyncadd.s32 $0xFFFFE000;
	p5 =	seq.s32 s1, $0x1  }
0x1a1: {  	s0 =	simm.s32 @!p5 $0x80;
	s1 =	simm.s32 @!p5 $0x400;
	s3 =	simm.s32 @!p5 $0x18700  }
0x1a2: {  	[tilespmem:s3], [sflag:$0x1] =	stream.strided.gather @!p5 [hbm4b:s7+s0], $0x4000, s1, s0, $0x38;
	[tilespmem:$0x1E700] =	vst v63  }
0x1a3: {  	s0 =	simm.s32 @!p5 $0x1  }
0x1a4: {  	_ =	swait.ge @!p5 [sflag:s0], $0x4000  }
0x1a5: {  	[sflag:s0] =	ssyncset.done @!p5 $0x0  }
0x1a6: {  	s3 =	rddreg [dreg:$0xc];
	[sflag:s0] =	ssyncadd.s32 @!p5 $0xFFFFC000  }
0x1a7: {  	[tilespmem:s22], [sflag:$0x1] =	stream.strided.gather [hbm4b:s3+s24], $0x18700, s25, s24, $0x38;
	[tilespmem:$0x1E700] =	vst v63  }
0x1a8: {  	_ =	swait.ge [sflag:s26], $0x18700  }
0x1a9: {  	[sflag:s26] =	ssyncset.done $0x0  }
0x1aa: {  	s9 =	simm.s32 $0x18740;
	[sflag:s26] =	ssyncadd.s32 $0xFFFE7900  }
0x1ab: {  	v0 =	vld [tilespmem:s9+$0x30]  }
0x1ac: {  	v1 =	vld [tilespmem:s9+$0xFFFFFFD0]  }
0x1ad: {  	v2 =	vld [tilespmem:s9+$0xFFFFFFE0]  }
0x1ae: {  	v3 =	vld [tilespmem:s9+$0xFFFFFFF0]  }
0x1af: {  	v4 =	vld [tilespmem:s9+$0x0]  }
0x1b0: {  	v6 =	vld [tilespmem:s9+$0x10]  }
0x1b1: {  	v7 =	vld [tilespmem:s9+$0x20]  }
0x1b2: {  	v8 =	vld [tilespmem:s9+$0xFFFFFFC0]  }
0x1b3: {  	v9 =	vld.idx.msk [tilespmem:v0+s22+$0x0], $0xffff  }
0x1b4: {  	v10 =	vld.idx.msk [tilespmem:v1+s22+$0x0], $0xffff  }
0x1b5: {  	v5 =	vld.idx.msk [tilespmem:v2+s22+$0x0], $0xffff  }
0x1b6: {  	v3 =	vld.idx.msk [tilespmem:v3+s22+$0x0], $0xffff  }
0x1b7: {  	v0 =	vld.idx.msk [tilespmem:v4+s22+$0x0], $0xffff  }
0x1b8: {  	s0 =	simm.s32 $0x1C740;
	v1 =	vld.idx.msk [tilespmem:v6+s22+$0x0], $0xffff  }
0x1b9: {  	v2 =	vld.idx.msk [tilespmem:v7+s22+$0x0], $0xffff;
	[tilespmem:s0+$0x30] =	vst v9  }
0x1ba: {  	s1 =	simm.s32 $0x0;
	s3 =	simm.s32 $0x187C0;
	v4 =	vld.idx.msk [tilespmem:v8+s22+$0x0], $0xffff;
	[tilespmem:s0+$0xFFFFFFD0] =	vst v10  }
.LBB2_14:
0x1bb: {  	v6 =	vld [tilespmem:s3+$0x30];
	s1 =	sadd.s32 $0x8, s1;
	[tilespmem:s0+$0xFFFFFFE0] =	vst v5  }
0x1bc: {  	v5 =	vld [tilespmem:s3+$0xFFFFFFD0];
	p5 =	slt.u32 s1, $0x1F8;
	[tilespmem:s0+$0xFFFFFFF0] =	vst v3  }
0x1bd: {  	v3 =	vld [tilespmem:s3+$0xFFFFFFE0];
	[tilespmem:s0+$0x0] =	vst v0  }
0x1be: {  	v0 =	vld [tilespmem:s3+$0xFFFFFFF0];
	[tilespmem:s0+$0x10] =	vst v1  }
0x1bf: {  	v1 =	vld [tilespmem:s3+$0x0];
	[tilespmem:s0+$0x20] =	vst v2  }
0x1c0: {  	v2 =	vld [tilespmem:s3+$0x10];
	[tilespmem:s0+$0xFFFFFFC0] =	vst v4  }
0x1c1: {  	v4 =	vld [tilespmem:s3+$0x20]  }
0x1c2: {  	v7 =	vld [tilespmem:s3+$0xFFFFFFC0]  }
0x1c3: {  	v6 =	vld.idx.msk [tilespmem:v6+s22+$0x0], $0xffff  }
0x1c4: {  	v8 =	vld.idx.msk [tilespmem:v5+s22+$0x0], $0xffff  }
0x1c5: {  	v5 =	vld.idx.msk [tilespmem:v3+s22+$0x0], $0xffff  }
.Ltmp6:
0x1c6: {  	v3 =	vld.idx.msk [tilespmem:v0+s22+$0x0], $0xffff;
	(pc) =	sbr.rel @p5 .LBB2_14-.Ltmp6, $4  }
0x1c7: {  	v0 =	vld.idx.msk [tilespmem:v1+s22+$0x0], $0xffff  }
0x1c8: {  	s0 =	sadd.s32 $0x80, s0;
	v1 =	vld.idx.msk [tilespmem:v2+s22+$0x0], $0xffff  }
0x1c9: {  	v2 =	vld.idx.msk [tilespmem:v4+s22+$0x0], $0xffff;
	[tilespmem:s0+$0x30] =	vst v6  }
0x1ca: {  	s3 =	sadd.s32 $0x80, s3;
	v4 =	vld.idx.msk [tilespmem:v7+s22+$0x0], $0xffff;
	[tilespmem:s0+$0xFFFFFFD0] =	vst v8  }
0x1cb: {  	[tilespmem:s0+$0xFFFFFFE0] =	vst v5  }
0x1cc: {  	[tilespmem:s0+$0xFFFFFFF0] =	vst v3  }
0x1cd: {  	[tilespmem:s0+$0x0] =	vst v0  }
0x1ce: {  	[tilespmem:s0+$0x10] =	vst v1  }
0x1cf: {  	[tilespmem:s0+$0x20] =	vst v2  }
0x1d0: {  	[tilespmem:s0+$0xFFFFFFC0] =	vst v4  }
0x1d1: {  	s0 =	rddreg [dreg:$0x1c]  }
0x1d2: {  	[hbm4b:s0+s24] =	stream.strided.scatter [tilespmem:s28], [sflag:$0x1], $0x2000, s25, s24, $0x38;
	[tilespmem:$0x1E700] =	vst v63  }
0x1d3: {  	_ =	swait.ge [sflag:s26], $0x2000  }
0x1d4: {  	[sflag:s26] =	ssyncset.done $0x0  }
0x1d5: {  	s9 =	simm.s32 $0x1A770;
	[sflag:s26] =	ssyncadd.s32 $0xFFFFE000  }
0x1d6: {  	v0 =	vld [tilespmem:s9+$0x0]  }
0x1d7: {  	v1 =	vld [tilespmem:s9+$0xFFFFFFA0]  }
0x1d8: {  	v2 =	vld [tilespmem:s9+$0xFFFFFFB0]  }
0x1d9: {  	v3 =	vld [tilespmem:s9+$0xFFFFFFC0]  }
0x1da: {  	v4 =	vld [tilespmem:s9+$0xFFFFFFD0]  }
0x1db: {  	v6 =	vld [tilespmem:s9+$0xFFFFFFE0]  }
0x1dc: {  	v7 =	vld [tilespmem:s9+$0xFFFFFFF0]  }
0x1dd: {  	v8 =	vld [tilespmem:s9+$0xFFFFFF90]  }
0x1de: {  	v9 =	vld.idx.msk [tilespmem:v0+s22+$0x0], $0xffff  }
0x1df: {  	v10 =	vld.idx.msk [tilespmem:v1+s22+$0x0], $0xffff  }
0x1e0: {  	v5 =	vld.idx.msk [tilespmem:v2+s22+$0x0], $0xffff  }
0x1e1: {  	v3 =	vld.idx.msk [tilespmem:v3+s22+$0x0], $0xffff  }
0x1e2: {  	v0 =	vld.idx.msk [tilespmem:v4+s22+$0x0], $0xffff  }
0x1e3: {  	s0 =	simm.s32 $0x1C740;
	v1 =	vld.idx.msk [tilespmem:v6+s22+$0x0], $0xffff  }
0x1e4: {  	v2 =	vld.idx.msk [tilespmem:v7+s22+$0x0], $0xffff;
	[tilespmem:s0+$0x30] =	vst v9  }
0x1e5: {  	s1 =	simm.s32 $0x0;
	s3 =	simm.s32 $0x1A7F0;
	v4 =	vld.idx.msk [tilespmem:v8+s22+$0x0], $0xffff;
	[tilespmem:s0+$0xFFFFFFD0] =	vst v10  }
.LBB2_16:
0x1e6: {  	v6 =	vld [tilespmem:s3+$0x0];
	s1 =	sadd.s32 $0x8, s1;
	[tilespmem:s0+$0xFFFFFFE0] =	vst v5  }
0x1e7: {  	v5 =	vld [tilespmem:s3+$0xFFFFFFA0];
	p5 =	slt.u32 s1, $0x1F8;
	[tilespmem:s0+$0xFFFFFFF0] =	vst v3  }
0x1e8: {  	v3 =	vld [tilespmem:s3+$0xFFFFFFB0];
	[tilespmem:s0+$0x0] =	vst v0  }
0x1e9: {  	v0 =	vld [tilespmem:s3+$0xFFFFFFC0];
	[tilespmem:s0+$0x10] =	vst v1  }
0x1ea: {  	v1 =	vld [tilespmem:s3+$0xFFFFFFD0];
	[tilespmem:s0+$0x20] =	vst v2  }
0x1eb: {  	v2 =	vld [tilespmem:s3+$0xFFFFFFE0];
	[tilespmem:s0+$0xFFFFFFC0] =	vst v4  }
0x1ec: {  	v4 =	vld [tilespmem:s3+$0xFFFFFFF0]  }
0x1ed: {  	v7 =	vld [tilespmem:s3+$0xFFFFFF90]  }
0x1ee: {  	v6 =	vld.idx.msk [tilespmem:v6+s22+$0x0], $0xffff  }
0x1ef: {  	v8 =	vld.idx.msk [tilespmem:v5+s22+$0x0], $0xffff  }
0x1f0: {  	v5 =	vld.idx.msk [tilespmem:v3+s22+$0x0], $0xffff  }
.Ltmp7:
0x1f1: {  	v3 =	vld.idx.msk [tilespmem:v0+s22+$0x0], $0xffff;
	(pc) =	sbr.rel @p5 .LBB2_16-.Ltmp7, $4  }
0x1f2: {  	v0 =	vld.idx.msk [tilespmem:v1+s22+$0x0], $0xffff  }
0x1f3: {  	s0 =	sadd.s32 $0x80, s0;
	v1 =	vld.idx.msk [tilespmem:v2+s22+$0x0], $0xffff  }
0x1f4: {  	v2 =	vld.idx.msk [tilespmem:v4+s22+$0x0], $0xffff;
	[tilespmem:s0+$0x30] =	vst v6  }
0x1f5: {  	s3 =	sadd.s32 $0x80, s3;
	v4 =	vld.idx.msk [tilespmem:v7+s22+$0x0], $0xffff;
	[tilespmem:s0+$0xFFFFFFD0] =	vst v8  }
0x1f6: {  	[tilespmem:s0+$0xFFFFFFE0] =	vst v5  }
0x1f7: {  	[tilespmem:s0+$0xFFFFFFF0] =	vst v3  }
0x1f8: {  	[tilespmem:s0+$0x0] =	vst v0  }
0x1f9: {  	[tilespmem:s0+$0x10] =	vst v1  }
0x1fa: {  	[tilespmem:s0+$0x20] =	vst v2  }
0x1fb: {  	[tilespmem:s0+$0xFFFFFFC0] =	vst v4  }
0x1fc: {  	s0 =	rddreg [dreg:$0x1d]  }
0x1fd: {  	[hbm4b:s0+s24] =	stream.strided.scatter [tilespmem:s28], [sflag:$0x1], $0x2000, s25, s24, $0x38;
	[tilespmem:$0x1E700] =	vst v63  }
0x1fe: {  	_ =	swait.ge [sflag:s26], $0x2000  }
0x1ff: {  	s1 =	sld [smem:$0x7F4];
	_ =	sdelay $0x1  }
0x200: {  	[sflag:s26] =	ssyncset.done $0x0  }
0x201: {  	[sflag:s26] =	ssyncadd.s32 $0xFFFFE000;
	p5 =	seq.s32 s1, $0x1  }
0x202: {  	s0 =	simm.s32 @!p5 $0x80;
	s1 =	simm.s32 @!p5 $0x400;
	s3 =	simm.s32 @!p5 $0x18700  }
0x203: {  	[tilespmem:s3], [sflag:$0x1] =	stream.strided.gather @!p5 [hbm4b:s8+s0], $0x4000, s1, s0, $0x38;
	[tilespmem:$0x1E700] =	vst v63  }
0x204: {  	s0 =	simm.s32 @!p5 $0x1  }
0x205: {  	_ =	swait.ge @!p5 [sflag:s0], $0x4000  }
0x206: {  	[sflag:s0] =	ssyncset.done @!p5 $0x0  }
0x207: {  	s3 =	rddreg [dreg:$0xd];
	[sflag:s0] =	ssyncadd.s32 @!p5 $0xFFFFC000  }
0x208: {  	[tilespmem:s22], [sflag:$0x1] =	stream.strided.gather [hbm4b:s3+s24], $0x18700, s25, s24, $0x38;
	[tilespmem:$0x1E700] =	vst v63  }
0x209: {  	_ =	swait.ge [sflag:s26], $0x18700  }
0x20a: {  	[sflag:s26] =	ssyncset.done $0x0  }
0x20b: {  	s9 =	simm.s32 $0x18740;
	[sflag:s26] =	ssyncadd.s32 $0xFFFE7900  }
0x20c: {  	v0 =	vld [tilespmem:s9+$0x30]  }
0x20d: {  	v1 =	vld [tilespmem:s9+$0xFFFFFFD0]  }
0x20e: {  	v2 =	vld [tilespmem:s9+$0xFFFFFFE0]  }
0x20f: {  	v3 =	vld [tilespmem:s9+$0xFFFFFFF0]  }
0x210: {  	v4 =	vld [tilespmem:s9+$0x0]  }
0x211: {  	v6 =	vld [tilespmem:s9+$0x10]  }
0x212: {  	v7 =	vld [tilespmem:s9+$0x20]  }
0x213: {  	v8 =	vld [tilespmem:s9+$0xFFFFFFC0]  }
0x214: {  	v9 =	vld.idx.msk [tilespmem:v0+s22+$0x0], $0xffff  }
0x215: {  	v10 =	vld.idx.msk [tilespmem:v1+s22+$0x0], $0xffff  }
0x216: {  	v5 =	vld.idx.msk [tilespmem:v2+s22+$0x0], $0xffff  }
0x217: {  	v3 =	vld.idx.msk [tilespmem:v3+s22+$0x0], $0xffff  }
0x218: {  	v0 =	vld.idx.msk [tilespmem:v4+s22+$0x0], $0xffff  }
0x219: {  	s0 =	simm.s32 $0x1C740;
	v1 =	vld.idx.msk [tilespmem:v6+s22+$0x0], $0xffff  }
0x21a: {  	v2 =	vld.idx.msk [tilespmem:v7+s22+$0x0], $0xffff;
	[tilespmem:s0+$0x30] =	vst v9  }
0x21b: {  	s1 =	simm.s32 $0x0;
	s3 =	simm.s32 $0x187C0;
	v4 =	vld.idx.msk [tilespmem:v8+s22+$0x0], $0xffff;
	[tilespmem:s0+$0xFFFFFFD0] =	vst v10  }
.LBB2_18:
0x21c: {  	v6 =	vld [tilespmem:s3+$0x30];
	s1 =	sadd.s32 $0x8, s1;
	[tilespmem:s0+$0xFFFFFFE0] =	vst v5  }
0x21d: {  	v5 =	vld [tilespmem:s3+$0xFFFFFFD0];
	p5 =	slt.u32 s1, $0x1F8;
	[tilespmem:s0+$0xFFFFFFF0] =	vst v3  }
0x21e: {  	v3 =	vld [tilespmem:s3+$0xFFFFFFE0];
	[tilespmem:s0+$0x0] =	vst v0  }
0x21f: {  	v0 =	vld [tilespmem:s3+$0xFFFFFFF0];
	[tilespmem:s0+$0x10] =	vst v1  }
0x220: {  	v1 =	vld [tilespmem:s3+$0x0];
	[tilespmem:s0+$0x20] =	vst v2  }
0x221: {  	v2 =	vld [tilespmem:s3+$0x10];
	[tilespmem:s0+$0xFFFFFFC0] =	vst v4  }
0x222: {  	v4 =	vld [tilespmem:s3+$0x20]  }
0x223: {  	v7 =	vld [tilespmem:s3+$0xFFFFFFC0]  }
0x224: {  	v6 =	vld.idx.msk [tilespmem:v6+s22+$0x0], $0xffff  }
0x225: {  	v8 =	vld.idx.msk [tilespmem:v5+s22+$0x0], $0xffff  }
0x226: {  	v5 =	vld.idx.msk [tilespmem:v3+s22+$0x0], $0xffff  }
.Ltmp8:
0x227: {  	v3 =	vld.idx.msk [tilespmem:v0+s22+$0x0], $0xffff;
	(pc) =	sbr.rel @p5 .LBB2_18-.Ltmp8, $4  }
0x228: {  	v0 =	vld.idx.msk [tilespmem:v1+s22+$0x0], $0xffff  }
0x229: {  	s0 =	sadd.s32 $0x80, s0;
	v1 =	vld.idx.msk [tilespmem:v2+s22+$0x0], $0xffff  }
0x22a: {  	v2 =	vld.idx.msk [tilespmem:v4+s22+$0x0], $0xffff;
	[tilespmem:s0+$0x30] =	vst v6  }
0x22b: {  	s3 =	sadd.s32 $0x80, s3;
	v4 =	vld.idx.msk [tilespmem:v7+s22+$0x0], $0xffff;
	[tilespmem:s0+$0xFFFFFFD0] =	vst v8  }
0x22c: {  	[tilespmem:s0+$0xFFFFFFE0] =	vst v5  }
0x22d: {  	[tilespmem:s0+$0xFFFFFFF0] =	vst v3  }
0x22e: {  	[tilespmem:s0+$0x0] =	vst v0  }
0x22f: {  	[tilespmem:s0+$0x10] =	vst v1  }
0x230: {  	[tilespmem:s0+$0x20] =	vst v2  }
0x231: {  	[tilespmem:s0+$0xFFFFFFC0] =	vst v4  }
0x232: {  	s0 =	rddreg [dreg:$0x1e]  }
0x233: {  	[hbm4b:s0+s24] =	stream.strided.scatter [tilespmem:s28], [sflag:$0x1], $0x2000, s25, s24, $0x38;
	[tilespmem:$0x1E700] =	vst v63  }
0x234: {  	_ =	swait.ge [sflag:s26], $0x2000  }
0x235: {  	[sflag:s26] =	ssyncset.done $0x0  }
0x236: {  	s9 =	simm.s32 $0x1A770;
	[sflag:s26] =	ssyncadd.s32 $0xFFFFE000  }
0x237: {  	v0 =	vld [tilespmem:s9+$0x0]  }
0x238: {  	v1 =	vld [tilespmem:s9+$0xFFFFFFA0]  }
0x239: {  	v2 =	vld [tilespmem:s9+$0xFFFFFFB0]  }
0x23a: {  	v3 =	vld [tilespmem:s9+$0xFFFFFFC0]  }
0x23b: {  	v4 =	vld [tilespmem:s9+$0xFFFFFFD0]  }
0x23c: {  	v6 =	vld [tilespmem:s9+$0xFFFFFFE0]  }
0x23d: {  	v7 =	vld [tilespmem:s9+$0xFFFFFFF0]  }
0x23e: {  	v8 =	vld [tilespmem:s9+$0xFFFFFF90]  }
0x23f: {  	v9 =	vld.idx.msk [tilespmem:v0+s22+$0x0], $0xffff  }
0x240: {  	v10 =	vld.idx.msk [tilespmem:v1+s22+$0x0], $0xffff  }
0x241: {  	v5 =	vld.idx.msk [tilespmem:v2+s22+$0x0], $0xffff  }
0x242: {  	v3 =	vld.idx.msk [tilespmem:v3+s22+$0x0], $0xffff  }
0x243: {  	v0 =	vld.idx.msk [tilespmem:v4+s22+$0x0], $0xffff  }
0x244: {  	s0 =	simm.s32 $0x1C740;
	v1 =	vld.idx.msk [tilespmem:v6+s22+$0x0], $0xffff  }
0x245: {  	v2 =	vld.idx.msk [tilespmem:v7+s22+$0x0], $0xffff;
	[tilespmem:s0+$0x30] =	vst v9  }
0x246: {  	s1 =	simm.s32 $0x0;
	s3 =	simm.s32 $0x1A7F0;
	v4 =	vld.idx.msk [tilespmem:v8+s22+$0x0], $0xffff;
	[tilespmem:s0+$0xFFFFFFD0] =	vst v10  }
.LBB2_20:
0x247: {  	v6 =	vld [tilespmem:s3+$0x0];
	s1 =	sadd.s32 $0x8, s1;
	[tilespmem:s0+$0xFFFFFFE0] =	vst v5  }
0x248: {  	v5 =	vld [tilespmem:s3+$0xFFFFFFA0];
	p5 =	slt.u32 s1, $0x1F8;
	[tilespmem:s0+$0xFFFFFFF0] =	vst v3  }
0x249: {  	v3 =	vld [tilespmem:s3+$0xFFFFFFB0];
	[tilespmem:s0+$0x0] =	vst v0  }
0x24a: {  	v0 =	vld [tilespmem:s3+$0xFFFFFFC0];
	[tilespmem:s0+$0x10] =	vst v1  }
0x24b: {  	v1 =	vld [tilespmem:s3+$0xFFFFFFD0];
	[tilespmem:s0+$0x20] =	vst v2  }
0x24c: {  	v2 =	vld [tilespmem:s3+$0xFFFFFFE0];
	[tilespmem:s0+$0xFFFFFFC0] =	vst v4  }
0x24d: {  	v4 =	vld [tilespmem:s3+$0xFFFFFFF0]  }
0x24e: {  	v7 =	vld [tilespmem:s3+$0xFFFFFF90]  }
0x24f: {  	v6 =	vld.idx.msk [tilespmem:v6+s22+$0x0], $0xffff  }
0x250: {  	v8 =	vld.idx.msk [tilespmem:v5+s22+$0x0], $0xffff  }
0x251: {  	v5 =	vld.idx.msk [tilespmem:v3+s22+$0x0], $0xffff  }
.Ltmp9:
0x252: {  	v3 =	vld.idx.msk [tilespmem:v0+s22+$0x0], $0xffff;
	(pc) =	sbr.rel @p5 .LBB2_20-.Ltmp9, $4  }
0x253: {  	v0 =	vld.idx.msk [tilespmem:v1+s22+$0x0], $0xffff  }
0x254: {  	s0 =	sadd.s32 $0x80, s0;
	v1 =	vld.idx.msk [tilespmem:v2+s22+$0x0], $0xffff  }
0x255: {  	v2 =	vld.idx.msk [tilespmem:v4+s22+$0x0], $0xffff;
	[tilespmem:s0+$0x30] =	vst v6  }
0x256: {  	s3 =	sadd.s32 $0x80, s3;
	v4 =	vld.idx.msk [tilespmem:v7+s22+$0x0], $0xffff;
	[tilespmem:s0+$0xFFFFFFD0] =	vst v8  }
0x257: {  	[tilespmem:s0+$0xFFFFFFE0] =	vst v5  }
0x258: {  	[tilespmem:s0+$0xFFFFFFF0] =	vst v3  }
0x259: {  	[tilespmem:s0+$0x0] =	vst v0  }
0x25a: {  	[tilespmem:s0+$0x10] =	vst v1  }
0x25b: {  	[tilespmem:s0+$0x20] =	vst v2  }
0x25c: {  	[tilespmem:s0+$0xFFFFFFC0] =	vst v4  }
0x25d: {  	s0 =	rddreg [dreg:$0x1f]  }
0x25e: {  	[hbm4b:s0+s24] =	stream.strided.scatter [tilespmem:s28], [sflag:$0x1], $0x2000, s25, s24, $0x38;
	[tilespmem:$0x1E700] =	vst v63  }
0x25f: {  	_ =	swait.ge [sflag:s26], $0x2000  }
0x260: {  	s1 =	sld [smem:$0x7F5];
	_ =	sdelay $0x1  }
0x261: {  	[sflag:s26] =	ssyncset.done $0x0  }
0x262: {  	[sflag:s26] =	ssyncadd.s32 $0xFFFFE000;
	p5 =	seq.s32 s1, $0x1  }
0x263: {  	s0 =	simm.s32 @!p5 $0x80;
	s1 =	simm.s32 @!p5 $0x400;
	s3 =	simm.s32 @!p5 $0x18700  }
0x264: {  	[tilespmem:s3], [sflag:$0x1] =	stream.strided.gather @!p5 [hbm4b:s11+s0], $0x4000, s1, s0, $0x38;
	[tilespmem:$0x1E700] =	vst v63  }
0x265: {  	s0 =	simm.s32 @!p5 $0x1  }
0x266: {  	_ =	swait.ge @!p5 [sflag:s0], $0x4000  }
0x267: {  	[sflag:s0] =	ssyncset.done @!p5 $0x0  }
0x268: {  	s3 =	rddreg [dreg:$0xe];
	[sflag:s0] =	ssyncadd.s32 @!p5 $0xFFFFC000  }
0x269: {  	[tilespmem:s22], [sflag:$0x1] =	stream.strided.gather [hbm4b:s3+s24], $0x18700, s25, s24, $0x38;
	[tilespmem:$0x1E700] =	vst v63  }
0x26a: {  	_ =	swait.ge [sflag:s26], $0x18700  }
0x26b: {  	[sflag:s26] =	ssyncset.done $0x0  }
0x26c: {  	s9 =	simm.s32 $0x18740;
	[sflag:s26] =	ssyncadd.s32 $0xFFFE7900  }
0x26d: {  	v0 =	vld [tilespmem:s9+$0x30]  }
0x26e: {  	v1 =	vld [tilespmem:s9+$0xFFFFFFD0]  }
0x26f: {  	v2 =	vld [tilespmem:s9+$0xFFFFFFE0]  }
0x270: {  	v3 =	vld [tilespmem:s9+$0xFFFFFFF0]  }
0x271: {  	v4 =	vld [tilespmem:s9+$0x0]  }
0x272: {  	v6 =	vld [tilespmem:s9+$0x10]  }
0x273: {  	v7 =	vld [tilespmem:s9+$0x20]  }
0x274: {  	v8 =	vld [tilespmem:s9+$0xFFFFFFC0]  }
0x275: {  	v9 =	vld.idx.msk [tilespmem:v0+s22+$0x0], $0xffff  }
0x276: {  	v10 =	vld.idx.msk [tilespmem:v1+s22+$0x0], $0xffff  }
0x277: {  	v5 =	vld.idx.msk [tilespmem:v2+s22+$0x0], $0xffff  }
0x278: {  	v3 =	vld.idx.msk [tilespmem:v3+s22+$0x0], $0xffff  }
0x279: {  	v0 =	vld.idx.msk [tilespmem:v4+s22+$0x0], $0xffff  }
0x27a: {  	s0 =	simm.s32 $0x1C740;
	v1 =	vld.idx.msk [tilespmem:v6+s22+$0x0], $0xffff  }
0x27b: {  	v2 =	vld.idx.msk [tilespmem:v7+s22+$0x0], $0xffff;
	[tilespmem:s0+$0x30] =	vst v9  }
0x27c: {  	s1 =	simm.s32 $0x0;
	s3 =	simm.s32 $0x187C0;
	v4 =	vld.idx.msk [tilespmem:v8+s22+$0x0], $0xffff;
	[tilespmem:s0+$0xFFFFFFD0] =	vst v10  }
.LBB2_22:
0x27d: {  	v6 =	vld [tilespmem:s3+$0x30];
	s1 =	sadd.s32 $0x8, s1;
	[tilespmem:s0+$0xFFFFFFE0] =	vst v5  }
0x27e: {  	v5 =	vld [tilespmem:s3+$0xFFFFFFD0];
	p5 =	slt.u32 s1, $0x1F8;
	[tilespmem:s0+$0xFFFFFFF0] =	vst v3  }
0x27f: {  	v3 =	vld [tilespmem:s3+$0xFFFFFFE0];
	[tilespmem:s0+$0x0] =	vst v0  }
0x280: {  	v0 =	vld [tilespmem:s3+$0xFFFFFFF0];
	[tilespmem:s0+$0x10] =	vst v1  }
0x281: {  	v1 =	vld [tilespmem:s3+$0x0];
	[tilespmem:s0+$0x20] =	vst v2  }
0x282: {  	v2 =	vld [tilespmem:s3+$0x10];
	[tilespmem:s0+$0xFFFFFFC0] =	vst v4  }
0x283: {  	v4 =	vld [tilespmem:s3+$0x20]  }
0x284: {  	v7 =	vld [tilespmem:s3+$0xFFFFFFC0]  }
0x285: {  	v6 =	vld.idx.msk [tilespmem:v6+s22+$0x0], $0xffff  }
0x286: {  	v8 =	vld.idx.msk [tilespmem:v5+s22+$0x0], $0xffff  }
0x287: {  	v5 =	vld.idx.msk [tilespmem:v3+s22+$0x0], $0xffff  }
.Ltmp10:
0x288: {  	v3 =	vld.idx.msk [tilespmem:v0+s22+$0x0], $0xffff;
	(pc) =	sbr.rel @p5 .LBB2_22-.Ltmp10, $4  }
0x289: {  	v0 =	vld.idx.msk [tilespmem:v1+s22+$0x0], $0xffff  }
0x28a: {  	s0 =	sadd.s32 $0x80, s0;
	v1 =	vld.idx.msk [tilespmem:v2+s22+$0x0], $0xffff  }
0x28b: {  	v2 =	vld.idx.msk [tilespmem:v4+s22+$0x0], $0xffff;
	[tilespmem:s0+$0x30] =	vst v6  }
0x28c: {  	s3 =	sadd.s32 $0x80, s3;
	v4 =	vld.idx.msk [tilespmem:v7+s22+$0x0], $0xffff;
	[tilespmem:s0+$0xFFFFFFD0] =	vst v8  }
0x28d: {  	[tilespmem:s0+$0xFFFFFFE0] =	vst v5  }
0x28e: {  	[tilespmem:s0+$0xFFFFFFF0] =	vst v3  }
0x28f: {  	[tilespmem:s0+$0x0] =	vst v0  }
0x290: {  	[tilespmem:s0+$0x10] =	vst v1  }
0x291: {  	[tilespmem:s0+$0x20] =	vst v2  }
0x292: {  	[tilespmem:s0+$0xFFFFFFC0] =	vst v4  }
0x293: {  	s0 =	sld [smem:$0x7EB];
	_ =	sdelay $0x2  }
0x294: {  	[hbm4b:s0+s24] =	stream.strided.scatter [tilespmem:s28], [sflag:$0x1], $0x2000, s25, s24, $0x38;
	[tilespmem:$0x1E700] =	vst v63  }
0x295: {  	_ =	swait.ge [sflag:s26], $0x2000  }
0x296: {  	[sflag:s26] =	ssyncset.done $0x0  }
0x297: {  	s9 =	simm.s32 $0x1A770;
	[sflag:s26] =	ssyncadd.s32 $0xFFFFE000  }
0x298: {  	v0 =	vld [tilespmem:s9+$0x0]  }
0x299: {  	v1 =	vld [tilespmem:s9+$0xFFFFFFA0]  }
0x29a: {  	v2 =	vld [tilespmem:s9+$0xFFFFFFB0]  }
0x29b: {  	v3 =	vld [tilespmem:s9+$0xFFFFFFC0]  }
0x29c: {  	v4 =	vld [tilespmem:s9+$0xFFFFFFD0]  }
0x29d: {  	v6 =	vld [tilespmem:s9+$0xFFFFFFE0]  }
0x29e: {  	v7 =	vld [tilespmem:s9+$0xFFFFFFF0]  }
0x29f: {  	v8 =	vld [tilespmem:s9+$0xFFFFFF90]  }
0x2a0: {  	v9 =	vld.idx.msk [tilespmem:v0+s22+$0x0], $0xffff  }
0x2a1: {  	v10 =	vld.idx.msk [tilespmem:v1+s22+$0x0], $0xffff  }
0x2a2: {  	v5 =	vld.idx.msk [tilespmem:v2+s22+$0x0], $0xffff  }
0x2a3: {  	v3 =	vld.idx.msk [tilespmem:v3+s22+$0x0], $0xffff  }
0x2a4: {  	v0 =	vld.idx.msk [tilespmem:v4+s22+$0x0], $0xffff  }
0x2a5: {  	s0 =	simm.s32 $0x1C740;
	v1 =	vld.idx.msk [tilespmem:v6+s22+$0x0], $0xffff  }
0x2a6: {  	v2 =	vld.idx.msk [tilespmem:v7+s22+$0x0], $0xffff;
	[tilespmem:s0+$0x30] =	vst v9  }
0x2a7: {  	s1 =	simm.s32 $0x0;
	s3 =	simm.s32 $0x1A7F0;
	v4 =	vld.idx.msk [tilespmem:v8+s22+$0x0], $0xffff;
	[tilespmem:s0+$0xFFFFFFD0] =	vst v10  }
.LBB2_24:
0x2a8: {  	v6 =	vld [tilespmem:s3+$0x0];
	s1 =	sadd.s32 $0x8, s1;
	[tilespmem:s0+$0xFFFFFFE0] =	vst v5  }
0x2a9: {  	v5 =	vld [tilespmem:s3+$0xFFFFFFA0];
	p5 =	slt.u32 s1, $0x1F8;
	[tilespmem:s0+$0xFFFFFFF0] =	vst v3  }
0x2aa: {  	v3 =	vld [tilespmem:s3+$0xFFFFFFB0];
	[tilespmem:s0+$0x0] =	vst v0  }
0x2ab: {  	v0 =	vld [tilespmem:s3+$0xFFFFFFC0];
	[tilespmem:s0+$0x10] =	vst v1  }
0x2ac: {  	v1 =	vld [tilespmem:s3+$0xFFFFFFD0];
	[tilespmem:s0+$0x20] =	vst v2  }
0x2ad: {  	v2 =	vld [tilespmem:s3+$0xFFFFFFE0];
	[tilespmem:s0+$0xFFFFFFC0] =	vst v4  }
0x2ae: {  	v4 =	vld [tilespmem:s3+$0xFFFFFFF0]  }
0x2af: {  	v7 =	vld [tilespmem:s3+$0xFFFFFF90]  }
0x2b0: {  	v6 =	vld.idx.msk [tilespmem:v6+s22+$0x0], $0xffff  }
0x2b1: {  	v8 =	vld.idx.msk [tilespmem:v5+s22+$0x0], $0xffff  }
0x2b2: {  	v5 =	vld.idx.msk [tilespmem:v3+s22+$0x0], $0xffff  }
.Ltmp11:
0x2b3: {  	v3 =	vld.idx.msk [tilespmem:v0+s22+$0x0], $0xffff;
	(pc) =	sbr.rel @p5 .LBB2_24-.Ltmp11, $4  }
0x2b4: {  	v0 =	vld.idx.msk [tilespmem:v1+s22+$0x0], $0xffff  }
0x2b5: {  	s0 =	sadd.s32 $0x80, s0;
	v1 =	vld.idx.msk [tilespmem:v2+s22+$0x0], $0xffff  }
0x2b6: {  	v2 =	vld.idx.msk [tilespmem:v4+s22+$0x0], $0xffff;
	[tilespmem:s0+$0x30] =	vst v6  }
0x2b7: {  	s3 =	sadd.s32 $0x80, s3;
	v4 =	vld.idx.msk [tilespmem:v7+s22+$0x0], $0xffff;
	[tilespmem:s0+$0xFFFFFFD0] =	vst v8  }
0x2b8: {  	[tilespmem:s0+$0xFFFFFFE0] =	vst v5  }
0x2b9: {  	[tilespmem:s0+$0xFFFFFFF0] =	vst v3  }
0x2ba: {  	[tilespmem:s0+$0x0] =	vst v0  }
0x2bb: {  	[tilespmem:s0+$0x10] =	vst v1  }
0x2bc: {  	[tilespmem:s0+$0x20] =	vst v2  }
0x2bd: {  	[tilespmem:s0+$0xFFFFFFC0] =	vst v4  }
0x2be: {  	s0 =	sld [smem:$0x7EC];
	_ =	sdelay $0x2  }
0x2bf: {  	[hbm4b:s0+s24] =	stream.strided.scatter [tilespmem:s28], [sflag:$0x1], $0x2000, s25, s24, $0x38;
	[tilespmem:$0x1E700] =	vst v63  }
0x2c0: {  	_ =	swait.ge [sflag:s26], $0x2000  }
0x2c1: {  	s1 =	sld [smem:$0x7F6];
	_ =	sdelay $0x1  }
0x2c2: {  	[sflag:s26] =	ssyncset.done $0x0  }
0x2c3: {  	[sflag:s26] =	ssyncadd.s32 $0xFFFFE000;
	p5 =	seq.s32 s1, $0x1  }
0x2c4: {  	s0 =	simm.s32 @!p5 $0x80;
	s1 =	simm.s32 @!p5 $0x400;
	s3 =	simm.s32 @!p5 $0x18700  }
0x2c5: {  	[tilespmem:s3], [sflag:$0x1] =	stream.strided.gather @!p5 [hbm4b:s30+s0], $0x4000, s1, s0, $0x38;
	[tilespmem:$0x1E700] =	vst v63  }
0x2c6: {  	s0 =	simm.s32 @!p5 $0x1  }
0x2c7: {  	_ =	swait.ge @!p5 [sflag:s0], $0x4000  }
0x2c8: {  	[sflag:s0] =	ssyncset.done @!p5 $0x0  }
0x2c9: {  	s3 =	rddreg [dreg:$0xf];
	[sflag:s0] =	ssyncadd.s32 @!p5 $0xFFFFC000  }
0x2ca: {  	[tilespmem:s22], [sflag:$0x1] =	stream.strided.gather [hbm4b:s3+s24], $0x18700, s25, s24, $0x38;
	[tilespmem:$0x1E700] =	vst v63  }
0x2cb: {  	_ =	swait.ge [sflag:s26], $0x18700  }
0x2cc: {  	[sflag:s26] =	ssyncset.done $0x0  }
0x2cd: {  	s9 =	simm.s32 $0x18740;
	[sflag:s26] =	ssyncadd.s32 $0xFFFE7900  }
0x2ce: {  	v0 =	vld [tilespmem:s9+$0x30]  }
0x2cf: {  	v1 =	vld [tilespmem:s9+$0xFFFFFFD0]  }
0x2d0: {  	v2 =	vld [tilespmem:s9+$0xFFFFFFE0]  }
0x2d1: {  	v3 =	vld [tilespmem:s9+$0xFFFFFFF0]  }
0x2d2: {  	v4 =	vld [tilespmem:s9+$0x0]  }
0x2d3: {  	v6 =	vld [tilespmem:s9+$0x10]  }
0x2d4: {  	v7 =	vld [tilespmem:s9+$0x20]  }
0x2d5: {  	v8 =	vld [tilespmem:s9+$0xFFFFFFC0]  }
0x2d6: {  	v9 =	vld.idx.msk [tilespmem:v0+s22+$0x0], $0xffff  }
0x2d7: {  	v10 =	vld.idx.msk [tilespmem:v1+s22+$0x0], $0xffff  }
0x2d8: {  	v5 =	vld.idx.msk [tilespmem:v2+s22+$0x0], $0xffff  }
0x2d9: {  	v3 =	vld.idx.msk [tilespmem:v3+s22+$0x0], $0xffff  }
0x2da: {  	v0 =	vld.idx.msk [tilespmem:v4+s22+$0x0], $0xffff  }
0x2db: {  	s0 =	simm.s32 $0x1C740;
	v1 =	vld.idx.msk [tilespmem:v6+s22+$0x0], $0xffff  }
0x2dc: {  	v2 =	vld.idx.msk [tilespmem:v7+s22+$0x0], $0xffff;
	[tilespmem:s0+$0x30] =	vst v9  }
0x2dd: {  	s1 =	simm.s32 $0x0;
	s3 =	simm.s32 $0x187C0;
	v4 =	vld.idx.msk [tilespmem:v8+s22+$0x0], $0xffff;
	[tilespmem:s0+$0xFFFFFFD0] =	vst v10  }
.LBB2_26:
0x2de: {  	v6 =	vld [tilespmem:s3+$0x30];
	s1 =	sadd.s32 $0x8, s1;
	[tilespmem:s0+$0xFFFFFFE0] =	vst v5  }
0x2df: {  	v5 =	vld [tilespmem:s3+$0xFFFFFFD0];
	p5 =	slt.u32 s1, $0x1F8;
	[tilespmem:s0+$0xFFFFFFF0] =	vst v3  }
0x2e0: {  	v3 =	vld [tilespmem:s3+$0xFFFFFFE0];
	[tilespmem:s0+$0x0] =	vst v0  }
0x2e1: {  	v0 =	vld [tilespmem:s3+$0xFFFFFFF0];
	[tilespmem:s0+$0x10] =	vst v1  }
0x2e2: {  	v1 =	vld [tilespmem:s3+$0x0];
	[tilespmem:s0+$0x20] =	vst v2  }
0x2e3: {  	v2 =	vld [tilespmem:s3+$0x10];
	[tilespmem:s0+$0xFFFFFFC0] =	vst v4  }
0x2e4: {  	v4 =	vld [tilespmem:s3+$0x20]  }
0x2e5: {  	v7 =	vld [tilespmem:s3+$0xFFFFFFC0]  }
0x2e6: {  	v6 =	vld.idx.msk [tilespmem:v6+s22+$0x0], $0xffff  }
0x2e7: {  	v8 =	vld.idx.msk [tilespmem:v5+s22+$0x0], $0xffff  }
0x2e8: {  	v5 =	vld.idx.msk [tilespmem:v3+s22+$0x0], $0xffff  }
.Ltmp12:
0x2e9: {  	v3 =	vld.idx.msk [tilespmem:v0+s22+$0x0], $0xffff;
	(pc) =	sbr.rel @p5 .LBB2_26-.Ltmp12, $4  }
0x2ea: {  	v0 =	vld.idx.msk [tilespmem:v1+s22+$0x0], $0xffff  }
0x2eb: {  	s0 =	sadd.s32 $0x80, s0;
	v1 =	vld.idx.msk [tilespmem:v2+s22+$0x0], $0xffff  }
0x2ec: {  	v2 =	vld.idx.msk [tilespmem:v4+s22+$0x0], $0xffff;
	[tilespmem:s0+$0x30] =	vst v6  }
0x2ed: {  	s3 =	sadd.s32 $0x80, s3;
	v4 =	vld.idx.msk [tilespmem:v7+s22+$0x0], $0xffff;
	[tilespmem:s0+$0xFFFFFFD0] =	vst v8  }
0x2ee: {  	[tilespmem:s0+$0xFFFFFFE0] =	vst v5  }
0x2ef: {  	[tilespmem:s0+$0xFFFFFFF0] =	vst v3  }
0x2f0: {  	[tilespmem:s0+$0x0] =	vst v0  }
0x2f1: {  	[tilespmem:s0+$0x10] =	vst v1  }
0x2f2: {  	[tilespmem:s0+$0x20] =	vst v2  }
0x2f3: {  	[tilespmem:s0+$0xFFFFFFC0] =	vst v4  }
0x2f4: {  	s0 =	sld [smem:$0x7ED];
	_ =	sdelay $0x2  }
0x2f5: {  	[hbm4b:s0+s24] =	stream.strided.scatter [tilespmem:s28], [sflag:$0x1], $0x2000, s25, s24, $0x38;
	[tilespmem:$0x1E700] =	vst v63  }
0x2f6: {  	_ =	swait.ge [sflag:s26], $0x2000  }
0x2f7: {  	[sflag:s26] =	ssyncset.done $0x0  }
0x2f8: {  	s9 =	simm.s32 $0x1A770;
	[sflag:s26] =	ssyncadd.s32 $0xFFFFE000  }
0x2f9: {  	v0 =	vld [tilespmem:s9+$0x0]  }
0x2fa: {  	v1 =	vld [tilespmem:s9+$0xFFFFFFA0]  }
0x2fb: {  	v2 =	vld [tilespmem:s9+$0xFFFFFFB0]  }
0x2fc: {  	v3 =	vld [tilespmem:s9+$0xFFFFFFC0]  }
0x2fd: {  	v4 =	vld [tilespmem:s9+$0xFFFFFFD0]  }
0x2fe: {  	v6 =	vld [tilespmem:s9+$0xFFFFFFE0]  }
0x2ff: {  	v7 =	vld [tilespmem:s9+$0xFFFFFFF0]  }
0x300: {  	v8 =	vld [tilespmem:s9+$0xFFFFFF90]  }
0x301: {  	v9 =	vld.idx.msk [tilespmem:v0+s22+$0x0], $0xffff  }
0x302: {  	v10 =	vld.idx.msk [tilespmem:v1+s22+$0x0], $0xffff  }
0x303: {  	v5 =	vld.idx.msk [tilespmem:v2+s22+$0x0], $0xffff  }
0x304: {  	v3 =	vld.idx.msk [tilespmem:v3+s22+$0x0], $0xffff  }
0x305: {  	v0 =	vld.idx.msk [tilespmem:v4+s22+$0x0], $0xffff  }
0x306: {  	s0 =	simm.s32 $0x1C740;
	v1 =	vld.idx.msk [tilespmem:v6+s22+$0x0], $0xffff  }
0x307: {  	v2 =	vld.idx.msk [tilespmem:v7+s22+$0x0], $0xffff;
	[tilespmem:s0+$0x30] =	vst v9  }
0x308: {  	s1 =	simm.s32 $0x0;
	s3 =	simm.s32 $0x1A7F0;
	v4 =	vld.idx.msk [tilespmem:v8+s22+$0x0], $0xffff;
	[tilespmem:s0+$0xFFFFFFD0] =	vst v10  }
.LBB2_28:
0x309: {  	v6 =	vld [tilespmem:s3+$0x0];
	s1 =	sadd.s32 $0x8, s1;
	[tilespmem:s0+$0xFFFFFFE0] =	vst v5  }
0x30a: {  	v5 =	vld [tilespmem:s3+$0xFFFFFFA0];
	p5 =	slt.u32 s1, $0x1F8;
	[tilespmem:s0+$0xFFFFFFF0] =	vst v3  }
0x30b: {  	v3 =	vld [tilespmem:s3+$0xFFFFFFB0];
	[tilespmem:s0+$0x0] =	vst v0  }
0x30c: {  	v0 =	vld [tilespmem:s3+$0xFFFFFFC0];
	[tilespmem:s0+$0x10] =	vst v1  }
0x30d: {  	v1 =	vld [tilespmem:s3+$0xFFFFFFD0];
	[tilespmem:s0+$0x20] =	vst v2  }
0x30e: {  	v2 =	vld [tilespmem:s3+$0xFFFFFFE0];
	[tilespmem:s0+$0xFFFFFFC0] =	vst v4  }
0x30f: {  	v4 =	vld [tilespmem:s3+$0xFFFFFFF0]  }
0x310: {  	v7 =	vld [tilespmem:s3+$0xFFFFFF90]  }
0x311: {  	v6 =	vld.idx.msk [tilespmem:v6+s22+$0x0], $0xffff  }
0x312: {  	v8 =	vld.idx.msk [tilespmem:v5+s22+$0x0], $0xffff  }
0x313: {  	v5 =	vld.idx.msk [tilespmem:v3+s22+$0x0], $0xffff  }
.Ltmp13:
0x314: {  	v3 =	vld.idx.msk [tilespmem:v0+s22+$0x0], $0xffff;
	(pc) =	sbr.rel @p5 .LBB2_28-.Ltmp13, $4  }
0x315: {  	v0 =	vld.idx.msk [tilespmem:v1+s22+$0x0], $0xffff  }
0x316: {  	s0 =	sadd.s32 $0x80, s0;
	v1 =	vld.idx.msk [tilespmem:v2+s22+$0x0], $0xffff  }
0x317: {  	v2 =	vld.idx.msk [tilespmem:v4+s22+$0x0], $0xffff;
	[tilespmem:s0+$0x30] =	vst v6  }
0x318: {  	s3 =	sadd.s32 $0x80, s3;
	v4 =	vld.idx.msk [tilespmem:v7+s22+$0x0], $0xffff;
	[tilespmem:s0+$0xFFFFFFD0] =	vst v8  }
0x319: {  	[tilespmem:s0+$0xFFFFFFE0] =	vst v5  }
0x31a: {  	[tilespmem:s0+$0xFFFFFFF0] =	vst v3  }
0x31b: {  	[tilespmem:s0+$0x0] =	vst v0  }
0x31c: {  	[tilespmem:s0+$0x10] =	vst v1  }
0x31d: {  	[tilespmem:s0+$0x20] =	vst v2  }
0x31e: {  	[tilespmem:s0+$0xFFFFFFC0] =	vst v4  }
0x31f: {  	s0 =	sld [smem:$0x7EE];
	_ =	sdelay $0x2  }
0x320: {  	[hbm4b:s0+s24] =	stream.strided.scatter [tilespmem:s28], [sflag:$0x1], $0x2000, s25, s24, $0x38;
	[tilespmem:$0x1E700] =	vst v63  }
0x321: {  	_ =	swait.ge [sflag:s26], $0x2000  }
0x322: {  	s1 =	simm.s32 @!p6 $0x400;
	[sflag:s26] =	ssyncset.done $0x0  }
0x323: {  	s3 =	simm.s32 @!p6 $0x18700;
	s0 =	simm.s32 @!p6 $0x80;
	[sflag:s26] =	ssyncadd.s32 $0xFFFFE000  }
0x324: {  	[tilespmem:s3], [sflag:$0x1] =	stream.strided.gather @!p6 [hbm4b:s31+s0], $0x4000, s1, s0, $0x38;
	[tilespmem:$0x1E700] =	vst v63  }
0x325: {  	s0 =	simm.s32 @!p6 $0x1  }
0x326: {  	_ =	swait.ge @!p6 [sflag:s0], $0x4000  }
0x327: {  	[sflag:s0] =	ssyncset.done @!p6 $0x0  }
0x328: {  	s3 =	rddreg [dreg:$0x10];
	[sflag:s0] =	ssyncadd.s32 @!p6 $0xFFFFC000  }
0x329: {  	[tilespmem:s22], [sflag:$0x1] =	stream.strided.gather [hbm4b:s3+s24], $0x18700, s25, s24, $0x38;
	[tilespmem:$0x1E700] =	vst v63  }
0x32a: {  	_ =	swait.ge [sflag:s26], $0x18700  }
0x32b: {  	[sflag:s26] =	ssyncset.done $0x0  }
0x32c: {  	s9 =	simm.s32 $0x18740;
	[sflag:s26] =	ssyncadd.s32 $0xFFFE7900  }
0x32d: {  	v0 =	vld [tilespmem:s9+$0x30]  }
0x32e: {  	v1 =	vld [tilespmem:s9+$0xFFFFFFD0]  }
0x32f: {  	v2 =	vld [tilespmem:s9+$0xFFFFFFE0]  }
0x330: {  	v3 =	vld [tilespmem:s9+$0xFFFFFFF0]  }
0x331: {  	v4 =	vld [tilespmem:s9+$0x0]  }
0x332: {  	v6 =	vld [tilespmem:s9+$0x10]  }
0x333: {  	v7 =	vld [tilespmem:s9+$0x20]  }
0x334: {  	v8 =	vld [tilespmem:s9+$0xFFFFFFC0]  }
0x335: {  	v9 =	vld.idx.msk [tilespmem:v0+s22+$0x0], $0xffff  }
0x336: {  	v10 =	vld.idx.msk [tilespmem:v1+s22+$0x0], $0xffff  }
0x337: {  	v5 =	vld.idx.msk [tilespmem:v2+s22+$0x0], $0xffff  }
0x338: {  	v3 =	vld.idx.msk [tilespmem:v3+s22+$0x0], $0xffff  }
0x339: {  	v0 =	vld.idx.msk [tilespmem:v4+s22+$0x0], $0xffff  }
0x33a: {  	s0 =	simm.s32 $0x1C740;
	v1 =	vld.idx.msk [tilespmem:v6+s22+$0x0], $0xffff  }
0x33b: {  	v2 =	vld.idx.msk [tilespmem:v7+s22+$0x0], $0xffff;
	[tilespmem:s0+$0x30] =	vst v9  }
0x33c: {  	s1 =	simm.s32 $0x0;
	s3 =	simm.s32 $0x187C0;
	v4 =	vld.idx.msk [tilespmem:v8+s22+$0x0], $0xffff;
	[tilespmem:s0+$0xFFFFFFD0] =	vst v10  }
.LBB2_30:
0x33d: {  	v6 =	vld [tilespmem:s3+$0x30];
	s1 =	sadd.s32 $0x8, s1;
	[tilespmem:s0+$0xFFFFFFE0] =	vst v5  }
0x33e: {  	v5 =	vld [tilespmem:s3+$0xFFFFFFD0];
	p5 =	slt.u32 s1, $0x1F8;
	[tilespmem:s0+$0xFFFFFFF0] =	vst v3  }
0x33f: {  	v3 =	vld [tilespmem:s3+$0xFFFFFFE0];
	[tilespmem:s0+$0x0] =	vst v0  }
0x340: {  	v0 =	vld [tilespmem:s3+$0xFFFFFFF0];
	[tilespmem:s0+$0x10] =	vst v1  }
0x341: {  	v1 =	vld [tilespmem:s3+$0x0];
	[tilespmem:s0+$0x20] =	vst v2  }
0x342: {  	v2 =	vld [tilespmem:s3+$0x10];
	[tilespmem:s0+$0xFFFFFFC0] =	vst v4  }
0x343: {  	v4 =	vld [tilespmem:s3+$0x20]  }
0x344: {  	v7 =	vld [tilespmem:s3+$0xFFFFFFC0]  }
0x345: {  	v6 =	vld.idx.msk [tilespmem:v6+s22+$0x0], $0xffff  }
0x346: {  	v8 =	vld.idx.msk [tilespmem:v5+s22+$0x0], $0xffff  }
0x347: {  	v5 =	vld.idx.msk [tilespmem:v3+s22+$0x0], $0xffff  }
.Ltmp14:
0x348: {  	v3 =	vld.idx.msk [tilespmem:v0+s22+$0x0], $0xffff;
	(pc) =	sbr.rel @p5 .LBB2_30-.Ltmp14, $4  }
0x349: {  	v0 =	vld.idx.msk [tilespmem:v1+s22+$0x0], $0xffff  }
0x34a: {  	s0 =	sadd.s32 $0x80, s0;
	v1 =	vld.idx.msk [tilespmem:v2+s22+$0x0], $0xffff  }
0x34b: {  	v2 =	vld.idx.msk [tilespmem:v4+s22+$0x0], $0xffff;
	[tilespmem:s0+$0x30] =	vst v6  }
0x34c: {  	s3 =	sadd.s32 $0x80, s3;
	v4 =	vld.idx.msk [tilespmem:v7+s22+$0x0], $0xffff;
	[tilespmem:s0+$0xFFFFFFD0] =	vst v8  }
0x34d: {  	[tilespmem:s0+$0xFFFFFFE0] =	vst v5  }
0x34e: {  	[tilespmem:s0+$0xFFFFFFF0] =	vst v3  }
0x34f: {  	[tilespmem:s0+$0x0] =	vst v0  }
0x350: {  	[tilespmem:s0+$0x10] =	vst v1  }
0x351: {  	[tilespmem:s0+$0x20] =	vst v2  }
0x352: {  	[tilespmem:s0+$0xFFFFFFC0] =	vst v4  }
0x353: {  	[hbm4b:s10+s24] =	stream.strided.scatter [tilespmem:s28], [sflag:$0x1], $0x2000, s25, s24, $0x38;
	[tilespmem:$0x1E700] =	vst v63  }
0x354: {  	_ =	swait.ge [sflag:s26], $0x2000  }
0x355: {  	[sflag:s26] =	ssyncset.done $0x0  }
0x356: {  	s9 =	simm.s32 $0x1A770;
	[sflag:s26] =	ssyncadd.s32 $0xFFFFE000  }
0x357: {  	v0 =	vld [tilespmem:s9+$0x0]  }
0x358: {  	v1 =	vld [tilespmem:s9+$0xFFFFFFA0]  }
0x359: {  	v2 =	vld [tilespmem:s9+$0xFFFFFFB0]  }
0x35a: {  	v3 =	vld [tilespmem:s9+$0xFFFFFFC0]  }
0x35b: {  	v4 =	vld [tilespmem:s9+$0xFFFFFFD0]  }
0x35c: {  	v6 =	vld [tilespmem:s9+$0xFFFFFFE0]  }
0x35d: {  	v7 =	vld [tilespmem:s9+$0xFFFFFFF0]  }
0x35e: {  	v8 =	vld [tilespmem:s9+$0xFFFFFF90]  }
0x35f: {  	v9 =	vld.idx.msk [tilespmem:v0+s22+$0x0], $0xffff  }
0x360: {  	v10 =	vld.idx.msk [tilespmem:v1+s22+$0x0], $0xffff  }
0x361: {  	v5 =	vld.idx.msk [tilespmem:v2+s22+$0x0], $0xffff  }
0x362: {  	v3 =	vld.idx.msk [tilespmem:v3+s22+$0x0], $0xffff  }
0x363: {  	v0 =	vld.idx.msk [tilespmem:v4+s22+$0x0], $0xffff  }
0x364: {  	s0 =	simm.s32 $0x1C740;
	v1 =	vld.idx.msk [tilespmem:v6+s22+$0x0], $0xffff  }
0x365: {  	v2 =	vld.idx.msk [tilespmem:v7+s22+$0x0], $0xffff;
	[tilespmem:s0+$0x30] =	vst v9  }
0x366: {  	s1 =	simm.s32 $0x0;
	s3 =	simm.s32 $0x1A7F0;
	v4 =	vld.idx.msk [tilespmem:v8+s22+$0x0], $0xffff;
	[tilespmem:s0+$0xFFFFFFD0] =	vst v10  }
.LBB2_32:
0x367: {  	v6 =	vld [tilespmem:s3+$0x0];
	s1 =	sadd.s32 $0x8, s1;
	[tilespmem:s0+$0xFFFFFFE0] =	vst v5  }
0x368: {  	v5 =	vld [tilespmem:s3+$0xFFFFFFA0];
	p5 =	slt.u32 s1, $0x1F8;
	[tilespmem:s0+$0xFFFFFFF0] =	vst v3  }
0x369: {  	v3 =	vld [tilespmem:s3+$0xFFFFFFB0];
	[tilespmem:s0+$0x0] =	vst v0  }
0x36a: {  	v0 =	vld [tilespmem:s3+$0xFFFFFFC0];
	[tilespmem:s0+$0x10] =	vst v1  }
0x36b: {  	v1 =	vld [tilespmem:s3+$0xFFFFFFD0];
	[tilespmem:s0+$0x20] =	vst v2  }
0x36c: {  	v2 =	vld [tilespmem:s3+$0xFFFFFFE0];
	[tilespmem:s0+$0xFFFFFFC0] =	vst v4  }
0x36d: {  	v4 =	vld [tilespmem:s3+$0xFFFFFFF0]  }
0x36e: {  	v7 =	vld [tilespmem:s3+$0xFFFFFF90]  }
0x36f: {  	v6 =	vld.idx.msk [tilespmem:v6+s22+$0x0], $0xffff  }
0x370: {  	v8 =	vld.idx.msk [tilespmem:v5+s22+$0x0], $0xffff  }
0x371: {  	v5 =	vld.idx.msk [tilespmem:v3+s22+$0x0], $0xffff  }
.Ltmp15:
0x372: {  	v3 =	vld.idx.msk [tilespmem:v0+s22+$0x0], $0xffff;
	(pc) =	sbr.rel @p5 .LBB2_32-.Ltmp15, $4  }
0x373: {  	v0 =	vld.idx.msk [tilespmem:v1+s22+$0x0], $0xffff  }
0x374: {  	s0 =	sadd.s32 $0x80, s0;
	v1 =	vld.idx.msk [tilespmem:v2+s22+$0x0], $0xffff  }
0x375: {  	v2 =	vld.idx.msk [tilespmem:v4+s22+$0x0], $0xffff;
	[tilespmem:s0+$0x30] =	vst v6  }
0x376: {  	s3 =	sadd.s32 $0x80, s3;
	v4 =	vld.idx.msk [tilespmem:v7+s22+$0x0], $0xffff;
	[tilespmem:s0+$0xFFFFFFD0] =	vst v8  }
0x377: {  	[tilespmem:s0+$0xFFFFFFE0] =	vst v5  }
0x378: {  	[tilespmem:s0+$0xFFFFFFF0] =	vst v3  }
0x379: {  	[tilespmem:s0+$0x0] =	vst v0  }
0x37a: {  	[tilespmem:s0+$0x10] =	vst v1  }
0x37b: {  	[tilespmem:s0+$0x20] =	vst v2  }
0x37c: {  	[tilespmem:s0+$0xFFFFFFC0] =	vst v4  }
0x37d: {  	[hbm4b:s2+s24] =	stream.strided.scatter [tilespmem:s28], [sflag:$0x1], $0x2000, s25, s24, $0x38;
	[tilespmem:$0x1E700] =	vst v63  }
0x37e: {  	_ =	swait.ge [sflag:s26], $0x2000  }
0x37f: {  	s1 =	simm.s32 @!p0 $0x400;
	s3 =	simm.s32 @!p0 $0x18700;
	[sflag:s26] =	ssyncset.done $0x0  }
0x380: {  	s0 =	simm.s32 @!p0 $0x80;
	s9 =	rddreg [dreg:$0x4];
	[sflag:s26] =	ssyncadd.s32 $0xFFFFE000  }
0x381: {  	[tilespmem:s3], [sflag:$0x1] =	stream.strided.gather @!p0 [hbm4b:s9+s0], $0x4000, s1, s0, $0x38;
	[tilespmem:$0x1E700] =	vst v63  }
0x382: {  	s0 =	simm.s32 @!p0 $0x1  }
0x383: {  	_ =	swait.ge @!p0 [sflag:s0], $0x4000  }
0x384: {  	[sflag:s0] =	ssyncset.done @!p0 $0x0  }
0x385: {  	s3 =	rddreg [dreg:$0x11];
	[sflag:s0] =	ssyncadd.s32 @!p0 $0xFFFFC000  }
0x386: {  	[tilespmem:s22], [sflag:$0x1] =	stream.strided.gather [hbm4b:s3+s24], $0x18700, s25, s24, $0x38;
	[tilespmem:$0x1E700] =	vst v63  }
0x387: {  	_ =	swait.ge [sflag:s26], $0x18700  }
0x388: {  	[sflag:s26] =	ssyncset.done $0x0  }
0x389: {  	s9 =	simm.s32 $0x18740;
	[sflag:s26] =	ssyncadd.s32 $0xFFFE7900  }
0x38a: {  	v0 =	vld [tilespmem:s9+$0x30]  }
0x38b: {  	v1 =	vld [tilespmem:s9+$0xFFFFFFD0]  }
0x38c: {  	v2 =	vld [tilespmem:s9+$0xFFFFFFE0]  }
0x38d: {  	v3 =	vld [tilespmem:s9+$0xFFFFFFF0]  }
0x38e: {  	v4 =	vld [tilespmem:s9+$0x0]  }
0x38f: {  	v6 =	vld [tilespmem:s9+$0x10]  }
0x390: {  	v7 =	vld [tilespmem:s9+$0x20]  }
0x391: {  	v8 =	vld [tilespmem:s9+$0xFFFFFFC0]  }
0x392: {  	v9 =	vld.idx.msk [tilespmem:v0+s22+$0x0], $0xffff  }
0x393: {  	v10 =	vld.idx.msk [tilespmem:v1+s22+$0x0], $0xffff  }
0x394: {  	v5 =	vld.idx.msk [tilespmem:v2+s22+$0x0], $0xffff  }
0x395: {  	v3 =	vld.idx.msk [tilespmem:v3+s22+$0x0], $0xffff  }
0x396: {  	v0 =	vld.idx.msk [tilespmem:v4+s22+$0x0], $0xffff  }
0x397: {  	s0 =	simm.s32 $0x1C740;
	v1 =	vld.idx.msk [tilespmem:v6+s22+$0x0], $0xffff  }
0x398: {  	v2 =	vld.idx.msk [tilespmem:v7+s22+$0x0], $0xffff;
	[tilespmem:s0+$0x30] =	vst v9  }
0x399: {  	s1 =	simm.s32 $0x0;
	s3 =	simm.s32 $0x187C0;
	v4 =	vld.idx.msk [tilespmem:v8+s22+$0x0], $0xffff;
	[tilespmem:s0+$0xFFFFFFD0] =	vst v10  }
.LBB2_34:
0x39a: {  	v6 =	vld [tilespmem:s3+$0x30];
	s1 =	sadd.s32 $0x8, s1;
	[tilespmem:s0+$0xFFFFFFE0] =	vst v5  }
0x39b: {  	v5 =	vld [tilespmem:s3+$0xFFFFFFD0];
	p5 =	slt.u32 s1, $0x1F8;
	[tilespmem:s0+$0xFFFFFFF0] =	vst v3  }
0x39c: {  	v3 =	vld [tilespmem:s3+$0xFFFFFFE0];
	[tilespmem:s0+$0x0] =	vst v0  }
0x39d: {  	v0 =	vld [tilespmem:s3+$0xFFFFFFF0];
	[tilespmem:s0+$0x10] =	vst v1  }
0x39e: {  	v1 =	vld [tilespmem:s3+$0x0];
	[tilespmem:s0+$0x20] =	vst v2  }
0x39f: {  	v2 =	vld [tilespmem:s3+$0x10];
	[tilespmem:s0+$0xFFFFFFC0] =	vst v4  }
0x3a0: {  	v4 =	vld [tilespmem:s3+$0x20]  }
0x3a1: {  	v7 =	vld [tilespmem:s3+$0xFFFFFFC0]  }
0x3a2: {  	v6 =	vld.idx.msk [tilespmem:v6+s22+$0x0], $0xffff  }
0x3a3: {  	v8 =	vld.idx.msk [tilespmem:v5+s22+$0x0], $0xffff  }
0x3a4: {  	v5 =	vld.idx.msk [tilespmem:v3+s22+$0x0], $0xffff  }
.Ltmp16:
0x3a5: {  	v3 =	vld.idx.msk [tilespmem:v0+s22+$0x0], $0xffff;
	(pc) =	sbr.rel @p5 .LBB2_34-.Ltmp16, $4  }
0x3a6: {  	v0 =	vld.idx.msk [tilespmem:v1+s22+$0x0], $0xffff  }
0x3a7: {  	s0 =	sadd.s32 $0x80, s0;
	v1 =	vld.idx.msk [tilespmem:v2+s22+$0x0], $0xffff  }
0x3a8: {  	v2 =	vld.idx.msk [tilespmem:v4+s22+$0x0], $0xffff;
	[tilespmem:s0+$0x30] =	vst v6  }
0x3a9: {  	s3 =	sadd.s32 $0x80, s3;
	v4 =	vld.idx.msk [tilespmem:v7+s22+$0x0], $0xffff;
	[tilespmem:s0+$0xFFFFFFD0] =	vst v8  }
0x3aa: {  	[tilespmem:s0+$0xFFFFFFE0] =	vst v5  }
0x3ab: {  	[tilespmem:s0+$0xFFFFFFF0] =	vst v3  }
0x3ac: {  	[tilespmem:s0+$0x0] =	vst v0  }
0x3ad: {  	[tilespmem:s0+$0x10] =	vst v1  }
0x3ae: {  	[tilespmem:s0+$0x20] =	vst v2  }
0x3af: {  	[tilespmem:s0+$0xFFFFFFC0] =	vst v4  }
0x3b0: {  	[hbm4b:s12+s24] =	stream.strided.scatter [tilespmem:s28], [sflag:$0x1], $0x2000, s25, s24, $0x38;
	[tilespmem:$0x1E700] =	vst v63  }
0x3b1: {  	_ =	swait.ge [sflag:s26], $0x2000  }
0x3b2: {  	[sflag:s26] =	ssyncset.done $0x0  }
0x3b3: {  	s9 =	simm.s32 $0x1A770;
	[sflag:s26] =	ssyncadd.s32 $0xFFFFE000  }
0x3b4: {  	v0 =	vld [tilespmem:s9+$0x0]  }
0x3b5: {  	v1 =	vld [tilespmem:s9+$0xFFFFFFA0]  }
0x3b6: {  	v2 =	vld [tilespmem:s9+$0xFFFFFFB0]  }
0x3b7: {  	v3 =	vld [tilespmem:s9+$0xFFFFFFC0]  }
0x3b8: {  	v4 =	vld [tilespmem:s9+$0xFFFFFFD0]  }
0x3b9: {  	v6 =	vld [tilespmem:s9+$0xFFFFFFE0]  }
0x3ba: {  	v7 =	vld [tilespmem:s9+$0xFFFFFFF0]  }
0x3bb: {  	v8 =	vld [tilespmem:s9+$0xFFFFFF90]  }
0x3bc: {  	v9 =	vld.idx.msk [tilespmem:v0+s22+$0x0], $0xffff  }
0x3bd: {  	v10 =	vld.idx.msk [tilespmem:v1+s22+$0x0], $0xffff  }
0x3be: {  	v5 =	vld.idx.msk [tilespmem:v2+s22+$0x0], $0xffff  }
0x3bf: {  	v3 =	vld.idx.msk [tilespmem:v3+s22+$0x0], $0xffff  }
0x3c0: {  	v0 =	vld.idx.msk [tilespmem:v4+s22+$0x0], $0xffff  }
0x3c1: {  	s0 =	simm.s32 $0x1C740;
	v1 =	vld.idx.msk [tilespmem:v6+s22+$0x0], $0xffff  }
0x3c2: {  	v2 =	vld.idx.msk [tilespmem:v7+s22+$0x0], $0xffff;
	[tilespmem:s0+$0x30] =	vst v9  }
0x3c3: {  	s1 =	simm.s32 $0x0;
	s3 =	simm.s32 $0x1A7F0;
	v4 =	vld.idx.msk [tilespmem:v8+s22+$0x0], $0xffff;
	[tilespmem:s0+$0xFFFFFFD0] =	vst v10  }
.LBB2_36:
0x3c4: {  	v6 =	vld [tilespmem:s3+$0x0];
	s1 =	sadd.s32 $0x8, s1;
	[tilespmem:s0+$0xFFFFFFE0] =	vst v5  }
0x3c5: {  	v5 =	vld [tilespmem:s3+$0xFFFFFFA0];
	p5 =	slt.u32 s1, $0x1F8;
	[tilespmem:s0+$0xFFFFFFF0] =	vst v3  }
0x3c6: {  	v3 =	vld [tilespmem:s3+$0xFFFFFFB0];
	[tilespmem:s0+$0x0] =	vst v0  }
0x3c7: {  	v0 =	vld [tilespmem:s3+$0xFFFFFFC0];
	[tilespmem:s0+$0x10] =	vst v1  }
0x3c8: {  	v1 =	vld [tilespmem:s3+$0xFFFFFFD0];
	[tilespmem:s0+$0x20] =	vst v2  }
0x3c9: {  	v2 =	vld [tilespmem:s3+$0xFFFFFFE0];
	[tilespmem:s0+$0xFFFFFFC0] =	vst v4  }
0x3ca: {  	v4 =	vld [tilespmem:s3+$0xFFFFFFF0]  }
0x3cb: {  	v7 =	vld [tilespmem:s3+$0xFFFFFF90]  }
0x3cc: {  	v6 =	vld.idx.msk [tilespmem:v6+s22+$0x0], $0xffff  }
0x3cd: {  	v8 =	vld.idx.msk [tilespmem:v5+s22+$0x0], $0xffff  }
0x3ce: {  	v5 =	vld.idx.msk [tilespmem:v3+s22+$0x0], $0xffff  }
.Ltmp17:
0x3cf: {  	v3 =	vld.idx.msk [tilespmem:v0+s22+$0x0], $0xffff;
	(pc) =	sbr.rel @p5 .LBB2_36-.Ltmp17, $4  }
0x3d0: {  	v0 =	vld.idx.msk [tilespmem:v1+s22+$0x0], $0xffff  }
0x3d1: {  	s0 =	sadd.s32 $0x80, s0;
	v1 =	vld.idx.msk [tilespmem:v2+s22+$0x0], $0xffff  }
0x3d2: {  	v2 =	vld.idx.msk [tilespmem:v4+s22+$0x0], $0xffff;
	[tilespmem:s0+$0x30] =	vst v6  }
0x3d3: {  	s3 =	sadd.s32 $0x80, s3;
	v4 =	vld.idx.msk [tilespmem:v7+s22+$0x0], $0xffff;
	[tilespmem:s0+$0xFFFFFFD0] =	vst v8  }
0x3d4: {  	[tilespmem:s0+$0xFFFFFFE0] =	vst v5  }
0x3d5: {  	[tilespmem:s0+$0xFFFFFFF0] =	vst v3  }
0x3d6: {  	[tilespmem:s0+$0x0] =	vst v0  }
0x3d7: {  	[tilespmem:s0+$0x10] =	vst v1  }
0x3d8: {  	[tilespmem:s0+$0x20] =	vst v2  }
0x3d9: {  	[tilespmem:s0+$0xFFFFFFC0] =	vst v4  }
0x3da: {  	[hbm4b:s13+s24] =	stream.strided.scatter [tilespmem:s28], [sflag:$0x1], $0x2000, s25, s24, $0x38;
	[tilespmem:$0x1E700] =	vst v63  }
0x3db: {  	_ =	swait.ge [sflag:s26], $0x2000  }
0x3dc: {  	s1 =	simm.s32 @!p1 $0x400;
	s3 =	simm.s32 @!p1 $0x18700;
	[sflag:s26] =	ssyncset.done $0x0  }
0x3dd: {  	s0 =	simm.s32 @!p1 $0x80;
	s9 =	rddreg [dreg:$0x5];
	[sflag:s26] =	ssyncadd.s32 $0xFFFFE000  }
0x3de: {  	[tilespmem:s3], [sflag:$0x1] =	stream.strided.gather @!p1 [hbm4b:s9+s0], $0x4000, s1, s0, $0x38;
	[tilespmem:$0x1E700] =	vst v63  }
0x3df: {  	s0 =	simm.s32 @!p1 $0x1  }
0x3e0: {  	_ =	swait.ge @!p1 [sflag:s0], $0x4000  }
0x3e1: {  	[sflag:s0] =	ssyncset.done @!p1 $0x0  }
0x3e2: {  	s3 =	rddreg [dreg:$0x12];
	[sflag:s0] =	ssyncadd.s32 @!p1 $0xFFFFC000  }
0x3e3: {  	[tilespmem:s22], [sflag:$0x1] =	stream.strided.gather [hbm4b:s3+s24], $0x18700, s25, s24, $0x38;
	[tilespmem:$0x1E700] =	vst v63  }
0x3e4: {  	_ =	swait.ge [sflag:s26], $0x18700  }
0x3e5: {  	[sflag:s26] =	ssyncset.done $0x0  }
0x3e6: {  	s9 =	simm.s32 $0x18740;
	[sflag:s26] =	ssyncadd.s32 $0xFFFE7900  }
0x3e7: {  	v0 =	vld [tilespmem:s9+$0x30]  }
0x3e8: {  	v1 =	vld [tilespmem:s9+$0xFFFFFFD0]  }
0x3e9: {  	v2 =	vld [tilespmem:s9+$0xFFFFFFE0]  }
0x3ea: {  	v3 =	vld [tilespmem:s9+$0xFFFFFFF0]  }
0x3eb: {  	v4 =	vld [tilespmem:s9+$0x0]  }
0x3ec: {  	v6 =	vld [tilespmem:s9+$0x10]  }
0x3ed: {  	v7 =	vld [tilespmem:s9+$0x20]  }
0x3ee: {  	v8 =	vld [tilespmem:s9+$0xFFFFFFC0]  }
0x3ef: {  	v9 =	vld.idx.msk [tilespmem:v0+s22+$0x0], $0xffff  }
0x3f0: {  	v10 =	vld.idx.msk [tilespmem:v1+s22+$0x0], $0xffff  }
0x3f1: {  	v5 =	vld.idx.msk [tilespmem:v2+s22+$0x0], $0xffff  }
0x3f2: {  	v3 =	vld.idx.msk [tilespmem:v3+s22+$0x0], $0xffff  }
0x3f3: {  	v0 =	vld.idx.msk [tilespmem:v4+s22+$0x0], $0xffff  }
0x3f4: {  	s0 =	simm.s32 $0x1C740;
	v1 =	vld.idx.msk [tilespmem:v6+s22+$0x0], $0xffff  }
0x3f5: {  	v2 =	vld.idx.msk [tilespmem:v7+s22+$0x0], $0xffff;
	[tilespmem:s0+$0x30] =	vst v9  }
0x3f6: {  	s1 =	simm.s32 $0x0;
	s3 =	simm.s32 $0x187C0;
	v4 =	vld.idx.msk [tilespmem:v8+s22+$0x0], $0xffff;
	[tilespmem:s0+$0xFFFFFFD0] =	vst v10  }
.LBB2_38:
0x3f7: {  	v6 =	vld [tilespmem:s3+$0x30];
	s1 =	sadd.s32 $0x8, s1;
	[tilespmem:s0+$0xFFFFFFE0] =	vst v5  }
0x3f8: {  	v5 =	vld [tilespmem:s3+$0xFFFFFFD0];
	p5 =	slt.u32 s1, $0x1F8;
	[tilespmem:s0+$0xFFFFFFF0] =	vst v3  }
0x3f9: {  	v3 =	vld [tilespmem:s3+$0xFFFFFFE0];
	[tilespmem:s0+$0x0] =	vst v0  }
0x3fa: {  	v0 =	vld [tilespmem:s3+$0xFFFFFFF0];
	[tilespmem:s0+$0x10] =	vst v1  }
0x3fb: {  	v1 =	vld [tilespmem:s3+$0x0];
	[tilespmem:s0+$0x20] =	vst v2  }
0x3fc: {  	v2 =	vld [tilespmem:s3+$0x10];
	[tilespmem:s0+$0xFFFFFFC0] =	vst v4  }
0x3fd: {  	v4 =	vld [tilespmem:s3+$0x20]  }
0x3fe: {  	v7 =	vld [tilespmem:s3+$0xFFFFFFC0]  }
0x3ff: {  	v6 =	vld.idx.msk [tilespmem:v6+s22+$0x0], $0xffff  }
0x400: {  	v8 =	vld.idx.msk [tilespmem:v5+s22+$0x0], $0xffff  }
0x401: {  	v5 =	vld.idx.msk [tilespmem:v3+s22+$0x0], $0xffff  }
.Ltmp18:
0x402: {  	v3 =	vld.idx.msk [tilespmem:v0+s22+$0x0], $0xffff;
	(pc) =	sbr.rel @p5 .LBB2_38-.Ltmp18, $4  }
0x403: {  	v0 =	vld.idx.msk [tilespmem:v1+s22+$0x0], $0xffff  }
0x404: {  	s0 =	sadd.s32 $0x80, s0;
	v1 =	vld.idx.msk [tilespmem:v2+s22+$0x0], $0xffff  }
0x405: {  	v2 =	vld.idx.msk [tilespmem:v4+s22+$0x0], $0xffff;
	[tilespmem:s0+$0x30] =	vst v6  }
0x406: {  	s3 =	sadd.s32 $0x80, s3;
	v4 =	vld.idx.msk [tilespmem:v7+s22+$0x0], $0xffff;
	[tilespmem:s0+$0xFFFFFFD0] =	vst v8  }
0x407: {  	[tilespmem:s0+$0xFFFFFFE0] =	vst v5  }
0x408: {  	[tilespmem:s0+$0xFFFFFFF0] =	vst v3  }
0x409: {  	[tilespmem:s0+$0x0] =	vst v0  }
0x40a: {  	[tilespmem:s0+$0x10] =	vst v1  }
0x40b: {  	[tilespmem:s0+$0x20] =	vst v2  }
0x40c: {  	[tilespmem:s0+$0xFFFFFFC0] =	vst v4  }
0x40d: {  	[hbm4b:s14+s24] =	stream.strided.scatter [tilespmem:s28], [sflag:$0x1], $0x2000, s25, s24, $0x38;
	[tilespmem:$0x1E700] =	vst v63  }
0x40e: {  	_ =	swait.ge [sflag:s26], $0x2000  }
0x40f: {  	[sflag:s26] =	ssyncset.done $0x0  }
0x410: {  	s9 =	simm.s32 $0x1A770;
	[sflag:s26] =	ssyncadd.s32 $0xFFFFE000  }
0x411: {  	v0 =	vld [tilespmem:s9+$0x0]  }
0x412: {  	v1 =	vld [tilespmem:s9+$0xFFFFFFA0]  }
0x413: {  	v2 =	vld [tilespmem:s9+$0xFFFFFFB0]  }
0x414: {  	v3 =	vld [tilespmem:s9+$0xFFFFFFC0]  }
0x415: {  	v4 =	vld [tilespmem:s9+$0xFFFFFFD0]  }
0x416: {  	v6 =	vld [tilespmem:s9+$0xFFFFFFE0]  }
0x417: {  	v7 =	vld [tilespmem:s9+$0xFFFFFFF0]  }
0x418: {  	v8 =	vld [tilespmem:s9+$0xFFFFFF90]  }
0x419: {  	v9 =	vld.idx.msk [tilespmem:v0+s22+$0x0], $0xffff  }
0x41a: {  	v10 =	vld.idx.msk [tilespmem:v1+s22+$0x0], $0xffff  }
0x41b: {  	v5 =	vld.idx.msk [tilespmem:v2+s22+$0x0], $0xffff  }
0x41c: {  	v3 =	vld.idx.msk [tilespmem:v3+s22+$0x0], $0xffff  }
0x41d: {  	v0 =	vld.idx.msk [tilespmem:v4+s22+$0x0], $0xffff  }
0x41e: {  	s0 =	simm.s32 $0x1C740;
	v1 =	vld.idx.msk [tilespmem:v6+s22+$0x0], $0xffff  }
0x41f: {  	v2 =	vld.idx.msk [tilespmem:v7+s22+$0x0], $0xffff;
	[tilespmem:s0+$0x30] =	vst v9  }
0x420: {  	s1 =	simm.s32 $0x0;
	s3 =	simm.s32 $0x1A7F0;
	v4 =	vld.idx.msk [tilespmem:v8+s22+$0x0], $0xffff;
	[tilespmem:s0+$0xFFFFFFD0] =	vst v10  }
.LBB2_40:
0x421: {  	v6 =	vld [tilespmem:s3+$0x0];
	s1 =	sadd.s32 $0x8, s1;
	[tilespmem:s0+$0xFFFFFFE0] =	vst v5  }
0x422: {  	v5 =	vld [tilespmem:s3+$0xFFFFFFA0];
	p5 =	slt.u32 s1, $0x1F8;
	[tilespmem:s0+$0xFFFFFFF0] =	vst v3  }
0x423: {  	v3 =	vld [tilespmem:s3+$0xFFFFFFB0];
	[tilespmem:s0+$0x0] =	vst v0  }
0x424: {  	v0 =	vld [tilespmem:s3+$0xFFFFFFC0];
	[tilespmem:s0+$0x10] =	vst v1  }
0x425: {  	v1 =	vld [tilespmem:s3+$0xFFFFFFD0];
	[tilespmem:s0+$0x20] =	vst v2  }
0x426: {  	v2 =	vld [tilespmem:s3+$0xFFFFFFE0];
	[tilespmem:s0+$0xFFFFFFC0] =	vst v4  }
0x427: {  	v4 =	vld [tilespmem:s3+$0xFFFFFFF0]  }
0x428: {  	v7 =	vld [tilespmem:s3+$0xFFFFFF90]  }
0x429: {  	v6 =	vld.idx.msk [tilespmem:v6+s22+$0x0], $0xffff  }
0x42a: {  	v8 =	vld.idx.msk [tilespmem:v5+s22+$0x0], $0xffff  }
0x42b: {  	v5 =	vld.idx.msk [tilespmem:v3+s22+$0x0], $0xffff  }
.Ltmp19:
0x42c: {  	v3 =	vld.idx.msk [tilespmem:v0+s22+$0x0], $0xffff;
	(pc) =	sbr.rel @p5 .LBB2_40-.Ltmp19, $4  }
0x42d: {  	v0 =	vld.idx.msk [tilespmem:v1+s22+$0x0], $0xffff  }
0x42e: {  	s0 =	sadd.s32 $0x80, s0;
	v1 =	vld.idx.msk [tilespmem:v2+s22+$0x0], $0xffff  }
0x42f: {  	v2 =	vld.idx.msk [tilespmem:v4+s22+$0x0], $0xffff;
	[tilespmem:s0+$0x30] =	vst v6  }
0x430: {  	s3 =	sadd.s32 $0x80, s3;
	v4 =	vld.idx.msk [tilespmem:v7+s22+$0x0], $0xffff;
	[tilespmem:s0+$0xFFFFFFD0] =	vst v8  }
0x431: {  	[tilespmem:s0+$0xFFFFFFE0] =	vst v5  }
0x432: {  	[tilespmem:s0+$0xFFFFFFF0] =	vst v3  }
0x433: {  	[tilespmem:s0+$0x0] =	vst v0  }
0x434: {  	[tilespmem:s0+$0x10] =	vst v1  }
0x435: {  	[tilespmem:s0+$0x20] =	vst v2  }
0x436: {  	[tilespmem:s0+$0xFFFFFFC0] =	vst v4  }
0x437: {  	[hbm4b:s15+s24] =	stream.strided.scatter [tilespmem:s28], [sflag:$0x1], $0x2000, s25, s24, $0x38;
	[tilespmem:$0x1E700] =	vst v63  }
0x438: {  	_ =	swait.ge [sflag:s26], $0x2000  }
0x439: {  	s1 =	simm.s32 @!p2 $0x400;
	s3 =	simm.s32 @!p2 $0x18700;
	[sflag:s26] =	ssyncset.done $0x0  }
0x43a: {  	s0 =	simm.s32 @!p2 $0x80;
	s9 =	rddreg [dreg:$0x6];
	[sflag:s26] =	ssyncadd.s32 $0xFFFFE000  }
0x43b: {  	[tilespmem:s3], [sflag:$0x1] =	stream.strided.gather @!p2 [hbm4b:s9+s0], $0x4000, s1, s0, $0x38;
	[tilespmem:$0x1E700] =	vst v63  }
0x43c: {  	s0 =	simm.s32 @!p2 $0x1  }
0x43d: {  	_ =	swait.ge @!p2 [sflag:s0], $0x4000  }
0x43e: {  	[sflag:s0] =	ssyncset.done @!p2 $0x0  }
0x43f: {  	s3 =	rddreg [dreg:$0x13];
	[sflag:s0] =	ssyncadd.s32 @!p2 $0xFFFFC000  }
0x440: {  	[tilespmem:s22], [sflag:$0x1] =	stream.strided.gather [hbm4b:s3+s24], $0x18700, s25, s24, $0x38;
	[tilespmem:$0x1E700] =	vst v63  }
0x441: {  	_ =	swait.ge [sflag:s26], $0x18700  }
0x442: {  	[sflag:s26] =	ssyncset.done $0x0  }
0x443: {  	s9 =	simm.s32 $0x18740;
	[sflag:s26] =	ssyncadd.s32 $0xFFFE7900  }
0x444: {  	v0 =	vld [tilespmem:s9+$0x30]  }
0x445: {  	v1 =	vld [tilespmem:s9+$0xFFFFFFD0]  }
0x446: {  	v2 =	vld [tilespmem:s9+$0xFFFFFFE0]  }
0x447: {  	v3 =	vld [tilespmem:s9+$0xFFFFFFF0]  }
0x448: {  	v4 =	vld [tilespmem:s9+$0x0]  }
0x449: {  	v6 =	vld [tilespmem:s9+$0x10]  }
0x44a: {  	v7 =	vld [tilespmem:s9+$0x20]  }
0x44b: {  	v8 =	vld [tilespmem:s9+$0xFFFFFFC0]  }
0x44c: {  	v9 =	vld.idx.msk [tilespmem:v0+s22+$0x0], $0xffff  }
0x44d: {  	v10 =	vld.idx.msk [tilespmem:v1+s22+$0x0], $0xffff  }
0x44e: {  	v5 =	vld.idx.msk [tilespmem:v2+s22+$0x0], $0xffff  }
0x44f: {  	v3 =	vld.idx.msk [tilespmem:v3+s22+$0x0], $0xffff  }
0x450: {  	v0 =	vld.idx.msk [tilespmem:v4+s22+$0x0], $0xffff  }
0x451: {  	s0 =	simm.s32 $0x1C740;
	v1 =	vld.idx.msk [tilespmem:v6+s22+$0x0], $0xffff  }
0x452: {  	v2 =	vld.idx.msk [tilespmem:v7+s22+$0x0], $0xffff;
	[tilespmem:s0+$0x30] =	vst v9  }
0x453: {  	s1 =	simm.s32 $0x0;
	s3 =	simm.s32 $0x187C0;
	v4 =	vld.idx.msk [tilespmem:v8+s22+$0x0], $0xffff;
	[tilespmem:s0+$0xFFFFFFD0] =	vst v10  }
.LBB2_42:
0x454: {  	v6 =	vld [tilespmem:s3+$0x30];
	s1 =	sadd.s32 $0x8, s1;
	[tilespmem:s0+$0xFFFFFFE0] =	vst v5  }
0x455: {  	v5 =	vld [tilespmem:s3+$0xFFFFFFD0];
	p5 =	slt.u32 s1, $0x1F8;
	[tilespmem:s0+$0xFFFFFFF0] =	vst v3  }
0x456: {  	v3 =	vld [tilespmem:s3+$0xFFFFFFE0];
	[tilespmem:s0+$0x0] =	vst v0  }
0x457: {  	v0 =	vld [tilespmem:s3+$0xFFFFFFF0];
	[tilespmem:s0+$0x10] =	vst v1  }
0x458: {  	v1 =	vld [tilespmem:s3+$0x0];
	[tilespmem:s0+$0x20] =	vst v2  }
0x459: {  	v2 =	vld [tilespmem:s3+$0x10];
	[tilespmem:s0+$0xFFFFFFC0] =	vst v4  }
0x45a: {  	v4 =	vld [tilespmem:s3+$0x20]  }
0x45b: {  	v7 =	vld [tilespmem:s3+$0xFFFFFFC0]  }
0x45c: {  	v6 =	vld.idx.msk [tilespmem:v6+s22+$0x0], $0xffff  }
0x45d: {  	v8 =	vld.idx.msk [tilespmem:v5+s22+$0x0], $0xffff  }
0x45e: {  	v5 =	vld.idx.msk [tilespmem:v3+s22+$0x0], $0xffff  }
.Ltmp20:
0x45f: {  	v3 =	vld.idx.msk [tilespmem:v0+s22+$0x0], $0xffff;
	(pc) =	sbr.rel @p5 .LBB2_42-.Ltmp20, $4  }
0x460: {  	v0 =	vld.idx.msk [tilespmem:v1+s22+$0x0], $0xffff  }
0x461: {  	s0 =	sadd.s32 $0x80, s0;
	v1 =	vld.idx.msk [tilespmem:v2+s22+$0x0], $0xffff  }
0x462: {  	v2 =	vld.idx.msk [tilespmem:v4+s22+$0x0], $0xffff;
	[tilespmem:s0+$0x30] =	vst v6  }
0x463: {  	s3 =	sadd.s32 $0x80, s3;
	v4 =	vld.idx.msk [tilespmem:v7+s22+$0x0], $0xffff;
	[tilespmem:s0+$0xFFFFFFD0] =	vst v8  }
0x464: {  	[tilespmem:s0+$0xFFFFFFE0] =	vst v5  }
0x465: {  	[tilespmem:s0+$0xFFFFFFF0] =	vst v3  }
0x466: {  	[tilespmem:s0+$0x0] =	vst v0  }
0x467: {  	[tilespmem:s0+$0x10] =	vst v1  }
0x468: {  	[tilespmem:s0+$0x20] =	vst v2  }
0x469: {  	[tilespmem:s0+$0xFFFFFFC0] =	vst v4  }
0x46a: {  	[hbm4b:s16+s24] =	stream.strided.scatter [tilespmem:s28], [sflag:$0x1], $0x2000, s25, s24, $0x38;
	[tilespmem:$0x1E700] =	vst v63  }
0x46b: {  	_ =	swait.ge [sflag:s26], $0x2000  }
0x46c: {  	[sflag:s26] =	ssyncset.done $0x0  }
0x46d: {  	s9 =	simm.s32 $0x1A770;
	[sflag:s26] =	ssyncadd.s32 $0xFFFFE000  }
0x46e: {  	v0 =	vld [tilespmem:s9+$0x0]  }
0x46f: {  	v1 =	vld [tilespmem:s9+$0xFFFFFFA0]  }
0x470: {  	v2 =	vld [tilespmem:s9+$0xFFFFFFB0]  }
0x471: {  	v3 =	vld [tilespmem:s9+$0xFFFFFFC0]  }
0x472: {  	v4 =	vld [tilespmem:s9+$0xFFFFFFD0]  }
0x473: {  	v6 =	vld [tilespmem:s9+$0xFFFFFFE0]  }
0x474: {  	v7 =	vld [tilespmem:s9+$0xFFFFFFF0]  }
0x475: {  	v8 =	vld [tilespmem:s9+$0xFFFFFF90]  }
0x476: {  	v9 =	vld.idx.msk [tilespmem:v0+s22+$0x0], $0xffff  }
0x477: {  	v10 =	vld.idx.msk [tilespmem:v1+s22+$0x0], $0xffff  }
0x478: {  	v5 =	vld.idx.msk [tilespmem:v2+s22+$0x0], $0xffff  }
0x479: {  	v3 =	vld.idx.msk [tilespmem:v3+s22+$0x0], $0xffff  }
0x47a: {  	v0 =	vld.idx.msk [tilespmem:v4+s22+$0x0], $0xffff  }
0x47b: {  	s0 =	simm.s32 $0x1C740;
	v1 =	vld.idx.msk [tilespmem:v6+s22+$0x0], $0xffff  }
0x47c: {  	v2 =	vld.idx.msk [tilespmem:v7+s22+$0x0], $0xffff;
	[tilespmem:s0+$0x30] =	vst v9  }
0x47d: {  	s1 =	simm.s32 $0x0;
	s3 =	simm.s32 $0x1A7F0;
	v4 =	vld.idx.msk [tilespmem:v8+s22+$0x0], $0xffff;
	[tilespmem:s0+$0xFFFFFFD0] =	vst v10  }
.LBB2_44:
0x47e: {  	v6 =	vld [tilespmem:s3+$0x0];
	s1 =	sadd.s32 $0x8, s1;
	[tilespmem:s0+$0xFFFFFFE0] =	vst v5  }
0x47f: {  	v5 =	vld [tilespmem:s3+$0xFFFFFFA0];
	p5 =	slt.u32 s1, $0x1F8;
	[tilespmem:s0+$0xFFFFFFF0] =	vst v3  }
0x480: {  	v3 =	vld [tilespmem:s3+$0xFFFFFFB0];
	[tilespmem:s0+$0x0] =	vst v0  }
0x481: {  	v0 =	vld [tilespmem:s3+$0xFFFFFFC0];
	[tilespmem:s0+$0x10] =	vst v1  }
0x482: {  	v1 =	vld [tilespmem:s3+$0xFFFFFFD0];
	[tilespmem:s0+$0x20] =	vst v2  }
0x483: {  	v2 =	vld [tilespmem:s3+$0xFFFFFFE0];
	[tilespmem:s0+$0xFFFFFFC0] =	vst v4  }
0x484: {  	v4 =	vld [tilespmem:s3+$0xFFFFFFF0]  }
0x485: {  	v7 =	vld [tilespmem:s3+$0xFFFFFF90]  }
0x486: {  	v6 =	vld.idx.msk [tilespmem:v6+s22+$0x0], $0xffff  }
0x487: {  	v8 =	vld.idx.msk [tilespmem:v5+s22+$0x0], $0xffff  }
0x488: {  	v5 =	vld.idx.msk [tilespmem:v3+s22+$0x0], $0xffff  }
.Ltmp21:
0x489: {  	v3 =	vld.idx.msk [tilespmem:v0+s22+$0x0], $0xffff;
	(pc) =	sbr.rel @p5 .LBB2_44-.Ltmp21, $4  }
0x48a: {  	v0 =	vld.idx.msk [tilespmem:v1+s22+$0x0], $0xffff  }
0x48b: {  	s0 =	sadd.s32 $0x80, s0;
	v1 =	vld.idx.msk [tilespmem:v2+s22+$0x0], $0xffff  }
0x48c: {  	v2 =	vld.idx.msk [tilespmem:v4+s22+$0x0], $0xffff;
	[tilespmem:s0+$0x30] =	vst v6  }
0x48d: {  	s3 =	sadd.s32 $0x80, s3;
	v4 =	vld.idx.msk [tilespmem:v7+s22+$0x0], $0xffff;
	[tilespmem:s0+$0xFFFFFFD0] =	vst v8  }
0x48e: {  	[tilespmem:s0+$0xFFFFFFE0] =	vst v5  }
0x48f: {  	[tilespmem:s0+$0xFFFFFFF0] =	vst v3  }
0x490: {  	[tilespmem:s0+$0x0] =	vst v0  }
0x491: {  	[tilespmem:s0+$0x10] =	vst v1  }
0x492: {  	[tilespmem:s0+$0x20] =	vst v2  }
0x493: {  	[tilespmem:s0+$0xFFFFFFC0] =	vst v4  }
0x494: {  	[hbm4b:s17+s24] =	stream.strided.scatter [tilespmem:s28], [sflag:$0x1], $0x2000, s25, s24, $0x38;
	[tilespmem:$0x1E700] =	vst v63  }
0x495: {  	_ =	swait.ge [sflag:s26], $0x2000  }
0x496: {  	s1 =	simm.s32 @!p3 $0x400;
	s3 =	simm.s32 @!p3 $0x18700;
	[sflag:s26] =	ssyncset.done $0x0  }
0x497: {  	s0 =	simm.s32 @!p3 $0x80;
	s9 =	rddreg [dreg:$0x7];
	[sflag:s26] =	ssyncadd.s32 $0xFFFFE000  }
0x498: {  	[tilespmem:s3], [sflag:$0x1] =	stream.strided.gather @!p3 [hbm4b:s9+s0], $0x4000, s1, s0, $0x38;
	[tilespmem:$0x1E700] =	vst v63  }
0x499: {  	s0 =	simm.s32 @!p3 $0x1  }
0x49a: {  	_ =	swait.ge @!p3 [sflag:s0], $0x4000  }
0x49b: {  	[sflag:s0] =	ssyncset.done @!p3 $0x0  }
0x49c: {  	s3 =	rddreg [dreg:$0x14];
	[sflag:s0] =	ssyncadd.s32 @!p3 $0xFFFFC000  }
0x49d: {  	[tilespmem:s22], [sflag:$0x1] =	stream.strided.gather [hbm4b:s3+s24], $0x18700, s25, s24, $0x38;
	[tilespmem:$0x1E700] =	vst v63  }
0x49e: {  	_ =	swait.ge [sflag:s26], $0x18700  }
0x49f: {  	[sflag:s26] =	ssyncset.done $0x0  }
0x4a0: {  	s9 =	simm.s32 $0x18740;
	[sflag:s26] =	ssyncadd.s32 $0xFFFE7900  }
0x4a1: {  	v0 =	vld [tilespmem:s9+$0x30]  }
0x4a2: {  	v1 =	vld [tilespmem:s9+$0xFFFFFFD0]  }
0x4a3: {  	v2 =	vld [tilespmem:s9+$0xFFFFFFE0]  }
0x4a4: {  	v3 =	vld [tilespmem:s9+$0xFFFFFFF0]  }
0x4a5: {  	v4 =	vld [tilespmem:s9+$0x0]  }
0x4a6: {  	v6 =	vld [tilespmem:s9+$0x10]  }
0x4a7: {  	v7 =	vld [tilespmem:s9+$0x20]  }
0x4a8: {  	v8 =	vld [tilespmem:s9+$0xFFFFFFC0]  }
0x4a9: {  	v9 =	vld.idx.msk [tilespmem:v0+s22+$0x0], $0xffff  }
0x4aa: {  	v10 =	vld.idx.msk [tilespmem:v1+s22+$0x0], $0xffff  }
0x4ab: {  	v5 =	vld.idx.msk [tilespmem:v2+s22+$0x0], $0xffff  }
0x4ac: {  	v3 =	vld.idx.msk [tilespmem:v3+s22+$0x0], $0xffff  }
0x4ad: {  	v0 =	vld.idx.msk [tilespmem:v4+s22+$0x0], $0xffff  }
0x4ae: {  	s0 =	simm.s32 $0x1C740;
	v1 =	vld.idx.msk [tilespmem:v6+s22+$0x0], $0xffff  }
0x4af: {  	v2 =	vld.idx.msk [tilespmem:v7+s22+$0x0], $0xffff;
	[tilespmem:s0+$0x30] =	vst v9  }
0x4b0: {  	s1 =	simm.s32 $0x0;
	s3 =	simm.s32 $0x187C0;
	v4 =	vld.idx.msk [tilespmem:v8+s22+$0x0], $0xffff;
	[tilespmem:s0+$0xFFFFFFD0] =	vst v10  }
.LBB2_46:
0x4b1: {  	v6 =	vld [tilespmem:s3+$0x30];
	s1 =	sadd.s32 $0x8, s1;
	[tilespmem:s0+$0xFFFFFFE0] =	vst v5  }
0x4b2: {  	v5 =	vld [tilespmem:s3+$0xFFFFFFD0];
	p5 =	slt.u32 s1, $0x1F8;
	[tilespmem:s0+$0xFFFFFFF0] =	vst v3  }
0x4b3: {  	v3 =	vld [tilespmem:s3+$0xFFFFFFE0];
	[tilespmem:s0+$0x0] =	vst v0  }
0x4b4: {  	v0 =	vld [tilespmem:s3+$0xFFFFFFF0];
	[tilespmem:s0+$0x10] =	vst v1  }
0x4b5: {  	v1 =	vld [tilespmem:s3+$0x0];
	[tilespmem:s0+$0x20] =	vst v2  }
0x4b6: {  	v2 =	vld [tilespmem:s3+$0x10];
	[tilespmem:s0+$0xFFFFFFC0] =	vst v4  }
0x4b7: {  	v4 =	vld [tilespmem:s3+$0x20]  }
0x4b8: {  	v7 =	vld [tilespmem:s3+$0xFFFFFFC0]  }
0x4b9: {  	v6 =	vld.idx.msk [tilespmem:v6+s22+$0x0], $0xffff  }
0x4ba: {  	v8 =	vld.idx.msk [tilespmem:v5+s22+$0x0], $0xffff  }
0x4bb: {  	v5 =	vld.idx.msk [tilespmem:v3+s22+$0x0], $0xffff  }
.Ltmp22:
0x4bc: {  	v3 =	vld.idx.msk [tilespmem:v0+s22+$0x0], $0xffff;
	(pc) =	sbr.rel @p5 .LBB2_46-.Ltmp22, $4  }
0x4bd: {  	v0 =	vld.idx.msk [tilespmem:v1+s22+$0x0], $0xffff  }
0x4be: {  	s0 =	sadd.s32 $0x80, s0;
	v1 =	vld.idx.msk [tilespmem:v2+s22+$0x0], $0xffff  }
0x4bf: {  	v2 =	vld.idx.msk [tilespmem:v4+s22+$0x0], $0xffff;
	[tilespmem:s0+$0x30] =	vst v6  }
0x4c0: {  	s3 =	sadd.s32 $0x80, s3;
	v4 =	vld.idx.msk [tilespmem:v7+s22+$0x0], $0xffff;
	[tilespmem:s0+$0xFFFFFFD0] =	vst v8  }
0x4c1: {  	[tilespmem:s0+$0xFFFFFFE0] =	vst v5  }
0x4c2: {  	[tilespmem:s0+$0xFFFFFFF0] =	vst v3  }
0x4c3: {  	[tilespmem:s0+$0x0] =	vst v0  }
0x4c4: {  	[tilespmem:s0+$0x10] =	vst v1  }
0x4c5: {  	[tilespmem:s0+$0x20] =	vst v2  }
0x4c6: {  	[tilespmem:s0+$0xFFFFFFC0] =	vst v4  }
0x4c7: {  	[hbm4b:s18+s24] =	stream.strided.scatter [tilespmem:s28], [sflag:$0x1], $0x2000, s25, s24, $0x38;
	[tilespmem:$0x1E700] =	vst v63  }
0x4c8: {  	_ =	swait.ge [sflag:s26], $0x2000  }
0x4c9: {  	[sflag:s26] =	ssyncset.done $0x0  }
0x4ca: {  	s9 =	simm.s32 $0x1A770;
	[sflag:s26] =	ssyncadd.s32 $0xFFFFE000  }
0x4cb: {  	v0 =	vld [tilespmem:s9+$0x0]  }
0x4cc: {  	v1 =	vld [tilespmem:s9+$0xFFFFFFA0]  }
0x4cd: {  	v2 =	vld [tilespmem:s9+$0xFFFFFFB0]  }
0x4ce: {  	v3 =	vld [tilespmem:s9+$0xFFFFFFC0]  }
0x4cf: {  	v4 =	vld [tilespmem:s9+$0xFFFFFFD0]  }
0x4d0: {  	v6 =	vld [tilespmem:s9+$0xFFFFFFE0]  }
0x4d1: {  	v7 =	vld [tilespmem:s9+$0xFFFFFFF0]  }
0x4d2: {  	v8 =	vld [tilespmem:s9+$0xFFFFFF90]  }
0x4d3: {  	v9 =	vld.idx.msk [tilespmem:v0+s22+$0x0], $0xffff  }
0x4d4: {  	v10 =	vld.idx.msk [tilespmem:v1+s22+$0x0], $0xffff  }
0x4d5: {  	v5 =	vld.idx.msk [tilespmem:v2+s22+$0x0], $0xffff  }
0x4d6: {  	v3 =	vld.idx.msk [tilespmem:v3+s22+$0x0], $0xffff  }
0x4d7: {  	v0 =	vld.idx.msk [tilespmem:v4+s22+$0x0], $0xffff  }
0x4d8: {  	s0 =	simm.s32 $0x1C740;
	v1 =	vld.idx.msk [tilespmem:v6+s22+$0x0], $0xffff  }
0x4d9: {  	v2 =	vld.idx.msk [tilespmem:v7+s22+$0x0], $0xffff;
	[tilespmem:s0+$0x30] =	vst v9  }
0x4da: {  	s1 =	simm.s32 $0x0;
	s3 =	simm.s32 $0x1A7F0;
	v4 =	vld.idx.msk [tilespmem:v8+s22+$0x0], $0xffff;
	[tilespmem:s0+$0xFFFFFFD0] =	vst v10  }
.LBB2_48:
0x4db: {  	v6 =	vld [tilespmem:s3+$0x0];
	s1 =	sadd.s32 $0x8, s1;
	[tilespmem:s0+$0xFFFFFFE0] =	vst v5  }
0x4dc: {  	v5 =	vld [tilespmem:s3+$0xFFFFFFA0];
	p5 =	slt.u32 s1, $0x1F8;
	[tilespmem:s0+$0xFFFFFFF0] =	vst v3  }
0x4dd: {  	v3 =	vld [tilespmem:s3+$0xFFFFFFB0];
	[tilespmem:s0+$0x0] =	vst v0  }
0x4de: {  	v0 =	vld [tilespmem:s3+$0xFFFFFFC0];
	[tilespmem:s0+$0x10] =	vst v1  }
0x4df: {  	v1 =	vld [tilespmem:s3+$0xFFFFFFD0];
	[tilespmem:s0+$0x20] =	vst v2  }
0x4e0: {  	v2 =	vld [tilespmem:s3+$0xFFFFFFE0];
	[tilespmem:s0+$0xFFFFFFC0] =	vst v4  }
0x4e1: {  	v4 =	vld [tilespmem:s3+$0xFFFFFFF0]  }
0x4e2: {  	v7 =	vld [tilespmem:s3+$0xFFFFFF90]  }
0x4e3: {  	v6 =	vld.idx.msk [tilespmem:v6+s22+$0x0], $0xffff  }
0x4e4: {  	v8 =	vld.idx.msk [tilespmem:v5+s22+$0x0], $0xffff  }
0x4e5: {  	v5 =	vld.idx.msk [tilespmem:v3+s22+$0x0], $0xffff  }
.Ltmp23:
0x4e6: {  	v3 =	vld.idx.msk [tilespmem:v0+s22+$0x0], $0xffff;
	(pc) =	sbr.rel @p5 .LBB2_48-.Ltmp23, $4  }
0x4e7: {  	v0 =	vld.idx.msk [tilespmem:v1+s22+$0x0], $0xffff  }
0x4e8: {  	s0 =	sadd.s32 $0x80, s0;
	v1 =	vld.idx.msk [tilespmem:v2+s22+$0x0], $0xffff  }
0x4e9: {  	v2 =	vld.idx.msk [tilespmem:v4+s22+$0x0], $0xffff;
	[tilespmem:s0+$0x30] =	vst v6  }
0x4ea: {  	s3 =	sadd.s32 $0x80, s3;
	v4 =	vld.idx.msk [tilespmem:v7+s22+$0x0], $0xffff;
	[tilespmem:s0+$0xFFFFFFD0] =	vst v8  }
0x4eb: {  	[tilespmem:s0+$0xFFFFFFE0] =	vst v5  }
0x4ec: {  	[tilespmem:s0+$0xFFFFFFF0] =	vst v3  }
0x4ed: {  	[tilespmem:s0+$0x0] =	vst v0  }
0x4ee: {  	[tilespmem:s0+$0x10] =	vst v1  }
0x4ef: {  	[tilespmem:s0+$0x20] =	vst v2  }
0x4f0: {  	[tilespmem:s0+$0xFFFFFFC0] =	vst v4  }
0x4f1: {  	[hbm4b:s19+s24] =	stream.strided.scatter [tilespmem:s28], [sflag:$0x1], $0x2000, s25, s24, $0x38;
	[tilespmem:$0x1E700] =	vst v63  }
0x4f2: {  	_ =	swait.ge [sflag:s26], $0x2000  }
0x4f3: {  	s1 =	simm.s32 @!p4 $0x400;
	s3 =	simm.s32 @!p4 $0x18700;
	[sflag:s26] =	ssyncset.done $0x0  }
0x4f4: {  	s0 =	simm.s32 @!p4 $0x80;
	s9 =	rddreg [dreg:$0x8];
	[sflag:s26] =	ssyncadd.s32 $0xFFFFE000  }
0x4f5: {  	[tilespmem:s3], [sflag:$0x1] =	stream.strided.gather @!p4 [hbm4b:s9+s0], $0x4000, s1, s0, $0x38;
	[tilespmem:$0x1E700] =	vst v63  }
0x4f6: {  	s0 =	simm.s32 @!p4 $0x1  }
0x4f7: {  	_ =	swait.ge @!p4 [sflag:s0], $0x4000  }
0x4f8: {  	[sflag:s0] =	ssyncset.done @!p4 $0x0  }
0x4f9: {  	s3 =	rddreg [dreg:$0x15];
	[sflag:s0] =	ssyncadd.s32 @!p4 $0xFFFFC000  }
0x4fa: {  	[tilespmem:s22], [sflag:$0x1] =	stream.strided.gather [hbm4b:s3+s24], $0x18700, s25, s24, $0x38;
	[tilespmem:$0x1E700] =	vst v63  }
0x4fb: {  	_ =	swait.ge [sflag:s26], $0x18700  }
0x4fc: {  	[sflag:s26] =	ssyncset.done $0x0  }
0x4fd: {  	s9 =	simm.s32 $0x18740;
	[sflag:s26] =	ssyncadd.s32 $0xFFFE7900  }
0x4fe: {  	v0 =	vld [tilespmem:s9+$0x30]  }
0x4ff: {  	v1 =	vld [tilespmem:s9+$0xFFFFFFD0]  }
0x500: {  	v2 =	vld [tilespmem:s9+$0xFFFFFFE0]  }
0x501: {  	v3 =	vld [tilespmem:s9+$0xFFFFFFF0]  }
0x502: {  	v4 =	vld [tilespmem:s9+$0x0]  }
0x503: {  	v6 =	vld [tilespmem:s9+$0x10]  }
0x504: {  	v7 =	vld [tilespmem:s9+$0x20]  }
0x505: {  	v8 =	vld [tilespmem:s9+$0xFFFFFFC0]  }
0x506: {  	v9 =	vld.idx.msk [tilespmem:v0+s22+$0x0], $0xffff  }
0x507: {  	v10 =	vld.idx.msk [tilespmem:v1+s22+$0x0], $0xffff  }
0x508: {  	v5 =	vld.idx.msk [tilespmem:v2+s22+$0x0], $0xffff  }
0x509: {  	v3 =	vld.idx.msk [tilespmem:v3+s22+$0x0], $0xffff  }
0x50a: {  	v0 =	vld.idx.msk [tilespmem:v4+s22+$0x0], $0xffff  }
0x50b: {  	s0 =	simm.s32 $0x1C740;
	v1 =	vld.idx.msk [tilespmem:v6+s22+$0x0], $0xffff  }
0x50c: {  	v2 =	vld.idx.msk [tilespmem:v7+s22+$0x0], $0xffff;
	[tilespmem:s0+$0x30] =	vst v9  }
0x50d: {  	s1 =	simm.s32 $0x0;
	s3 =	simm.s32 $0x187C0;
	v4 =	vld.idx.msk [tilespmem:v8+s22+$0x0], $0xffff;
	[tilespmem:s0+$0xFFFFFFD0] =	vst v10  }
.LBB2_50:
0x50e: {  	v6 =	vld [tilespmem:s3+$0x30];
	s1 =	sadd.s32 $0x8, s1;
	[tilespmem:s0+$0xFFFFFFE0] =	vst v5  }
0x50f: {  	v5 =	vld [tilespmem:s3+$0xFFFFFFD0];
	p5 =	slt.u32 s1, $0x1F8;
	[tilespmem:s0+$0xFFFFFFF0] =	vst v3  }
0x510: {  	v3 =	vld [tilespmem:s3+$0xFFFFFFE0];
	[tilespmem:s0+$0x0] =	vst v0  }
0x511: {  	v0 =	vld [tilespmem:s3+$0xFFFFFFF0];
	[tilespmem:s0+$0x10] =	vst v1  }
0x512: {  	v1 =	vld [tilespmem:s3+$0x0];
	[tilespmem:s0+$0x20] =	vst v2  }
0x513: {  	v2 =	vld [tilespmem:s3+$0x10];
	[tilespmem:s0+$0xFFFFFFC0] =	vst v4  }
0x514: {  	v4 =	vld [tilespmem:s3+$0x20]  }
0x515: {  	v7 =	vld [tilespmem:s3+$0xFFFFFFC0]  }
0x516: {  	v6 =	vld.idx.msk [tilespmem:v6+s22+$0x0], $0xffff  }
0x517: {  	v8 =	vld.idx.msk [tilespmem:v5+s22+$0x0], $0xffff  }
0x518: {  	v5 =	vld.idx.msk [tilespmem:v3+s22+$0x0], $0xffff  }
.Ltmp24:
0x519: {  	v3 =	vld.idx.msk [tilespmem:v0+s22+$0x0], $0xffff;
	(pc) =	sbr.rel @p5 .LBB2_50-.Ltmp24, $4  }
0x51a: {  	v0 =	vld.idx.msk [tilespmem:v1+s22+$0x0], $0xffff  }
0x51b: {  	s0 =	sadd.s32 $0x80, s0;
	v1 =	vld.idx.msk [tilespmem:v2+s22+$0x0], $0xffff  }
0x51c: {  	v2 =	vld.idx.msk [tilespmem:v4+s22+$0x0], $0xffff;
	[tilespmem:s0+$0x30] =	vst v6  }
0x51d: {  	s3 =	sadd.s32 $0x80, s3;
	v4 =	vld.idx.msk [tilespmem:v7+s22+$0x0], $0xffff;
	[tilespmem:s0+$0xFFFFFFD0] =	vst v8  }
0x51e: {  	[tilespmem:s0+$0xFFFFFFE0] =	vst v5  }
0x51f: {  	[tilespmem:s0+$0xFFFFFFF0] =	vst v3  }
0x520: {  	[tilespmem:s0+$0x0] =	vst v0  }
0x521: {  	[tilespmem:s0+$0x10] =	vst v1  }
0x522: {  	[tilespmem:s0+$0x20] =	vst v2  }
0x523: {  	[tilespmem:s0+$0xFFFFFFC0] =	vst v4  }
0x524: {  	[hbm4b:s20+s24] =	stream.strided.scatter [tilespmem:s28], [sflag:$0x1], $0x2000, s25, s24, $0x38;
	[tilespmem:$0x1E700] =	vst v63  }
0x525: {  	_ =	swait.ge [sflag:s26], $0x2000  }
0x526: {  	[sflag:s26] =	ssyncset.done $0x0  }
0x527: {  	s9 =	simm.s32 $0x1A770;
	[sflag:s26] =	ssyncadd.s32 $0xFFFFE000  }
0x528: {  	v0 =	vld [tilespmem:s9+$0x0]  }
0x529: {  	v1 =	vld [tilespmem:s9+$0xFFFFFFA0]  }
0x52a: {  	v2 =	vld [tilespmem:s9+$0xFFFFFFB0]  }
0x52b: {  	v3 =	vld [tilespmem:s9+$0xFFFFFFC0]  }
0x52c: {  	v4 =	vld [tilespmem:s9+$0xFFFFFFD0]  }
0x52d: {  	v6 =	vld [tilespmem:s9+$0xFFFFFFE0]  }
0x52e: {  	v7 =	vld [tilespmem:s9+$0xFFFFFFF0]  }
0x52f: {  	v8 =	vld [tilespmem:s9+$0xFFFFFF90]  }
0x530: {  	v9 =	vld.idx.msk [tilespmem:v0+s22+$0x0], $0xffff  }
0x531: {  	v10 =	vld.idx.msk [tilespmem:v1+s22+$0x0], $0xffff  }
0x532: {  	v5 =	vld.idx.msk [tilespmem:v2+s22+$0x0], $0xffff  }
0x533: {  	v3 =	vld.idx.msk [tilespmem:v3+s22+$0x0], $0xffff  }
0x534: {  	v0 =	vld.idx.msk [tilespmem:v4+s22+$0x0], $0xffff  }
0x535: {  	s0 =	simm.s32 $0x1C740;
	v1 =	vld.idx.msk [tilespmem:v6+s22+$0x0], $0xffff  }
0x536: {  	v2 =	vld.idx.msk [tilespmem:v7+s22+$0x0], $0xffff;
	[tilespmem:s0+$0x30] =	vst v9  }
0x537: {  	s1 =	simm.s32 $0x0;
	s3 =	simm.s32 $0x1A7F0;
	v4 =	vld.idx.msk [tilespmem:v8+s22+$0x0], $0xffff;
	[tilespmem:s0+$0xFFFFFFD0] =	vst v10  }
.LBB2_52:
0x538: {  	v6 =	vld [tilespmem:s3+$0x0];
	s1 =	sadd.s32 $0x8, s1;
	[tilespmem:s0+$0xFFFFFFE0] =	vst v5  }
0x539: {  	v5 =	vld [tilespmem:s3+$0xFFFFFFA0];
	p5 =	slt.u32 s1, $0x1F8;
	[tilespmem:s0+$0xFFFFFFF0] =	vst v3  }
0x53a: {  	v3 =	vld [tilespmem:s3+$0xFFFFFFB0];
	[tilespmem:s0+$0x0] =	vst v0  }
0x53b: {  	v0 =	vld [tilespmem:s3+$0xFFFFFFC0];
	[tilespmem:s0+$0x10] =	vst v1  }
0x53c: {  	v1 =	vld [tilespmem:s3+$0xFFFFFFD0];
	[tilespmem:s0+$0x20] =	vst v2  }
0x53d: {  	v2 =	vld [tilespmem:s3+$0xFFFFFFE0];
	[tilespmem:s0+$0xFFFFFFC0] =	vst v4  }
0x53e: {  	v4 =	vld [tilespmem:s3+$0xFFFFFFF0]  }
0x53f: {  	v7 =	vld [tilespmem:s3+$0xFFFFFF90]  }
0x540: {  	v6 =	vld.idx.msk [tilespmem:v6+s22+$0x0], $0xffff  }
0x541: {  	v8 =	vld.idx.msk [tilespmem:v5+s22+$0x0], $0xffff  }
0x542: {  	v5 =	vld.idx.msk [tilespmem:v3+s22+$0x0], $0xffff  }
.Ltmp25:
0x543: {  	v3 =	vld.idx.msk [tilespmem:v0+s22+$0x0], $0xffff;
	(pc) =	sbr.rel @p5 .LBB2_52-.Ltmp25, $4  }
0x544: {  	v0 =	vld.idx.msk [tilespmem:v1+s22+$0x0], $0xffff  }
0x545: {  	s0 =	sadd.s32 $0x80, s0;
	v1 =	vld.idx.msk [tilespmem:v2+s22+$0x0], $0xffff  }
0x546: {  	v2 =	vld.idx.msk [tilespmem:v4+s22+$0x0], $0xffff;
	[tilespmem:s0+$0x30] =	vst v6  }
0x547: {  	s3 =	sadd.s32 $0x80, s3;
	v4 =	vld.idx.msk [tilespmem:v7+s22+$0x0], $0xffff;
	[tilespmem:s0+$0xFFFFFFD0] =	vst v8  }
0x548: {  	[tilespmem:s0+$0xFFFFFFE0] =	vst v5  }
0x549: {  	[tilespmem:s0+$0xFFFFFFF0] =	vst v3  }
0x54a: {  	[tilespmem:s0+$0x0] =	vst v0  }
0x54b: {  	s29 =	sadd.s32 $0x1, s29;
	[tilespmem:s0+$0x10] =	vst v1  }
0x54c: {  	p5 =	sne.s32 s29, s23;
	[tilespmem:s0+$0x20] =	vst v2  }
.Ltmp26:
0x54d: {  	[tilespmem:s0+$0xFFFFFFC0] =	vst v4;
	(pc) =	sbr.rel @p5 .LBB2_1-.Ltmp26, $4  }
0x54e: {  	[hbm4b:s21+s24] =	stream.strided.scatter [tilespmem:s28], [sflag:$0x1], $0x2000, s25, s24, $0x38;
	[tilespmem:$0x1E700] =	vst v63  }
0x54f: {  	_ =	swait.ge [sflag:s26], $0x2000  }
0x550: {  	[sflag:s26] =	ssyncset.done $0x0  }
0x551: {  	[sflag:s26] =	ssyncadd.s32 $0xFFFFE000  }
0x552: {  	_ =	sfence.sel $0x180000  }
0x553: {  	[bflag:$0x0] =	sbarrier.arrive $0xFFFF  }
0x554: {  	_ =	strace $0x90000047  }
0x555: {  	s0 =	stileid.u32;
	[bflag:$0x2] =	sbarrier.arrive $0xFFFF  }
0x556: {  	p0 =	sne.s32 s0, $0x0;
	s0 =	rddreg [dreg:$0x3]  }
0x557: {  	s0 =	sadd.s32 @!p0 $0x100000, s0  }
0x558: {  	[sflag:s0] =	ssyncadd.tile.s32 @!p0 $0x1;
	_ =	shalt  }
.Lfunc_end2:
_tile_overlayer_lowered:
.L_overlay_start_2:
0x559: {  	(tag) =	ssettag $0x2  }
0x55a: {  	s0 =	rddreg [dreg:$0x0];
	s2 =	stileid.u32  }
0x55b: {  	s1 =	rddreg [dreg:$0x1];
	p0 =	sne.s32 s2, $0x0  }
0x55c: {  	s3 =	rddreg [dreg:$0x2];
	[bflag:$0x3] =	sbarrier.arrive $0xFFFF;
	s2 =	simm.s32 @!p0 $0x1C01  }
0x55d: {  	[timem:s3], [sflag:s2] =	dma.local @!p0 [hbm:s0], s1  }
0x55e: {  	s0 =	simm.s32 @!p0 $0x1  }
0x55f: {  	_ =	swait.ge @!p0 [sflag:s0], s1  }
0x560: {  	s1 =	ssub.s32 @!p0 $0x0, s1;
	[sflag:s0] =	ssyncset.done @!p0 $0x0  }
0x561: {  	[sflag:s0] =	ssyncadd.s32 @!p0 s1  }
0x562: {  	[bflag:$0x3] =	sbarrier.arrive $0xFFFF  }
0x563: {  	_ =	shalt  }

</sc_bundles>
